<compile_context>
chip_gen: v7x
topology: tpu7x:2x2x1
jax: 0.10.2.dev20260603
libtpu: 0.0.44.dev20260713+nightly
codegen_flags: <defaults>
</compile_context>

<pallas_src>
import math

import jax
import jax.numpy as jnp
import numpy as np
from jax import lax
from jax.experimental import pallas as pl
from jax.experimental.pallas import tpu as pltpu
from jax.experimental.pallas import tpu_sc as plsc

_S = 5
_NCLS = 20
_H, _W, _P = 64, 2048, 130000
_PAD = 2
_HP, _WP = _H + 2 * _PAD, _W + 2 * _PAD
_NTAB = _HP * _WP
_CUT = 1.0
_CENTER = (_S * _S - 1) // 2

_NW = 32
_PPW = 4096
_C = 1024
_NCHUNK = _PPW // _C
_GROUPS = _C // 16
_P_PAD = _NW * _PPW


def _inv_gauss_weights():
    x = np.arange(_S)
    xg = np.tile(x, (_S, 1))
    yg = xg.T
    mean = (_S - 1) / 2.0
    g = 1.0 / (2.0 * math.pi) * np.exp(-((xg - mean) ** 2 + (yg - mean) ** 2) / 2.0)
    g = (g / g.sum()).astype(np.float32)
    return [float(v) for v in (1.0 - g).reshape(-1)]


_W25 = _inv_gauss_weights()
_OFF = [dy * _WP + dx for dy in range(_S) for dx in range(_S)]
_SORT5 = [(0, 3), (1, 4), (0, 2), (1, 3), (0, 1), (2, 4), (1, 2), (3, 4), (2, 3)]


def _body(ttab, px_h, py_h, ur_h, out_h,
          t_sh, pxa, pya, ura,
          idxv0, bufw0, sem0,
          idxv1, bufw1, sem1,
          outv):
    cid = lax.axis_index("c")
    sid = lax.axis_index("s")
    wid = sid * 2 + cid
    wbase = wid * _PPW

    slots = ((idxv0, bufw0, sem0),
             (idxv1, bufw1, sem1))

    pltpu.sync_copy(px_h.at[pl.ds(wbase, _PPW)], pxa)
    pltpu.sync_copy(py_h.at[pl.ds(wbase, _PPW)], pya)
    pltpu.sync_copy(ur_h.at[pl.ds(wbase, _PPW)], ura)

    @pl.when(sid == 0)
    def _stage_tables():
        pltpu.sync_copy(ttab, t_sh)

    plsc.subcore_barrier()

    def fire(slot, i):
        idxv, bufw, sem = slots[slot]
        c0 = i * _C

        def idx_body(g, c2):
            p = pxa[pl.ds(c0 + g * 16, 16)]
            q = pya[pl.ds(c0 + g * 16, 16)]
            b = q * _WP + p
            for s in range(25):
                idxv[pl.ds(s * _C + g * 16, 16)] = b + _OFF[s]
            return c2

        lax.fori_loop(0, _GROUPS, idx_body, 0, unroll=False)
        for k in range(25):
            sl = pl.ds(k * _C, _C)
            pltpu.async_copy(t_sh.at[idxv.at[sl]], bufw.at[sl], sem)

    def drain(slot):
        _, bufw, sem = slots[slot]
        pltpu.make_async_copy(ttab.at[pl.ds(0, 25 * _C)], bufw, sem).wait()

    def compute(slot, i):
        _, bufw, _ = slots[slot]
        base = wbase + i * _C

        def grp_body(g, c2):
            l0 = g * 16
            r = ura[pl.ds(i * _C + l0, 16)]
            words = [bufw[pl.ds(s * _C + l0, 16)] for s in range(25)]
            cand = []
            for s in range(25):
                if s == _CENTER:
                    kb = jnp.full((16,), 0, jnp.int32)
                else:
                    u = lax.bitcast_convert_type(
                        jnp.bitwise_and(words[s], -32), jnp.float32)
                    d = jnp.abs(u - r) * _W25[s]
                    kb = jnp.bitwise_and(lax.bitcast_convert_type(d, jnp.int32), -32)
                cand.append(jnp.bitwise_or(kb, s))

            def ce(v, a, b):
                lo = jnp.minimum(v[a], v[b])
                v[b] = jnp.maximum(v[a], v[b])
                v[a] = lo

            cols = []
            for c in range(5):
                col = cand[c * 5:(c + 1) * 5]
                for a, b in _SORT5:
                    ce(col, a, b)
                cols.append(col)
            S = cols[0]
            for c in range(1, 5):
                lows = [jnp.minimum(S[t], cols[c][4 - t]) for t in range(5)]
                if c < 4:
                    for a, b in _SORT5:
                        ce(lows, a, b)
                S = lows
            votes = []
            for w in S:
                sidx = jnp.bitwise_and(w, 31)
                wsel = words[0]
                for s in range(1, 25):
                    wsel = jnp.where(sidx == s, words[s], wsel)
                cls = jnp.bitwise_and(wsel, 31)
                d = lax.bitcast_convert_type(jnp.bitwise_and(w, -32), jnp.float32)
                votes.append(jnp.where(d > _CUT, _NCLS, cls))
            keys = []
            for k in range(5):
                vk = votes[k]
                cnt = jnp.full((16,), 0, jnp.int32)
                for j in range(5):
                    cnt = cnt + jnp.where(vk == votes[j], 1, 0)
                ex = (vk == 0) | (vk == _NCLS)
                keys.append(jnp.where(ex, 30, cnt * 32 + (31 - vk)))
            best = keys[0]
            for k in range(1, 5):
                best = jnp.maximum(best, keys[k])
            outv[pl.ds(l0, 16)] = 31 - jnp.bitwise_and(best, 31)
            return c2

        lax.fori_loop(0, _GROUPS, grp_body, 0, unroll=False)
        pltpu.sync_copy(outv, out_h.at[pl.ds(base, _C)])

    fire(0, 0)

    def pair_body(j, carry):
        i0 = j * 2
        fire(1, i0 + 1)
        drain(0)
        compute(0, i0)

        @pl.when(j < _NCHUNK // 2 - 1)
        def _fire_next():
            fire(0, i0 + 2)

        drain(1)
        compute(1, i0 + 1)
        return carry

    lax.fori_loop(0, _NCHUNK // 2, pair_body, 0, unroll=False)


def kernel(proj_range, unproj_range, proj_argmax, px, py):
    rbits = lax.bitcast_convert_type(jnp.pad(proj_range, _PAD), jnp.int32)
    ttab = (jnp.bitwise_and(rbits, -32) | jnp.pad(proj_argmax, _PAD)).reshape(-1)
    pxp = jnp.pad(px, (0, _P_PAD - _P))
    pyp = jnp.pad(py, (0, _P_PAD - _P))
    urp = jnp.pad(unproj_range, (0, _P_PAD - _P))
    mesh = plsc.VectorSubcoreMesh(core_axis_name="c", subcore_axis_name="s")
    f = pl.kernel(
        _body,
        out_type=jax.ShapeDtypeStruct((_P_PAD,), jnp.int32),
        mesh=mesh,
        scratch_types=[
            pltpu.VMEM_SHARED((_NTAB,), jnp.int32),
            pltpu.VMEM((_PPW,), jnp.int32),
            pltpu.VMEM((_PPW,), jnp.int32),
            pltpu.VMEM((_PPW,), jnp.float32),
            pltpu.VMEM((25 * _C,), jnp.int32),
            pltpu.VMEM((25 * _C,), jnp.int32),
            pltpu.SemaphoreType.DMA,
            pltpu.VMEM((25 * _C,), jnp.int32),
            pltpu.VMEM((25 * _C,), jnp.int32),
            pltpu.SemaphoreType.DMA,
            pltpu.VMEM((_C,), jnp.int32),
        ],
    )
    out = f(ttab, pxp, pyp, urp)
    return out[:_P]

# --- scband reference (transcript-rebuilt; emitter-appended) ---
"""Pipeline reference for scband-knn-18236431139163 (READ-ONLY COPY).

The authoritative reference and input builder live on the scoring server;
editing this copy changes nothing except your own understanding.
"""

import jax, jax.numpy as jnp
import numpy as np
import math

KNN_K = 5
SEARCH = 5
SIGMA = 1.0
CUTOFF = 1.0
NCLASSES = 20
H, W, P = 64, 2048, 130000


def get_gaussian_kernel(kernel_size, sigma):
    x = np.arange(kernel_size)
    xg = np.tile(x, (kernel_size, 1))
    yg = xg.T
    mean = (kernel_size - 1) / 2.0
    var = sigma ** 2.0
    g = 1.0 / (2.0 * math.pi * var) * np.exp(-((xg - mean) ** 2 + (yg - mean) ** 2) / (2.0 * var))
    g = g / g.sum()
    return g.astype(np.float32)


def unfold2d(img, k, pad):
    # Equivalent of F.unfold(img[None,None], kernel_size=(k,k), padding=(pad,pad))
    Hh, Ww = img.shape
    padded = jnp.pad(img, pad)
    patches = [padded[i:i + Hh, j:j + Ww].reshape(-1) for i in range(k) for j in range(k)]
    return jnp.stack(patches, axis=0)  # (k*k, H*W)


def setup_inputs(seed: int = 0) -> dict:
    key = jax.random.key(seed)
    k1, k2, k3, k4, k5 = jax.random.split(key, 5)
    proj_range = jax.random.uniform(k1, (H, W), dtype=jnp.float32)
    unproj_range = jax.random.uniform(k2, (P,), dtype=jnp.float32)
    proj_argmax = jax.random.randint(k3, (H, W), 0, NCLASSES, dtype=jnp.int32)
    px = jax.random.randint(k4, (P,), 0, W, dtype=jnp.int32)
    py = jax.random.randint(k5, (P,), 0, H, dtype=jnp.int32)
    return {"proj_range": proj_range, "unproj_range": unproj_range,
            "proj_argmax": proj_argmax, "px": px, "py": py}


def reference(proj_range, unproj_range, proj_argmax, px, py):
    pad = (SEARCH - 1) // 2
    center = (SEARCH * SEARCH - 1) // 2
    idx_list = py.astype(jnp.int32) * W + px.astype(jnp.int32)

    # range-image unfold + gather at point pixel locations
    unf_rang = unfold2d(proj_range, SEARCH, pad)          # (S*S, H*W)
    u = jnp.take(unf_rang, idx_list, axis=1)              # (S*S, P)
    u = jnp.where(u < 0, jnp.inf, u)
    u = u.at[center, :].set(unproj_range)

    k2_distances = jnp.abs(u - unproj_range[None, :])
    inv_gauss_k = jnp.asarray((1.0 - get_gaussian_kernel(SEARCH, SIGMA)).reshape(-1, 1), dtype=jnp.float32)
    k2_distances = k2_distances * inv_gauss_k             # (S*S, P)

    # smallest-k neighbors
    _, knn_idx = jax.lax.top_k(-k2_distances.T, KNN_K)    # (P, KNN_K)
    knn_idx = knn_idx.T                                   # (KNN_K, P)

    unf_arg = unfold2d(proj_argmax.astype(jnp.float32), SEARCH, pad).astype(jnp.int32)
    ua = jnp.take(unf_arg, idx_list, axis=1)              # (S*S, P)
    knn_argmax = jnp.take_along_axis(ua, knn_idx, axis=0) # (KNN_K, P)

    if CUTOFF > 0:
        knn_dist = jnp.take_along_axis(k2_distances, knn_idx, axis=0)
        knn_argmax = jnp.where(knn_dist > CUTOFF, NCLASSES, knn_argmax)

    # scatter-add one-hot vote histogram: (P, NCLASSES+1)
    ones = jnp.ones(knn_argmax.shape, dtype=jnp.float32)
    rows = jnp.broadcast_to(jnp.arange(P)[None, :], knn_argmax.shape)
    counts = jnp.zeros((P, NCLASSES + 1), dtype=jnp.float32).at[rows, knn_argmax].add(ones)

    out = jnp.argmax(counts[:, 1:-1], axis=1) + 1
    return out


if False:  # reference __main__ guard neutralized (emitter)
    inp = setup_inputs()
    o = reference(**inp)
    print(o.shape, o.dtype)

if __name__ == "__main__":
    import jax
    _d = setup_inputs()
    print(jax.jit(kernel)(*tuple(_d.values())))

</pallas_src>

<mosaic_0001>
#map = affine_map<(d0, d1) -> (0)>
module attributes {stable_mosaic.version = 14 : i64} {
  func.func @_body(%arg0: i32, %arg1: i32, %arg2: memref<139536xi32, #tpu.memory_space<hbm>>, %arg3: memref<131072xi32, #tpu.memory_space<hbm>>, %arg4: memref<131072xi32, #tpu.memory_space<hbm>>, %arg5: memref<131072xf32, #tpu.memory_space<hbm>>, %arg6: memref<131072xi32, #tpu.memory_space<hbm>>, %arg7: memref<139536xi32, #tpu.memory_space<vmem_shared>>, %arg8: memref<4096xi32, #tpu.memory_space<vmem>>, %arg9: memref<4096xi32, #tpu.memory_space<vmem>>, %arg10: memref<4096xf32, #tpu.memory_space<vmem>>, %arg11: memref<25600xi32, #tpu.memory_space<vmem>>, %arg12: memref<25600xi32, #tpu.memory_space<vmem>>, %arg13: memref<!tpu.dma_semaphore, #tpu.memory_space<semaphore_mem>>, %arg14: memref<25600xi32, #tpu.memory_space<vmem>>, %arg15: memref<25600xi32, #tpu.memory_space<vmem>>, %arg16: memref<!tpu.dma_semaphore, #tpu.memory_space<semaphore_mem>>, %arg17: memref<1024xi32, #tpu.memory_space<vmem>>) attributes {dimension_semantics = [#tpu.dimension_semantics<core_parallel>, #tpu.dimension_semantics<subcore_parallel>], iteration_bounds = array<i64: 2, 16>, scalar_prefetch = 0 : i64, scratch_operands = 11 : i64, tpu.core_type = #tpu.core_type<sc_vector_subcore>, window_params = [{transform_indices = #map}, {transform_indices = #map}, {transform_indices = #map}, {transform_indices = #map}, {transform_indices = #map}]} {
    %mul3A = arith.constant 2 : i32
    %mul3A_0 = arith.muli %arg1, %mul3A : i32
    %add3A = arith.addi %mul3A_0, %arg0 : i32
    %mul3A_1 = arith.constant 4096 : i32
    %mul3A_2 = arith.muli %add3A, %mul3A_1 : i32
    "tpu.region"() ({
      %run_scoped3A = tpu.sem_alloc : memref<!tpu.dma_semaphore, #tpu.memory_space<semaphore_mem>>
      %dma_start3A_165 = tpu.memref_slice %arg3[%mul3A_2] : memref<131072xi32, #tpu.memory_space<hbm>> -> memref<4096xi32, #tpu.memory_space<hbm>>
      %dma_start3A_166 = tpu.memref_slice %arg3[%mul3A_2] : memref<131072xi32, #tpu.memory_space<hbm>> -> memref<4096xi32, #tpu.memory_space<hbm>>
      tpu.enqueue_dma source(%dma_start3A_166 : memref<4096xi32, #tpu.memory_space<hbm>>) target(%arg8 : memref<4096xi32, #tpu.memory_space<vmem>>) target_semaphore(%run_scoped3A : memref<!tpu.dma_semaphore, #tpu.memory_space<semaphore_mem>>)
      %dma_wait3A = tpu.memref_slice %arg3[%mul3A_2] : memref<131072xi32, #tpu.memory_space<hbm>> -> memref<4096xi32, #tpu.memory_space<hbm>>
      %dma_wait3A_167 = tpu.memref_slice %arg3[%mul3A_2] : memref<131072xi32, #tpu.memory_space<hbm>> -> memref<4096xi32, #tpu.memory_space<hbm>>
      tpu.wait_dma2 semaphore(%run_scoped3A : memref<!tpu.dma_semaphore, #tpu.memory_space<semaphore_mem>>) src(%dma_wait3A_167 : memref<4096xi32, #tpu.memory_space<hbm>>) dst(%arg8 : memref<4096xi32, #tpu.memory_space<vmem>>)
      tpu.yield
    }) : () -> ()
    "tpu.region"() ({
      %run_scoped3A = tpu.sem_alloc : memref<!tpu.dma_semaphore, #tpu.memory_space<semaphore_mem>>
      %dma_start3A_165 = tpu.memref_slice %arg4[%mul3A_2] : memref<131072xi32, #tpu.memory_space<hbm>> -> memref<4096xi32, #tpu.memory_space<hbm>>
      %dma_start3A_166 = tpu.memref_slice %arg4[%mul3A_2] : memref<131072xi32, #tpu.memory_space<hbm>> -> memref<4096xi32, #tpu.memory_space<hbm>>
      tpu.enqueue_dma source(%dma_start3A_166 : memref<4096xi32, #tpu.memory_space<hbm>>) target(%arg9 : memref<4096xi32, #tpu.memory_space<vmem>>) target_semaphore(%run_scoped3A : memref<!tpu.dma_semaphore, #tpu.memory_space<semaphore_mem>>)
      %dma_wait3A = tpu.memref_slice %arg4[%mul3A_2] : memref<131072xi32, #tpu.memory_space<hbm>> -> memref<4096xi32, #tpu.memory_space<hbm>>
      %dma_wait3A_167 = tpu.memref_slice %arg4[%mul3A_2] : memref<131072xi32, #tpu.memory_space<hbm>> -> memref<4096xi32, #tpu.memory_space<hbm>>
      tpu.wait_dma2 semaphore(%run_scoped3A : memref<!tpu.dma_semaphore, #tpu.memory_space<semaphore_mem>>) src(%dma_wait3A_167 : memref<4096xi32, #tpu.memory_space<hbm>>) dst(%arg9 : memref<4096xi32, #tpu.memory_space<vmem>>)
      tpu.yield
    }) : () -> ()
    "tpu.region"() ({
      %run_scoped3A = tpu.sem_alloc : memref<!tpu.dma_semaphore, #tpu.memory_space<semaphore_mem>>
      %dma_start3A_165 = tpu.memref_slice %arg5[%mul3A_2] : memref<131072xf32, #tpu.memory_space<hbm>> -> memref<4096xf32, #tpu.memory_space<hbm>>
      %dma_start3A_166 = tpu.memref_slice %arg5[%mul3A_2] : memref<131072xf32, #tpu.memory_space<hbm>> -> memref<4096xf32, #tpu.memory_space<hbm>>
      tpu.enqueue_dma source(%dma_start3A_166 : memref<4096xf32, #tpu.memory_space<hbm>>) target(%arg10 : memref<4096xf32, #tpu.memory_space<vmem>>) target_semaphore(%run_scoped3A : memref<!tpu.dma_semaphore, #tpu.memory_space<semaphore_mem>>)
      %dma_wait3A = tpu.memref_slice %arg5[%mul3A_2] : memref<131072xf32, #tpu.memory_space<hbm>> -> memref<4096xf32, #tpu.memory_space<hbm>>
      %dma_wait3A_167 = tpu.memref_slice %arg5[%mul3A_2] : memref<131072xf32, #tpu.memory_space<hbm>> -> memref<4096xf32, #tpu.memory_space<hbm>>
      tpu.wait_dma2 semaphore(%run_scoped3A : memref<!tpu.dma_semaphore, #tpu.memory_space<semaphore_mem>>) src(%dma_wait3A_167 : memref<4096xf32, #tpu.memory_space<hbm>>) dst(%arg10 : memref<4096xf32, #tpu.memory_space<vmem>>)
      tpu.yield
    }) : () -> ()
    %eq3A = arith.constant 0 : i32
    %eq3A_3 = arith.cmpi eq, %arg1, %eq3A : i32
    %convert_element_type3A = arith.extui %eq3A_3 : i1 to i32
    %cond3A = arith.constant 0 : i32
    %cond3A_4 = arith.cmpi ne, %convert_element_type3A, %cond3A : i32
    scf.if %cond3A_4 {
      "tpu.region"() ({
        %run_scoped3A = tpu.sem_alloc : memref<!tpu.dma_semaphore, #tpu.memory_space<semaphore_mem>>
        tpu.enqueue_dma source(%arg2 : memref<139536xi32, #tpu.memory_space<hbm>>) target(%arg7 : memref<139536xi32, #tpu.memory_space<vmem_shared>>) target_semaphore(%run_scoped3A : memref<!tpu.dma_semaphore, #tpu.memory_space<semaphore_mem>>)
        tpu.wait_dma2 semaphore(%run_scoped3A : memref<!tpu.dma_semaphore, #tpu.memory_space<semaphore_mem>>) src(%arg2 : memref<139536xi32, #tpu.memory_space<hbm>>) dst(%arg7 : memref<139536xi32, #tpu.memory_space<vmem_shared>>)
        tpu.yield
      }) : () -> ()
    } else {
    }
    %barrier3A = arith.constant 0 : index
    tpu.barrier barrier_id(%barrier3A)
    %scan3A = arith.constant 0 : i32
    %scan3A_5 = arith.constant 0 : i32
    %scan3A_6 = arith.constant 64 : i32
    %scan3A_7 = arith.addi %scan3A_5, %scan3A_6 : i32
    %scan3A_8 = arith.constant 1 : i32
    scf.for %scan3A_165 = %scan3A_5 to %scan3A_7 step %scan3A_8  : i32 {
      %mul3A_166 = arith.constant 16 : i32
      %mul3A_167 = arith.muli %scan3A_165, %mul3A_166 : i32
      %add3A_168 = arith.constant 0 : i32
      %add3A_169 = arith.addi %add3A_168, %mul3A_167 : i32
      %get3A = arith.index_cast %add3A_169 : i32 to index
      %get3A_170 = tpu.vector_load %arg8[%get3A] {strides = array<i32>} : memref<4096xi32, #tpu.memory_space<vmem>>, vector<16xi32>,
      %get3A_171 = vector.shape_cast %get3A_170 : vector<16xi32> to vector<16xi32>
      %mul3A_172 = arith.constant 16 : i32
      %mul3A_173 = arith.muli %scan3A_165, %mul3A_172 : i32
      %add3A_174 = arith.constant 0 : i32
      %add3A_175 = arith.addi %add3A_174, %mul3A_173 : i32
      %get3A_176 = arith.index_cast %add3A_175 : i32 to index
      %get3A_177 = tpu.vector_load %arg9[%get3A_176] {strides = array<i32>} : memref<4096xi32, #tpu.memory_space<vmem>>, vector<16xi32>,
      %get3A_178 = vector.shape_cast %get3A_177 : vector<16xi32> to vector<16xi32>
      %mul3A_179 = arith.constant 2052 : i32
      %mul3A_180 = vector.broadcast %mul3A_179 : i32 to vector<16xi32>
      %mul3A_181 = arith.muli %get3A_178, %mul3A_180 : vector<16xi32>
      %add3A_182 = arith.addi %mul3A_181, %get3A_171 : vector<16xi32>
      %add3A_183 = arith.constant 0 : i32
      %add3A_184 = vector.broadcast %add3A_183 : i32 to vector<16xi32>
      %add3A_185 = arith.addi %add3A_182, %add3A_184 : vector<16xi32>
      %mul3A_186 = arith.constant 16 : i32
      %mul3A_187 = arith.muli %scan3A_165, %mul3A_186 : i32
      %add3A_188 = arith.constant 0 : i32
      %add3A_189 = arith.addi %add3A_188, %mul3A_187 : i32
      %swap3A = arith.index_cast %add3A_189 : i32 to index
      %swap3A_190 = tpu.vector_load %arg11[%swap3A] {strides = array<i32>} : memref<25600xi32, #tpu.memory_space<vmem>>, vector<16xi32>,
      %swap3A_191 = vector.shape_cast %swap3A_190 : vector<16xi32> to vector<16xi32>
      %swap3A_192 = vector.shape_cast %add3A_185 : vector<16xi32> to vector<16xi32>
      tpu.vector_store %arg11[%swap3A], %swap3A_192 {strides = array<i32>} : memref<25600xi32, #tpu.memory_space<vmem>>, vector<16xi32>,
      %add3A_193 = arith.constant 1 : i32
      %add3A_194 = vector.broadcast %add3A_193 : i32 to vector<16xi32>
      %add3A_195 = arith.addi %add3A_182, %add3A_194 : vector<16xi32>
      %mul3A_196 = arith.constant 16 : i32
      %mul3A_197 = arith.muli %scan3A_165, %mul3A_196 : i32
      %add3A_198 = arith.constant 1024 : i32
      %add3A_199 = arith.addi %add3A_198, %mul3A_197 : i32
      %swap3A_200 = arith.index_cast %add3A_199 : i32 to index
      %swap3A_201 = tpu.vector_load %arg11[%swap3A_200] {strides = array<i32>} : memref<25600xi32, #tpu.memory_space<vmem>>, vector<16xi32>,
      %swap3A_202 = vector.shape_cast %swap3A_201 : vector<16xi32> to vector<16xi32>
      %swap3A_203 = vector.shape_cast %add3A_195 : vector<16xi32> to vector<16xi32>
      tpu.vector_store %arg11[%swap3A_200], %swap3A_203 {strides = array<i32>} : memref<25600xi32, #tpu.memory_space<vmem>>, vector<16xi32>,
      %add3A_204 = arith.constant 2 : i32
      %add3A_205 = vector.broadcast %add3A_204 : i32 to vector<16xi32>
      %add3A_206 = arith.addi %add3A_182, %add3A_205 : vector<16xi32>
      %mul3A_207 = arith.constant 16 : i32
      %mul3A_208 = arith.muli %scan3A_165, %mul3A_207 : i32
      %add3A_209 = arith.constant 2048 : i32
      %add3A_210 = arith.addi %add3A_209, %mul3A_208 : i32
      %swap3A_211 = arith.index_cast %add3A_210 : i32 to index
      %swap3A_212 = tpu.vector_load %arg11[%swap3A_211] {strides = array<i32>} : memref<25600xi32, #tpu.memory_space<vmem>>, vector<16xi32>,
      %swap3A_213 = vector.shape_cast %swap3A_212 : vector<16xi32> to vector<16xi32>
      %swap3A_214 = vector.shape_cast %add3A_206 : vector<16xi32> to vector<16xi32>
      tpu.vector_store %arg11[%swap3A_211], %swap3A_214 {strides = array<i32>} : memref<25600xi32, #tpu.memory_space<vmem>>, vector<16xi32>,
      %add3A_215 = arith.constant 3 : i32
      %add3A_216 = vector.broadcast %add3A_215 : i32 to vector<16xi32>
      %add3A_217 = arith.addi %add3A_182, %add3A_216 : vector<16xi32>
      %mul3A_218 = arith.constant 16 : i32
      %mul3A_219 = arith.muli %scan3A_165, %mul3A_218 : i32
      %add3A_220 = arith.constant 3072 : i32
      %add3A_221 = arith.addi %add3A_220, %mul3A_219 : i32
      %swap3A_222 = arith.index_cast %add3A_221 : i32 to index
      %swap3A_223 = tpu.vector_load %arg11[%swap3A_222] {strides = array<i32>} : memref<25600xi32, #tpu.memory_space<vmem>>, vector<16xi32>,
      %swap3A_224 = vector.shape_cast %swap3A_223 : vector<16xi32> to vector<16xi32>
      %swap3A_225 = vector.shape_cast %add3A_217 : vector<16xi32> to vector<16xi32>
      tpu.vector_store %arg11[%swap3A_222], %swap3A_225 {strides = array<i32>} : memref<25600xi32, #tpu.memory_space<vmem>>, vector<16xi32>,
      %add3A_226 = arith.constant 4 : i32
      %add3A_227 = vector.broadcast %add3A_226 : i32 to vector<16xi32>
      %add3A_228 = arith.addi %add3A_182, %add3A_227 : vector<16xi32>
      %mul3A_229 = arith.constant 16 : i32
      %mul3A_230 = arith.muli %scan3A_165, %mul3A_229 : i32
      %add3A_231 = arith.constant 4096 : i32
      %add3A_232 = arith.addi %add3A_231, %mul3A_230 : i32
      %swap3A_233 = arith.index_cast %add3A_232 : i32 to index
      %swap3A_234 = tpu.vector_load %arg11[%swap3A_233] {strides = array<i32>} : memref<25600xi32, #tpu.memory_space<vmem>>, vector<16xi32>,
      %swap3A_235 = vector.shape_cast %swap3A_234 : vector<16xi32> to vector<16xi32>
      %swap3A_236 = vector.shape_cast %add3A_228 : vector<16xi32> to vector<16xi32>
      tpu.vector_store %arg11[%swap3A_233], %swap3A_236 {strides = array<i32>} : memref<25600xi32, #tpu.memory_space<vmem>>, vector<16xi32>,
      %add3A_237 = arith.constant 2052 : i32
      %add3A_238 = vector.broadcast %add3A_237 : i32 to vector<16xi32>
      %add3A_239 = arith.addi %add3A_182, %add3A_238 : vector<16xi32>
      %mul3A_240 = arith.constant 16 : i32
      %mul3A_241 = arith.muli %scan3A_165, %mul3A_240 : i32
      %add3A_242 = arith.constant 5120 : i32
      %add3A_243 = arith.addi %add3A_242, %mul3A_241 : i32
      %swap3A_244 = arith.index_cast %add3A_243 : i32 to index
      %swap3A_245 = tpu.vector_load %arg11[%swap3A_244] {strides = array<i32>} : memref<25600xi32, #tpu.memory_space<vmem>>, vector<16xi32>,
      %swap3A_246 = vector.shape_cast %swap3A_245 : vector<16xi32> to vector<16xi32>
      %swap3A_247 = vector.shape_cast %add3A_239 : vector<16xi32> to vector<16xi32>
      tpu.vector_store %arg11[%swap3A_244], %swap3A_247 {strides = array<i32>} : memref<25600xi32, #tpu.memory_space<vmem>>, vector<16xi32>,
      %add3A_248 = arith.constant 2053 : i32
      %add3A_249 = vector.broadcast %add3A_248 : i32 to vector<16xi32>
      %add3A_250 = arith.addi %add3A_182, %add3A_249 : vector<16xi32>
      %mul3A_251 = arith.constant 16 : i32
      %mul3A_252 = arith.muli %scan3A_165, %mul3A_251 : i32
      %add3A_253 = arith.constant 6144 : i32
      %add3A_254 = arith.addi %add3A_253, %mul3A_252 : i32
      %swap3A_255 = arith.index_cast %add3A_254 : i32 to index
      %swap3A_256 = tpu.vector_load %arg11[%swap3A_255] {strides = array<i32>} : memref<25600xi32, #tpu.memory_space<vmem>>, vector<16xi32>,
      %swap3A_257 = vector.shape_cast %swap3A_256 : vector<16xi32> to vector<16xi32>
      %swap3A_258 = vector.shape_cast %add3A_250 : vector<16xi32> to vector<16xi32>
      tpu.vector_store %arg11[%swap3A_255], %swap3A_258 {strides = array<i32>} : memref<25600xi32, #tpu.memory_space<vmem>>, vector<16xi32>,
      %add3A_259 = arith.constant 2054 : i32
      %add3A_260 = vector.broadcast %add3A_259 : i32 to vector<16xi32>
      %add3A_261 = arith.addi %add3A_182, %add3A_260 : vector<16xi32>
      %mul3A_262 = arith.constant 16 : i32
      %mul3A_263 = arith.muli %scan3A_165, %mul3A_262 : i32
      %add3A_264 = arith.constant 7168 : i32
      %add3A_265 = arith.addi %add3A_264, %mul3A_263 : i32
      %swap3A_266 = arith.index_cast %add3A_265 : i32 to index
      %swap3A_267 = tpu.vector_load %arg11[%swap3A_266] {strides = array<i32>} : memref<25600xi32, #tpu.memory_space<vmem>>, vector<16xi32>,
      %swap3A_268 = vector.shape_cast %swap3A_267 : vector<16xi32> to vector<16xi32>
      %swap3A_269 = vector.shape_cast %add3A_261 : vector<16xi32> to vector<16xi32>
      tpu.vector_store %arg11[%swap3A_266], %swap3A_269 {strides = array<i32>} : memref<25600xi32, #tpu.memory_space<vmem>>, vector<16xi32>,
      %add3A_270 = arith.constant 2055 : i32
      %add3A_271 = vector.broadcast %add3A_270 : i32 to vector<16xi32>
      %add3A_272 = arith.addi %add3A_182, %add3A_271 : vector<16xi32>
      %mul3A_273 = arith.constant 16 : i32
      %mul3A_274 = arith.muli %scan3A_165, %mul3A_273 : i32
      %add3A_275 = arith.constant 8192 : i32
      %add3A_276 = arith.addi %add3A_275, %mul3A_274 : i32
      %swap3A_277 = arith.index_cast %add3A_276 : i32 to index
      %swap3A_278 = tpu.vector_load %arg11[%swap3A_277] {strides = array<i32>} : memref<25600xi32, #tpu.memory_space<vmem>>, vector<16xi32>,
      %swap3A_279 = vector.shape_cast %swap3A_278 : vector<16xi32> to vector<16xi32>
      %swap3A_280 = vector.shape_cast %add3A_272 : vector<16xi32> to vector<16xi32>
      tpu.vector_store %arg11[%swap3A_277], %swap3A_280 {strides = array<i32>} : memref<25600xi32, #tpu.memory_space<vmem>>, vector<16xi32>,
      %add3A_281 = arith.constant 2056 : i32
      %add3A_282 = vector.broadcast %add3A_281 : i32 to vector<16xi32>
      %add3A_283 = arith.addi %add3A_182, %add3A_282 : vector<16xi32>
      %mul3A_284 = arith.constant 16 : i32
      %mul3A_285 = arith.muli %scan3A_165, %mul3A_284 : i32
      %add3A_286 = arith.constant 9216 : i32
      %add3A_287 = arith.addi %add3A_286, %mul3A_285 : i32
      %swap3A_288 = arith.index_cast %add3A_287 : i32 to index
      %swap3A_289 = tpu.vector_load %arg11[%swap3A_288] {strides = array<i32>} : memref<25600xi32, #tpu.memory_space<vmem>>, vector<16xi32>,
      %swap3A_290 = vector.shape_cast %swap3A_289 : vector<16xi32> to vector<16xi32>
      %swap3A_291 = vector.shape_cast %add3A_283 : vector<16xi32> to vector<16xi32>
      tpu.vector_store %arg11[%swap3A_288], %swap3A_291 {strides = array<i32>} : memref<25600xi32, #tpu.memory_space<vmem>>, vector<16xi32>,
      %add3A_292 = arith.constant 4104 : i32
      %add3A_293 = vector.broadcast %add3A_292 : i32 to vector<16xi32>
      %add3A_294 = arith.addi %add3A_182, %add3A_293 : vector<16xi32>
      %mul3A_295 = arith.constant 16 : i32
      %mul3A_296 = arith.muli %scan3A_165, %mul3A_295 : i32
      %add3A_297 = arith.constant 10240 : i32
      %add3A_298 = arith.addi %add3A_297, %mul3A_296 : i32
      %swap3A_299 = arith.index_cast %add3A_298 : i32 to index
      %swap3A_300 = tpu.vector_load %arg11[%swap3A_299] {strides = array<i32>} : memref<25600xi32, #tpu.memory_space<vmem>>, vector<16xi32>,
      %swap3A_301 = vector.shape_cast %swap3A_300 : vector<16xi32> to vector<16xi32>
      %swap3A_302 = vector.shape_cast %add3A_294 : vector<16xi32> to vector<16xi32>
      tpu.vector_store %arg11[%swap3A_299], %swap3A_302 {strides = array<i32>} : memref<25600xi32, #tpu.memory_space<vmem>>, vector<16xi32>,
      %add3A_303 = arith.constant 4105 : i32
      %add3A_304 = vector.broadcast %add3A_303 : i32 to vector<16xi32>
      %add3A_305 = arith.addi %add3A_182, %add3A_304 : vector<16xi32>
      %mul3A_306 = arith.constant 16 : i32
      %mul3A_307 = arith.muli %scan3A_165, %mul3A_306 : i32
      %add3A_308 = arith.constant 11264 : i32
      %add3A_309 = arith.addi %add3A_308, %mul3A_307 : i32
      %swap3A_310 = arith.index_cast %add3A_309 : i32 to index
      %swap3A_311 = tpu.vector_load %arg11[%swap3A_310] {strides = array<i32>} : memref<25600xi32, #tpu.memory_space<vmem>>, vector<16xi32>,
      %swap3A_312 = vector.shape_cast %swap3A_311 : vector<16xi32> to vector<16xi32>
      %swap3A_313 = vector.shape_cast %add3A_305 : vector<16xi32> to vector<16xi32>
      tpu.vector_store %arg11[%swap3A_310], %swap3A_313 {strides = array<i32>} : memref<25600xi32, #tpu.memory_space<vmem>>, vector<16xi32>,
      %add3A_314 = arith.constant 4106 : i32
      %add3A_315 = vector.broadcast %add3A_314 : i32 to vector<16xi32>
      %add3A_316 = arith.addi %add3A_182, %add3A_315 : vector<16xi32>
      %mul3A_317 = arith.constant 16 : i32
      %mul3A_318 = arith.muli %scan3A_165, %mul3A_317 : i32
      %add3A_319 = arith.constant 12288 : i32
      %add3A_320 = arith.addi %add3A_319, %mul3A_318 : i32
      %swap3A_321 = arith.index_cast %add3A_320 : i32 to index
      %swap3A_322 = tpu.vector_load %arg11[%swap3A_321] {strides = array<i32>} : memref<25600xi32, #tpu.memory_space<vmem>>, vector<16xi32>,
      %swap3A_323 = vector.shape_cast %swap3A_322 : vector<16xi32> to vector<16xi32>
      %swap3A_324 = vector.shape_cast %add3A_316 : vector<16xi32> to vector<16xi32>
      tpu.vector_store %arg11[%swap3A_321], %swap3A_324 {strides = array<i32>} : memref<25600xi32, #tpu.memory_space<vmem>>, vector<16xi32>,
      %add3A_325 = arith.constant 4107 : i32
      %add3A_326 = vector.broadcast %add3A_325 : i32 to vector<16xi32>
      %add3A_327 = arith.addi %add3A_182, %add3A_326 : vector<16xi32>
      %mul3A_328 = arith.constant 16 : i32
      %mul3A_329 = arith.muli %scan3A_165, %mul3A_328 : i32
      %add3A_330 = arith.constant 13312 : i32
      %add3A_331 = arith.addi %add3A_330, %mul3A_329 : i32
      %swap3A_332 = arith.index_cast %add3A_331 : i32 to index
      %swap3A_333 = tpu.vector_load %arg11[%swap3A_332] {strides = array<i32>} : memref<25600xi32, #tpu.memory_space<vmem>>, vector<16xi32>,
      %swap3A_334 = vector.shape_cast %swap3A_333 : vector<16xi32> to vector<16xi32>
      %swap3A_335 = vector.shape_cast %add3A_327 : vector<16xi32> to vector<16xi32>
      tpu.vector_store %arg11[%swap3A_332], %swap3A_335 {strides = array<i32>} : memref<25600xi32, #tpu.memory_space<vmem>>, vector<16xi32>,
      %add3A_336 = arith.constant 4108 : i32
      %add3A_337 = vector.broadcast %add3A_336 : i32 to vector<16xi32>
      %add3A_338 = arith.addi %add3A_182, %add3A_337 : vector<16xi32>
      %mul3A_339 = arith.constant 16 : i32
      %mul3A_340 = arith.muli %scan3A_165, %mul3A_339 : i32
      %add3A_341 = arith.constant 14336 : i32
      %add3A_342 = arith.addi %add3A_341, %mul3A_340 : i32
      %swap3A_343 = arith.index_cast %add3A_342 : i32 to index
      %swap3A_344 = tpu.vector_load %arg11[%swap3A_343] {strides = array<i32>} : memref<25600xi32, #tpu.memory_space<vmem>>, vector<16xi32>,
      %swap3A_345 = vector.shape_cast %swap3A_344 : vector<16xi32> to vector<16xi32>
      %swap3A_346 = vector.shape_cast %add3A_338 : vector<16xi32> to vector<16xi32>
      tpu.vector_store %arg11[%swap3A_343], %swap3A_346 {strides = array<i32>} : memref<25600xi32, #tpu.memory_space<vmem>>, vector<16xi32>,
      %add3A_347 = arith.constant 6156 : i32
      %add3A_348 = vector.broadcast %add3A_347 : i32 to vector<16xi32>
      %add3A_349 = arith.addi %add3A_182, %add3A_348 : vector<16xi32>
      %mul3A_350 = arith.constant 16 : i32
      %mul3A_351 = arith.muli %scan3A_165, %mul3A_350 : i32
      %add3A_352 = arith.constant 15360 : i32
      %add3A_353 = arith.addi %add3A_352, %mul3A_351 : i32
      %swap3A_354 = arith.index_cast %add3A_353 : i32 to index
      %swap3A_355 = tpu.vector_load %arg11[%swap3A_354] {strides = array<i32>} : memref<25600xi32, #tpu.memory_space<vmem>>, vector<16xi32>,
      %swap3A_356 = vector.shape_cast %swap3A_355 : vector<16xi32> to vector<16xi32>
      %swap3A_357 = vector.shape_cast %add3A_349 : vector<16xi32> to vector<16xi32>
      tpu.vector_store %arg11[%swap3A_354], %swap3A_357 {strides = array<i32>} : memref<25600xi32, #tpu.memory_space<vmem>>, vector<16xi32>,
      %add3A_358 = arith.constant 6157 : i32
      %add3A_359 = vector.broadcast %add3A_358 : i32 to vector<16xi32>
      %add3A_360 = arith.addi %add3A_182, %add3A_359 : vector<16xi32>
      %mul3A_361 = arith.constant 16 : i32
      %mul3A_362 = arith.muli %scan3A_165, %mul3A_361 : i32
      %add3A_363 = arith.constant 16384 : i32
      %add3A_364 = arith.addi %add3A_363, %mul3A_362 : i32
      %swap3A_365 = arith.index_cast %add3A_364 : i32 to index
      %swap3A_366 = tpu.vector_load %arg11[%swap3A_365] {strides = array<i32>} : memref<25600xi32, #tpu.memory_space<vmem>>, vector<16xi32>,
      %swap3A_367 = vector.shape_cast %swap3A_366 : vector<16xi32> to vector<16xi32>
      %swap3A_368 = vector.shape_cast %add3A_360 : vector<16xi32> to vector<16xi32>
      tpu.vector_store %arg11[%swap3A_365], %swap3A_368 {strides = array<i32>} : memref<25600xi32, #tpu.memory_space<vmem>>, vector<16xi32>,
      %add3A_369 = arith.constant 6158 : i32
      %add3A_370 = vector.broadcast %add3A_369 : i32 to vector<16xi32>
      %add3A_371 = arith.addi %add3A_182, %add3A_370 : vector<16xi32>
      %mul3A_372 = arith.constant 16 : i32
      %mul3A_373 = arith.muli %scan3A_165, %mul3A_372 : i32
      %add3A_374 = arith.constant 17408 : i32
      %add3A_375 = arith.addi %add3A_374, %mul3A_373 : i32
      %swap3A_376 = arith.index_cast %add3A_375 : i32 to index
      %swap3A_377 = tpu.vector_load %arg11[%swap3A_376] {strides = array<i32>} : memref<25600xi32, #tpu.memory_space<vmem>>, vector<16xi32>,
      %swap3A_378 = vector.shape_cast %swap3A_377 : vector<16xi32> to vector<16xi32>
      %swap3A_379 = vector.shape_cast %add3A_371 : vector<16xi32> to vector<16xi32>
      tpu.vector_store %arg11[%swap3A_376], %swap3A_379 {strides = array<i32>} : memref<25600xi32, #tpu.memory_space<vmem>>, vector<16xi32>,
      %add3A_380 = arith.constant 6159 : i32
      %add3A_381 = vector.broadcast %add3A_380 : i32 to vector<16xi32>
      %add3A_382 = arith.addi %add3A_182, %add3A_381 : vector<16xi32>
      %mul3A_383 = arith.constant 16 : i32
      %mul3A_384 = arith.muli %scan3A_165, %mul3A_383 : i32
      %add3A_385 = arith.constant 18432 : i32
      %add3A_386 = arith.addi %add3A_385, %mul3A_384 : i32
      %swap3A_387 = arith.index_cast %add3A_386 : i32 to index
      %swap3A_388 = tpu.vector_load %arg11[%swap3A_387] {strides = array<i32>} : memref<25600xi32, #tpu.memory_space<vmem>>, vector<16xi32>,
      %swap3A_389 = vector.shape_cast %swap3A_388 : vector<16xi32> to vector<16xi32>
      %swap3A_390 = vector.shape_cast %add3A_382 : vector<16xi32> to vector<16xi32>
      tpu.vector_store %arg11[%swap3A_387], %swap3A_390 {strides = array<i32>} : memref<25600xi32, #tpu.memory_space<vmem>>, vector<16xi32>,
      %add3A_391 = arith.constant 6160 : i32
      %add3A_392 = vector.broadcast %add3A_391 : i32 to vector<16xi32>
      %add3A_393 = arith.addi %add3A_182, %add3A_392 : vector<16xi32>
      %mul3A_394 = arith.constant 16 : i32
      %mul3A_395 = arith.muli %scan3A_165, %mul3A_394 : i32
      %add3A_396 = arith.constant 19456 : i32
      %add3A_397 = arith.addi %add3A_396, %mul3A_395 : i32
      %swap3A_398 = arith.index_cast %add3A_397 : i32 to index
      %swap3A_399 = tpu.vector_load %arg11[%swap3A_398] {strides = array<i32>} : memref<25600xi32, #tpu.memory_space<vmem>>, vector<16xi32>,
      %swap3A_400 = vector.shape_cast %swap3A_399 : vector<16xi32> to vector<16xi32>
      %swap3A_401 = vector.shape_cast %add3A_393 : vector<16xi32> to vector<16xi32>
      tpu.vector_store %arg11[%swap3A_398], %swap3A_401 {strides = array<i32>} : memref<25600xi32, #tpu.memory_space<vmem>>, vector<16xi32>,
      %add3A_402 = arith.constant 8208 : i32
      %add3A_403 = vector.broadcast %add3A_402 : i32 to vector<16xi32>
      %add3A_404 = arith.addi %add3A_182, %add3A_403 : vector<16xi32>
      %mul3A_405 = arith.constant 16 : i32
      %mul3A_406 = arith.muli %scan3A_165, %mul3A_405 : i32
      %add3A_407 = arith.constant 20480 : i32
      %add3A_408 = arith.addi %add3A_407, %mul3A_406 : i32
      %swap3A_409 = arith.index_cast %add3A_408 : i32 to index
      %swap3A_410 = tpu.vector_load %arg11[%swap3A_409] {strides = array<i32>} : memref<25600xi32, #tpu.memory_space<vmem>>, vector<16xi32>,
      %swap3A_411 = vector.shape_cast %swap3A_410 : vector<16xi32> to vector<16xi32>
      %swap3A_412 = vector.shape_cast %add3A_404 : vector<16xi32> to vector<16xi32>
      tpu.vector_store %arg11[%swap3A_409], %swap3A_412 {strides = array<i32>} : memref<25600xi32, #tpu.memory_space<vmem>>, vector<16xi32>,
      %add3A_413 = arith.constant 8209 : i32
      %add3A_414 = vector.broadcast %add3A_413 : i32 to vector<16xi32>
      %add3A_415 = arith.addi %add3A_182, %add3A_414 : vector<16xi32>
      %mul3A_416 = arith.constant 16 : i32
      %mul3A_417 = arith.muli %scan3A_165, %mul3A_416 : i32
      %add3A_418 = arith.constant 21504 : i32
      %add3A_419 = arith.addi %add3A_418, %mul3A_417 : i32
      %swap3A_420 = arith.index_cast %add3A_419 : i32 to index
      %swap3A_421 = tpu.vector_load %arg11[%swap3A_420] {strides = array<i32>} : memref<25600xi32, #tpu.memory_space<vmem>>, vector<16xi32>,
      %swap3A_422 = vector.shape_cast %swap3A_421 : vector<16xi32> to vector<16xi32>
      %swap3A_423 = vector.shape_cast %add3A_415 : vector<16xi32> to vector<16xi32>
      tpu.vector_store %arg11[%swap3A_420], %swap3A_423 {strides = array<i32>} : memref<25600xi32, #tpu.memory_space<vmem>>, vector<16xi32>,
      %add3A_424 = arith.constant 8210 : i32
      %add3A_425 = vector.broadcast %add3A_424 : i32 to vector<16xi32>
      %add3A_426 = arith.addi %add3A_182, %add3A_425 : vector<16xi32>
      %mul3A_427 = arith.constant 16 : i32
      %mul3A_428 = arith.muli %scan3A_165, %mul3A_427 : i32
      %add3A_429 = arith.constant 22528 : i32
      %add3A_430 = arith.addi %add3A_429, %mul3A_428 : i32
      %swap3A_431 = arith.index_cast %add3A_430 : i32 to index
      %swap3A_432 = tpu.vector_load %arg11[%swap3A_431] {strides = array<i32>} : memref<25600xi32, #tpu.memory_space<vmem>>, vector<16xi32>,
      %swap3A_433 = vector.shape_cast %swap3A_432 : vector<16xi32> to vector<16xi32>
      %swap3A_434 = vector.shape_cast %add3A_426 : vector<16xi32> to vector<16xi32>
      tpu.vector_store %arg11[%swap3A_431], %swap3A_434 {strides = array<i32>} : memref<25600xi32, #tpu.memory_space<vmem>>, vector<16xi32>,
      %add3A_435 = arith.constant 8211 : i32
      %add3A_436 = vector.broadcast %add3A_435 : i32 to vector<16xi32>
      %add3A_437 = arith.addi %add3A_182, %add3A_436 : vector<16xi32>
      %mul3A_438 = arith.constant 16 : i32
      %mul3A_439 = arith.muli %scan3A_165, %mul3A_438 : i32
      %add3A_440 = arith.constant 23552 : i32
      %add3A_441 = arith.addi %add3A_440, %mul3A_439 : i32
      %swap3A_442 = arith.index_cast %add3A_441 : i32 to index
      %swap3A_443 = tpu.vector_load %arg11[%swap3A_442] {strides = array<i32>} : memref<25600xi32, #tpu.memory_space<vmem>>, vector<16xi32>,
      %swap3A_444 = vector.shape_cast %swap3A_443 : vector<16xi32> to vector<16xi32>
      %swap3A_445 = vector.shape_cast %add3A_437 : vector<16xi32> to vector<16xi32>
      tpu.vector_store %arg11[%swap3A_442], %swap3A_445 {strides = array<i32>} : memref<25600xi32, #tpu.memory_space<vmem>>, vector<16xi32>,
      %add3A_446 = arith.constant 8212 : i32
      %add3A_447 = vector.broadcast %add3A_446 : i32 to vector<16xi32>
      %add3A_448 = arith.addi %add3A_182, %add3A_447 : vector<16xi32>
      %mul3A_449 = arith.constant 16 : i32
      %mul3A_450 = arith.muli %scan3A_165, %mul3A_449 : i32
      %add3A_451 = arith.constant 24576 : i32
      %add3A_452 = arith.addi %add3A_451, %mul3A_450 : i32
      %swap3A_453 = arith.index_cast %add3A_452 : i32 to index
      %swap3A_454 = tpu.vector_load %arg11[%swap3A_453] {strides = array<i32>} : memref<25600xi32, #tpu.memory_space<vmem>>, vector<16xi32>,
      %swap3A_455 = vector.shape_cast %swap3A_454 : vector<16xi32> to vector<16xi32>
      %swap3A_456 = vector.shape_cast %add3A_448 : vector<16xi32> to vector<16xi32>
      tpu.vector_store %arg11[%swap3A_453], %swap3A_456 {strides = array<i32>} : memref<25600xi32, #tpu.memory_space<vmem>>, vector<16xi32>,
    }
    %scan3A_9 = arith.constant 64 : i32
    %dma_start3A = arith.constant 0 : i32
    %dma_start3A_10 = tpu.memref_slice %arg12[%dma_start3A] : memref<25600xi32, #tpu.memory_space<vmem>> -> memref<1024xi32, #tpu.memory_space<vmem>>
    %dma_start3A_11 = arith.constant 0 : i32
    %dma_start3A_12 = tpu.memref_slice %arg11[%dma_start3A_11] : memref<25600xi32, #tpu.memory_space<vmem>> -> memref<1024xi32, #tpu.memory_space<vmem>>
    %dma_start3A_13 = arith.constant 0 : i32
    %dma_start3A_14 = tpu.memref_slice %arg7[%dma_start3A_13] : memref<139536xi32, #tpu.memory_space<vmem_shared>> -> memref<139536xi32, #tpu.memory_space<vmem_shared>>
    tpu.enqueue_indirect_dma source(%dma_start3A_14 : memref<139536xi32, #tpu.memory_space<vmem_shared>>) target(%dma_start3A_10 : memref<1024xi32, #tpu.memory_space<vmem>>) offsets(%dma_start3A_12 : memref<1024xi32, #tpu.memory_space<vmem>>) semaphore(%arg13 : memref<!tpu.dma_semaphore, #tpu.memory_space<semaphore_mem>>)
    %dma_start3A_15 = arith.constant 1024 : i32
    %dma_start3A_16 = tpu.memref_slice %arg12[%dma_start3A_15] : memref<25600xi32, #tpu.memory_space<vmem>> -> memref<1024xi32, #tpu.memory_space<vmem>>
    %dma_start3A_17 = arith.constant 1024 : i32
    %dma_start3A_18 = tpu.memref_slice %arg11[%dma_start3A_17] : memref<25600xi32, #tpu.memory_space<vmem>> -> memref<1024xi32, #tpu.memory_space<vmem>>
    %dma_start3A_19 = arith.constant 0 : i32
    %dma_start3A_20 = tpu.memref_slice %arg7[%dma_start3A_19] : memref<139536xi32, #tpu.memory_space<vmem_shared>> -> memref<139536xi32, #tpu.memory_space<vmem_shared>>
    tpu.enqueue_indirect_dma source(%dma_start3A_20 : memref<139536xi32, #tpu.memory_space<vmem_shared>>) target(%dma_start3A_16 : memref<1024xi32, #tpu.memory_space<vmem>>) offsets(%dma_start3A_18 : memref<1024xi32, #tpu.memory_space<vmem>>) semaphore(%arg13 : memref<!tpu.dma_semaphore, #tpu.memory_space<semaphore_mem>>)
    %dma_start3A_21 = arith.constant 2048 : i32
    %dma_start3A_22 = tpu.memref_slice %arg12[%dma_start3A_21] : memref<25600xi32, #tpu.memory_space<vmem>> -> memref<1024xi32, #tpu.memory_space<vmem>>
    %dma_start3A_23 = arith.constant 2048 : i32
    %dma_start3A_24 = tpu.memref_slice %arg11[%dma_start3A_23] : memref<25600xi32, #tpu.memory_space<vmem>> -> memref<1024xi32, #tpu.memory_space<vmem>>
    %dma_start3A_25 = arith.constant 0 : i32
    %dma_start3A_26 = tpu.memref_slice %arg7[%dma_start3A_25] : memref<139536xi32, #tpu.memory_space<vmem_shared>> -> memref<139536xi32, #tpu.memory_space<vmem_shared>>
    tpu.enqueue_indirect_dma source(%dma_start3A_26 : memref<139536xi32, #tpu.memory_space<vmem_shared>>) target(%dma_start3A_22 : memref<1024xi32, #tpu.memory_space<vmem>>) offsets(%dma_start3A_24 : memref<1024xi32, #tpu.memory_space<vmem>>) semaphore(%arg13 : memref<!tpu.dma_semaphore, #tpu.memory_space<semaphore_mem>>)
    %dma_start3A_27 = arith.constant 3072 : i32
    %dma_start3A_28 = tpu.memref_slice %arg12[%dma_start3A_27] : memref<25600xi32, #tpu.memory_space<vmem>> -> memref<1024xi32, #tpu.memory_space<vmem>>
    %dma_start3A_29 = arith.constant 3072 : i32
    %dma_start3A_30 = tpu.memref_slice %arg11[%dma_start3A_29] : memref<25600xi32, #tpu.memory_space<vmem>> -> memref<1024xi32, #tpu.memory_space<vmem>>
    %dma_start3A_31 = arith.constant 0 : i32
    %dma_start3A_32 = tpu.memref_slice %arg7[%dma_start3A_31] : memref<139536xi32, #tpu.memory_space<vmem_shared>> -> memref<139536xi32, #tpu.memory_space<vmem_shared>>
    tpu.enqueue_indirect_dma source(%dma_start3A_32 : memref<139536xi32, #tpu.memory_space<vmem_shared>>) target(%dma_start3A_28 : memref<1024xi32, #tpu.memory_space<vmem>>) offsets(%dma_start3A_30 : memref<1024xi32, #tpu.memory_space<vmem>>) semaphore(%arg13 : memref<!tpu.dma_semaphore, #tpu.memory_space<semaphore_mem>>)
    %dma_start3A_33 = arith.constant 4096 : i32
    %dma_start3A_34 = tpu.memref_slice %arg12[%dma_start3A_33] : memref<25600xi32, #tpu.memory_space<vmem>> -> memref<1024xi32, #tpu.memory_space<vmem>>
    %dma_start3A_35 = arith.constant 4096 : i32
    %dma_start3A_36 = tpu.memref_slice %arg11[%dma_start3A_35] : memref<25600xi32, #tpu.memory_space<vmem>> -> memref<1024xi32, #tpu.memory_space<vmem>>
    %dma_start3A_37 = arith.constant 0 : i32
    %dma_start3A_38 = tpu.memref_slice %arg7[%dma_start3A_37] : memref<139536xi32, #tpu.memory_space<vmem_shared>> -> memref<139536xi32, #tpu.memory_space<vmem_shared>>
    tpu.enqueue_indirect_dma source(%dma_start3A_38 : memref<139536xi32, #tpu.memory_space<vmem_shared>>) target(%dma_start3A_34 : memref<1024xi32, #tpu.memory_space<vmem>>) offsets(%dma_start3A_36 : memref<1024xi32, #tpu.memory_space<vmem>>) semaphore(%arg13 : memref<!tpu.dma_semaphore, #tpu.memory_space<semaphore_mem>>)
    %dma_start3A_39 = arith.constant 5120 : i32
    %dma_start3A_40 = tpu.memref_slice %arg12[%dma_start3A_39] : memref<25600xi32, #tpu.memory_space<vmem>> -> memref<1024xi32, #tpu.memory_space<vmem>>
    %dma_start3A_41 = arith.constant 5120 : i32
    %dma_start3A_42 = tpu.memref_slice %arg11[%dma_start3A_41] : memref<25600xi32, #tpu.memory_space<vmem>> -> memref<1024xi32, #tpu.memory_space<vmem>>
    %dma_start3A_43 = arith.constant 0 : i32
    %dma_start3A_44 = tpu.memref_slice %arg7[%dma_start3A_43] : memref<139536xi32, #tpu.memory_space<vmem_shared>> -> memref<139536xi32, #tpu.memory_space<vmem_shared>>
    tpu.enqueue_indirect_dma source(%dma_start3A_44 : memref<139536xi32, #tpu.memory_space<vmem_shared>>) target(%dma_start3A_40 : memref<1024xi32, #tpu.memory_space<vmem>>) offsets(%dma_start3A_42 : memref<1024xi32, #tpu.memory_space<vmem>>) semaphore(%arg13 : memref<!tpu.dma_semaphore, #tpu.memory_space<semaphore_mem>>)
    %dma_start3A_45 = arith.constant 6144 : i32
    %dma_start3A_46 = tpu.memref_slice %arg12[%dma_start3A_45] : memref<25600xi32, #tpu.memory_space<vmem>> -> memref<1024xi32, #tpu.memory_space<vmem>>
    %dma_start3A_47 = arith.constant 6144 : i32
    %dma_start3A_48 = tpu.memref_slice %arg11[%dma_start3A_47] : memref<25600xi32, #tpu.memory_space<vmem>> -> memref<1024xi32, #tpu.memory_space<vmem>>
    %dma_start3A_49 = arith.constant 0 : i32
    %dma_start3A_50 = tpu.memref_slice %arg7[%dma_start3A_49] : memref<139536xi32, #tpu.memory_space<vmem_shared>> -> memref<139536xi32, #tpu.memory_space<vmem_shared>>
    tpu.enqueue_indirect_dma source(%dma_start3A_50 : memref<139536xi32, #tpu.memory_space<vmem_shared>>) target(%dma_start3A_46 : memref<1024xi32, #tpu.memory_space<vmem>>) offsets(%dma_start3A_48 : memref<1024xi32, #tpu.memory_space<vmem>>) semaphore(%arg13 : memref<!tpu.dma_semaphore, #tpu.memory_space<semaphore_mem>>)
    %dma_start3A_51 = arith.constant 7168 : i32
    %dma_start3A_52 = tpu.memref_slice %arg12[%dma_start3A_51] : memref<25600xi32, #tpu.memory_space<vmem>> -> memref<1024xi32, #tpu.memory_space<vmem>>
    %dma_start3A_53 = arith.constant 7168 : i32
    %dma_start3A_54 = tpu.memref_slice %arg11[%dma_start3A_53] : memref<25600xi32, #tpu.memory_space<vmem>> -> memref<1024xi32, #tpu.memory_space<vmem>>
    %dma_start3A_55 = arith.constant 0 : i32
    %dma_start3A_56 = tpu.memref_slice %arg7[%dma_start3A_55] : memref<139536xi32, #tpu.memory_space<vmem_shared>> -> memref<139536xi32, #tpu.memory_space<vmem_shared>>
    tpu.enqueue_indirect_dma source(%dma_start3A_56 : memref<139536xi32, #tpu.memory_space<vmem_shared>>) target(%dma_start3A_52 : memref<1024xi32, #tpu.memory_space<vmem>>) offsets(%dma_start3A_54 : memref<1024xi32, #tpu.memory_space<vmem>>) semaphore(%arg13 : memref<!tpu.dma_semaphore, #tpu.memory_space<semaphore_mem>>)
    %dma_start3A_57 = arith.constant 8192 : i32
    %dma_start3A_58 = tpu.memref_slice %arg12[%dma_start3A_57] : memref<25600xi32, #tpu.memory_space<vmem>> -> memref<1024xi32, #tpu.memory_space<vmem>>
    %dma_start3A_59 = arith.constant 8192 : i32
    %dma_start3A_60 = tpu.memref_slice %arg11[%dma_start3A_59] : memref<25600xi32, #tpu.memory_space<vmem>> -> memref<1024xi32, #tpu.memory_space<vmem>>
    %dma_start3A_61 = arith.constant 0 : i32
    %dma_start3A_62 = tpu.memref_slice %arg7[%dma_start3A_61] : memref<139536xi32, #tpu.memory_space<vmem_shared>> -> memref<139536xi32, #tpu.memory_space<vmem_shared>>
    tpu.enqueue_indirect_dma source(%dma_start3A_62 : memref<139536xi32, #tpu.memory_space<vmem_shared>>) target(%dma_start3A_58 : memref<1024xi32, #tpu.memory_space<vmem>>) offsets(%dma_start3A_60 : memref<1024xi32, #tpu.memory_space<vmem>>) semaphore(%arg13 : memref<!tpu.dma_semaphore, #tpu.memory_space<semaphore_mem>>)
    %dma_start3A_63 = arith.constant 9216 : i32
    %dma_start3A_64 = tpu.memref_slice %arg12[%dma_start3A_63] : memref<25600xi32, #tpu.memory_space<vmem>> -> memref<1024xi32, #tpu.memory_space<vmem>>
    %dma_start3A_65 = arith.constant 9216 : i32
    %dma_start3A_66 = tpu.memref_slice %arg11[%dma_start3A_65] : memref<25600xi32, #tpu.memory_space<vmem>> -> memref<1024xi32, #tpu.memory_space<vmem>>
    %dma_start3A_67 = arith.constant 0 : i32
    %dma_start3A_68 = tpu.memref_slice %arg7[%dma_start3A_67] : memref<139536xi32, #tpu.memory_space<vmem_shared>> -> memref<139536xi32, #tpu.memory_space<vmem_shared>>
    tpu.enqueue_indirect_dma source(%dma_start3A_68 : memref<139536xi32, #tpu.memory_space<vmem_shared>>) target(%dma_start3A_64 : memref<1024xi32, #tpu.memory_space<vmem>>) offsets(%dma_start3A_66 : memref<1024xi32, #tpu.memory_space<vmem>>) semaphore(%arg13 : memref<!tpu.dma_semaphore, #tpu.memory_space<semaphore_mem>>)
    %dma_start3A_69 = arith.constant 10240 : i32
    %dma_start3A_70 = tpu.memref_slice %arg12[%dma_start3A_69] : memref<25600xi32, #tpu.memory_space<vmem>> -> memref<1024xi32, #tpu.memory_space<vmem>>
    %dma_start3A_71 = arith.constant 10240 : i32
    %dma_start3A_72 = tpu.memref_slice %arg11[%dma_start3A_71] : memref<25600xi32, #tpu.memory_space<vmem>> -> memref<1024xi32, #tpu.memory_space<vmem>>
    %dma_start3A_73 = arith.constant 0 : i32
    %dma_start3A_74 = tpu.memref_slice %arg7[%dma_start3A_73] : memref<139536xi32, #tpu.memory_space<vmem_shared>> -> memref<139536xi32, #tpu.memory_space<vmem_shared>>
    tpu.enqueue_indirect_dma source(%dma_start3A_74 : memref<139536xi32, #tpu.memory_space<vmem_shared>>) target(%dma_start3A_70 : memref<1024xi32, #tpu.memory_space<vmem>>) offsets(%dma_start3A_72 : memref<1024xi32, #tpu.memory_space<vmem>>) semaphore(%arg13 : memref<!tpu.dma_semaphore, #tpu.memory_space<semaphore_mem>>)
    %dma_start3A_75 = arith.constant 11264 : i32
    %dma_start3A_76 = tpu.memref_slice %arg12[%dma_start3A_75] : memref<25600xi32, #tpu.memory_space<vmem>> -> memref<1024xi32, #tpu.memory_space<vmem>>
    %dma_start3A_77 = arith.constant 11264 : i32
    %dma_start3A_78 = tpu.memref_slice %arg11[%dma_start3A_77] : memref<25600xi32, #tpu.memory_space<vmem>> -> memref<1024xi32, #tpu.memory_space<vmem>>
    %dma_start3A_79 = arith.constant 0 : i32
    %dma_start3A_80 = tpu.memref_slice %arg7[%dma_start3A_79] : memref<139536xi32, #tpu.memory_space<vmem_shared>> -> memref<139536xi32, #tpu.memory_space<vmem_shared>>
    tpu.enqueue_indirect_dma source(%dma_start3A_80 : memref<139536xi32, #tpu.memory_space<vmem_shared>>) target(%dma_start3A_76 : memref<1024xi32, #tpu.memory_space<vmem>>) offsets(%dma_start3A_78 : memref<1024xi32, #tpu.memory_space<vmem>>) semaphore(%arg13 : memref<!tpu.dma_semaphore, #tpu.memory_space<semaphore_mem>>)
    %dma_start3A_81 = arith.constant 12288 : i32
    %dma_start3A_82 = tpu.memref_slice %arg12[%dma_start3A_81] : memref<25600xi32, #tpu.memory_space<vmem>> -> memref<1024xi32, #tpu.memory_space<vmem>>
    %dma_start3A_83 = arith.constant 12288 : i32
    %dma_start3A_84 = tpu.memref_slice %arg11[%dma_start3A_83] : memref<25600xi32, #tpu.memory_space<vmem>> -> memref<1024xi32, #tpu.memory_space<vmem>>
    %dma_start3A_85 = arith.constant 0 : i32
    %dma_start3A_86 = tpu.memref_slice %arg7[%dma_start3A_85] : memref<139536xi32, #tpu.memory_space<vmem_shared>> -> memref<139536xi32, #tpu.memory_space<vmem_shared>>
    tpu.enqueue_indirect_dma source(%dma_start3A_86 : memref<139536xi32, #tpu.memory_space<vmem_shared>>) target(%dma_start3A_82 : memref<1024xi32, #tpu.memory_space<vmem>>) offsets(%dma_start3A_84 : memref<1024xi32, #tpu.memory_space<vmem>>) semaphore(%arg13 : memref<!tpu.dma_semaphore, #tpu.memory_space<semaphore_mem>>)
    %dma_start3A_87 = arith.constant 13312 : i32
    %dma_start3A_88 = tpu.memref_slice %arg12[%dma_start3A_87] : memref<25600xi32, #tpu.memory_space<vmem>> -> memref<1024xi32, #tpu.memory_space<vmem>>
    %dma_start3A_89 = arith.constant 13312 : i32
    %dma_start3A_90 = tpu.memref_slice %arg11[%dma_start3A_89] : memref<25600xi32, #tpu.memory_space<vmem>> -> memref<1024xi32, #tpu.memory_space<vmem>>
    %dma_start3A_91 = arith.constant 0 : i32
    %dma_start3A_92 = tpu.memref_slice %arg7[%dma_start3A_91] : memref<139536xi32, #tpu.memory_space<vmem_shared>> -> memref<139536xi32, #tpu.memory_space<vmem_shared>>
    tpu.enqueue_indirect_dma source(%dma_start3A_92 : memref<139536xi32, #tpu.memory_space<vmem_shared>>) target(%dma_start3A_88 : memref<1024xi32, #tpu.memory_space<vmem>>) offsets(%dma_start3A_90 : memref<1024xi32, #tpu.memory_space<vmem>>) semaphore(%arg13 : memref<!tpu.dma_semaphore, #tpu.memory_space<semaphore_mem>>)
    %dma_start3A_93 = arith.constant 14336 : i32
    %dma_start3A_94 = tpu.memref_slice %arg12[%dma_start3A_93] : memref<25600xi32, #tpu.memory_space<vmem>> -> memref<1024xi32, #tpu.memory_space<vmem>>
    %dma_start3A_95 = arith.constant 14336 : i32
    %dma_start3A_96 = tpu.memref_slice %arg11[%dma_start3A_95] : memref<25600xi32, #tpu.memory_space<vmem>> -> memref<1024xi32, #tpu.memory_space<vmem>>
    %dma_start3A_97 = arith.constant 0 : i32
    %dma_start3A_98 = tpu.memref_slice %arg7[%dma_start3A_97] : memref<139536xi32, #tpu.memory_space<vmem_shared>> -> memref<139536xi32, #tpu.memory_space<vmem_shared>>
    tpu.enqueue_indirect_dma source(%dma_start3A_98 : memref<139536xi32, #tpu.memory_space<vmem_shared>>) target(%dma_start3A_94 : memref<1024xi32, #tpu.memory_space<vmem>>) offsets(%dma_start3A_96 : memref<1024xi32, #tpu.memory_space<vmem>>) semaphore(%arg13 : memref<!tpu.dma_semaphore, #tpu.memory_space<semaphore_mem>>)
    %dma_start3A_99 = arith.constant 15360 : i32
    %dma_start3A_100 = tpu.memref_slice %arg12[%dma_start3A_99] : memref<25600xi32, #tpu.memory_space<vmem>> -> memref<1024xi32, #tpu.memory_space<vmem>>
    %dma_start3A_101 = arith.constant 15360 : i32
    %dma_start3A_102 = tpu.memref_slice %arg11[%dma_start3A_101] : memref<25600xi32, #tpu.memory_space<vmem>> -> memref<1024xi32, #tpu.memory_space<vmem>>
    %dma_start3A_103 = arith.constant 0 : i32
    %dma_start3A_104 = tpu.memref_slice %arg7[%dma_start3A_103] : memref<139536xi32, #tpu.memory_space<vmem_shared>> -> memref<139536xi32, #tpu.memory_space<vmem_shared>>
    tpu.enqueue_indirect_dma source(%dma_start3A_104 : memref<139536xi32, #tpu.memory_space<vmem_shared>>) target(%dma_start3A_100 : memref<1024xi32, #tpu.memory_space<vmem>>) offsets(%dma_start3A_102 : memref<1024xi32, #tpu.memory_space<vmem>>) semaphore(%arg13 : memref<!tpu.dma_semaphore, #tpu.memory_space<semaphore_mem>>)
    %dma_start3A_105 = arith.constant 16384 : i32
    %dma_start3A_106 = tpu.memref_slice %arg12[%dma_start3A_105] : memref<25600xi32, #tpu.memory_space<vmem>> -> memref<1024xi32, #tpu.memory_space<vmem>>
    %dma_start3A_107 = arith.constant 16384 : i32
    %dma_start3A_108 = tpu.memref_slice %arg11[%dma_start3A_107] : memref<25600xi32, #tpu.memory_space<vmem>> -> memref<1024xi32, #tpu.memory_space<vmem>>
    %dma_start3A_109 = arith.constant 0 : i32
    %dma_start3A_110 = tpu.memref_slice %arg7[%dma_start3A_109] : memref<139536xi32, #tpu.memory_space<vmem_shared>> -> memref<139536xi32, #tpu.memory_space<vmem_shared>>
    tpu.enqueue_indirect_dma source(%dma_start3A_110 : memref<139536xi32, #tpu.memory_space<vmem_shared>>) target(%dma_start3A_106 : memref<1024xi32, #tpu.memory_space<vmem>>) offsets(%dma_start3A_108 : memref<1024xi32, #tpu.memory_space<vmem>>) semaphore(%arg13 : memref<!tpu.dma_semaphore, #tpu.memory_space<semaphore_mem>>)
    %dma_start3A_111 = arith.constant 17408 : i32
    %dma_start3A_112 = tpu.memref_slice %arg12[%dma_start3A_111] : memref<25600xi32, #tpu.memory_space<vmem>> -> memref<1024xi32, #tpu.memory_space<vmem>>
    %dma_start3A_113 = arith.constant 17408 : i32
    %dma_start3A_114 = tpu.memref_slice %arg11[%dma_start3A_113] : memref<25600xi32, #tpu.memory_space<vmem>> -> memref<1024xi32, #tpu.memory_space<vmem>>
    %dma_start3A_115 = arith.constant 0 : i32
    %dma_start3A_116 = tpu.memref_slice %arg7[%dma_start3A_115] : memref<139536xi32, #tpu.memory_space<vmem_shared>> -> memref<139536xi32, #tpu.memory_space<vmem_shared>>
    tpu.enqueue_indirect_dma source(%dma_start3A_116 : memref<139536xi32, #tpu.memory_space<vmem_shared>>) target(%dma_start3A_112 : memref<1024xi32, #tpu.memory_space<vmem>>) offsets(%dma_start3A_114 : memref<1024xi32, #tpu.memory_space<vmem>>) semaphore(%arg13 : memref<!tpu.dma_semaphore, #tpu.memory_space<semaphore_mem>>)
    %dma_start3A_117 = arith.constant 18432 : i32
    %dma_start3A_118 = tpu.memref_slice %arg12[%dma_start3A_117] : memref<25600xi32, #tpu.memory_space<vmem>> -> memref<1024xi32, #tpu.memory_space<vmem>>
    %dma_start3A_119 = arith.constant 18432 : i32
    %dma_start3A_120 = tpu.memref_slice %arg11[%dma_start3A_119] : memref<25600xi32, #tpu.memory_space<vmem>> -> memref<1024xi32, #tpu.memory_space<vmem>>
    %dma_start3A_121 = arith.constant 0 : i32
    %dma_start3A_122 = tpu.memref_slice %arg7[%dma_start3A_121] : memref<139536xi32, #tpu.memory_space<vmem_shared>> -> memref<139536xi32, #tpu.memory_space<vmem_shared>>
    tpu.enqueue_indirect_dma source(%dma_start3A_122 : memref<139536xi32, #tpu.memory_space<vmem_shared>>) target(%dma_start3A_118 : memref<1024xi32, #tpu.memory_space<vmem>>) offsets(%dma_start3A_120 : memref<1024xi32, #tpu.memory_space<vmem>>) semaphore(%arg13 : memref<!tpu.dma_semaphore, #tpu.memory_space<semaphore_mem>>)
    %dma_start3A_123 = arith.constant 19456 : i32
    %dma_start3A_124 = tpu.memref_slice %arg12[%dma_start3A_123] : memref<25600xi32, #tpu.memory_space<vmem>> -> memref<1024xi32, #tpu.memory_space<vmem>>
    %dma_start3A_125 = arith.constant 19456 : i32
    %dma_start3A_126 = tpu.memref_slice %arg11[%dma_start3A_125] : memref<25600xi32, #tpu.memory_space<vmem>> -> memref<1024xi32, #tpu.memory_space<vmem>>
    %dma_start3A_127 = arith.constant 0 : i32
    %dma_start3A_128 = tpu.memref_slice %arg7[%dma_start3A_127] : memref<139536xi32, #tpu.memory_space<vmem_shared>> -> memref<139536xi32, #tpu.memory_space<vmem_shared>>
    tpu.enqueue_indirect_dma source(%dma_start3A_128 : memref<139536xi32, #tpu.memory_space<vmem_shared>>) target(%dma_start3A_124 : memref<1024xi32, #tpu.memory_space<vmem>>) offsets(%dma_start3A_126 : memref<1024xi32, #tpu.memory_space<vmem>>) semaphore(%arg13 : memref<!tpu.dma_semaphore, #tpu.memory_space<semaphore_mem>>)
    %dma_start3A_129 = arith.constant 20480 : i32
    %dma_start3A_130 = tpu.memref_slice %arg12[%dma_start3A_129] : memref<25600xi32, #tpu.memory_space<vmem>> -> memref<1024xi32, #tpu.memory_space<vmem>>
    %dma_start3A_131 = arith.constant 20480 : i32
    %dma_start3A_132 = tpu.memref_slice %arg11[%dma_start3A_131] : memref<25600xi32, #tpu.memory_space<vmem>> -> memref<1024xi32, #tpu.memory_space<vmem>>
    %dma_start3A_133 = arith.constant 0 : i32
    %dma_start3A_134 = tpu.memref_slice %arg7[%dma_start3A_133] : memref<139536xi32, #tpu.memory_space<vmem_shared>> -> memref<139536xi32, #tpu.memory_space<vmem_shared>>
    tpu.enqueue_indirect_dma source(%dma_start3A_134 : memref<139536xi32, #tpu.memory_space<vmem_shared>>) target(%dma_start3A_130 : memref<1024xi32, #tpu.memory_space<vmem>>) offsets(%dma_start3A_132 : memref<1024xi32, #tpu.memory_space<vmem>>) semaphore(%arg13 : memref<!tpu.dma_semaphore, #tpu.memory_space<semaphore_mem>>)
    %dma_start3A_135 = arith.constant 21504 : i32
    %dma_start3A_136 = tpu.memref_slice %arg12[%dma_start3A_135] : memref<25600xi32, #tpu.memory_space<vmem>> -> memref<1024xi32, #tpu.memory_space<vmem>>
    %dma_start3A_137 = arith.constant 21504 : i32
    %dma_start3A_138 = tpu.memref_slice %arg11[%dma_start3A_137] : memref<25600xi32, #tpu.memory_space<vmem>> -> memref<1024xi32, #tpu.memory_space<vmem>>
    %dma_start3A_139 = arith.constant 0 : i32
    %dma_start3A_140 = tpu.memref_slice %arg7[%dma_start3A_139] : memref<139536xi32, #tpu.memory_space<vmem_shared>> -> memref<139536xi32, #tpu.memory_space<vmem_shared>>
    tpu.enqueue_indirect_dma source(%dma_start3A_140 : memref<139536xi32, #tpu.memory_space<vmem_shared>>) target(%dma_start3A_136 : memref<1024xi32, #tpu.memory_space<vmem>>) offsets(%dma_start3A_138 : memref<1024xi32, #tpu.memory_space<vmem>>) semaphore(%arg13 : memref<!tpu.dma_semaphore, #tpu.memory_space<semaphore_mem>>)
    %dma_start3A_141 = arith.constant 22528 : i32
    %dma_start3A_142 = tpu.memref_slice %arg12[%dma_start3A_141] : memref<25600xi32, #tpu.memory_space<vmem>> -> memref<1024xi32, #tpu.memory_space<vmem>>
    %dma_start3A_143 = arith.constant 22528 : i32
    %dma_start3A_144 = tpu.memref_slice %arg11[%dma_start3A_143] : memref<25600xi32, #tpu.memory_space<vmem>> -> memref<1024xi32, #tpu.memory_space<vmem>>
    %dma_start3A_145 = arith.constant 0 : i32
    %dma_start3A_146 = tpu.memref_slice %arg7[%dma_start3A_145] : memref<139536xi32, #tpu.memory_space<vmem_shared>> -> memref<139536xi32, #tpu.memory_space<vmem_shared>>
    tpu.enqueue_indirect_dma source(%dma_start3A_146 : memref<139536xi32, #tpu.memory_space<vmem_shared>>) target(%dma_start3A_142 : memref<1024xi32, #tpu.memory_space<vmem>>) offsets(%dma_start3A_144 : memref<1024xi32, #tpu.memory_space<vmem>>) semaphore(%arg13 : memref<!tpu.dma_semaphore, #tpu.memory_space<semaphore_mem>>)
    %dma_start3A_147 = arith.constant 23552 : i32
    %dma_start3A_148 = tpu.memref_slice %arg12[%dma_start3A_147] : memref<25600xi32, #tpu.memory_space<vmem>> -> memref<1024xi32, #tpu.memory_space<vmem>>
    %dma_start3A_149 = arith.constant 23552 : i32
    %dma_start3A_150 = tpu.memref_slice %arg11[%dma_start3A_149] : memref<25600xi32, #tpu.memory_space<vmem>> -> memref<1024xi32, #tpu.memory_space<vmem>>
    %dma_start3A_151 = arith.constant 0 : i32
    %dma_start3A_152 = tpu.memref_slice %arg7[%dma_start3A_151] : memref<139536xi32, #tpu.memory_space<vmem_shared>> -> memref<139536xi32, #tpu.memory_space<vmem_shared>>
    tpu.enqueue_indirect_dma source(%dma_start3A_152 : memref<139536xi32, #tpu.memory_space<vmem_shared>>) target(%dma_start3A_148 : memref<1024xi32, #tpu.memory_space<vmem>>) offsets(%dma_start3A_150 : memref<1024xi32, #tpu.memory_space<vmem>>) semaphore(%arg13 : memref<!tpu.dma_semaphore, #tpu.memory_space<semaphore_mem>>)
    %dma_start3A_153 = arith.constant 24576 : i32
    %dma_start3A_154 = tpu.memref_slice %arg12[%dma_start3A_153] : memref<25600xi32, #tpu.memory_space<vmem>> -> memref<1024xi32, #tpu.memory_space<vmem>>
    %dma_start3A_155 = arith.constant 24576 : i32
    %dma_start3A_156 = tpu.memref_slice %arg11[%dma_start3A_155] : memref<25600xi32, #tpu.memory_space<vmem>> -> memref<1024xi32, #tpu.memory_space<vmem>>
    %dma_start3A_157 = arith.constant 0 : i32
    %dma_start3A_158 = tpu.memref_slice %arg7[%dma_start3A_157] : memref<139536xi32, #tpu.memory_space<vmem_shared>> -> memref<139536xi32, #tpu.memory_space<vmem_shared>>
    tpu.enqueue_indirect_dma source(%dma_start3A_158 : memref<139536xi32, #tpu.memory_space<vmem_shared>>) target(%dma_start3A_154 : memref<1024xi32, #tpu.memory_space<vmem>>) offsets(%dma_start3A_156 : memref<1024xi32, #tpu.memory_space<vmem>>) semaphore(%arg13 : memref<!tpu.dma_semaphore, #tpu.memory_space<semaphore_mem>>)
    %scan3A_159 = arith.constant 0 : i32
    %scan3A_160 = arith.constant 0 : i32
    %scan3A_161 = arith.constant 2 : i32
    %scan3A_162 = arith.addi %scan3A_160, %scan3A_161 : i32
    %scan3A_163 = arith.constant 1 : i32
    scf.for %scan3A_165 = %scan3A_160 to %scan3A_162 step %scan3A_163  : i32 {
      %mul3A_166 = arith.constant 2 : i32
      %mul3A_167 = arith.muli %scan3A_165, %mul3A_166 : i32
      %add3A_168 = arith.constant 1 : i32
      %add3A_169 = arith.addi %mul3A_167, %add3A_168 : i32
      %mul3A_170 = arith.constant 1024 : i32
      %mul3A_171 = arith.muli %add3A_169, %mul3A_170 : i32
      %scan3A_172 = arith.constant 0 : i32
      %scan3A_173 = arith.constant 0 : i32
      %scan3A_174 = arith.constant 64 : i32
      %scan3A_175 = arith.addi %scan3A_173, %scan3A_174 : i32
      %scan3A_176 = arith.constant 1 : i32
      scf.for %scan3A_359 = %scan3A_173 to %scan3A_175 step %scan3A_176  : i32 {
        %mul3A_360 = arith.constant 16 : i32
        %mul3A_361 = arith.muli %scan3A_359, %mul3A_360 : i32
        %add3A_362 = arith.addi %mul3A_171, %mul3A_361 : i32
        %get3A = arith.index_cast %add3A_362 : i32 to index
        %get3A_363 = tpu.vector_load %arg8[%get3A] {strides = array<i32>} : memref<4096xi32, #tpu.memory_space<vmem>>, vector<16xi32>,
        %get3A_364 = vector.shape_cast %get3A_363 : vector<16xi32> to vector<16xi32>
        %mul3A_365 = arith.constant 16 : i32
        %mul3A_366 = arith.muli %scan3A_359, %mul3A_365 : i32
        %add3A_367 = arith.addi %mul3A_171, %mul3A_366 : i32
        %get3A_368 = arith.index_cast %add3A_367 : i32 to index
        %get3A_369 = tpu.vector_load %arg9[%get3A_368] {strides = array<i32>} : memref<4096xi32, #tpu.memory_space<vmem>>, vector<16xi32>,
        %get3A_370 = vector.shape_cast %get3A_369 : vector<16xi32> to vector<16xi32>
        %mul3A_371 = arith.constant 2052 : i32
        %mul3A_372 = vector.broadcast %mul3A_371 : i32 to vector<16xi32>
        %mul3A_373 = arith.muli %get3A_370, %mul3A_372 : vector<16xi32>
        %add3A_374 = arith.addi %mul3A_373, %get3A_364 : vector<16xi32>
        %add3A_375 = arith.constant 0 : i32
        %add3A_376 = vector.broadcast %add3A_375 : i32 to vector<16xi32>
        %add3A_377 = arith.addi %add3A_374, %add3A_376 : vector<16xi32>
        %mul3A_378 = arith.constant 16 : i32
        %mul3A_379 = arith.muli %scan3A_359, %mul3A_378 : i32
        %add3A_380 = arith.constant 0 : i32
        %add3A_381 = arith.addi %add3A_380, %mul3A_379 : i32
        %swap3A = arith.index_cast %add3A_381 : i32 to index
        %swap3A_382 = tpu.vector_load %arg14[%swap3A] {strides = array<i32>} : memref<25600xi32, #tpu.memory_space<vmem>>, vector<16xi32>,
        %swap3A_383 = vector.shape_cast %swap3A_382 : vector<16xi32> to vector<16xi32>
        %swap3A_384 = vector.shape_cast %add3A_377 : vector<16xi32> to vector<16xi32>
        tpu.vector_store %arg14[%swap3A], %swap3A_384 {strides = array<i32>} : memref<25600xi32, #tpu.memory_space<vmem>>, vector<16xi32>,
        %add3A_385 = arith.constant 1 : i32
        %add3A_386 = vector.broadcast %add3A_385 : i32 to vector<16xi32>
        %add3A_387 = arith.addi %add3A_374, %add3A_386 : vector<16xi32>
        %mul3A_388 = arith.constant 16 : i32
        %mul3A_389 = arith.muli %scan3A_359, %mul3A_388 : i32
        %add3A_390 = arith.constant 1024 : i32
        %add3A_391 = arith.addi %add3A_390, %mul3A_389 : i32
        %swap3A_392 = arith.index_cast %add3A_391 : i32 to index
        %swap3A_393 = tpu.vector_load %arg14[%swap3A_392] {strides = array<i32>} : memref<25600xi32, #tpu.memory_space<vmem>>, vector<16xi32>,
        %swap3A_394 = vector.shape_cast %swap3A_393 : vector<16xi32> to vector<16xi32>
        %swap3A_395 = vector.shape_cast %add3A_387 : vector<16xi32> to vector<16xi32>
        tpu.vector_store %arg14[%swap3A_392], %swap3A_395 {strides = array<i32>} : memref<25600xi32, #tpu.memory_space<vmem>>, vector<16xi32>,
        %add3A_396 = arith.constant 2 : i32
        %add3A_397 = vector.broadcast %add3A_396 : i32 to vector<16xi32>
        %add3A_398 = arith.addi %add3A_374, %add3A_397 : vector<16xi32>
        %mul3A_399 = arith.constant 16 : i32
        %mul3A_400 = arith.muli %scan3A_359, %mul3A_399 : i32
        %add3A_401 = arith.constant 2048 : i32
        %add3A_402 = arith.addi %add3A_401, %mul3A_400 : i32
        %swap3A_403 = arith.index_cast %add3A_402 : i32 to index
        %swap3A_404 = tpu.vector_load %arg14[%swap3A_403] {strides = array<i32>} : memref<25600xi32, #tpu.memory_space<vmem>>, vector<16xi32>,
        %swap3A_405 = vector.shape_cast %swap3A_404 : vector<16xi32> to vector<16xi32>
        %swap3A_406 = vector.shape_cast %add3A_398 : vector<16xi32> to vector<16xi32>
        tpu.vector_store %arg14[%swap3A_403], %swap3A_406 {strides = array<i32>} : memref<25600xi32, #tpu.memory_space<vmem>>, vector<16xi32>,
        %add3A_407 = arith.constant 3 : i32
        %add3A_408 = vector.broadcast %add3A_407 : i32 to vector<16xi32>
        %add3A_409 = arith.addi %add3A_374, %add3A_408 : vector<16xi32>
        %mul3A_410 = arith.constant 16 : i32
        %mul3A_411 = arith.muli %scan3A_359, %mul3A_410 : i32
        %add3A_412 = arith.constant 3072 : i32
        %add3A_413 = arith.addi %add3A_412, %mul3A_411 : i32
        %swap3A_414 = arith.index_cast %add3A_413 : i32 to index
        %swap3A_415 = tpu.vector_load %arg14[%swap3A_414] {strides = array<i32>} : memref<25600xi32, #tpu.memory_space<vmem>>, vector<16xi32>,
        %swap3A_416 = vector.shape_cast %swap3A_415 : vector<16xi32> to vector<16xi32>
        %swap3A_417 = vector.shape_cast %add3A_409 : vector<16xi32> to vector<16xi32>
        tpu.vector_store %arg14[%swap3A_414], %swap3A_417 {strides = array<i32>} : memref<25600xi32, #tpu.memory_space<vmem>>, vector<16xi32>,
        %add3A_418 = arith.constant 4 : i32
        %add3A_419 = vector.broadcast %add3A_418 : i32 to vector<16xi32>
        %add3A_420 = arith.addi %add3A_374, %add3A_419 : vector<16xi32>
        %mul3A_421 = arith.constant 16 : i32
        %mul3A_422 = arith.muli %scan3A_359, %mul3A_421 : i32
        %add3A_423 = arith.constant 4096 : i32
        %add3A_424 = arith.addi %add3A_423, %mul3A_422 : i32
        %swap3A_425 = arith.index_cast %add3A_424 : i32 to index
        %swap3A_426 = tpu.vector_load %arg14[%swap3A_425] {strides = array<i32>} : memref<25600xi32, #tpu.memory_space<vmem>>, vector<16xi32>,
        %swap3A_427 = vector.shape_cast %swap3A_426 : vector<16xi32> to vector<16xi32>
        %swap3A_428 = vector.shape_cast %add3A_420 : vector<16xi32> to vector<16xi32>
        tpu.vector_store %arg14[%swap3A_425], %swap3A_428 {strides = array<i32>} : memref<25600xi32, #tpu.memory_space<vmem>>, vector<16xi32>,
        %add3A_429 = arith.constant 2052 : i32
        %add3A_430 = vector.broadcast %add3A_429 : i32 to vector<16xi32>
        %add3A_431 = arith.addi %add3A_374, %add3A_430 : vector<16xi32>
        %mul3A_432 = arith.constant 16 : i32
        %mul3A_433 = arith.muli %scan3A_359, %mul3A_432 : i32
        %add3A_434 = arith.constant 5120 : i32
        %add3A_435 = arith.addi %add3A_434, %mul3A_433 : i32
        %swap3A_436 = arith.index_cast %add3A_435 : i32 to index
        %swap3A_437 = tpu.vector_load %arg14[%swap3A_436] {strides = array<i32>} : memref<25600xi32, #tpu.memory_space<vmem>>, vector<16xi32>,
        %swap3A_438 = vector.shape_cast %swap3A_437 : vector<16xi32> to vector<16xi32>
        %swap3A_439 = vector.shape_cast %add3A_431 : vector<16xi32> to vector<16xi32>
        tpu.vector_store %arg14[%swap3A_436], %swap3A_439 {strides = array<i32>} : memref<25600xi32, #tpu.memory_space<vmem>>, vector<16xi32>,
        %add3A_440 = arith.constant 2053 : i32
        %add3A_441 = vector.broadcast %add3A_440 : i32 to vector<16xi32>
        %add3A_442 = arith.addi %add3A_374, %add3A_441 : vector<16xi32>
        %mul3A_443 = arith.constant 16 : i32
        %mul3A_444 = arith.muli %scan3A_359, %mul3A_443 : i32
        %add3A_445 = arith.constant 6144 : i32
        %add3A_446 = arith.addi %add3A_445, %mul3A_444 : i32
        %swap3A_447 = arith.index_cast %add3A_446 : i32 to index
        %swap3A_448 = tpu.vector_load %arg14[%swap3A_447] {strides = array<i32>} : memref<25600xi32, #tpu.memory_space<vmem>>, vector<16xi32>,
        %swap3A_449 = vector.shape_cast %swap3A_448 : vector<16xi32> to vector<16xi32>
        %swap3A_450 = vector.shape_cast %add3A_442 : vector<16xi32> to vector<16xi32>
        tpu.vector_store %arg14[%swap3A_447], %swap3A_450 {strides = array<i32>} : memref<25600xi32, #tpu.memory_space<vmem>>, vector<16xi32>,
        %add3A_451 = arith.constant 2054 : i32
        %add3A_452 = vector.broadcast %add3A_451 : i32 to vector<16xi32>
        %add3A_453 = arith.addi %add3A_374, %add3A_452 : vector<16xi32>
        %mul3A_454 = arith.constant 16 : i32
        %mul3A_455 = arith.muli %scan3A_359, %mul3A_454 : i32
        %add3A_456 = arith.constant 7168 : i32
        %add3A_457 = arith.addi %add3A_456, %mul3A_455 : i32
        %swap3A_458 = arith.index_cast %add3A_457 : i32 to index
        %swap3A_459 = tpu.vector_load %arg14[%swap3A_458] {strides = array<i32>} : memref<25600xi32, #tpu.memory_space<vmem>>, vector<16xi32>,
        %swap3A_460 = vector.shape_cast %swap3A_459 : vector<16xi32> to vector<16xi32>
        %swap3A_461 = vector.shape_cast %add3A_453 : vector<16xi32> to vector<16xi32>
        tpu.vector_store %arg14[%swap3A_458], %swap3A_461 {strides = array<i32>} : memref<25600xi32, #tpu.memory_space<vmem>>, vector<16xi32>,
        %add3A_462 = arith.constant 2055 : i32
        %add3A_463 = vector.broadcast %add3A_462 : i32 to vector<16xi32>
        %add3A_464 = arith.addi %add3A_374, %add3A_463 : vector<16xi32>
        %mul3A_465 = arith.constant 16 : i32
        %mul3A_466 = arith.muli %scan3A_359, %mul3A_465 : i32
        %add3A_467 = arith.constant 8192 : i32
        %add3A_468 = arith.addi %add3A_467, %mul3A_466 : i32
        %swap3A_469 = arith.index_cast %add3A_468 : i32 to index
        %swap3A_470 = tpu.vector_load %arg14[%swap3A_469] {strides = array<i32>} : memref<25600xi32, #tpu.memory_space<vmem>>, vector<16xi32>,
        %swap3A_471 = vector.shape_cast %swap3A_470 : vector<16xi32> to vector<16xi32>
        %swap3A_472 = vector.shape_cast %add3A_464 : vector<16xi32> to vector<16xi32>
        tpu.vector_store %arg14[%swap3A_469], %swap3A_472 {strides = array<i32>} : memref<25600xi32, #tpu.memory_space<vmem>>, vector<16xi32>,
        %add3A_473 = arith.constant 2056 : i32
        %add3A_474 = vector.broadcast %add3A_473 : i32 to vector<16xi32>
        %add3A_475 = arith.addi %add3A_374, %add3A_474 : vector<16xi32>
        %mul3A_476 = arith.constant 16 : i32
        %mul3A_477 = arith.muli %scan3A_359, %mul3A_476 : i32
        %add3A_478 = arith.constant 9216 : i32
        %add3A_479 = arith.addi %add3A_478, %mul3A_477 : i32
        %swap3A_480 = arith.index_cast %add3A_479 : i32 to index
        %swap3A_481 = tpu.vector_load %arg14[%swap3A_480] {strides = array<i32>} : memref<25600xi32, #tpu.memory_space<vmem>>, vector<16xi32>,
        %swap3A_482 = vector.shape_cast %swap3A_481 : vector<16xi32> to vector<16xi32>
        %swap3A_483 = vector.shape_cast %add3A_475 : vector<16xi32> to vector<16xi32>
        tpu.vector_store %arg14[%swap3A_480], %swap3A_483 {strides = array<i32>} : memref<25600xi32, #tpu.memory_space<vmem>>, vector<16xi32>,
        %add3A_484 = arith.constant 4104 : i32
        %add3A_485 = vector.broadcast %add3A_484 : i32 to vector<16xi32>
        %add3A_486 = arith.addi %add3A_374, %add3A_485 : vector<16xi32>
        %mul3A_487 = arith.constant 16 : i32
        %mul3A_488 = arith.muli %scan3A_359, %mul3A_487 : i32
        %add3A_489 = arith.constant 10240 : i32
        %add3A_490 = arith.addi %add3A_489, %mul3A_488 : i32
        %swap3A_491 = arith.index_cast %add3A_490 : i32 to index
        %swap3A_492 = tpu.vector_load %arg14[%swap3A_491] {strides = array<i32>} : memref<25600xi32, #tpu.memory_space<vmem>>, vector<16xi32>,
        %swap3A_493 = vector.shape_cast %swap3A_492 : vector<16xi32> to vector<16xi32>
        %swap3A_494 = vector.shape_cast %add3A_486 : vector<16xi32> to vector<16xi32>
        tpu.vector_store %arg14[%swap3A_491], %swap3A_494 {strides = array<i32>} : memref<25600xi32, #tpu.memory_space<vmem>>, vector<16xi32>,
        %add3A_495 = arith.constant 4105 : i32
        %add3A_496 = vector.broadcast %add3A_495 : i32 to vector<16xi32>
        %add3A_497 = arith.addi %add3A_374, %add3A_496 : vector<16xi32>
        %mul3A_498 = arith.constant 16 : i32
        %mul3A_499 = arith.muli %scan3A_359, %mul3A_498 : i32
        %add3A_500 = arith.constant 11264 : i32
        %add3A_501 = arith.addi %add3A_500, %mul3A_499 : i32
        %swap3A_502 = arith.index_cast %add3A_501 : i32 to index
        %swap3A_503 = tpu.vector_load %arg14[%swap3A_502] {strides = array<i32>} : memref<25600xi32, #tpu.memory_space<vmem>>, vector<16xi32>,
        %swap3A_504 = vector.shape_cast %swap3A_503 : vector<16xi32> to vector<16xi32>
        %swap3A_505 = vector.shape_cast %add3A_497 : vector<16xi32> to vector<16xi32>
        tpu.vector_store %arg14[%swap3A_502], %swap3A_505 {strides = array<i32>} : memref<25600xi32, #tpu.memory_space<vmem>>, vector<16xi32>,
        %add3A_506 = arith.constant 4106 : i32
        %add3A_507 = vector.broadcast %add3A_506 : i32 to vector<16xi32>
        %add3A_508 = arith.addi %add3A_374, %add3A_507 : vector<16xi32>
        %mul3A_509 = arith.constant 16 : i32
        %mul3A_510 = arith.muli %scan3A_359, %mul3A_509 : i32
        %add3A_511 = arith.constant 12288 : i32
        %add3A_512 = arith.addi %add3A_511, %mul3A_510 : i32
        %swap3A_513 = arith.index_cast %add3A_512 : i32 to index
        %swap3A_514 = tpu.vector_load %arg14[%swap3A_513] {strides = array<i32>} : memref<25600xi32, #tpu.memory_space<vmem>>, vector<16xi32>,
        %swap3A_515 = vector.shape_cast %swap3A_514 : vector<16xi32> to vector<16xi32>
        %swap3A_516 = vector.shape_cast %add3A_508 : vector<16xi32> to vector<16xi32>
        tpu.vector_store %arg14[%swap3A_513], %swap3A_516 {strides = array<i32>} : memref<25600xi32, #tpu.memory_space<vmem>>, vector<16xi32>,
        %add3A_517 = arith.constant 4107 : i32
        %add3A_518 = vector.broadcast %add3A_517 : i32 to vector<16xi32>
        %add3A_519 = arith.addi %add3A_374, %add3A_518 : vector<16xi32>
        %mul3A_520 = arith.constant 16 : i32
        %mul3A_521 = arith.muli %scan3A_359, %mul3A_520 : i32
        %add3A_522 = arith.constant 13312 : i32
        %add3A_523 = arith.addi %add3A_522, %mul3A_521 : i32
        %swap3A_524 = arith.index_cast %add3A_523 : i32 to index
        %swap3A_525 = tpu.vector_load %arg14[%swap3A_524] {strides = array<i32>} : memref<25600xi32, #tpu.memory_space<vmem>>, vector<16xi32>,
        %swap3A_526 = vector.shape_cast %swap3A_525 : vector<16xi32> to vector<16xi32>
        %swap3A_527 = vector.shape_cast %add3A_519 : vector<16xi32> to vector<16xi32>
        tpu.vector_store %arg14[%swap3A_524], %swap3A_527 {strides = array<i32>} : memref<25600xi32, #tpu.memory_space<vmem>>, vector<16xi32>,
        %add3A_528 = arith.constant 4108 : i32
        %add3A_529 = vector.broadcast %add3A_528 : i32 to vector<16xi32>
        %add3A_530 = arith.addi %add3A_374, %add3A_529 : vector<16xi32>
        %mul3A_531 = arith.constant 16 : i32
        %mul3A_532 = arith.muli %scan3A_359, %mul3A_531 : i32
        %add3A_533 = arith.constant 14336 : i32
        %add3A_534 = arith.addi %add3A_533, %mul3A_532 : i32
        %swap3A_535 = arith.index_cast %add3A_534 : i32 to index
        %swap3A_536 = tpu.vector_load %arg14[%swap3A_535] {strides = array<i32>} : memref<25600xi32, #tpu.memory_space<vmem>>, vector<16xi32>,
        %swap3A_537 = vector.shape_cast %swap3A_536 : vector<16xi32> to vector<16xi32>
        %swap3A_538 = vector.shape_cast %add3A_530 : vector<16xi32> to vector<16xi32>
        tpu.vector_store %arg14[%swap3A_535], %swap3A_538 {strides = array<i32>} : memref<25600xi32, #tpu.memory_space<vmem>>, vector<16xi32>,
        %add3A_539 = arith.constant 6156 : i32
        %add3A_540 = vector.broadcast %add3A_539 : i32 to vector<16xi32>
        %add3A_541 = arith.addi %add3A_374, %add3A_540 : vector<16xi32>
        %mul3A_542 = arith.constant 16 : i32
        %mul3A_543 = arith.muli %scan3A_359, %mul3A_542 : i32
        %add3A_544 = arith.constant 15360 : i32
        %add3A_545 = arith.addi %add3A_544, %mul3A_543 : i32
        %swap3A_546 = arith.index_cast %add3A_545 : i32 to index
        %swap3A_547 = tpu.vector_load %arg14[%swap3A_546] {strides = array<i32>} : memref<25600xi32, #tpu.memory_space<vmem>>, vector<16xi32>,
        %swap3A_548 = vector.shape_cast %swap3A_547 : vector<16xi32> to vector<16xi32>
        %swap3A_549 = vector.shape_cast %add3A_541 : vector<16xi32> to vector<16xi32>
        tpu.vector_store %arg14[%swap3A_546], %swap3A_549 {strides = array<i32>} : memref<25600xi32, #tpu.memory_space<vmem>>, vector<16xi32>,
        %add3A_550 = arith.constant 6157 : i32
        %add3A_551 = vector.broadcast %add3A_550 : i32 to vector<16xi32>
        %add3A_552 = arith.addi %add3A_374, %add3A_551 : vector<16xi32>
        %mul3A_553 = arith.constant 16 : i32
        %mul3A_554 = arith.muli %scan3A_359, %mul3A_553 : i32
        %add3A_555 = arith.constant 16384 : i32
        %add3A_556 = arith.addi %add3A_555, %mul3A_554 : i32
        %swap3A_557 = arith.index_cast %add3A_556 : i32 to index
        %swap3A_558 = tpu.vector_load %arg14[%swap3A_557] {strides = array<i32>} : memref<25600xi32, #tpu.memory_space<vmem>>, vector<16xi32>,
        %swap3A_559 = vector.shape_cast %swap3A_558 : vector<16xi32> to vector<16xi32>
        %swap3A_560 = vector.shape_cast %add3A_552 : vector<16xi32> to vector<16xi32>
        tpu.vector_store %arg14[%swap3A_557], %swap3A_560 {strides = array<i32>} : memref<25600xi32, #tpu.memory_space<vmem>>, vector<16xi32>,
        %add3A_561 = arith.constant 6158 : i32
        %add3A_562 = vector.broadcast %add3A_561 : i32 to vector<16xi32>
        %add3A_563 = arith.addi %add3A_374, %add3A_562 : vector<16xi32>
        %mul3A_564 = arith.constant 16 : i32
        %mul3A_565 = arith.muli %scan3A_359, %mul3A_564 : i32
        %add3A_566 = arith.constant 17408 : i32
        %add3A_567 = arith.addi %add3A_566, %mul3A_565 : i32
        %swap3A_568 = arith.index_cast %add3A_567 : i32 to index
        %swap3A_569 = tpu.vector_load %arg14[%swap3A_568] {strides = array<i32>} : memref<25600xi32, #tpu.memory_space<vmem>>, vector<16xi32>,
        %swap3A_570 = vector.shape_cast %swap3A_569 : vector<16xi32> to vector<16xi32>
        %swap3A_571 = vector.shape_cast %add3A_563 : vector<16xi32> to vector<16xi32>
        tpu.vector_store %arg14[%swap3A_568], %swap3A_571 {strides = array<i32>} : memref<25600xi32, #tpu.memory_space<vmem>>, vector<16xi32>,
        %add3A_572 = arith.constant 6159 : i32
        %add3A_573 = vector.broadcast %add3A_572 : i32 to vector<16xi32>
        %add3A_574 = arith.addi %add3A_374, %add3A_573 : vector<16xi32>
        %mul3A_575 = arith.constant 16 : i32
        %mul3A_576 = arith.muli %scan3A_359, %mul3A_575 : i32
        %add3A_577 = arith.constant 18432 : i32
        %add3A_578 = arith.addi %add3A_577, %mul3A_576 : i32
        %swap3A_579 = arith.index_cast %add3A_578 : i32 to index
        %swap3A_580 = tpu.vector_load %arg14[%swap3A_579] {strides = array<i32>} : memref<25600xi32, #tpu.memory_space<vmem>>, vector<16xi32>,
        %swap3A_581 = vector.shape_cast %swap3A_580 : vector<16xi32> to vector<16xi32>
        %swap3A_582 = vector.shape_cast %add3A_574 : vector<16xi32> to vector<16xi32>
        tpu.vector_store %arg14[%swap3A_579], %swap3A_582 {strides = array<i32>} : memref<25600xi32, #tpu.memory_space<vmem>>, vector<16xi32>,
        %add3A_583 = arith.constant 6160 : i32
        %add3A_584 = vector.broadcast %add3A_583 : i32 to vector<16xi32>
        %add3A_585 = arith.addi %add3A_374, %add3A_584 : vector<16xi32>
        %mul3A_586 = arith.constant 16 : i32
        %mul3A_587 = arith.muli %scan3A_359, %mul3A_586 : i32
        %add3A_588 = arith.constant 19456 : i32
        %add3A_589 = arith.addi %add3A_588, %mul3A_587 : i32
        %swap3A_590 = arith.index_cast %add3A_589 : i32 to index
        %swap3A_591 = tpu.vector_load %arg14[%swap3A_590] {strides = array<i32>} : memref<25600xi32, #tpu.memory_space<vmem>>, vector<16xi32>,
        %swap3A_592 = vector.shape_cast %swap3A_591 : vector<16xi32> to vector<16xi32>
        %swap3A_593 = vector.shape_cast %add3A_585 : vector<16xi32> to vector<16xi32>
        tpu.vector_store %arg14[%swap3A_590], %swap3A_593 {strides = array<i32>} : memref<25600xi32, #tpu.memory_space<vmem>>, vector<16xi32>,
        %add3A_594 = arith.constant 8208 : i32
        %add3A_595 = vector.broadcast %add3A_594 : i32 to vector<16xi32>
        %add3A_596 = arith.addi %add3A_374, %add3A_595 : vector<16xi32>
        %mul3A_597 = arith.constant 16 : i32
        %mul3A_598 = arith.muli %scan3A_359, %mul3A_597 : i32
        %add3A_599 = arith.constant 20480 : i32
        %add3A_600 = arith.addi %add3A_599, %mul3A_598 : i32
        %swap3A_601 = arith.index_cast %add3A_600 : i32 to index
        %swap3A_602 = tpu.vector_load %arg14[%swap3A_601] {strides = array<i32>} : memref<25600xi32, #tpu.memory_space<vmem>>, vector<16xi32>,
        %swap3A_603 = vector.shape_cast %swap3A_602 : vector<16xi32> to vector<16xi32>
        %swap3A_604 = vector.shape_cast %add3A_596 : vector<16xi32> to vector<16xi32>
        tpu.vector_store %arg14[%swap3A_601], %swap3A_604 {strides = array<i32>} : memref<25600xi32, #tpu.memory_space<vmem>>, vector<16xi32>,
        %add3A_605 = arith.constant 8209 : i32
        %add3A_606 = vector.broadcast %add3A_605 : i32 to vector<16xi32>
        %add3A_607 = arith.addi %add3A_374, %add3A_606 : vector<16xi32>
        %mul3A_608 = arith.constant 16 : i32
        %mul3A_609 = arith.muli %scan3A_359, %mul3A_608 : i32
        %add3A_610 = arith.constant 21504 : i32
        %add3A_611 = arith.addi %add3A_610, %mul3A_609 : i32
        %swap3A_612 = arith.index_cast %add3A_611 : i32 to index
        %swap3A_613 = tpu.vector_load %arg14[%swap3A_612] {strides = array<i32>} : memref<25600xi32, #tpu.memory_space<vmem>>, vector<16xi32>,
        %swap3A_614 = vector.shape_cast %swap3A_613 : vector<16xi32> to vector<16xi32>
        %swap3A_615 = vector.shape_cast %add3A_607 : vector<16xi32> to vector<16xi32>
        tpu.vector_store %arg14[%swap3A_612], %swap3A_615 {strides = array<i32>} : memref<25600xi32, #tpu.memory_space<vmem>>, vector<16xi32>,
        %add3A_616 = arith.constant 8210 : i32
        %add3A_617 = vector.broadcast %add3A_616 : i32 to vector<16xi32>
        %add3A_618 = arith.addi %add3A_374, %add3A_617 : vector<16xi32>
        %mul3A_619 = arith.constant 16 : i32
        %mul3A_620 = arith.muli %scan3A_359, %mul3A_619 : i32
        %add3A_621 = arith.constant 22528 : i32
        %add3A_622 = arith.addi %add3A_621, %mul3A_620 : i32
        %swap3A_623 = arith.index_cast %add3A_622 : i32 to index
        %swap3A_624 = tpu.vector_load %arg14[%swap3A_623] {strides = array<i32>} : memref<25600xi32, #tpu.memory_space<vmem>>, vector<16xi32>,
        %swap3A_625 = vector.shape_cast %swap3A_624 : vector<16xi32> to vector<16xi32>
        %swap3A_626 = vector.shape_cast %add3A_618 : vector<16xi32> to vector<16xi32>
        tpu.vector_store %arg14[%swap3A_623], %swap3A_626 {strides = array<i32>} : memref<25600xi32, #tpu.memory_space<vmem>>, vector<16xi32>,
        %add3A_627 = arith.constant 8211 : i32
        %add3A_628 = vector.broadcast %add3A_627 : i32 to vector<16xi32>
        %add3A_629 = arith.addi %add3A_374, %add3A_628 : vector<16xi32>
        %mul3A_630 = arith.constant 16 : i32
        %mul3A_631 = arith.muli %scan3A_359, %mul3A_630 : i32
        %add3A_632 = arith.constant 23552 : i32
        %add3A_633 = arith.addi %add3A_632, %mul3A_631 : i32
        %swap3A_634 = arith.index_cast %add3A_633 : i32 to index
        %swap3A_635 = tpu.vector_load %arg14[%swap3A_634] {strides = array<i32>} : memref<25600xi32, #tpu.memory_space<vmem>>, vector<16xi32>,
        %swap3A_636 = vector.shape_cast %swap3A_635 : vector<16xi32> to vector<16xi32>
        %swap3A_637 = vector.shape_cast %add3A_629 : vector<16xi32> to vector<16xi32>
        tpu.vector_store %arg14[%swap3A_634], %swap3A_637 {strides = array<i32>} : memref<25600xi32, #tpu.memory_space<vmem>>, vector<16xi32>,
        %add3A_638 = arith.constant 8212 : i32
        %add3A_639 = vector.broadcast %add3A_638 : i32 to vector<16xi32>
        %add3A_640 = arith.addi %add3A_374, %add3A_639 : vector<16xi32>
        %mul3A_641 = arith.constant 16 : i32
        %mul3A_642 = arith.muli %scan3A_359, %mul3A_641 : i32
        %add3A_643 = arith.constant 24576 : i32
        %add3A_644 = arith.addi %add3A_643, %mul3A_642 : i32
        %swap3A_645 = arith.index_cast %add3A_644 : i32 to index
        %swap3A_646 = tpu.vector_load %arg14[%swap3A_645] {strides = array<i32>} : memref<25600xi32, #tpu.memory_space<vmem>>, vector<16xi32>,
        %swap3A_647 = vector.shape_cast %swap3A_646 : vector<16xi32> to vector<16xi32>
        %swap3A_648 = vector.shape_cast %add3A_640 : vector<16xi32> to vector<16xi32>
        tpu.vector_store %arg14[%swap3A_645], %swap3A_648 {strides = array<i32>} : memref<25600xi32, #tpu.memory_space<vmem>>, vector<16xi32>,
      }
      %scan3A_177 = arith.constant 64 : i32
      %dma_start3A_178 = arith.constant 0 : i32
      %dma_start3A_179 = tpu.memref_slice %arg15[%dma_start3A_178] : memref<25600xi32, #tpu.memory_space<vmem>> -> memref<1024xi32, #tpu.memory_space<vmem>>
      %dma_start3A_180 = arith.constant 0 : i32
      %dma_start3A_181 = tpu.memref_slice %arg14[%dma_start3A_180] : memref<25600xi32, #tpu.memory_space<vmem>> -> memref<1024xi32, #tpu.memory_space<vmem>>
      %dma_start3A_182 = arith.constant 0 : i32
      %dma_start3A_183 = tpu.memref_slice %arg7[%dma_start3A_182] : memref<139536xi32, #tpu.memory_space<vmem_shared>> -> memref<139536xi32, #tpu.memory_space<vmem_shared>>
      tpu.enqueue_indirect_dma source(%dma_start3A_183 : memref<139536xi32, #tpu.memory_space<vmem_shared>>) target(%dma_start3A_179 : memref<1024xi32, #tpu.memory_space<vmem>>) offsets(%dma_start3A_181 : memref<1024xi32, #tpu.memory_space<vmem>>) semaphore(%arg16 : memref<!tpu.dma_semaphore, #tpu.memory_space<semaphore_mem>>)
      %dma_start3A_184 = arith.constant 1024 : i32
      %dma_start3A_185 = tpu.memref_slice %arg15[%dma_start3A_184] : memref<25600xi32, #tpu.memory_space<vmem>> -> memref<1024xi32, #tpu.memory_space<vmem>>
      %dma_start3A_186 = arith.constant 1024 : i32
      %dma_start3A_187 = tpu.memref_slice %arg14[%dma_start3A_186] : memref<25600xi32, #tpu.memory_space<vmem>> -> memref<1024xi32, #tpu.memory_space<vmem>>
      %dma_start3A_188 = arith.constant 0 : i32
      %dma_start3A_189 = tpu.memref_slice %arg7[%dma_start3A_188] : memref<139536xi32, #tpu.memory_space<vmem_shared>> -> memref<139536xi32, #tpu.memory_space<vmem_shared>>
      tpu.enqueue_indirect_dma source(%dma_start3A_189 : memref<139536xi32, #tpu.memory_space<vmem_shared>>) target(%dma_start3A_185 : memref<1024xi32, #tpu.memory_space<vmem>>) offsets(%dma_start3A_187 : memref<1024xi32, #tpu.memory_space<vmem>>) semaphore(%arg16 : memref<!tpu.dma_semaphore, #tpu.memory_space<semaphore_mem>>)
      %dma_start3A_190 = arith.constant 2048 : i32
      %dma_start3A_191 = tpu.memref_slice %arg15[%dma_start3A_190] : memref<25600xi32, #tpu.memory_space<vmem>> -> memref<1024xi32, #tpu.memory_space<vmem>>
      %dma_start3A_192 = arith.constant 2048 : i32
      %dma_start3A_193 = tpu.memref_slice %arg14[%dma_start3A_192] : memref<25600xi32, #tpu.memory_space<vmem>> -> memref<1024xi32, #tpu.memory_space<vmem>>
      %dma_start3A_194 = arith.constant 0 : i32
      %dma_start3A_195 = tpu.memref_slice %arg7[%dma_start3A_194] : memref<139536xi32, #tpu.memory_space<vmem_shared>> -> memref<139536xi32, #tpu.memory_space<vmem_shared>>
      tpu.enqueue_indirect_dma source(%dma_start3A_195 : memref<139536xi32, #tpu.memory_space<vmem_shared>>) target(%dma_start3A_191 : memref<1024xi32, #tpu.memory_space<vmem>>) offsets(%dma_start3A_193 : memref<1024xi32, #tpu.memory_space<vmem>>) semaphore(%arg16 : memref<!tpu.dma_semaphore, #tpu.memory_space<semaphore_mem>>)
      %dma_start3A_196 = arith.constant 3072 : i32
      %dma_start3A_197 = tpu.memref_slice %arg15[%dma_start3A_196] : memref<25600xi32, #tpu.memory_space<vmem>> -> memref<1024xi32, #tpu.memory_space<vmem>>
      %dma_start3A_198 = arith.constant 3072 : i32
      %dma_start3A_199 = tpu.memref_slice %arg14[%dma_start3A_198] : memref<25600xi32, #tpu.memory_space<vmem>> -> memref<1024xi32, #tpu.memory_space<vmem>>
      %dma_start3A_200 = arith.constant 0 : i32
      %dma_start3A_201 = tpu.memref_slice %arg7[%dma_start3A_200] : memref<139536xi32, #tpu.memory_space<vmem_shared>> -> memref<139536xi32, #tpu.memory_space<vmem_shared>>
      tpu.enqueue_indirect_dma source(%dma_start3A_201 : memref<139536xi32, #tpu.memory_space<vmem_shared>>) target(%dma_start3A_197 : memref<1024xi32, #tpu.memory_space<vmem>>) offsets(%dma_start3A_199 : memref<1024xi32, #tpu.memory_space<vmem>>) semaphore(%arg16 : memref<!tpu.dma_semaphore, #tpu.memory_space<semaphore_mem>>)
      %dma_start3A_202 = arith.constant 4096 : i32
      %dma_start3A_203 = tpu.memref_slice %arg15[%dma_start3A_202] : memref<25600xi32, #tpu.memory_space<vmem>> -> memref<1024xi32, #tpu.memory_space<vmem>>
      %dma_start3A_204 = arith.constant 4096 : i32
      %dma_start3A_205 = tpu.memref_slice %arg14[%dma_start3A_204] : memref<25600xi32, #tpu.memory_space<vmem>> -> memref<1024xi32, #tpu.memory_space<vmem>>
      %dma_start3A_206 = arith.constant 0 : i32
      %dma_start3A_207 = tpu.memref_slice %arg7[%dma_start3A_206] : memref<139536xi32, #tpu.memory_space<vmem_shared>> -> memref<139536xi32, #tpu.memory_space<vmem_shared>>
      tpu.enqueue_indirect_dma source(%dma_start3A_207 : memref<139536xi32, #tpu.memory_space<vmem_shared>>) target(%dma_start3A_203 : memref<1024xi32, #tpu.memory_space<vmem>>) offsets(%dma_start3A_205 : memref<1024xi32, #tpu.memory_space<vmem>>) semaphore(%arg16 : memref<!tpu.dma_semaphore, #tpu.memory_space<semaphore_mem>>)
      %dma_start3A_208 = arith.constant 5120 : i32
      %dma_start3A_209 = tpu.memref_slice %arg15[%dma_start3A_208] : memref<25600xi32, #tpu.memory_space<vmem>> -> memref<1024xi32, #tpu.memory_space<vmem>>
      %dma_start3A_210 = arith.constant 5120 : i32
      %dma_start3A_211 = tpu.memref_slice %arg14[%dma_start3A_210] : memref<25600xi32, #tpu.memory_space<vmem>> -> memref<1024xi32, #tpu.memory_space<vmem>>
      %dma_start3A_212 = arith.constant 0 : i32
      %dma_start3A_213 = tpu.memref_slice %arg7[%dma_start3A_212] : memref<139536xi32, #tpu.memory_space<vmem_shared>> -> memref<139536xi32, #tpu.memory_space<vmem_shared>>
      tpu.enqueue_indirect_dma source(%dma_start3A_213 : memref<139536xi32, #tpu.memory_space<vmem_shared>>) target(%dma_start3A_209 : memref<1024xi32, #tpu.memory_space<vmem>>) offsets(%dma_start3A_211 : memref<1024xi32, #tpu.memory_space<vmem>>) semaphore(%arg16 : memref<!tpu.dma_semaphore, #tpu.memory_space<semaphore_mem>>)
      %dma_start3A_214 = arith.constant 6144 : i32
      %dma_start3A_215 = tpu.memref_slice %arg15[%dma_start3A_214] : memref<25600xi32, #tpu.memory_space<vmem>> -> memref<1024xi32, #tpu.memory_space<vmem>>
      %dma_start3A_216 = arith.constant 6144 : i32
      %dma_start3A_217 = tpu.memref_slice %arg14[%dma_start3A_216] : memref<25600xi32, #tpu.memory_space<vmem>> -> memref<1024xi32, #tpu.memory_space<vmem>>
      %dma_start3A_218 = arith.constant 0 : i32
      %dma_start3A_219 = tpu.memref_slice %arg7[%dma_start3A_218] : memref<139536xi32, #tpu.memory_space<vmem_shared>> -> memref<139536xi32, #tpu.memory_space<vmem_shared>>
      tpu.enqueue_indirect_dma source(%dma_start3A_219 : memref<139536xi32, #tpu.memory_space<vmem_shared>>) target(%dma_start3A_215 : memref<1024xi32, #tpu.memory_space<vmem>>) offsets(%dma_start3A_217 : memref<1024xi32, #tpu.memory_space<vmem>>) semaphore(%arg16 : memref<!tpu.dma_semaphore, #tpu.memory_space<semaphore_mem>>)
      %dma_start3A_220 = arith.constant 7168 : i32
      %dma_start3A_221 = tpu.memref_slice %arg15[%dma_start3A_220] : memref<25600xi32, #tpu.memory_space<vmem>> -> memref<1024xi32, #tpu.memory_space<vmem>>
      %dma_start3A_222 = arith.constant 7168 : i32
      %dma_start3A_223 = tpu.memref_slice %arg14[%dma_start3A_222] : memref<25600xi32, #tpu.memory_space<vmem>> -> memref<1024xi32, #tpu.memory_space<vmem>>
      %dma_start3A_224 = arith.constant 0 : i32
      %dma_start3A_225 = tpu.memref_slice %arg7[%dma_start3A_224] : memref<139536xi32, #tpu.memory_space<vmem_shared>> -> memref<139536xi32, #tpu.memory_space<vmem_shared>>
      tpu.enqueue_indirect_dma source(%dma_start3A_225 : memref<139536xi32, #tpu.memory_space<vmem_shared>>) target(%dma_start3A_221 : memref<1024xi32, #tpu.memory_space<vmem>>) offsets(%dma_start3A_223 : memref<1024xi32, #tpu.memory_space<vmem>>) semaphore(%arg16 : memref<!tpu.dma_semaphore, #tpu.memory_space<semaphore_mem>>)
      %dma_start3A_226 = arith.constant 8192 : i32
      %dma_start3A_227 = tpu.memref_slice %arg15[%dma_start3A_226] : memref<25600xi32, #tpu.memory_space<vmem>> -> memref<1024xi32, #tpu.memory_space<vmem>>
      %dma_start3A_228 = arith.constant 8192 : i32
      %dma_start3A_229 = tpu.memref_slice %arg14[%dma_start3A_228] : memref<25600xi32, #tpu.memory_space<vmem>> -> memref<1024xi32, #tpu.memory_space<vmem>>
      %dma_start3A_230 = arith.constant 0 : i32
      %dma_start3A_231 = tpu.memref_slice %arg7[%dma_start3A_230] : memref<139536xi32, #tpu.memory_space<vmem_shared>> -> memref<139536xi32, #tpu.memory_space<vmem_shared>>
      tpu.enqueue_indirect_dma source(%dma_start3A_231 : memref<139536xi32, #tpu.memory_space<vmem_shared>>) target(%dma_start3A_227 : memref<1024xi32, #tpu.memory_space<vmem>>) offsets(%dma_start3A_229 : memref<1024xi32, #tpu.memory_space<vmem>>) semaphore(%arg16 : memref<!tpu.dma_semaphore, #tpu.memory_space<semaphore_mem>>)
      %dma_start3A_232 = arith.constant 9216 : i32
      %dma_start3A_233 = tpu.memref_slice %arg15[%dma_start3A_232] : memref<25600xi32, #tpu.memory_space<vmem>> -> memref<1024xi32, #tpu.memory_space<vmem>>
      %dma_start3A_234 = arith.constant 9216 : i32
      %dma_start3A_235 = tpu.memref_slice %arg14[%dma_start3A_234] : memref<25600xi32, #tpu.memory_space<vmem>> -> memref<1024xi32, #tpu.memory_space<vmem>>
      %dma_start3A_236 = arith.constant 0 : i32
      %dma_start3A_237 = tpu.memref_slice %arg7[%dma_start3A_236] : memref<139536xi32, #tpu.memory_space<vmem_shared>> -> memref<139536xi32, #tpu.memory_space<vmem_shared>>
      tpu.enqueue_indirect_dma source(%dma_start3A_237 : memref<139536xi32, #tpu.memory_space<vmem_shared>>) target(%dma_start3A_233 : memref<1024xi32, #tpu.memory_space<vmem>>) offsets(%dma_start3A_235 : memref<1024xi32, #tpu.memory_space<vmem>>) semaphore(%arg16 : memref<!tpu.dma_semaphore, #tpu.memory_space<semaphore_mem>>)
      %dma_start3A_238 = arith.constant 10240 : i32
      %dma_start3A_239 = tpu.memref_slice %arg15[%dma_start3A_238] : memref<25600xi32, #tpu.memory_space<vmem>> -> memref<1024xi32, #tpu.memory_space<vmem>>
      %dma_start3A_240 = arith.constant 10240 : i32
      %dma_start3A_241 = tpu.memref_slice %arg14[%dma_start3A_240] : memref<25600xi32, #tpu.memory_space<vmem>> -> memref<1024xi32, #tpu.memory_space<vmem>>
      %dma_start3A_242 = arith.constant 0 : i32
      %dma_start3A_243 = tpu.memref_slice %arg7[%dma_start3A_242] : memref<139536xi32, #tpu.memory_space<vmem_shared>> -> memref<139536xi32, #tpu.memory_space<vmem_shared>>
      tpu.enqueue_indirect_dma source(%dma_start3A_243 : memref<139536xi32, #tpu.memory_space<vmem_shared>>) target(%dma_start3A_239 : memref<1024xi32, #tpu.memory_space<vmem>>) offsets(%dma_start3A_241 : memref<1024xi32, #tpu.memory_space<vmem>>) semaphore(%arg16 : memref<!tpu.dma_semaphore, #tpu.memory_space<semaphore_mem>>)
      %dma_start3A_244 = arith.constant 11264 : i32
      %dma_start3A_245 = tpu.memref_slice %arg15[%dma_start3A_244] : memref<25600xi32, #tpu.memory_space<vmem>> -> memref<1024xi32, #tpu.memory_space<vmem>>
      %dma_start3A_246 = arith.constant 11264 : i32
      %dma_start3A_247 = tpu.memref_slice %arg14[%dma_start3A_246] : memref<25600xi32, #tpu.memory_space<vmem>> -> memref<1024xi32, #tpu.memory_space<vmem>>
      %dma_start3A_248 = arith.constant 0 : i32
      %dma_start3A_249 = tpu.memref_slice %arg7[%dma_start3A_248] : memref<139536xi32, #tpu.memory_space<vmem_shared>> -> memref<139536xi32, #tpu.memory_space<vmem_shared>>
      tpu.enqueue_indirect_dma source(%dma_start3A_249 : memref<139536xi32, #tpu.memory_space<vmem_shared>>) target(%dma_start3A_245 : memref<1024xi32, #tpu.memory_space<vmem>>) offsets(%dma_start3A_247 : memref<1024xi32, #tpu.memory_space<vmem>>) semaphore(%arg16 : memref<!tpu.dma_semaphore, #tpu.memory_space<semaphore_mem>>)
      %dma_start3A_250 = arith.constant 12288 : i32
      %dma_start3A_251 = tpu.memref_slice %arg15[%dma_start3A_250] : memref<25600xi32, #tpu.memory_space<vmem>> -> memref<1024xi32, #tpu.memory_space<vmem>>
      %dma_start3A_252 = arith.constant 12288 : i32
      %dma_start3A_253 = tpu.memref_slice %arg14[%dma_start3A_252] : memref<25600xi32, #tpu.memory_space<vmem>> -> memref<1024xi32, #tpu.memory_space<vmem>>
      %dma_start3A_254 = arith.constant 0 : i32
      %dma_start3A_255 = tpu.memref_slice %arg7[%dma_start3A_254] : memref<139536xi32, #tpu.memory_space<vmem_shared>> -> memref<139536xi32, #tpu.memory_space<vmem_shared>>
      tpu.enqueue_indirect_dma source(%dma_start3A_255 : memref<139536xi32, #tpu.memory_space<vmem_shared>>) target(%dma_start3A_251 : memref<1024xi32, #tpu.memory_space<vmem>>) offsets(%dma_start3A_253 : memref<1024xi32, #tpu.memory_space<vmem>>) semaphore(%arg16 : memref<!tpu.dma_semaphore, #tpu.memory_space<semaphore_mem>>)
      %dma_start3A_256 = arith.constant 13312 : i32
      %dma_start3A_257 = tpu.memref_slice %arg15[%dma_start3A_256] : memref<25600xi32, #tpu.memory_space<vmem>> -> memref<1024xi32, #tpu.memory_space<vmem>>
      %dma_start3A_258 = arith.constant 13312 : i32
      %dma_start3A_259 = tpu.memref_slice %arg14[%dma_start3A_258] : memref<25600xi32, #tpu.memory_space<vmem>> -> memref<1024xi32, #tpu.memory_space<vmem>>
      %dma_start3A_260 = arith.constant 0 : i32
      %dma_start3A_261 = tpu.memref_slice %arg7[%dma_start3A_260] : memref<139536xi32, #tpu.memory_space<vmem_shared>> -> memref<139536xi32, #tpu.memory_space<vmem_shared>>
      tpu.enqueue_indirect_dma source(%dma_start3A_261 : memref<139536xi32, #tpu.memory_space<vmem_shared>>) target(%dma_start3A_257 : memref<1024xi32, #tpu.memory_space<vmem>>) offsets(%dma_start3A_259 : memref<1024xi32, #tpu.memory_space<vmem>>) semaphore(%arg16 : memref<!tpu.dma_semaphore, #tpu.memory_space<semaphore_mem>>)
      %dma_start3A_262 = arith.constant 14336 : i32
      %dma_start3A_263 = tpu.memref_slice %arg15[%dma_start3A_262] : memref<25600xi32, #tpu.memory_space<vmem>> -> memref<1024xi32, #tpu.memory_space<vmem>>
      %dma_start3A_264 = arith.constant 14336 : i32
      %dma_start3A_265 = tpu.memref_slice %arg14[%dma_start3A_264] : memref<25600xi32, #tpu.memory_space<vmem>> -> memref<1024xi32, #tpu.memory_space<vmem>>
      %dma_start3A_266 = arith.constant 0 : i32
      %dma_start3A_267 = tpu.memref_slice %arg7[%dma_start3A_266] : memref<139536xi32, #tpu.memory_space<vmem_shared>> -> memref<139536xi32, #tpu.memory_space<vmem_shared>>
      tpu.enqueue_indirect_dma source(%dma_start3A_267 : memref<139536xi32, #tpu.memory_space<vmem_shared>>) target(%dma_start3A_263 : memref<1024xi32, #tpu.memory_space<vmem>>) offsets(%dma_start3A_265 : memref<1024xi32, #tpu.memory_space<vmem>>) semaphore(%arg16 : memref<!tpu.dma_semaphore, #tpu.memory_space<semaphore_mem>>)
      %dma_start3A_268 = arith.constant 15360 : i32
      %dma_start3A_269 = tpu.memref_slice %arg15[%dma_start3A_268] : memref<25600xi32, #tpu.memory_space<vmem>> -> memref<1024xi32, #tpu.memory_space<vmem>>
      %dma_start3A_270 = arith.constant 15360 : i32
      %dma_start3A_271 = tpu.memref_slice %arg14[%dma_start3A_270] : memref<25600xi32, #tpu.memory_space<vmem>> -> memref<1024xi32, #tpu.memory_space<vmem>>
      %dma_start3A_272 = arith.constant 0 : i32
      %dma_start3A_273 = tpu.memref_slice %arg7[%dma_start3A_272] : memref<139536xi32, #tpu.memory_space<vmem_shared>> -> memref<139536xi32, #tpu.memory_space<vmem_shared>>
      tpu.enqueue_indirect_dma source(%dma_start3A_273 : memref<139536xi32, #tpu.memory_space<vmem_shared>>) target(%dma_start3A_269 : memref<1024xi32, #tpu.memory_space<vmem>>) offsets(%dma_start3A_271 : memref<1024xi32, #tpu.memory_space<vmem>>) semaphore(%arg16 : memref<!tpu.dma_semaphore, #tpu.memory_space<semaphore_mem>>)
      %dma_start3A_274 = arith.constant 16384 : i32
      %dma_start3A_275 = tpu.memref_slice %arg15[%dma_start3A_274] : memref<25600xi32, #tpu.memory_space<vmem>> -> memref<1024xi32, #tpu.memory_space<vmem>>
      %dma_start3A_276 = arith.constant 16384 : i32
      %dma_start3A_277 = tpu.memref_slice %arg14[%dma_start3A_276] : memref<25600xi32, #tpu.memory_space<vmem>> -> memref<1024xi32, #tpu.memory_space<vmem>>
      %dma_start3A_278 = arith.constant 0 : i32
      %dma_start3A_279 = tpu.memref_slice %arg7[%dma_start3A_278] : memref<139536xi32, #tpu.memory_space<vmem_shared>> -> memref<139536xi32, #tpu.memory_space<vmem_shared>>
      tpu.enqueue_indirect_dma source(%dma_start3A_279 : memref<139536xi32, #tpu.memory_space<vmem_shared>>) target(%dma_start3A_275 : memref<1024xi32, #tpu.memory_space<vmem>>) offsets(%dma_start3A_277 : memref<1024xi32, #tpu.memory_space<vmem>>) semaphore(%arg16 : memref<!tpu.dma_semaphore, #tpu.memory_space<semaphore_mem>>)
      %dma_start3A_280 = arith.constant 17408 : i32
      %dma_start3A_281 = tpu.memref_slice %arg15[%dma_start3A_280] : memref<25600xi32, #tpu.memory_space<vmem>> -> memref<1024xi32, #tpu.memory_space<vmem>>
      %dma_start3A_282 = arith.constant 17408 : i32
      %dma_start3A_283 = tpu.memref_slice %arg14[%dma_start3A_282] : memref<25600xi32, #tpu.memory_space<vmem>> -> memref<1024xi32, #tpu.memory_space<vmem>>
      %dma_start3A_284 = arith.constant 0 : i32
      %dma_start3A_285 = tpu.memref_slice %arg7[%dma_start3A_284] : memref<139536xi32, #tpu.memory_space<vmem_shared>> -> memref<139536xi32, #tpu.memory_space<vmem_shared>>
      tpu.enqueue_indirect_dma source(%dma_start3A_285 : memref<139536xi32, #tpu.memory_space<vmem_shared>>) target(%dma_start3A_281 : memref<1024xi32, #tpu.memory_space<vmem>>) offsets(%dma_start3A_283 : memref<1024xi32, #tpu.memory_space<vmem>>) semaphore(%arg16 : memref<!tpu.dma_semaphore, #tpu.memory_space<semaphore_mem>>)
      %dma_start3A_286 = arith.constant 18432 : i32
      %dma_start3A_287 = tpu.memref_slice %arg15[%dma_start3A_286] : memref<25600xi32, #tpu.memory_space<vmem>> -> memref<1024xi32, #tpu.memory_space<vmem>>
      %dma_start3A_288 = arith.constant 18432 : i32
      %dma_start3A_289 = tpu.memref_slice %arg14[%dma_start3A_288] : memref<25600xi32, #tpu.memory_space<vmem>> -> memref<1024xi32, #tpu.memory_space<vmem>>
      %dma_start3A_290 = arith.constant 0 : i32
      %dma_start3A_291 = tpu.memref_slice %arg7[%dma_start3A_290] : memref<139536xi32, #tpu.memory_space<vmem_shared>> -> memref<139536xi32, #tpu.memory_space<vmem_shared>>
      tpu.enqueue_indirect_dma source(%dma_start3A_291 : memref<139536xi32, #tpu.memory_space<vmem_shared>>) target(%dma_start3A_287 : memref<1024xi32, #tpu.memory_space<vmem>>) offsets(%dma_start3A_289 : memref<1024xi32, #tpu.memory_space<vmem>>) semaphore(%arg16 : memref<!tpu.dma_semaphore, #tpu.memory_space<semaphore_mem>>)
      %dma_start3A_292 = arith.constant 19456 : i32
      %dma_start3A_293 = tpu.memref_slice %arg15[%dma_start3A_292] : memref<25600xi32, #tpu.memory_space<vmem>> -> memref<1024xi32, #tpu.memory_space<vmem>>
      %dma_start3A_294 = arith.constant 19456 : i32
      %dma_start3A_295 = tpu.memref_slice %arg14[%dma_start3A_294] : memref<25600xi32, #tpu.memory_space<vmem>> -> memref<1024xi32, #tpu.memory_space<vmem>>
      %dma_start3A_296 = arith.constant 0 : i32
      %dma_start3A_297 = tpu.memref_slice %arg7[%dma_start3A_296] : memref<139536xi32, #tpu.memory_space<vmem_shared>> -> memref<139536xi32, #tpu.memory_space<vmem_shared>>
      tpu.enqueue_indirect_dma source(%dma_start3A_297 : memref<139536xi32, #tpu.memory_space<vmem_shared>>) target(%dma_start3A_293 : memref<1024xi32, #tpu.memory_space<vmem>>) offsets(%dma_start3A_295 : memref<1024xi32, #tpu.memory_space<vmem>>) semaphore(%arg16 : memref<!tpu.dma_semaphore, #tpu.memory_space<semaphore_mem>>)
      %dma_start3A_298 = arith.constant 20480 : i32
      %dma_start3A_299 = tpu.memref_slice %arg15[%dma_start3A_298] : memref<25600xi32, #tpu.memory_space<vmem>> -> memref<1024xi32, #tpu.memory_space<vmem>>
      %dma_start3A_300 = arith.constant 20480 : i32
      %dma_start3A_301 = tpu.memref_slice %arg14[%dma_start3A_300] : memref<25600xi32, #tpu.memory_space<vmem>> -> memref<1024xi32, #tpu.memory_space<vmem>>
      %dma_start3A_302 = arith.constant 0 : i32
      %dma_start3A_303 = tpu.memref_slice %arg7[%dma_start3A_302] : memref<139536xi32, #tpu.memory_space<vmem_shared>> -> memref<139536xi32, #tpu.memory_space<vmem_shared>>
      tpu.enqueue_indirect_dma source(%dma_start3A_303 : memref<139536xi32, #tpu.memory_space<vmem_shared>>) target(%dma_start3A_299 : memref<1024xi32, #tpu.memory_space<vmem>>) offsets(%dma_start3A_301 : memref<1024xi32, #tpu.memory_space<vmem>>) semaphore(%arg16 : memref<!tpu.dma_semaphore, #tpu.memory_space<semaphore_mem>>)
      %dma_start3A_304 = arith.constant 21504 : i32
      %dma_start3A_305 = tpu.memref_slice %arg15[%dma_start3A_304] : memref<25600xi32, #tpu.memory_space<vmem>> -> memref<1024xi32, #tpu.memory_space<vmem>>
      %dma_start3A_306 = arith.constant 21504 : i32
      %dma_start3A_307 = tpu.memref_slice %arg14[%dma_start3A_306] : memref<25600xi32, #tpu.memory_space<vmem>> -> memref<1024xi32, #tpu.memory_space<vmem>>
      %dma_start3A_308 = arith.constant 0 : i32
      %dma_start3A_309 = tpu.memref_slice %arg7[%dma_start3A_308] : memref<139536xi32, #tpu.memory_space<vmem_shared>> -> memref<139536xi32, #tpu.memory_space<vmem_shared>>
      tpu.enqueue_indirect_dma source(%dma_start3A_309 : memref<139536xi32, #tpu.memory_space<vmem_shared>>) target(%dma_start3A_305 : memref<1024xi32, #tpu.memory_space<vmem>>) offsets(%dma_start3A_307 : memref<1024xi32, #tpu.memory_space<vmem>>) semaphore(%arg16 : memref<!tpu.dma_semaphore, #tpu.memory_space<semaphore_mem>>)
      %dma_start3A_310 = arith.constant 22528 : i32
      %dma_start3A_311 = tpu.memref_slice %arg15[%dma_start3A_310] : memref<25600xi32, #tpu.memory_space<vmem>> -> memref<1024xi32, #tpu.memory_space<vmem>>
      %dma_start3A_312 = arith.constant 22528 : i32
      %dma_start3A_313 = tpu.memref_slice %arg14[%dma_start3A_312] : memref<25600xi32, #tpu.memory_space<vmem>> -> memref<1024xi32, #tpu.memory_space<vmem>>
      %dma_start3A_314 = arith.constant 0 : i32
      %dma_start3A_315 = tpu.memref_slice %arg7[%dma_start3A_314] : memref<139536xi32, #tpu.memory_space<vmem_shared>> -> memref<139536xi32, #tpu.memory_space<vmem_shared>>
      tpu.enqueue_indirect_dma source(%dma_start3A_315 : memref<139536xi32, #tpu.memory_space<vmem_shared>>) target(%dma_start3A_311 : memref<1024xi32, #tpu.memory_space<vmem>>) offsets(%dma_start3A_313 : memref<1024xi32, #tpu.memory_space<vmem>>) semaphore(%arg16 : memref<!tpu.dma_semaphore, #tpu.memory_space<semaphore_mem>>)
      %dma_start3A_316 = arith.constant 23552 : i32
      %dma_start3A_317 = tpu.memref_slice %arg15[%dma_start3A_316] : memref<25600xi32, #tpu.memory_space<vmem>> -> memref<1024xi32, #tpu.memory_space<vmem>>
      %dma_start3A_318 = arith.constant 23552 : i32
      %dma_start3A_319 = tpu.memref_slice %arg14[%dma_start3A_318] : memref<25600xi32, #tpu.memory_space<vmem>> -> memref<1024xi32, #tpu.memory_space<vmem>>
      %dma_start3A_320 = arith.constant 0 : i32
      %dma_start3A_321 = tpu.memref_slice %arg7[%dma_start3A_320] : memref<139536xi32, #tpu.memory_space<vmem_shared>> -> memref<139536xi32, #tpu.memory_space<vmem_shared>>
      tpu.enqueue_indirect_dma source(%dma_start3A_321 : memref<139536xi32, #tpu.memory_space<vmem_shared>>) target(%dma_start3A_317 : memref<1024xi32, #tpu.memory_space<vmem>>) offsets(%dma_start3A_319 : memref<1024xi32, #tpu.memory_space<vmem>>) semaphore(%arg16 : memref<!tpu.dma_semaphore, #tpu.memory_space<semaphore_mem>>)
      %dma_start3A_322 = arith.constant 24576 : i32
      %dma_start3A_323 = tpu.memref_slice %arg15[%dma_start3A_322] : memref<25600xi32, #tpu.memory_space<vmem>> -> memref<1024xi32, #tpu.memory_space<vmem>>
      %dma_start3A_324 = arith.constant 24576 : i32
      %dma_start3A_325 = tpu.memref_slice %arg14[%dma_start3A_324] : memref<25600xi32, #tpu.memory_space<vmem>> -> memref<1024xi32, #tpu.memory_space<vmem>>
      %dma_start3A_326 = arith.constant 0 : i32
      %dma_start3A_327 = tpu.memref_slice %arg7[%dma_start3A_326] : memref<139536xi32, #tpu.memory_space<vmem_shared>> -> memref<139536xi32, #tpu.memory_space<vmem_shared>>
      tpu.enqueue_indirect_dma source(%dma_start3A_327 : memref<139536xi32, #tpu.memory_space<vmem_shared>>) target(%dma_start3A_323 : memref<1024xi32, #tpu.memory_space<vmem>>) offsets(%dma_start3A_325 : memref<1024xi32, #tpu.memory_space<vmem>>) semaphore(%arg16 : memref<!tpu.dma_semaphore, #tpu.memory_space<semaphore_mem>>)
      %dma_wait3A = arith.constant 0 : i32
      %dma_wait3A_328 = tpu.memref_slice %arg2[%dma_wait3A] : memref<139536xi32, #tpu.memory_space<hbm>> -> memref<25600xi32, #tpu.memory_space<hbm>>
      %dma_wait3A_329 = arith.constant 0 : i32
      %dma_wait3A_330 = tpu.memref_slice %arg2[%dma_wait3A_329] : memref<139536xi32, #tpu.memory_space<hbm>> -> memref<25600xi32, #tpu.memory_space<hbm>>
      tpu.wait_dma2 semaphore(%arg13 : memref<!tpu.dma_semaphore, #tpu.memory_space<semaphore_mem>>) src(%dma_wait3A_330 : memref<25600xi32, #tpu.memory_space<hbm>>) dst(%arg12 : memref<25600xi32, #tpu.memory_space<vmem>>)
      %mul3A_331 = arith.constant 1024 : i32
      %mul3A_332 = arith.muli %mul3A_167, %mul3A_331 : i32
      %add3A_333 = arith.addi %mul3A_2, %mul3A_332 : i32
      %scan3A_334 = arith.constant 0 : i32
      %scan3A_335 = arith.constant 0 : i32
      %scan3A_336 = arith.constant 64 : i32
      %scan3A_337 = arith.addi %scan3A_335, %scan3A_336 : i32
      %scan3A_338 = arith.constant 1 : i32
      scf.for %scan3A_359 = %scan3A_335 to %scan3A_337 step %scan3A_338  : i32 {
        %mul3A_360 = arith.constant 16 : i32
        %mul3A_361 = arith.muli %scan3A_359, %mul3A_360 : i32
        %mul3A_362 = arith.constant 1024 : i32
        %mul3A_363 = arith.muli %mul3A_167, %mul3A_362 : i32
        %add3A_364 = arith.addi %mul3A_363, %mul3A_361 : i32
        %get3A = arith.index_cast %add3A_364 : i32 to index
        %get3A_365 = tpu.vector_load %arg10[%get3A] {strides = array<i32>} : memref<4096xf32, #tpu.memory_space<vmem>>, vector<16xf32>,
        %get3A_366 = vector.shape_cast %get3A_365 : vector<16xf32> to vector<16xf32>
        %add3A_367 = arith.constant 0 : i32
        %add3A_368 = arith.addi %add3A_367, %mul3A_361 : i32
        %get3A_369 = arith.index_cast %add3A_368 : i32 to index
        %get3A_370 = tpu.vector_load %arg12[%get3A_369] {strides = array<i32>} : memref<25600xi32, #tpu.memory_space<vmem>>, vector<16xi32>,
        %get3A_371 = vector.shape_cast %get3A_370 : vector<16xi32> to vector<16xi32>
        %add3A_372 = arith.constant 1024 : i32
        %add3A_373 = arith.addi %add3A_372, %mul3A_361 : i32
        %get3A_374 = arith.index_cast %add3A_373 : i32 to index
        %get3A_375 = tpu.vector_load %arg12[%get3A_374] {strides = array<i32>} : memref<25600xi32, #tpu.memory_space<vmem>>, vector<16xi32>,
        %get3A_376 = vector.shape_cast %get3A_375 : vector<16xi32> to vector<16xi32>
        %add3A_377 = arith.constant 2048 : i32
        %add3A_378 = arith.addi %add3A_377, %mul3A_361 : i32
        %get3A_379 = arith.index_cast %add3A_378 : i32 to index
        %get3A_380 = tpu.vector_load %arg12[%get3A_379] {strides = array<i32>} : memref<25600xi32, #tpu.memory_space<vmem>>, vector<16xi32>,
        %get3A_381 = vector.shape_cast %get3A_380 : vector<16xi32> to vector<16xi32>
        %add3A_382 = arith.constant 3072 : i32
        %add3A_383 = arith.addi %add3A_382, %mul3A_361 : i32
        %get3A_384 = arith.index_cast %add3A_383 : i32 to index
        %get3A_385 = tpu.vector_load %arg12[%get3A_384] {strides = array<i32>} : memref<25600xi32, #tpu.memory_space<vmem>>, vector<16xi32>,
        %get3A_386 = vector.shape_cast %get3A_385 : vector<16xi32> to vector<16xi32>
        %add3A_387 = arith.constant 4096 : i32
        %add3A_388 = arith.addi %add3A_387, %mul3A_361 : i32
        %get3A_389 = arith.index_cast %add3A_388 : i32 to index
        %get3A_390 = tpu.vector_load %arg12[%get3A_389] {strides = array<i32>} : memref<25600xi32, #tpu.memory_space<vmem>>, vector<16xi32>,
        %get3A_391 = vector.shape_cast %get3A_390 : vector<16xi32> to vector<16xi32>
        %add3A_392 = arith.constant 5120 : i32
        %add3A_393 = arith.addi %add3A_392, %mul3A_361 : i32
        %get3A_394 = arith.index_cast %add3A_393 : i32 to index
        %get3A_395 = tpu.vector_load %arg12[%get3A_394] {strides = array<i32>} : memref<25600xi32, #tpu.memory_space<vmem>>, vector<16xi32>,
        %get3A_396 = vector.shape_cast %get3A_395 : vector<16xi32> to vector<16xi32>
        %add3A_397 = arith.constant 6144 : i32
        %add3A_398 = arith.addi %add3A_397, %mul3A_361 : i32
        %get3A_399 = arith.index_cast %add3A_398 : i32 to index
        %get3A_400 = tpu.vector_load %arg12[%get3A_399] {strides = array<i32>} : memref<25600xi32, #tpu.memory_space<vmem>>, vector<16xi32>,
        %get3A_401 = vector.shape_cast %get3A_400 : vector<16xi32> to vector<16xi32>
        %add3A_402 = arith.constant 7168 : i32
        %add3A_403 = arith.addi %add3A_402, %mul3A_361 : i32
        %get3A_404 = arith.index_cast %add3A_403 : i32 to index
        %get3A_405 = tpu.vector_load %arg12[%get3A_404] {strides = array<i32>} : memref<25600xi32, #tpu.memory_space<vmem>>, vector<16xi32>,
        %get3A_406 = vector.shape_cast %get3A_405 : vector<16xi32> to vector<16xi32>
        %add3A_407 = arith.constant 8192 : i32
        %add3A_408 = arith.addi %add3A_407, %mul3A_361 : i32
        %get3A_409 = arith.index_cast %add3A_408 : i32 to index
        %get3A_410 = tpu.vector_load %arg12[%get3A_409] {strides = array<i32>} : memref<25600xi32, #tpu.memory_space<vmem>>, vector<16xi32>,
        %get3A_411 = vector.shape_cast %get3A_410 : vector<16xi32> to vector<16xi32>
        %add3A_412 = arith.constant 9216 : i32
        %add3A_413 = arith.addi %add3A_412, %mul3A_361 : i32
        %get3A_414 = arith.index_cast %add3A_413 : i32 to index
        %get3A_415 = tpu.vector_load %arg12[%get3A_414] {strides = array<i32>} : memref<25600xi32, #tpu.memory_space<vmem>>, vector<16xi32>,
        %get3A_416 = vector.shape_cast %get3A_415 : vector<16xi32> to vector<16xi32>
        %add3A_417 = arith.constant 10240 : i32
        %add3A_418 = arith.addi %add3A_417, %mul3A_361 : i32
        %get3A_419 = arith.index_cast %add3A_418 : i32 to index
        %get3A_420 = tpu.vector_load %arg12[%get3A_419] {strides = array<i32>} : memref<25600xi32, #tpu.memory_space<vmem>>, vector<16xi32>,
        %get3A_421 = vector.shape_cast %get3A_420 : vector<16xi32> to vector<16xi32>
        %add3A_422 = arith.constant 11264 : i32
        %add3A_423 = arith.addi %add3A_422, %mul3A_361 : i32
        %get3A_424 = arith.index_cast %add3A_423 : i32 to index
        %get3A_425 = tpu.vector_load %arg12[%get3A_424] {strides = array<i32>} : memref<25600xi32, #tpu.memory_space<vmem>>, vector<16xi32>,
        %get3A_426 = vector.shape_cast %get3A_425 : vector<16xi32> to vector<16xi32>
        %add3A_427 = arith.constant 12288 : i32
        %add3A_428 = arith.addi %add3A_427, %mul3A_361 : i32
        %get3A_429 = arith.index_cast %add3A_428 : i32 to index
        %get3A_430 = tpu.vector_load %arg12[%get3A_429] {strides = array<i32>} : memref<25600xi32, #tpu.memory_space<vmem>>, vector<16xi32>,
        %get3A_431 = vector.shape_cast %get3A_430 : vector<16xi32> to vector<16xi32>
        %add3A_432 = arith.constant 13312 : i32
        %add3A_433 = arith.addi %add3A_432, %mul3A_361 : i32
        %get3A_434 = arith.index_cast %add3A_433 : i32 to index
        %get3A_435 = tpu.vector_load %arg12[%get3A_434] {strides = array<i32>} : memref<25600xi32, #tpu.memory_space<vmem>>, vector<16xi32>,
        %get3A_436 = vector.shape_cast %get3A_435 : vector<16xi32> to vector<16xi32>
        %add3A_437 = arith.constant 14336 : i32
        %add3A_438 = arith.addi %add3A_437, %mul3A_361 : i32
        %get3A_439 = arith.index_cast %add3A_438 : i32 to index
        %get3A_440 = tpu.vector_load %arg12[%get3A_439] {strides = array<i32>} : memref<25600xi32, #tpu.memory_space<vmem>>, vector<16xi32>,
        %get3A_441 = vector.shape_cast %get3A_440 : vector<16xi32> to vector<16xi32>
        %add3A_442 = arith.constant 15360 : i32
        %add3A_443 = arith.addi %add3A_442, %mul3A_361 : i32
        %get3A_444 = arith.index_cast %add3A_443 : i32 to index
        %get3A_445 = tpu.vector_load %arg12[%get3A_444] {strides = array<i32>} : memref<25600xi32, #tpu.memory_space<vmem>>, vector<16xi32>,
        %get3A_446 = vector.shape_cast %get3A_445 : vector<16xi32> to vector<16xi32>
        %add3A_447 = arith.constant 16384 : i32
        %add3A_448 = arith.addi %add3A_447, %mul3A_361 : i32
        %get3A_449 = arith.index_cast %add3A_448 : i32 to index
        %get3A_450 = tpu.vector_load %arg12[%get3A_449] {strides = array<i32>} : memref<25600xi32, #tpu.memory_space<vmem>>, vector<16xi32>,
        %get3A_451 = vector.shape_cast %get3A_450 : vector<16xi32> to vector<16xi32>
        %add3A_452 = arith.constant 17408 : i32
        %add3A_453 = arith.addi %add3A_452, %mul3A_361 : i32
        %get3A_454 = arith.index_cast %add3A_453 : i32 to index
        %get3A_455 = tpu.vector_load %arg12[%get3A_454] {strides = array<i32>} : memref<25600xi32, #tpu.memory_space<vmem>>, vector<16xi32>,
        %get3A_456 = vector.shape_cast %get3A_455 : vector<16xi32> to vector<16xi32>
        %add3A_457 = arith.constant 18432 : i32
        %add3A_458 = arith.addi %add3A_457, %mul3A_361 : i32
        %get3A_459 = arith.index_cast %add3A_458 : i32 to index
        %get3A_460 = tpu.vector_load %arg12[%get3A_459] {strides = array<i32>} : memref<25600xi32, #tpu.memory_space<vmem>>, vector<16xi32>,
        %get3A_461 = vector.shape_cast %get3A_460 : vector<16xi32> to vector<16xi32>
        %add3A_462 = arith.constant 19456 : i32
        %add3A_463 = arith.addi %add3A_462, %mul3A_361 : i32
        %get3A_464 = arith.index_cast %add3A_463 : i32 to index
        %get3A_465 = tpu.vector_load %arg12[%get3A_464] {strides = array<i32>} : memref<25600xi32, #tpu.memory_space<vmem>>, vector<16xi32>,
        %get3A_466 = vector.shape_cast %get3A_465 : vector<16xi32> to vector<16xi32>
        %add3A_467 = arith.constant 20480 : i32
        %add3A_468 = arith.addi %add3A_467, %mul3A_361 : i32
        %get3A_469 = arith.index_cast %add3A_468 : i32 to index
        %get3A_470 = tpu.vector_load %arg12[%get3A_469] {strides = array<i32>} : memref<25600xi32, #tpu.memory_space<vmem>>, vector<16xi32>,
        %get3A_471 = vector.shape_cast %get3A_470 : vector<16xi32> to vector<16xi32>
        %add3A_472 = arith.constant 21504 : i32
        %add3A_473 = arith.addi %add3A_472, %mul3A_361 : i32
        %get3A_474 = arith.index_cast %add3A_473 : i32 to index
        %get3A_475 = tpu.vector_load %arg12[%get3A_474] {strides = array<i32>} : memref<25600xi32, #tpu.memory_space<vmem>>, vector<16xi32>,
        %get3A_476 = vector.shape_cast %get3A_475 : vector<16xi32> to vector<16xi32>
        %add3A_477 = arith.constant 22528 : i32
        %add3A_478 = arith.addi %add3A_477, %mul3A_361 : i32
        %get3A_479 = arith.index_cast %add3A_478 : i32 to index
        %get3A_480 = tpu.vector_load %arg12[%get3A_479] {strides = array<i32>} : memref<25600xi32, #tpu.memory_space<vmem>>, vector<16xi32>,
        %get3A_481 = vector.shape_cast %get3A_480 : vector<16xi32> to vector<16xi32>
        %add3A_482 = arith.constant 23552 : i32
        %add3A_483 = arith.addi %add3A_482, %mul3A_361 : i32
        %get3A_484 = arith.index_cast %add3A_483 : i32 to index
        %get3A_485 = tpu.vector_load %arg12[%get3A_484] {strides = array<i32>} : memref<25600xi32, #tpu.memory_space<vmem>>, vector<16xi32>,
        %get3A_486 = vector.shape_cast %get3A_485 : vector<16xi32> to vector<16xi32>
        %add3A_487 = arith.constant 24576 : i32
        %add3A_488 = arith.addi %add3A_487, %mul3A_361 : i32
        %get3A_489 = arith.index_cast %add3A_488 : i32 to index
        %get3A_490 = tpu.vector_load %arg12[%get3A_489] {strides = array<i32>} : memref<25600xi32, #tpu.memory_space<vmem>>, vector<16xi32>,
        %get3A_491 = vector.shape_cast %get3A_490 : vector<16xi32> to vector<16xi32>
        %and3A = arith.constant -32 : i32
        %and3A_492 = vector.broadcast %and3A : i32 to vector<16xi32>
        %and3A_493 = arith.andi %get3A_371, %and3A_492 : vector<16xi32>
        %bitcast_convert_type3A = tpu.bitcast %and3A_493 : vector<16xi32> -> vector<16xf32>
        %sub3A = arith.subf %bitcast_convert_type3A, %get3A_366 : vector<16xf32>
        %abs3A = math.absf %sub3A : vector<16xf32>
        %mul3A_494 = arith.constant 0.997030973 : f32
        %mul3A_495 = vector.broadcast %mul3A_494 : f32 to vector<16xf32>
        %mul3A_496 = arith.mulf %abs3A, %mul3A_495 : vector<16xf32>
        %bitcast_convert_type3A_497 = tpu.bitcast %mul3A_496 : vector<16xf32> -> vector<16xi32>
        %and3A_498 = arith.constant -32 : i32
        %and3A_499 = vector.broadcast %and3A_498 : i32 to vector<16xi32>
        %and3A_500 = arith.andi %bitcast_convert_type3A_497, %and3A_499 : vector<16xi32>
        %or3A = arith.constant 0 : i32
        %or3A_501 = vector.broadcast %or3A : i32 to vector<16xi32>
        %or3A_502 = arith.ori %and3A_500, %or3A_501 : vector<16xi32>
        %and3A_503 = arith.constant -32 : i32
        %and3A_504 = vector.broadcast %and3A_503 : i32 to vector<16xi32>
        %and3A_505 = arith.andi %get3A_376, %and3A_504 : vector<16xi32>
        %bitcast_convert_type3A_506 = tpu.bitcast %and3A_505 : vector<16xi32> -> vector<16xf32>
        %sub3A_507 = arith.subf %bitcast_convert_type3A_506, %get3A_366 : vector<16xf32>
        %abs3A_508 = math.absf %sub3A_507 : vector<16xf32>
        %mul3A_509 = arith.constant 0.986693799 : f32
        %mul3A_510 = vector.broadcast %mul3A_509 : f32 to vector<16xf32>
        %mul3A_511 = arith.mulf %abs3A_508, %mul3A_510 : vector<16xf32>
        %bitcast_convert_type3A_512 = tpu.bitcast %mul3A_511 : vector<16xf32> -> vector<16xi32>
        %and3A_513 = arith.constant -32 : i32
        %and3A_514 = vector.broadcast %and3A_513 : i32 to vector<16xi32>
        %and3A_515 = arith.andi %bitcast_convert_type3A_512, %and3A_514 : vector<16xi32>
        %or3A_516 = arith.constant 1 : i32
        %or3A_517 = vector.broadcast %or3A_516 : i32 to vector<16xi32>
        %or3A_518 = arith.ori %and3A_515, %or3A_517 : vector<16xi32>
        %and3A_519 = arith.constant -32 : i32
        %and3A_520 = vector.broadcast %and3A_519 : i32 to vector<16xi32>
        %and3A_521 = arith.andi %get3A_381, %and3A_520 : vector<16xi32>
        %bitcast_convert_type3A_522 = tpu.bitcast %and3A_521 : vector<16xi32> -> vector<16xf32>
        %sub3A_523 = arith.subf %bitcast_convert_type3A_522, %get3A_366 : vector<16xf32>
        %abs3A_524 = math.absf %sub3A_523 : vector<16xf32>
        %mul3A_525 = arith.constant 0.978061795 : f32
        %mul3A_526 = vector.broadcast %mul3A_525 : f32 to vector<16xf32>
        %mul3A_527 = arith.mulf %abs3A_524, %mul3A_526 : vector<16xf32>
        %bitcast_convert_type3A_528 = tpu.bitcast %mul3A_527 : vector<16xf32> -> vector<16xi32>
        %and3A_529 = arith.constant -32 : i32
        %and3A_530 = vector.broadcast %and3A_529 : i32 to vector<16xi32>
        %and3A_531 = arith.andi %bitcast_convert_type3A_528, %and3A_530 : vector<16xi32>
        %or3A_532 = arith.constant 2 : i32
        %or3A_533 = vector.broadcast %or3A_532 : i32 to vector<16xi32>
        %or3A_534 = arith.ori %and3A_531, %or3A_533 : vector<16xi32>
        %and3A_535 = arith.constant -32 : i32
        %and3A_536 = vector.broadcast %and3A_535 : i32 to vector<16xi32>
        %and3A_537 = arith.andi %get3A_386, %and3A_536 : vector<16xi32>
        %bitcast_convert_type3A_538 = tpu.bitcast %and3A_537 : vector<16xi32> -> vector<16xf32>
        %sub3A_539 = arith.subf %bitcast_convert_type3A_538, %get3A_366 : vector<16xf32>
        %abs3A_540 = math.absf %sub3A_539 : vector<16xf32>
        %mul3A_541 = arith.constant 0.986693799 : f32
        %mul3A_542 = vector.broadcast %mul3A_541 : f32 to vector<16xf32>
        %mul3A_543 = arith.mulf %abs3A_540, %mul3A_542 : vector<16xf32>
        %bitcast_convert_type3A_544 = tpu.bitcast %mul3A_543 : vector<16xf32> -> vector<16xi32>
        %and3A_545 = arith.constant -32 : i32
        %and3A_546 = vector.broadcast %and3A_545 : i32 to vector<16xi32>
        %and3A_547 = arith.andi %bitcast_convert_type3A_544, %and3A_546 : vector<16xi32>
        %or3A_548 = arith.constant 3 : i32
        %or3A_549 = vector.broadcast %or3A_548 : i32 to vector<16xi32>
        %or3A_550 = arith.ori %and3A_547, %or3A_549 : vector<16xi32>
        %and3A_551 = arith.constant -32 : i32
        %and3A_552 = vector.broadcast %and3A_551 : i32 to vector<16xi32>
        %and3A_553 = arith.andi %get3A_391, %and3A_552 : vector<16xi32>
        %bitcast_convert_type3A_554 = tpu.bitcast %and3A_553 : vector<16xi32> -> vector<16xf32>
        %sub3A_555 = arith.subf %bitcast_convert_type3A_554, %get3A_366 : vector<16xf32>
        %abs3A_556 = math.absf %sub3A_555 : vector<16xf32>
        %mul3A_557 = arith.constant 0.997030973 : f32
        %mul3A_558 = vector.broadcast %mul3A_557 : f32 to vector<16xf32>
        %mul3A_559 = arith.mulf %abs3A_556, %mul3A_558 : vector<16xf32>
        %bitcast_convert_type3A_560 = tpu.bitcast %mul3A_559 : vector<16xf32> -> vector<16xi32>
        %and3A_561 = arith.constant -32 : i32
        %and3A_562 = vector.broadcast %and3A_561 : i32 to vector<16xi32>
        %and3A_563 = arith.andi %bitcast_convert_type3A_560, %and3A_562 : vector<16xi32>
        %or3A_564 = arith.constant 4 : i32
        %or3A_565 = vector.broadcast %or3A_564 : i32 to vector<16xi32>
        %or3A_566 = arith.ori %and3A_563, %or3A_565 : vector<16xi32>
        %and3A_567 = arith.constant -32 : i32
        %and3A_568 = vector.broadcast %and3A_567 : i32 to vector<16xi32>
        %and3A_569 = arith.andi %get3A_396, %and3A_568 : vector<16xi32>
        %bitcast_convert_type3A_570 = tpu.bitcast %and3A_569 : vector<16xi32> -> vector<16xf32>
        %sub3A_571 = arith.subf %bitcast_convert_type3A_570, %get3A_366 : vector<16xf32>
        %abs3A_572 = math.absf %sub3A_571 : vector<16xf32>
        %mul3A_573 = arith.constant 0.986693799 : f32
        %mul3A_574 = vector.broadcast %mul3A_573 : f32 to vector<16xf32>
        %mul3A_575 = arith.mulf %abs3A_572, %mul3A_574 : vector<16xf32>
        %bitcast_convert_type3A_576 = tpu.bitcast %mul3A_575 : vector<16xf32> -> vector<16xi32>
        %and3A_577 = arith.constant -32 : i32
        %and3A_578 = vector.broadcast %and3A_577 : i32 to vector<16xi32>
        %and3A_579 = arith.andi %bitcast_convert_type3A_576, %and3A_578 : vector<16xi32>
        %or3A_580 = arith.constant 5 : i32
        %or3A_581 = vector.broadcast %or3A_580 : i32 to vector<16xi32>
        %or3A_582 = arith.ori %and3A_579, %or3A_581 : vector<16xi32>
        %and3A_583 = arith.constant -32 : i32
        %and3A_584 = vector.broadcast %and3A_583 : i32 to vector<16xi32>
        %and3A_585 = arith.andi %get3A_401, %and3A_584 : vector<16xi32>
        %bitcast_convert_type3A_586 = tpu.bitcast %and3A_585 : vector<16xi32> -> vector<16xf32>
        %sub3A_587 = arith.subf %bitcast_convert_type3A_586, %get3A_366 : vector<16xf32>
        %abs3A_588 = math.absf %sub3A_587 : vector<16xf32>
        %mul3A_589 = arith.constant 0.940365731 : f32
        %mul3A_590 = vector.broadcast %mul3A_589 : f32 to vector<16xf32>
        %mul3A_591 = arith.mulf %abs3A_588, %mul3A_590 : vector<16xf32>
        %bitcast_convert_type3A_592 = tpu.bitcast %mul3A_591 : vector<16xf32> -> vector<16xi32>
        %and3A_593 = arith.constant -32 : i32
        %and3A_594 = vector.broadcast %and3A_593 : i32 to vector<16xi32>
        %and3A_595 = arith.andi %bitcast_convert_type3A_592, %and3A_594 : vector<16xi32>
        %or3A_596 = arith.constant 6 : i32
        %or3A_597 = vector.broadcast %or3A_596 : i32 to vector<16xi32>
        %or3A_598 = arith.ori %and3A_595, %or3A_597 : vector<16xi32>
        %and3A_599 = arith.constant -32 : i32
        %and3A_600 = vector.broadcast %and3A_599 : i32 to vector<16xi32>
        %and3A_601 = arith.andi %get3A_406, %and3A_600 : vector<16xi32>
        %bitcast_convert_type3A_602 = tpu.bitcast %and3A_601 : vector<16xi32> -> vector<16xf32>
        %sub3A_603 = arith.subf %bitcast_convert_type3A_602, %get3A_366 : vector<16xf32>
        %abs3A_604 = math.absf %sub3A_603 : vector<16xf32>
        %mul3A_605 = arith.constant 0.901679694 : f32
        %mul3A_606 = vector.broadcast %mul3A_605 : f32 to vector<16xf32>
        %mul3A_607 = arith.mulf %abs3A_604, %mul3A_606 : vector<16xf32>
        %bitcast_convert_type3A_608 = tpu.bitcast %mul3A_607 : vector<16xf32> -> vector<16xi32>
        %and3A_609 = arith.constant -32 : i32
        %and3A_610 = vector.broadcast %and3A_609 : i32 to vector<16xi32>
        %and3A_611 = arith.andi %bitcast_convert_type3A_608, %and3A_610 : vector<16xi32>
        %or3A_612 = arith.constant 7 : i32
        %or3A_613 = vector.broadcast %or3A_612 : i32 to vector<16xi32>
        %or3A_614 = arith.ori %and3A_611, %or3A_613 : vector<16xi32>
        %and3A_615 = arith.constant -32 : i32
        %and3A_616 = vector.broadcast %and3A_615 : i32 to vector<16xi32>
        %and3A_617 = arith.andi %get3A_411, %and3A_616 : vector<16xi32>
        %bitcast_convert_type3A_618 = tpu.bitcast %and3A_617 : vector<16xi32> -> vector<16xf32>
        %sub3A_619 = arith.subf %bitcast_convert_type3A_618, %get3A_366 : vector<16xf32>
        %abs3A_620 = math.absf %sub3A_619 : vector<16xf32>
        %mul3A_621 = arith.constant 0.940365731 : f32
        %mul3A_622 = vector.broadcast %mul3A_621 : f32 to vector<16xf32>
        %mul3A_623 = arith.mulf %abs3A_620, %mul3A_622 : vector<16xf32>
        %bitcast_convert_type3A_624 = tpu.bitcast %mul3A_623 : vector<16xf32> -> vector<16xi32>
        %and3A_625 = arith.constant -32 : i32
        %and3A_626 = vector.broadcast %and3A_625 : i32 to vector<16xi32>
        %and3A_627 = arith.andi %bitcast_convert_type3A_624, %and3A_626 : vector<16xi32>
        %or3A_628 = arith.constant 8 : i32
        %or3A_629 = vector.broadcast %or3A_628 : i32 to vector<16xi32>
        %or3A_630 = arith.ori %and3A_627, %or3A_629 : vector<16xi32>
        %and3A_631 = arith.constant -32 : i32
        %and3A_632 = vector.broadcast %and3A_631 : i32 to vector<16xi32>
        %and3A_633 = arith.andi %get3A_416, %and3A_632 : vector<16xi32>
        %bitcast_convert_type3A_634 = tpu.bitcast %and3A_633 : vector<16xi32> -> vector<16xf32>
        %sub3A_635 = arith.subf %bitcast_convert_type3A_634, %get3A_366 : vector<16xf32>
        %abs3A_636 = math.absf %sub3A_635 : vector<16xf32>
        %mul3A_637 = arith.constant 0.986693799 : f32
        %mul3A_638 = vector.broadcast %mul3A_637 : f32 to vector<16xf32>
        %mul3A_639 = arith.mulf %abs3A_636, %mul3A_638 : vector<16xf32>
        %bitcast_convert_type3A_640 = tpu.bitcast %mul3A_639 : vector<16xf32> -> vector<16xi32>
        %and3A_641 = arith.constant -32 : i32
        %and3A_642 = vector.broadcast %and3A_641 : i32 to vector<16xi32>
        %and3A_643 = arith.andi %bitcast_convert_type3A_640, %and3A_642 : vector<16xi32>
        %or3A_644 = arith.constant 9 : i32
        %or3A_645 = vector.broadcast %or3A_644 : i32 to vector<16xi32>
        %or3A_646 = arith.ori %and3A_643, %or3A_645 : vector<16xi32>
        %and3A_647 = arith.constant -32 : i32
        %and3A_648 = vector.broadcast %and3A_647 : i32 to vector<16xi32>
        %and3A_649 = arith.andi %get3A_421, %and3A_648 : vector<16xi32>
        %bitcast_convert_type3A_650 = tpu.bitcast %and3A_649 : vector<16xi32> -> vector<16xf32>
        %sub3A_651 = arith.subf %bitcast_convert_type3A_650, %get3A_366 : vector<16xf32>
        %abs3A_652 = math.absf %sub3A_651 : vector<16xf32>
        %mul3A_653 = arith.constant 0.978061795 : f32
        %mul3A_654 = vector.broadcast %mul3A_653 : f32 to vector<16xf32>
        %mul3A_655 = arith.mulf %abs3A_652, %mul3A_654 : vector<16xf32>
        %bitcast_convert_type3A_656 = tpu.bitcast %mul3A_655 : vector<16xf32> -> vector<16xi32>
        %and3A_657 = arith.constant -32 : i32
        %and3A_658 = vector.broadcast %and3A_657 : i32 to vector<16xi32>
        %and3A_659 = arith.andi %bitcast_convert_type3A_656, %and3A_658 : vector<16xi32>
        %or3A_660 = arith.constant 10 : i32
        %or3A_661 = vector.broadcast %or3A_660 : i32 to vector<16xi32>
        %or3A_662 = arith.ori %and3A_659, %or3A_661 : vector<16xi32>
        %and3A_663 = arith.constant -32 : i32
        %and3A_664 = vector.broadcast %and3A_663 : i32 to vector<16xi32>
        %and3A_665 = arith.andi %get3A_426, %and3A_664 : vector<16xi32>
        %bitcast_convert_type3A_666 = tpu.bitcast %and3A_665 : vector<16xi32> -> vector<16xf32>
        %sub3A_667 = arith.subf %bitcast_convert_type3A_666, %get3A_366 : vector<16xf32>
        %abs3A_668 = math.absf %sub3A_667 : vector<16xf32>
        %mul3A_669 = arith.constant 0.901679694 : f32
        %mul3A_670 = vector.broadcast %mul3A_669 : f32 to vector<16xf32>
        %mul3A_671 = arith.mulf %abs3A_668, %mul3A_670 : vector<16xf32>
        %bitcast_convert_type3A_672 = tpu.bitcast %mul3A_671 : vector<16xf32> -> vector<16xi32>
        %and3A_673 = arith.constant -32 : i32
        %and3A_674 = vector.broadcast %and3A_673 : i32 to vector<16xi32>
        %and3A_675 = arith.andi %bitcast_convert_type3A_672, %and3A_674 : vector<16xi32>
        %or3A_676 = arith.constant 11 : i32
        %or3A_677 = vector.broadcast %or3A_676 : i32 to vector<16xi32>
        %or3A_678 = arith.ori %and3A_675, %or3A_677 : vector<16xi32>
        %broadcast_in_dim3A = arith.constant 0 : i32
        %broadcast_in_dim3A_679 = vector.broadcast %broadcast_in_dim3A : i32 to vector<16xi32>
        %or3A_680 = arith.constant 12 : i32
        %or3A_681 = vector.broadcast %or3A_680 : i32 to vector<16xi32>
        %or3A_682 = arith.ori %broadcast_in_dim3A_679, %or3A_681 : vector<16xi32>
        %and3A_683 = arith.constant -32 : i32
        %and3A_684 = vector.broadcast %and3A_683 : i32 to vector<16xi32>
        %and3A_685 = arith.andi %get3A_436, %and3A_684 : vector<16xi32>
        %bitcast_convert_type3A_686 = tpu.bitcast %and3A_685 : vector<16xi32> -> vector<16xf32>
        %sub3A_687 = arith.subf %bitcast_convert_type3A_686, %get3A_366 : vector<16xf32>
        %abs3A_688 = math.absf %sub3A_687 : vector<16xf32>
        %mul3A_689 = arith.constant 0.901679694 : f32
        %mul3A_690 = vector.broadcast %mul3A_689 : f32 to vector<16xf32>
        %mul3A_691 = arith.mulf %abs3A_688, %mul3A_690 : vector<16xf32>
        %bitcast_convert_type3A_692 = tpu.bitcast %mul3A_691 : vector<16xf32> -> vector<16xi32>
        %and3A_693 = arith.constant -32 : i32
        %and3A_694 = vector.broadcast %and3A_693 : i32 to vector<16xi32>
        %and3A_695 = arith.andi %bitcast_convert_type3A_692, %and3A_694 : vector<16xi32>
        %or3A_696 = arith.constant 13 : i32
        %or3A_697 = vector.broadcast %or3A_696 : i32 to vector<16xi32>
        %or3A_698 = arith.ori %and3A_695, %or3A_697 : vector<16xi32>
        %and3A_699 = arith.constant -32 : i32
        %and3A_700 = vector.broadcast %and3A_699 : i32 to vector<16xi32>
        %and3A_701 = arith.andi %get3A_441, %and3A_700 : vector<16xi32>
        %bitcast_convert_type3A_702 = tpu.bitcast %and3A_701 : vector<16xi32> -> vector<16xf32>
        %sub3A_703 = arith.subf %bitcast_convert_type3A_702, %get3A_366 : vector<16xf32>
        %abs3A_704 = math.absf %sub3A_703 : vector<16xf32>
        %mul3A_705 = arith.constant 0.978061795 : f32
        %mul3A_706 = vector.broadcast %mul3A_705 : f32 to vector<16xf32>
        %mul3A_707 = arith.mulf %abs3A_704, %mul3A_706 : vector<16xf32>
        %bitcast_convert_type3A_708 = tpu.bitcast %mul3A_707 : vector<16xf32> -> vector<16xi32>
        %and3A_709 = arith.constant -32 : i32
        %and3A_710 = vector.broadcast %and3A_709 : i32 to vector<16xi32>
        %and3A_711 = arith.andi %bitcast_convert_type3A_708, %and3A_710 : vector<16xi32>
        %or3A_712 = arith.constant 14 : i32
        %or3A_713 = vector.broadcast %or3A_712 : i32 to vector<16xi32>
        %or3A_714 = arith.ori %and3A_711, %or3A_713 : vector<16xi32>
        %and3A_715 = arith.constant -32 : i32
        %and3A_716 = vector.broadcast %and3A_715 : i32 to vector<16xi32>
        %and3A_717 = arith.andi %get3A_446, %and3A_716 : vector<16xi32>
        %bitcast_convert_type3A_718 = tpu.bitcast %and3A_717 : vector<16xi32> -> vector<16xf32>
        %sub3A_719 = arith.subf %bitcast_convert_type3A_718, %get3A_366 : vector<16xf32>
        %abs3A_720 = math.absf %sub3A_719 : vector<16xf32>
        %mul3A_721 = arith.constant 0.986693799 : f32
        %mul3A_722 = vector.broadcast %mul3A_721 : f32 to vector<16xf32>
        %mul3A_723 = arith.mulf %abs3A_720, %mul3A_722 : vector<16xf32>
        %bitcast_convert_type3A_724 = tpu.bitcast %mul3A_723 : vector<16xf32> -> vector<16xi32>
        %and3A_725 = arith.constant -32 : i32
        %and3A_726 = vector.broadcast %and3A_725 : i32 to vector<16xi32>
        %and3A_727 = arith.andi %bitcast_convert_type3A_724, %and3A_726 : vector<16xi32>
        %or3A_728 = arith.constant 15 : i32
        %or3A_729 = vector.broadcast %or3A_728 : i32 to vector<16xi32>
        %or3A_730 = arith.ori %and3A_727, %or3A_729 : vector<16xi32>
        %and3A_731 = arith.constant -32 : i32
        %and3A_732 = vector.broadcast %and3A_731 : i32 to vector<16xi32>
        %and3A_733 = arith.andi %get3A_451, %and3A_732 : vector<16xi32>
        %bitcast_convert_type3A_734 = tpu.bitcast %and3A_733 : vector<16xi32> -> vector<16xf32>
        %sub3A_735 = arith.subf %bitcast_convert_type3A_734, %get3A_366 : vector<16xf32>
        %abs3A_736 = math.absf %sub3A_735 : vector<16xf32>
        %mul3A_737 = arith.constant 0.940365731 : f32
        %mul3A_738 = vector.broadcast %mul3A_737 : f32 to vector<16xf32>
        %mul3A_739 = arith.mulf %abs3A_736, %mul3A_738 : vector<16xf32>
        %bitcast_convert_type3A_740 = tpu.bitcast %mul3A_739 : vector<16xf32> -> vector<16xi32>
        %and3A_741 = arith.constant -32 : i32
        %and3A_742 = vector.broadcast %and3A_741 : i32 to vector<16xi32>
        %and3A_743 = arith.andi %bitcast_convert_type3A_740, %and3A_742 : vector<16xi32>
        %or3A_744 = arith.constant 16 : i32
        %or3A_745 = vector.broadcast %or3A_744 : i32 to vector<16xi32>
        %or3A_746 = arith.ori %and3A_743, %or3A_745 : vector<16xi32>
        %and3A_747 = arith.constant -32 : i32
        %and3A_748 = vector.broadcast %and3A_747 : i32 to vector<16xi32>
        %and3A_749 = arith.andi %get3A_456, %and3A_748 : vector<16xi32>
        %bitcast_convert_type3A_750 = tpu.bitcast %and3A_749 : vector<16xi32> -> vector<16xf32>
        %sub3A_751 = arith.subf %bitcast_convert_type3A_750, %get3A_366 : vector<16xf32>
        %abs3A_752 = math.absf %sub3A_751 : vector<16xf32>
        %mul3A_753 = arith.constant 0.901679694 : f32
        %mul3A_754 = vector.broadcast %mul3A_753 : f32 to vector<16xf32>
        %mul3A_755 = arith.mulf %abs3A_752, %mul3A_754 : vector<16xf32>
        %bitcast_convert_type3A_756 = tpu.bitcast %mul3A_755 : vector<16xf32> -> vector<16xi32>
        %and3A_757 = arith.constant -32 : i32
        %and3A_758 = vector.broadcast %and3A_757 : i32 to vector<16xi32>
        %and3A_759 = arith.andi %bitcast_convert_type3A_756, %and3A_758 : vector<16xi32>
        %or3A_760 = arith.constant 17 : i32
        %or3A_761 = vector.broadcast %or3A_760 : i32 to vector<16xi32>
        %or3A_762 = arith.ori %and3A_759, %or3A_761 : vector<16xi32>
        %and3A_763 = arith.constant -32 : i32
        %and3A_764 = vector.broadcast %and3A_763 : i32 to vector<16xi32>
        %and3A_765 = arith.andi %get3A_461, %and3A_764 : vector<16xi32>
        %bitcast_convert_type3A_766 = tpu.bitcast %and3A_765 : vector<16xi32> -> vector<16xf32>
        %sub3A_767 = arith.subf %bitcast_convert_type3A_766, %get3A_366 : vector<16xf32>
        %abs3A_768 = math.absf %sub3A_767 : vector<16xf32>
        %mul3A_769 = arith.constant 0.940365731 : f32
        %mul3A_770 = vector.broadcast %mul3A_769 : f32 to vector<16xf32>
        %mul3A_771 = arith.mulf %abs3A_768, %mul3A_770 : vector<16xf32>
        %bitcast_convert_type3A_772 = tpu.bitcast %mul3A_771 : vector<16xf32> -> vector<16xi32>
        %and3A_773 = arith.constant -32 : i32
        %and3A_774 = vector.broadcast %and3A_773 : i32 to vector<16xi32>
        %and3A_775 = arith.andi %bitcast_convert_type3A_772, %and3A_774 : vector<16xi32>
        %or3A_776 = arith.constant 18 : i32
        %or3A_777 = vector.broadcast %or3A_776 : i32 to vector<16xi32>
        %or3A_778 = arith.ori %and3A_775, %or3A_777 : vector<16xi32>
        %and3A_779 = arith.constant -32 : i32
        %and3A_780 = vector.broadcast %and3A_779 : i32 to vector<16xi32>
        %and3A_781 = arith.andi %get3A_466, %and3A_780 : vector<16xi32>
        %bitcast_convert_type3A_782 = tpu.bitcast %and3A_781 : vector<16xi32> -> vector<16xf32>
        %sub3A_783 = arith.subf %bitcast_convert_type3A_782, %get3A_366 : vector<16xf32>
        %abs3A_784 = math.absf %sub3A_783 : vector<16xf32>
        %mul3A_785 = arith.constant 0.986693799 : f32
        %mul3A_786 = vector.broadcast %mul3A_785 : f32 to vector<16xf32>
        %mul3A_787 = arith.mulf %abs3A_784, %mul3A_786 : vector<16xf32>
        %bitcast_convert_type3A_788 = tpu.bitcast %mul3A_787 : vector<16xf32> -> vector<16xi32>
        %and3A_789 = arith.constant -32 : i32
        %and3A_790 = vector.broadcast %and3A_789 : i32 to vector<16xi32>
        %and3A_791 = arith.andi %bitcast_convert_type3A_788, %and3A_790 : vector<16xi32>
        %or3A_792 = arith.constant 19 : i32
        %or3A_793 = vector.broadcast %or3A_792 : i32 to vector<16xi32>
        %or3A_794 = arith.ori %and3A_791, %or3A_793 : vector<16xi32>
        %and3A_795 = arith.constant -32 : i32
        %and3A_796 = vector.broadcast %and3A_795 : i32 to vector<16xi32>
        %and3A_797 = arith.andi %get3A_471, %and3A_796 : vector<16xi32>
        %bitcast_convert_type3A_798 = tpu.bitcast %and3A_797 : vector<16xi32> -> vector<16xf32>
        %sub3A_799 = arith.subf %bitcast_convert_type3A_798, %get3A_366 : vector<16xf32>
        %abs3A_800 = math.absf %sub3A_799 : vector<16xf32>
        %mul3A_801 = arith.constant 0.997030973 : f32
        %mul3A_802 = vector.broadcast %mul3A_801 : f32 to vector<16xf32>
        %mul3A_803 = arith.mulf %abs3A_800, %mul3A_802 : vector<16xf32>
        %bitcast_convert_type3A_804 = tpu.bitcast %mul3A_803 : vector<16xf32> -> vector<16xi32>
        %and3A_805 = arith.constant -32 : i32
        %and3A_806 = vector.broadcast %and3A_805 : i32 to vector<16xi32>
        %and3A_807 = arith.andi %bitcast_convert_type3A_804, %and3A_806 : vector<16xi32>
        %or3A_808 = arith.constant 20 : i32
        %or3A_809 = vector.broadcast %or3A_808 : i32 to vector<16xi32>
        %or3A_810 = arith.ori %and3A_807, %or3A_809 : vector<16xi32>
        %and3A_811 = arith.constant -32 : i32
        %and3A_812 = vector.broadcast %and3A_811 : i32 to vector<16xi32>
        %and3A_813 = arith.andi %get3A_476, %and3A_812 : vector<16xi32>
        %bitcast_convert_type3A_814 = tpu.bitcast %and3A_813 : vector<16xi32> -> vector<16xf32>
        %sub3A_815 = arith.subf %bitcast_convert_type3A_814, %get3A_366 : vector<16xf32>
        %abs3A_816 = math.absf %sub3A_815 : vector<16xf32>
        %mul3A_817 = arith.constant 0.986693799 : f32
        %mul3A_818 = vector.broadcast %mul3A_817 : f32 to vector<16xf32>
        %mul3A_819 = arith.mulf %abs3A_816, %mul3A_818 : vector<16xf32>
        %bitcast_convert_type3A_820 = tpu.bitcast %mul3A_819 : vector<16xf32> -> vector<16xi32>
        %and3A_821 = arith.constant -32 : i32
        %and3A_822 = vector.broadcast %and3A_821 : i32 to vector<16xi32>
        %and3A_823 = arith.andi %bitcast_convert_type3A_820, %and3A_822 : vector<16xi32>
        %or3A_824 = arith.constant 21 : i32
        %or3A_825 = vector.broadcast %or3A_824 : i32 to vector<16xi32>
        %or3A_826 = arith.ori %and3A_823, %or3A_825 : vector<16xi32>
        %and3A_827 = arith.constant -32 : i32
        %and3A_828 = vector.broadcast %and3A_827 : i32 to vector<16xi32>
        %and3A_829 = arith.andi %get3A_481, %and3A_828 : vector<16xi32>
        %bitcast_convert_type3A_830 = tpu.bitcast %and3A_829 : vector<16xi32> -> vector<16xf32>
        %sub3A_831 = arith.subf %bitcast_convert_type3A_830, %get3A_366 : vector<16xf32>
        %abs3A_832 = math.absf %sub3A_831 : vector<16xf32>
        %mul3A_833 = arith.constant 0.978061795 : f32
        %mul3A_834 = vector.broadcast %mul3A_833 : f32 to vector<16xf32>
        %mul3A_835 = arith.mulf %abs3A_832, %mul3A_834 : vector<16xf32>
        %bitcast_convert_type3A_836 = tpu.bitcast %mul3A_835 : vector<16xf32> -> vector<16xi32>
        %and3A_837 = arith.constant -32 : i32
        %and3A_838 = vector.broadcast %and3A_837 : i32 to vector<16xi32>
        %and3A_839 = arith.andi %bitcast_convert_type3A_836, %and3A_838 : vector<16xi32>
        %or3A_840 = arith.constant 22 : i32
        %or3A_841 = vector.broadcast %or3A_840 : i32 to vector<16xi32>
        %or3A_842 = arith.ori %and3A_839, %or3A_841 : vector<16xi32>
        %and3A_843 = arith.constant -32 : i32
        %and3A_844 = vector.broadcast %and3A_843 : i32 to vector<16xi32>
        %and3A_845 = arith.andi %get3A_486, %and3A_844 : vector<16xi32>
        %bitcast_convert_type3A_846 = tpu.bitcast %and3A_845 : vector<16xi32> -> vector<16xf32>
        %sub3A_847 = arith.subf %bitcast_convert_type3A_846, %get3A_366 : vector<16xf32>
        %abs3A_848 = math.absf %sub3A_847 : vector<16xf32>
        %mul3A_849 = arith.constant 0.986693799 : f32
        %mul3A_850 = vector.broadcast %mul3A_849 : f32 to vector<16xf32>
        %mul3A_851 = arith.mulf %abs3A_848, %mul3A_850 : vector<16xf32>
        %bitcast_convert_type3A_852 = tpu.bitcast %mul3A_851 : vector<16xf32> -> vector<16xi32>
        %and3A_853 = arith.constant -32 : i32
        %and3A_854 = vector.broadcast %and3A_853 : i32 to vector<16xi32>
        %and3A_855 = arith.andi %bitcast_convert_type3A_852, %and3A_854 : vector<16xi32>
        %or3A_856 = arith.constant 23 : i32
        %or3A_857 = vector.broadcast %or3A_856 : i32 to vector<16xi32>
        %or3A_858 = arith.ori %and3A_855, %or3A_857 : vector<16xi32>
        %and3A_859 = arith.constant -32 : i32
        %and3A_860 = vector.broadcast %and3A_859 : i32 to vector<16xi32>
        %and3A_861 = arith.andi %get3A_491, %and3A_860 : vector<16xi32>
        %bitcast_convert_type3A_862 = tpu.bitcast %and3A_861 : vector<16xi32> -> vector<16xf32>
        %sub3A_863 = arith.subf %bitcast_convert_type3A_862, %get3A_366 : vector<16xf32>
        %abs3A_864 = math.absf %sub3A_863 : vector<16xf32>
        %mul3A_865 = arith.constant 0.997030973 : f32
        %mul3A_866 = vector.broadcast %mul3A_865 : f32 to vector<16xf32>
        %mul3A_867 = arith.mulf %abs3A_864, %mul3A_866 : vector<16xf32>
        %bitcast_convert_type3A_868 = tpu.bitcast %mul3A_867 : vector<16xf32> -> vector<16xi32>
        %and3A_869 = arith.constant -32 : i32
        %and3A_870 = vector.broadcast %and3A_869 : i32 to vector<16xi32>
        %and3A_871 = arith.andi %bitcast_convert_type3A_868, %and3A_870 : vector<16xi32>
        %or3A_872 = arith.constant 24 : i32
        %or3A_873 = vector.broadcast %or3A_872 : i32 to vector<16xi32>
        %or3A_874 = arith.ori %and3A_871, %or3A_873 : vector<16xi32>
        %min3A = arith.minsi %or3A_502, %or3A_550 : vector<16xi32>
        %max3A = arith.maxsi %or3A_502, %or3A_550 : vector<16xi32>
        %min3A_875 = arith.minsi %or3A_518, %or3A_566 : vector<16xi32>
        %max3A_876 = arith.maxsi %or3A_518, %or3A_566 : vector<16xi32>
        %min3A_877 = arith.minsi %min3A, %or3A_534 : vector<16xi32>
        %max3A_878 = arith.maxsi %min3A, %or3A_534 : vector<16xi32>
        %min3A_879 = arith.minsi %min3A_875, %max3A : vector<16xi32>
        %max3A_880 = arith.maxsi %min3A_875, %max3A : vector<16xi32>
        %min3A_881 = arith.minsi %min3A_877, %min3A_879 : vector<16xi32>
        %max3A_882 = arith.maxsi %min3A_877, %min3A_879 : vector<16xi32>
        %min3A_883 = arith.minsi %max3A_878, %max3A_876 : vector<16xi32>
        %max3A_884 = arith.maxsi %max3A_878, %max3A_876 : vector<16xi32>
        %min3A_885 = arith.minsi %max3A_882, %min3A_883 : vector<16xi32>
        %max3A_886 = arith.maxsi %max3A_882, %min3A_883 : vector<16xi32>
        %min3A_887 = arith.minsi %max3A_880, %max3A_884 : vector<16xi32>
        %max3A_888 = arith.maxsi %max3A_880, %max3A_884 : vector<16xi32>
        %min3A_889 = arith.minsi %max3A_886, %min3A_887 : vector<16xi32>
        %max3A_890 = arith.maxsi %max3A_886, %min3A_887 : vector<16xi32>
        %min3A_891 = arith.minsi %or3A_582, %or3A_630 : vector<16xi32>
        %max3A_892 = arith.maxsi %or3A_582, %or3A_630 : vector<16xi32>
        %min3A_893 = arith.minsi %or3A_598, %or3A_646 : vector<16xi32>
        %max3A_894 = arith.maxsi %or3A_598, %or3A_646 : vector<16xi32>
        %min3A_895 = arith.minsi %min3A_891, %or3A_614 : vector<16xi32>
        %max3A_896 = arith.maxsi %min3A_891, %or3A_614 : vector<16xi32>
        %min3A_897 = arith.minsi %min3A_893, %max3A_892 : vector<16xi32>
        %max3A_898 = arith.maxsi %min3A_893, %max3A_892 : vector<16xi32>
        %min3A_899 = arith.minsi %min3A_895, %min3A_897 : vector<16xi32>
        %max3A_900 = arith.maxsi %min3A_895, %min3A_897 : vector<16xi32>
        %min3A_901 = arith.minsi %max3A_896, %max3A_894 : vector<16xi32>
        %max3A_902 = arith.maxsi %max3A_896, %max3A_894 : vector<16xi32>
        %min3A_903 = arith.minsi %max3A_900, %min3A_901 : vector<16xi32>
        %max3A_904 = arith.maxsi %max3A_900, %min3A_901 : vector<16xi32>
        %min3A_905 = arith.minsi %max3A_898, %max3A_902 : vector<16xi32>
        %max3A_906 = arith.maxsi %max3A_898, %max3A_902 : vector<16xi32>
        %min3A_907 = arith.minsi %max3A_904, %min3A_905 : vector<16xi32>
        %max3A_908 = arith.maxsi %max3A_904, %min3A_905 : vector<16xi32>
        %min3A_909 = arith.minsi %or3A_662, %or3A_698 : vector<16xi32>
        %max3A_910 = arith.maxsi %or3A_662, %or3A_698 : vector<16xi32>
        %min3A_911 = arith.minsi %or3A_678, %or3A_714 : vector<16xi32>
        %max3A_912 = arith.maxsi %or3A_678, %or3A_714 : vector<16xi32>
        %min3A_913 = arith.minsi %min3A_909, %or3A_682 : vector<16xi32>
        %max3A_914 = arith.maxsi %min3A_909, %or3A_682 : vector<16xi32>
        %min3A_915 = arith.minsi %min3A_911, %max3A_910 : vector<16xi32>
        %max3A_916 = arith.maxsi %min3A_911, %max3A_910 : vector<16xi32>
        %min3A_917 = arith.minsi %min3A_913, %min3A_915 : vector<16xi32>
        %max3A_918 = arith.maxsi %min3A_913, %min3A_915 : vector<16xi32>
        %min3A_919 = arith.minsi %max3A_914, %max3A_912 : vector<16xi32>
        %max3A_920 = arith.maxsi %max3A_914, %max3A_912 : vector<16xi32>
        %min3A_921 = arith.minsi %max3A_918, %min3A_919 : vector<16xi32>
        %max3A_922 = arith.maxsi %max3A_918, %min3A_919 : vector<16xi32>
        %min3A_923 = arith.minsi %max3A_916, %max3A_920 : vector<16xi32>
        %max3A_924 = arith.maxsi %max3A_916, %max3A_920 : vector<16xi32>
        %min3A_925 = arith.minsi %max3A_922, %min3A_923 : vector<16xi32>
        %max3A_926 = arith.maxsi %max3A_922, %min3A_923 : vector<16xi32>
        %min3A_927 = arith.minsi %or3A_730, %or3A_778 : vector<16xi32>
        %max3A_928 = arith.maxsi %or3A_730, %or3A_778 : vector<16xi32>
        %min3A_929 = arith.minsi %or3A_746, %or3A_794 : vector<16xi32>
        %max3A_930 = arith.maxsi %or3A_746, %or3A_794 : vector<16xi32>
        %min3A_931 = arith.minsi %min3A_927, %or3A_762 : vector<16xi32>
        %max3A_932 = arith.maxsi %min3A_927, %or3A_762 : vector<16xi32>
        %min3A_933 = arith.minsi %min3A_929, %max3A_928 : vector<16xi32>
        %max3A_934 = arith.maxsi %min3A_929, %max3A_928 : vector<16xi32>
        %min3A_935 = arith.minsi %min3A_931, %min3A_933 : vector<16xi32>
        %max3A_936 = arith.maxsi %min3A_931, %min3A_933 : vector<16xi32>
        %min3A_937 = arith.minsi %max3A_932, %max3A_930 : vector<16xi32>
        %max3A_938 = arith.maxsi %max3A_932, %max3A_930 : vector<16xi32>
        %min3A_939 = arith.minsi %max3A_936, %min3A_937 : vector<16xi32>
        %max3A_940 = arith.maxsi %max3A_936, %min3A_937 : vector<16xi32>
        %min3A_941 = arith.minsi %max3A_934, %max3A_938 : vector<16xi32>
        %max3A_942 = arith.maxsi %max3A_934, %max3A_938 : vector<16xi32>
        %min3A_943 = arith.minsi %max3A_940, %min3A_941 : vector<16xi32>
        %max3A_944 = arith.maxsi %max3A_940, %min3A_941 : vector<16xi32>
        %min3A_945 = arith.minsi %or3A_810, %or3A_858 : vector<16xi32>
        %max3A_946 = arith.maxsi %or3A_810, %or3A_858 : vector<16xi32>
        %min3A_947 = arith.minsi %or3A_826, %or3A_874 : vector<16xi32>
        %max3A_948 = arith.maxsi %or3A_826, %or3A_874 : vector<16xi32>
        %min3A_949 = arith.minsi %min3A_945, %or3A_842 : vector<16xi32>
        %max3A_950 = arith.maxsi %min3A_945, %or3A_842 : vector<16xi32>
        %min3A_951 = arith.minsi %min3A_947, %max3A_946 : vector<16xi32>
        %max3A_952 = arith.maxsi %min3A_947, %max3A_946 : vector<16xi32>
        %min3A_953 = arith.minsi %min3A_949, %min3A_951 : vector<16xi32>
        %max3A_954 = arith.maxsi %min3A_949, %min3A_951 : vector<16xi32>
        %min3A_955 = arith.minsi %max3A_950, %max3A_948 : vector<16xi32>
        %max3A_956 = arith.maxsi %max3A_950, %max3A_948 : vector<16xi32>
        %min3A_957 = arith.minsi %max3A_954, %min3A_955 : vector<16xi32>
        %max3A_958 = arith.maxsi %max3A_954, %min3A_955 : vector<16xi32>
        %min3A_959 = arith.minsi %max3A_952, %max3A_956 : vector<16xi32>
        %max3A_960 = arith.maxsi %max3A_952, %max3A_956 : vector<16xi32>
        %min3A_961 = arith.minsi %max3A_958, %min3A_959 : vector<16xi32>
        %max3A_962 = arith.maxsi %max3A_958, %min3A_959 : vector<16xi32>
        %min3A_963 = arith.minsi %min3A_881, %max3A_906 : vector<16xi32>
        %min3A_964 = arith.minsi %min3A_885, %max3A_908 : vector<16xi32>
        %min3A_965 = arith.minsi %min3A_889, %min3A_907 : vector<16xi32>
        %min3A_966 = arith.minsi %max3A_890, %min3A_903 : vector<16xi32>
        %min3A_967 = arith.minsi %max3A_888, %min3A_899 : vector<16xi32>
        %min3A_968 = arith.minsi %min3A_963, %min3A_966 : vector<16xi32>
        %max3A_969 = arith.maxsi %min3A_963, %min3A_966 : vector<16xi32>
        %min3A_970 = arith.minsi %min3A_964, %min3A_967 : vector<16xi32>
        %max3A_971 = arith.maxsi %min3A_964, %min3A_967 : vector<16xi32>
        %min3A_972 = arith.minsi %min3A_968, %min3A_965 : vector<16xi32>
        %max3A_973 = arith.maxsi %min3A_968, %min3A_965 : vector<16xi32>
        %min3A_974 = arith.minsi %min3A_970, %max3A_969 : vector<16xi32>
        %max3A_975 = arith.maxsi %min3A_970, %max3A_969 : vector<16xi32>
        %min3A_976 = arith.minsi %min3A_972, %min3A_974 : vector<16xi32>
        %max3A_977 = arith.maxsi %min3A_972, %min3A_974 : vector<16xi32>
        %min3A_978 = arith.minsi %max3A_973, %max3A_971 : vector<16xi32>
        %max3A_979 = arith.maxsi %max3A_973, %max3A_971 : vector<16xi32>
        %min3A_980 = arith.minsi %max3A_977, %min3A_978 : vector<16xi32>
        %max3A_981 = arith.maxsi %max3A_977, %min3A_978 : vector<16xi32>
        %min3A_982 = arith.minsi %max3A_975, %max3A_979 : vector<16xi32>
        %max3A_983 = arith.maxsi %max3A_975, %max3A_979 : vector<16xi32>
        %min3A_984 = arith.minsi %max3A_981, %min3A_982 : vector<16xi32>
        %max3A_985 = arith.maxsi %max3A_981, %min3A_982 : vector<16xi32>
        %min3A_986 = arith.minsi %min3A_976, %max3A_924 : vector<16xi32>
        %min3A_987 = arith.minsi %min3A_980, %max3A_926 : vector<16xi32>
        %min3A_988 = arith.minsi %min3A_984, %min3A_925 : vector<16xi32>
        %min3A_989 = arith.minsi %max3A_985, %min3A_921 : vector<16xi32>
        %min3A_990 = arith.minsi %max3A_983, %min3A_917 : vector<16xi32>
        %min3A_991 = arith.minsi %min3A_986, %min3A_989 : vector<16xi32>
        %max3A_992 = arith.maxsi %min3A_986, %min3A_989 : vector<16xi32>
        %min3A_993 = arith.minsi %min3A_987, %min3A_990 : vector<16xi32>
        %max3A_994 = arith.maxsi %min3A_987, %min3A_990 : vector<16xi32>
        %min3A_995 = arith.minsi %min3A_991, %min3A_988 : vector<16xi32>
        %max3A_996 = arith.maxsi %min3A_991, %min3A_988 : vector<16xi32>
        %min3A_997 = arith.minsi %min3A_993, %max3A_992 : vector<16xi32>
        %max3A_998 = arith.maxsi %min3A_993, %max3A_992 : vector<16xi32>
        %min3A_999 = arith.minsi %min3A_995, %min3A_997 : vector<16xi32>
        %max3A_1000 = arith.maxsi %min3A_995, %min3A_997 : vector<16xi32>
        %min3A_1001 = arith.minsi %max3A_996, %max3A_994 : vector<16xi32>
        %max3A_1002 = arith.maxsi %max3A_996, %max3A_994 : vector<16xi32>
        %min3A_1003 = arith.minsi %max3A_1000, %min3A_1001 : vector<16xi32>
        %max3A_1004 = arith.maxsi %max3A_1000, %min3A_1001 : vector<16xi32>
        %min3A_1005 = arith.minsi %max3A_998, %max3A_1002 : vector<16xi32>
        %max3A_1006 = arith.maxsi %max3A_998, %max3A_1002 : vector<16xi32>
        %min3A_1007 = arith.minsi %max3A_1004, %min3A_1005 : vector<16xi32>
        %max3A_1008 = arith.maxsi %max3A_1004, %min3A_1005 : vector<16xi32>
        %min3A_1009 = arith.minsi %min3A_999, %max3A_942 : vector<16xi32>
        %min3A_1010 = arith.minsi %min3A_1003, %max3A_944 : vector<16xi32>
        %min3A_1011 = arith.minsi %min3A_1007, %min3A_943 : vector<16xi32>
        %min3A_1012 = arith.minsi %max3A_1008, %min3A_939 : vector<16xi32>
        %min3A_1013 = arith.minsi %max3A_1006, %min3A_935 : vector<16xi32>
        %min3A_1014 = arith.minsi %min3A_1009, %min3A_1012 : vector<16xi32>
        %max3A_1015 = arith.maxsi %min3A_1009, %min3A_1012 : vector<16xi32>
        %min3A_1016 = arith.minsi %min3A_1010, %min3A_1013 : vector<16xi32>
        %max3A_1017 = arith.maxsi %min3A_1010, %min3A_1013 : vector<16xi32>
        %min3A_1018 = arith.minsi %min3A_1014, %min3A_1011 : vector<16xi32>
        %max3A_1019 = arith.maxsi %min3A_1014, %min3A_1011 : vector<16xi32>
        %min3A_1020 = arith.minsi %min3A_1016, %max3A_1015 : vector<16xi32>
        %max3A_1021 = arith.maxsi %min3A_1016, %max3A_1015 : vector<16xi32>
        %min3A_1022 = arith.minsi %min3A_1018, %min3A_1020 : vector<16xi32>
        %max3A_1023 = arith.maxsi %min3A_1018, %min3A_1020 : vector<16xi32>
        %min3A_1024 = arith.minsi %max3A_1019, %max3A_1017 : vector<16xi32>
        %max3A_1025 = arith.maxsi %max3A_1019, %max3A_1017 : vector<16xi32>
        %min3A_1026 = arith.minsi %max3A_1023, %min3A_1024 : vector<16xi32>
        %max3A_1027 = arith.maxsi %max3A_1023, %min3A_1024 : vector<16xi32>
        %min3A_1028 = arith.minsi %max3A_1021, %max3A_1025 : vector<16xi32>
        %max3A_1029 = arith.maxsi %max3A_1021, %max3A_1025 : vector<16xi32>
        %min3A_1030 = arith.minsi %max3A_1027, %min3A_1028 : vector<16xi32>
        %max3A_1031 = arith.maxsi %max3A_1027, %min3A_1028 : vector<16xi32>
        %min3A_1032 = arith.minsi %min3A_1022, %max3A_960 : vector<16xi32>
        %min3A_1033 = arith.minsi %min3A_1026, %max3A_962 : vector<16xi32>
        %min3A_1034 = arith.minsi %min3A_1030, %min3A_961 : vector<16xi32>
        %min3A_1035 = arith.minsi %max3A_1031, %min3A_957 : vector<16xi32>
        %min3A_1036 = arith.minsi %max3A_1029, %min3A_953 : vector<16xi32>
        %and3A_1037 = arith.constant 31 : i32
        %and3A_1038 = vector.broadcast %and3A_1037 : i32 to vector<16xi32>
        %and3A_1039 = arith.andi %min3A_1032, %and3A_1038 : vector<16xi32>
        %eq3A_1040 = arith.constant 1 : i32
        %eq3A_1041 = vector.broadcast %eq3A_1040 : i32 to vector<16xi32>
        %eq3A_1042 = arith.cmpi eq, %and3A_1039, %eq3A_1041 : vector<16xi32>
        %select_n3A = arith.select %eq3A_1042, %get3A_376, %get3A_371 : vector<16xi1>, vector<16xi32>
        %eq3A_1043 = arith.constant 2 : i32
        %eq3A_1044 = vector.broadcast %eq3A_1043 : i32 to vector<16xi32>
        %eq3A_1045 = arith.cmpi eq, %and3A_1039, %eq3A_1044 : vector<16xi32>
        %select_n3A_1046 = arith.select %eq3A_1045, %get3A_381, %select_n3A : vector<16xi1>, vector<16xi32>
        %eq3A_1047 = arith.constant 3 : i32
        %eq3A_1048 = vector.broadcast %eq3A_1047 : i32 to vector<16xi32>
        %eq3A_1049 = arith.cmpi eq, %and3A_1039, %eq3A_1048 : vector<16xi32>
        %select_n3A_1050 = arith.select %eq3A_1049, %get3A_386, %select_n3A_1046 : vector<16xi1>, vector<16xi32>
        %eq3A_1051 = arith.constant 4 : i32
        %eq3A_1052 = vector.broadcast %eq3A_1051 : i32 to vector<16xi32>
        %eq3A_1053 = arith.cmpi eq, %and3A_1039, %eq3A_1052 : vector<16xi32>
        %select_n3A_1054 = arith.select %eq3A_1053, %get3A_391, %select_n3A_1050 : vector<16xi1>, vector<16xi32>
        %eq3A_1055 = arith.constant 5 : i32
        %eq3A_1056 = vector.broadcast %eq3A_1055 : i32 to vector<16xi32>
        %eq3A_1057 = arith.cmpi eq, %and3A_1039, %eq3A_1056 : vector<16xi32>
        %select_n3A_1058 = arith.select %eq3A_1057, %get3A_396, %select_n3A_1054 : vector<16xi1>, vector<16xi32>
        %eq3A_1059 = arith.constant 6 : i32
        %eq3A_1060 = vector.broadcast %eq3A_1059 : i32 to vector<16xi32>
        %eq3A_1061 = arith.cmpi eq, %and3A_1039, %eq3A_1060 : vector<16xi32>
        %select_n3A_1062 = arith.select %eq3A_1061, %get3A_401, %select_n3A_1058 : vector<16xi1>, vector<16xi32>
        %eq3A_1063 = arith.constant 7 : i32
        %eq3A_1064 = vector.broadcast %eq3A_1063 : i32 to vector<16xi32>
        %eq3A_1065 = arith.cmpi eq, %and3A_1039, %eq3A_1064 : vector<16xi32>
        %select_n3A_1066 = arith.select %eq3A_1065, %get3A_406, %select_n3A_1062 : vector<16xi1>, vector<16xi32>
        %eq3A_1067 = arith.constant 8 : i32
        %eq3A_1068 = vector.broadcast %eq3A_1067 : i32 to vector<16xi32>
        %eq3A_1069 = arith.cmpi eq, %and3A_1039, %eq3A_1068 : vector<16xi32>
        %select_n3A_1070 = arith.select %eq3A_1069, %get3A_411, %select_n3A_1066 : vector<16xi1>, vector<16xi32>
        %eq3A_1071 = arith.constant 9 : i32
        %eq3A_1072 = vector.broadcast %eq3A_1071 : i32 to vector<16xi32>
        %eq3A_1073 = arith.cmpi eq, %and3A_1039, %eq3A_1072 : vector<16xi32>
        %select_n3A_1074 = arith.select %eq3A_1073, %get3A_416, %select_n3A_1070 : vector<16xi1>, vector<16xi32>
        %eq3A_1075 = arith.constant 10 : i32
        %eq3A_1076 = vector.broadcast %eq3A_1075 : i32 to vector<16xi32>
        %eq3A_1077 = arith.cmpi eq, %and3A_1039, %eq3A_1076 : vector<16xi32>
        %select_n3A_1078 = arith.select %eq3A_1077, %get3A_421, %select_n3A_1074 : vector<16xi1>, vector<16xi32>
        %eq3A_1079 = arith.constant 11 : i32
        %eq3A_1080 = vector.broadcast %eq3A_1079 : i32 to vector<16xi32>
        %eq3A_1081 = arith.cmpi eq, %and3A_1039, %eq3A_1080 : vector<16xi32>
        %select_n3A_1082 = arith.select %eq3A_1081, %get3A_426, %select_n3A_1078 : vector<16xi1>, vector<16xi32>
        %eq3A_1083 = arith.constant 12 : i32
        %eq3A_1084 = vector.broadcast %eq3A_1083 : i32 to vector<16xi32>
        %eq3A_1085 = arith.cmpi eq, %and3A_1039, %eq3A_1084 : vector<16xi32>
        %select_n3A_1086 = arith.select %eq3A_1085, %get3A_431, %select_n3A_1082 : vector<16xi1>, vector<16xi32>
        %eq3A_1087 = arith.constant 13 : i32
        %eq3A_1088 = vector.broadcast %eq3A_1087 : i32 to vector<16xi32>
        %eq3A_1089 = arith.cmpi eq, %and3A_1039, %eq3A_1088 : vector<16xi32>
        %select_n3A_1090 = arith.select %eq3A_1089, %get3A_436, %select_n3A_1086 : vector<16xi1>, vector<16xi32>
        %eq3A_1091 = arith.constant 14 : i32
        %eq3A_1092 = vector.broadcast %eq3A_1091 : i32 to vector<16xi32>
        %eq3A_1093 = arith.cmpi eq, %and3A_1039, %eq3A_1092 : vector<16xi32>
        %select_n3A_1094 = arith.select %eq3A_1093, %get3A_441, %select_n3A_1090 : vector<16xi1>, vector<16xi32>
        %eq3A_1095 = arith.constant 15 : i32
        %eq3A_1096 = vector.broadcast %eq3A_1095 : i32 to vector<16xi32>
        %eq3A_1097 = arith.cmpi eq, %and3A_1039, %eq3A_1096 : vector<16xi32>
        %select_n3A_1098 = arith.select %eq3A_1097, %get3A_446, %select_n3A_1094 : vector<16xi1>, vector<16xi32>
        %eq3A_1099 = arith.constant 16 : i32
        %eq3A_1100 = vector.broadcast %eq3A_1099 : i32 to vector<16xi32>
        %eq3A_1101 = arith.cmpi eq, %and3A_1039, %eq3A_1100 : vector<16xi32>
        %select_n3A_1102 = arith.select %eq3A_1101, %get3A_451, %select_n3A_1098 : vector<16xi1>, vector<16xi32>
        %eq3A_1103 = arith.constant 17 : i32
        %eq3A_1104 = vector.broadcast %eq3A_1103 : i32 to vector<16xi32>
        %eq3A_1105 = arith.cmpi eq, %and3A_1039, %eq3A_1104 : vector<16xi32>
        %select_n3A_1106 = arith.select %eq3A_1105, %get3A_456, %select_n3A_1102 : vector<16xi1>, vector<16xi32>
        %eq3A_1107 = arith.constant 18 : i32
        %eq3A_1108 = vector.broadcast %eq3A_1107 : i32 to vector<16xi32>
        %eq3A_1109 = arith.cmpi eq, %and3A_1039, %eq3A_1108 : vector<16xi32>
        %select_n3A_1110 = arith.select %eq3A_1109, %get3A_461, %select_n3A_1106 : vector<16xi1>, vector<16xi32>
        %eq3A_1111 = arith.constant 19 : i32
        %eq3A_1112 = vector.broadcast %eq3A_1111 : i32 to vector<16xi32>
        %eq3A_1113 = arith.cmpi eq, %and3A_1039, %eq3A_1112 : vector<16xi32>
        %select_n3A_1114 = arith.select %eq3A_1113, %get3A_466, %select_n3A_1110 : vector<16xi1>, vector<16xi32>
        %eq3A_1115 = arith.constant 20 : i32
        %eq3A_1116 = vector.broadcast %eq3A_1115 : i32 to vector<16xi32>
        %eq3A_1117 = arith.cmpi eq, %and3A_1039, %eq3A_1116 : vector<16xi32>
        %select_n3A_1118 = arith.select %eq3A_1117, %get3A_471, %select_n3A_1114 : vector<16xi1>, vector<16xi32>
        %eq3A_1119 = arith.constant 21 : i32
        %eq3A_1120 = vector.broadcast %eq3A_1119 : i32 to vector<16xi32>
        %eq3A_1121 = arith.cmpi eq, %and3A_1039, %eq3A_1120 : vector<16xi32>
        %select_n3A_1122 = arith.select %eq3A_1121, %get3A_476, %select_n3A_1118 : vector<16xi1>, vector<16xi32>
        %eq3A_1123 = arith.constant 22 : i32
        %eq3A_1124 = vector.broadcast %eq3A_1123 : i32 to vector<16xi32>
        %eq3A_1125 = arith.cmpi eq, %and3A_1039, %eq3A_1124 : vector<16xi32>
        %select_n3A_1126 = arith.select %eq3A_1125, %get3A_481, %select_n3A_1122 : vector<16xi1>, vector<16xi32>
        %eq3A_1127 = arith.constant 23 : i32
        %eq3A_1128 = vector.broadcast %eq3A_1127 : i32 to vector<16xi32>
        %eq3A_1129 = arith.cmpi eq, %and3A_1039, %eq3A_1128 : vector<16xi32>
        %select_n3A_1130 = arith.select %eq3A_1129, %get3A_486, %select_n3A_1126 : vector<16xi1>, vector<16xi32>
        %eq3A_1131 = arith.constant 24 : i32
        %eq3A_1132 = vector.broadcast %eq3A_1131 : i32 to vector<16xi32>
        %eq3A_1133 = arith.cmpi eq, %and3A_1039, %eq3A_1132 : vector<16xi32>
        %select_n3A_1134 = arith.select %eq3A_1133, %get3A_491, %select_n3A_1130 : vector<16xi1>, vector<16xi32>
        %and3A_1135 = arith.constant 31 : i32
        %and3A_1136 = vector.broadcast %and3A_1135 : i32 to vector<16xi32>
        %and3A_1137 = arith.andi %select_n3A_1134, %and3A_1136 : vector<16xi32>
        %and3A_1138 = arith.constant -32 : i32
        %and3A_1139 = vector.broadcast %and3A_1138 : i32 to vector<16xi32>
        %and3A_1140 = arith.andi %min3A_1032, %and3A_1139 : vector<16xi32>
        %bitcast_convert_type3A_1141 = tpu.bitcast %and3A_1140 : vector<16xi32> -> vector<16xf32>
        %gt3A = arith.constant 1.000000e+00 : f32
        %gt3A_1142 = vector.broadcast %gt3A : f32 to vector<16xf32>
        %gt3A_1143 = arith.cmpf ogt, %bitcast_convert_type3A_1141, %gt3A_1142 : vector<16xf32>
        %jit3A = arith.constant 20 : i32
        %broadcast_in_dim3A_1144 = vector.broadcast %jit3A : i32 to vector<16xi32>
        %select_n3A_1145 = arith.select %gt3A_1143, %broadcast_in_dim3A_1144, %and3A_1137 : vector<16xi1>, vector<16xi32>
        %and3A_1146 = arith.constant 31 : i32
        %and3A_1147 = vector.broadcast %and3A_1146 : i32 to vector<16xi32>
        %and3A_1148 = arith.andi %min3A_1033, %and3A_1147 : vector<16xi32>
        %eq3A_1149 = arith.constant 1 : i32
        %eq3A_1150 = vector.broadcast %eq3A_1149 : i32 to vector<16xi32>
        %eq3A_1151 = arith.cmpi eq, %and3A_1148, %eq3A_1150 : vector<16xi32>
        %select_n3A_1152 = arith.select %eq3A_1151, %get3A_376, %get3A_371 : vector<16xi1>, vector<16xi32>
        %eq3A_1153 = arith.constant 2 : i32
        %eq3A_1154 = vector.broadcast %eq3A_1153 : i32 to vector<16xi32>
        %eq3A_1155 = arith.cmpi eq, %and3A_1148, %eq3A_1154 : vector<16xi32>
        %select_n3A_1156 = arith.select %eq3A_1155, %get3A_381, %select_n3A_1152 : vector<16xi1>, vector<16xi32>
        %eq3A_1157 = arith.constant 3 : i32
        %eq3A_1158 = vector.broadcast %eq3A_1157 : i32 to vector<16xi32>
        %eq3A_1159 = arith.cmpi eq, %and3A_1148, %eq3A_1158 : vector<16xi32>
        %select_n3A_1160 = arith.select %eq3A_1159, %get3A_386, %select_n3A_1156 : vector<16xi1>, vector<16xi32>
        %eq3A_1161 = arith.constant 4 : i32
        %eq3A_1162 = vector.broadcast %eq3A_1161 : i32 to vector<16xi32>
        %eq3A_1163 = arith.cmpi eq, %and3A_1148, %eq3A_1162 : vector<16xi32>
        %select_n3A_1164 = arith.select %eq3A_1163, %get3A_391, %select_n3A_1160 : vector<16xi1>, vector<16xi32>
        %eq3A_1165 = arith.constant 5 : i32
        %eq3A_1166 = vector.broadcast %eq3A_1165 : i32 to vector<16xi32>
        %eq3A_1167 = arith.cmpi eq, %and3A_1148, %eq3A_1166 : vector<16xi32>
        %select_n3A_1168 = arith.select %eq3A_1167, %get3A_396, %select_n3A_1164 : vector<16xi1>, vector<16xi32>
        %eq3A_1169 = arith.constant 6 : i32
        %eq3A_1170 = vector.broadcast %eq3A_1169 : i32 to vector<16xi32>
        %eq3A_1171 = arith.cmpi eq, %and3A_1148, %eq3A_1170 : vector<16xi32>
        %select_n3A_1172 = arith.select %eq3A_1171, %get3A_401, %select_n3A_1168 : vector<16xi1>, vector<16xi32>
        %eq3A_1173 = arith.constant 7 : i32
        %eq3A_1174 = vector.broadcast %eq3A_1173 : i32 to vector<16xi32>
        %eq3A_1175 = arith.cmpi eq, %and3A_1148, %eq3A_1174 : vector<16xi32>
        %select_n3A_1176 = arith.select %eq3A_1175, %get3A_406, %select_n3A_1172 : vector<16xi1>, vector<16xi32>
        %eq3A_1177 = arith.constant 8 : i32
        %eq3A_1178 = vector.broadcast %eq3A_1177 : i32 to vector<16xi32>
        %eq3A_1179 = arith.cmpi eq, %and3A_1148, %eq3A_1178 : vector<16xi32>
        %select_n3A_1180 = arith.select %eq3A_1179, %get3A_411, %select_n3A_1176 : vector<16xi1>, vector<16xi32>
        %eq3A_1181 = arith.constant 9 : i32
        %eq3A_1182 = vector.broadcast %eq3A_1181 : i32 to vector<16xi32>
        %eq3A_1183 = arith.cmpi eq, %and3A_1148, %eq3A_1182 : vector<16xi32>
        %select_n3A_1184 = arith.select %eq3A_1183, %get3A_416, %select_n3A_1180 : vector<16xi1>, vector<16xi32>
        %eq3A_1185 = arith.constant 10 : i32
        %eq3A_1186 = vector.broadcast %eq3A_1185 : i32 to vector<16xi32>
        %eq3A_1187 = arith.cmpi eq, %and3A_1148, %eq3A_1186 : vector<16xi32>
        %select_n3A_1188 = arith.select %eq3A_1187, %get3A_421, %select_n3A_1184 : vector<16xi1>, vector<16xi32>
        %eq3A_1189 = arith.constant 11 : i32
        %eq3A_1190 = vector.broadcast %eq3A_1189 : i32 to vector<16xi32>
        %eq3A_1191 = arith.cmpi eq, %and3A_1148, %eq3A_1190 : vector<16xi32>
        %select_n3A_1192 = arith.select %eq3A_1191, %get3A_426, %select_n3A_1188 : vector<16xi1>, vector<16xi32>
        %eq3A_1193 = arith.constant 12 : i32
        %eq3A_1194 = vector.broadcast %eq3A_1193 : i32 to vector<16xi32>
        %eq3A_1195 = arith.cmpi eq, %and3A_1148, %eq3A_1194 : vector<16xi32>
        %select_n3A_1196 = arith.select %eq3A_1195, %get3A_431, %select_n3A_1192 : vector<16xi1>, vector<16xi32>
        %eq3A_1197 = arith.constant 13 : i32
        %eq3A_1198 = vector.broadcast %eq3A_1197 : i32 to vector<16xi32>
        %eq3A_1199 = arith.cmpi eq, %and3A_1148, %eq3A_1198 : vector<16xi32>
        %select_n3A_1200 = arith.select %eq3A_1199, %get3A_436, %select_n3A_1196 : vector<16xi1>, vector<16xi32>
        %eq3A_1201 = arith.constant 14 : i32
        %eq3A_1202 = vector.broadcast %eq3A_1201 : i32 to vector<16xi32>
        %eq3A_1203 = arith.cmpi eq, %and3A_1148, %eq3A_1202 : vector<16xi32>
        %select_n3A_1204 = arith.select %eq3A_1203, %get3A_441, %select_n3A_1200 : vector<16xi1>, vector<16xi32>
        %eq3A_1205 = arith.constant 15 : i32
        %eq3A_1206 = vector.broadcast %eq3A_1205 : i32 to vector<16xi32>
        %eq3A_1207 = arith.cmpi eq, %and3A_1148, %eq3A_1206 : vector<16xi32>
        %select_n3A_1208 = arith.select %eq3A_1207, %get3A_446, %select_n3A_1204 : vector<16xi1>, vector<16xi32>
        %eq3A_1209 = arith.constant 16 : i32
        %eq3A_1210 = vector.broadcast %eq3A_1209 : i32 to vector<16xi32>
        %eq3A_1211 = arith.cmpi eq, %and3A_1148, %eq3A_1210 : vector<16xi32>
        %select_n3A_1212 = arith.select %eq3A_1211, %get3A_451, %select_n3A_1208 : vector<16xi1>, vector<16xi32>
        %eq3A_1213 = arith.constant 17 : i32
        %eq3A_1214 = vector.broadcast %eq3A_1213 : i32 to vector<16xi32>
        %eq3A_1215 = arith.cmpi eq, %and3A_1148, %eq3A_1214 : vector<16xi32>
        %select_n3A_1216 = arith.select %eq3A_1215, %get3A_456, %select_n3A_1212 : vector<16xi1>, vector<16xi32>
        %eq3A_1217 = arith.constant 18 : i32
        %eq3A_1218 = vector.broadcast %eq3A_1217 : i32 to vector<16xi32>
        %eq3A_1219 = arith.cmpi eq, %and3A_1148, %eq3A_1218 : vector<16xi32>
        %select_n3A_1220 = arith.select %eq3A_1219, %get3A_461, %select_n3A_1216 : vector<16xi1>, vector<16xi32>
        %eq3A_1221 = arith.constant 19 : i32
        %eq3A_1222 = vector.broadcast %eq3A_1221 : i32 to vector<16xi32>
        %eq3A_1223 = arith.cmpi eq, %and3A_1148, %eq3A_1222 : vector<16xi32>
        %select_n3A_1224 = arith.select %eq3A_1223, %get3A_466, %select_n3A_1220 : vector<16xi1>, vector<16xi32>
        %eq3A_1225 = arith.constant 20 : i32
        %eq3A_1226 = vector.broadcast %eq3A_1225 : i32 to vector<16xi32>
        %eq3A_1227 = arith.cmpi eq, %and3A_1148, %eq3A_1226 : vector<16xi32>
        %select_n3A_1228 = arith.select %eq3A_1227, %get3A_471, %select_n3A_1224 : vector<16xi1>, vector<16xi32>
        %eq3A_1229 = arith.constant 21 : i32
        %eq3A_1230 = vector.broadcast %eq3A_1229 : i32 to vector<16xi32>
        %eq3A_1231 = arith.cmpi eq, %and3A_1148, %eq3A_1230 : vector<16xi32>
        %select_n3A_1232 = arith.select %eq3A_1231, %get3A_476, %select_n3A_1228 : vector<16xi1>, vector<16xi32>
        %eq3A_1233 = arith.constant 22 : i32
        %eq3A_1234 = vector.broadcast %eq3A_1233 : i32 to vector<16xi32>
        %eq3A_1235 = arith.cmpi eq, %and3A_1148, %eq3A_1234 : vector<16xi32>
        %select_n3A_1236 = arith.select %eq3A_1235, %get3A_481, %select_n3A_1232 : vector<16xi1>, vector<16xi32>
        %eq3A_1237 = arith.constant 23 : i32
        %eq3A_1238 = vector.broadcast %eq3A_1237 : i32 to vector<16xi32>
        %eq3A_1239 = arith.cmpi eq, %and3A_1148, %eq3A_1238 : vector<16xi32>
        %select_n3A_1240 = arith.select %eq3A_1239, %get3A_486, %select_n3A_1236 : vector<16xi1>, vector<16xi32>
        %eq3A_1241 = arith.constant 24 : i32
        %eq3A_1242 = vector.broadcast %eq3A_1241 : i32 to vector<16xi32>
        %eq3A_1243 = arith.cmpi eq, %and3A_1148, %eq3A_1242 : vector<16xi32>
        %select_n3A_1244 = arith.select %eq3A_1243, %get3A_491, %select_n3A_1240 : vector<16xi1>, vector<16xi32>
        %and3A_1245 = arith.constant 31 : i32
        %and3A_1246 = vector.broadcast %and3A_1245 : i32 to vector<16xi32>
        %and3A_1247 = arith.andi %select_n3A_1244, %and3A_1246 : vector<16xi32>
        %and3A_1248 = arith.constant -32 : i32
        %and3A_1249 = vector.broadcast %and3A_1248 : i32 to vector<16xi32>
        %and3A_1250 = arith.andi %min3A_1033, %and3A_1249 : vector<16xi32>
        %bitcast_convert_type3A_1251 = tpu.bitcast %and3A_1250 : vector<16xi32> -> vector<16xf32>
        %gt3A_1252 = arith.constant 1.000000e+00 : f32
        %gt3A_1253 = vector.broadcast %gt3A_1252 : f32 to vector<16xf32>
        %gt3A_1254 = arith.cmpf ogt, %bitcast_convert_type3A_1251, %gt3A_1253 : vector<16xf32>
        %jit3A_1255 = arith.constant 20 : i32
        %broadcast_in_dim3A_1256 = vector.broadcast %jit3A_1255 : i32 to vector<16xi32>
        %select_n3A_1257 = arith.select %gt3A_1254, %broadcast_in_dim3A_1256, %and3A_1247 : vector<16xi1>, vector<16xi32>
        %and3A_1258 = arith.constant 31 : i32
        %and3A_1259 = vector.broadcast %and3A_1258 : i32 to vector<16xi32>
        %and3A_1260 = arith.andi %min3A_1034, %and3A_1259 : vector<16xi32>
        %eq3A_1261 = arith.constant 1 : i32
        %eq3A_1262 = vector.broadcast %eq3A_1261 : i32 to vector<16xi32>
        %eq3A_1263 = arith.cmpi eq, %and3A_1260, %eq3A_1262 : vector<16xi32>
        %select_n3A_1264 = arith.select %eq3A_1263, %get3A_376, %get3A_371 : vector<16xi1>, vector<16xi32>
        %eq3A_1265 = arith.constant 2 : i32
        %eq3A_1266 = vector.broadcast %eq3A_1265 : i32 to vector<16xi32>
        %eq3A_1267 = arith.cmpi eq, %and3A_1260, %eq3A_1266 : vector<16xi32>
        %select_n3A_1268 = arith.select %eq3A_1267, %get3A_381, %select_n3A_1264 : vector<16xi1>, vector<16xi32>
        %eq3A_1269 = arith.constant 3 : i32
        %eq3A_1270 = vector.broadcast %eq3A_1269 : i32 to vector<16xi32>
        %eq3A_1271 = arith.cmpi eq, %and3A_1260, %eq3A_1270 : vector<16xi32>
        %select_n3A_1272 = arith.select %eq3A_1271, %get3A_386, %select_n3A_1268 : vector<16xi1>, vector<16xi32>
        %eq3A_1273 = arith.constant 4 : i32
        %eq3A_1274 = vector.broadcast %eq3A_1273 : i32 to vector<16xi32>
        %eq3A_1275 = arith.cmpi eq, %and3A_1260, %eq3A_1274 : vector<16xi32>
        %select_n3A_1276 = arith.select %eq3A_1275, %get3A_391, %select_n3A_1272 : vector<16xi1>, vector<16xi32>
        %eq3A_1277 = arith.constant 5 : i32
        %eq3A_1278 = vector.broadcast %eq3A_1277 : i32 to vector<16xi32>
        %eq3A_1279 = arith.cmpi eq, %and3A_1260, %eq3A_1278 : vector<16xi32>
        %select_n3A_1280 = arith.select %eq3A_1279, %get3A_396, %select_n3A_1276 : vector<16xi1>, vector<16xi32>
        %eq3A_1281 = arith.constant 6 : i32
        %eq3A_1282 = vector.broadcast %eq3A_1281 : i32 to vector<16xi32>
        %eq3A_1283 = arith.cmpi eq, %and3A_1260, %eq3A_1282 : vector<16xi32>
        %select_n3A_1284 = arith.select %eq3A_1283, %get3A_401, %select_n3A_1280 : vector<16xi1>, vector<16xi32>
        %eq3A_1285 = arith.constant 7 : i32
        %eq3A_1286 = vector.broadcast %eq3A_1285 : i32 to vector<16xi32>
        %eq3A_1287 = arith.cmpi eq, %and3A_1260, %eq3A_1286 : vector<16xi32>
        %select_n3A_1288 = arith.select %eq3A_1287, %get3A_406, %select_n3A_1284 : vector<16xi1>, vector<16xi32>
        %eq3A_1289 = arith.constant 8 : i32
        %eq3A_1290 = vector.broadcast %eq3A_1289 : i32 to vector<16xi32>
        %eq3A_1291 = arith.cmpi eq, %and3A_1260, %eq3A_1290 : vector<16xi32>
        %select_n3A_1292 = arith.select %eq3A_1291, %get3A_411, %select_n3A_1288 : vector<16xi1>, vector<16xi32>
        %eq3A_1293 = arith.constant 9 : i32
        %eq3A_1294 = vector.broadcast %eq3A_1293 : i32 to vector<16xi32>
        %eq3A_1295 = arith.cmpi eq, %and3A_1260, %eq3A_1294 : vector<16xi32>
        %select_n3A_1296 = arith.select %eq3A_1295, %get3A_416, %select_n3A_1292 : vector<16xi1>, vector<16xi32>
        %eq3A_1297 = arith.constant 10 : i32
        %eq3A_1298 = vector.broadcast %eq3A_1297 : i32 to vector<16xi32>
        %eq3A_1299 = arith.cmpi eq, %and3A_1260, %eq3A_1298 : vector<16xi32>
        %select_n3A_1300 = arith.select %eq3A_1299, %get3A_421, %select_n3A_1296 : vector<16xi1>, vector<16xi32>
        %eq3A_1301 = arith.constant 11 : i32
        %eq3A_1302 = vector.broadcast %eq3A_1301 : i32 to vector<16xi32>
        %eq3A_1303 = arith.cmpi eq, %and3A_1260, %eq3A_1302 : vector<16xi32>
        %select_n3A_1304 = arith.select %eq3A_1303, %get3A_426, %select_n3A_1300 : vector<16xi1>, vector<16xi32>
        %eq3A_1305 = arith.constant 12 : i32
        %eq3A_1306 = vector.broadcast %eq3A_1305 : i32 to vector<16xi32>
        %eq3A_1307 = arith.cmpi eq, %and3A_1260, %eq3A_1306 : vector<16xi32>
        %select_n3A_1308 = arith.select %eq3A_1307, %get3A_431, %select_n3A_1304 : vector<16xi1>, vector<16xi32>
        %eq3A_1309 = arith.constant 13 : i32
        %eq3A_1310 = vector.broadcast %eq3A_1309 : i32 to vector<16xi32>
        %eq3A_1311 = arith.cmpi eq, %and3A_1260, %eq3A_1310 : vector<16xi32>
        %select_n3A_1312 = arith.select %eq3A_1311, %get3A_436, %select_n3A_1308 : vector<16xi1>, vector<16xi32>
        %eq3A_1313 = arith.constant 14 : i32
        %eq3A_1314 = vector.broadcast %eq3A_1313 : i32 to vector<16xi32>
        %eq3A_1315 = arith.cmpi eq, %and3A_1260, %eq3A_1314 : vector<16xi32>
        %select_n3A_1316 = arith.select %eq3A_1315, %get3A_441, %select_n3A_1312 : vector<16xi1>, vector<16xi32>
        %eq3A_1317 = arith.constant 15 : i32
        %eq3A_1318 = vector.broadcast %eq3A_1317 : i32 to vector<16xi32>
        %eq3A_1319 = arith.cmpi eq, %and3A_1260, %eq3A_1318 : vector<16xi32>
        %select_n3A_1320 = arith.select %eq3A_1319, %get3A_446, %select_n3A_1316 : vector<16xi1>, vector<16xi32>
        %eq3A_1321 = arith.constant 16 : i32
        %eq3A_1322 = vector.broadcast %eq3A_1321 : i32 to vector<16xi32>
        %eq3A_1323 = arith.cmpi eq, %and3A_1260, %eq3A_1322 : vector<16xi32>
        %select_n3A_1324 = arith.select %eq3A_1323, %get3A_451, %select_n3A_1320 : vector<16xi1>, vector<16xi32>
        %eq3A_1325 = arith.constant 17 : i32
        %eq3A_1326 = vector.broadcast %eq3A_1325 : i32 to vector<16xi32>
        %eq3A_1327 = arith.cmpi eq, %and3A_1260, %eq3A_1326 : vector<16xi32>
        %select_n3A_1328 = arith.select %eq3A_1327, %get3A_456, %select_n3A_1324 : vector<16xi1>, vector<16xi32>
        %eq3A_1329 = arith.constant 18 : i32
        %eq3A_1330 = vector.broadcast %eq3A_1329 : i32 to vector<16xi32>
        %eq3A_1331 = arith.cmpi eq, %and3A_1260, %eq3A_1330 : vector<16xi32>
        %select_n3A_1332 = arith.select %eq3A_1331, %get3A_461, %select_n3A_1328 : vector<16xi1>, vector<16xi32>
        %eq3A_1333 = arith.constant 19 : i32
        %eq3A_1334 = vector.broadcast %eq3A_1333 : i32 to vector<16xi32>
        %eq3A_1335 = arith.cmpi eq, %and3A_1260, %eq3A_1334 : vector<16xi32>
        %select_n3A_1336 = arith.select %eq3A_1335, %get3A_466, %select_n3A_1332 : vector<16xi1>, vector<16xi32>
        %eq3A_1337 = arith.constant 20 : i32
        %eq3A_1338 = vector.broadcast %eq3A_1337 : i32 to vector<16xi32>
        %eq3A_1339 = arith.cmpi eq, %and3A_1260, %eq3A_1338 : vector<16xi32>
        %select_n3A_1340 = arith.select %eq3A_1339, %get3A_471, %select_n3A_1336 : vector<16xi1>, vector<16xi32>
        %eq3A_1341 = arith.constant 21 : i32
        %eq3A_1342 = vector.broadcast %eq3A_1341 : i32 to vector<16xi32>
        %eq3A_1343 = arith.cmpi eq, %and3A_1260, %eq3A_1342 : vector<16xi32>
        %select_n3A_1344 = arith.select %eq3A_1343, %get3A_476, %select_n3A_1340 : vector<16xi1>, vector<16xi32>
        %eq3A_1345 = arith.constant 22 : i32
        %eq3A_1346 = vector.broadcast %eq3A_1345 : i32 to vector<16xi32>
        %eq3A_1347 = arith.cmpi eq, %and3A_1260, %eq3A_1346 : vector<16xi32>
        %select_n3A_1348 = arith.select %eq3A_1347, %get3A_481, %select_n3A_1344 : vector<16xi1>, vector<16xi32>
        %eq3A_1349 = arith.constant 23 : i32
        %eq3A_1350 = vector.broadcast %eq3A_1349 : i32 to vector<16xi32>
        %eq3A_1351 = arith.cmpi eq, %and3A_1260, %eq3A_1350 : vector<16xi32>
        %select_n3A_1352 = arith.select %eq3A_1351, %get3A_486, %select_n3A_1348 : vector<16xi1>, vector<16xi32>
        %eq3A_1353 = arith.constant 24 : i32
        %eq3A_1354 = vector.broadcast %eq3A_1353 : i32 to vector<16xi32>
        %eq3A_1355 = arith.cmpi eq, %and3A_1260, %eq3A_1354 : vector<16xi32>
        %select_n3A_1356 = arith.select %eq3A_1355, %get3A_491, %select_n3A_1352 : vector<16xi1>, vector<16xi32>
        %and3A_1357 = arith.constant 31 : i32
        %and3A_1358 = vector.broadcast %and3A_1357 : i32 to vector<16xi32>
        %and3A_1359 = arith.andi %select_n3A_1356, %and3A_1358 : vector<16xi32>
        %and3A_1360 = arith.constant -32 : i32
        %and3A_1361 = vector.broadcast %and3A_1360 : i32 to vector<16xi32>
        %and3A_1362 = arith.andi %min3A_1034, %and3A_1361 : vector<16xi32>
        %bitcast_convert_type3A_1363 = tpu.bitcast %and3A_1362 : vector<16xi32> -> vector<16xf32>
        %gt3A_1364 = arith.constant 1.000000e+00 : f32
        %gt3A_1365 = vector.broadcast %gt3A_1364 : f32 to vector<16xf32>
        %gt3A_1366 = arith.cmpf ogt, %bitcast_convert_type3A_1363, %gt3A_1365 : vector<16xf32>
        %jit3A_1367 = arith.constant 20 : i32
        %broadcast_in_dim3A_1368 = vector.broadcast %jit3A_1367 : i32 to vector<16xi32>
        %select_n3A_1369 = arith.select %gt3A_1366, %broadcast_in_dim3A_1368, %and3A_1359 : vector<16xi1>, vector<16xi32>
        %and3A_1370 = arith.constant 31 : i32
        %and3A_1371 = vector.broadcast %and3A_1370 : i32 to vector<16xi32>
        %and3A_1372 = arith.andi %min3A_1035, %and3A_1371 : vector<16xi32>
        %eq3A_1373 = arith.constant 1 : i32
        %eq3A_1374 = vector.broadcast %eq3A_1373 : i32 to vector<16xi32>
        %eq3A_1375 = arith.cmpi eq, %and3A_1372, %eq3A_1374 : vector<16xi32>
        %select_n3A_1376 = arith.select %eq3A_1375, %get3A_376, %get3A_371 : vector<16xi1>, vector<16xi32>
        %eq3A_1377 = arith.constant 2 : i32
        %eq3A_1378 = vector.broadcast %eq3A_1377 : i32 to vector<16xi32>
        %eq3A_1379 = arith.cmpi eq, %and3A_1372, %eq3A_1378 : vector<16xi32>
        %select_n3A_1380 = arith.select %eq3A_1379, %get3A_381, %select_n3A_1376 : vector<16xi1>, vector<16xi32>
        %eq3A_1381 = arith.constant 3 : i32
        %eq3A_1382 = vector.broadcast %eq3A_1381 : i32 to vector<16xi32>
        %eq3A_1383 = arith.cmpi eq, %and3A_1372, %eq3A_1382 : vector<16xi32>
        %select_n3A_1384 = arith.select %eq3A_1383, %get3A_386, %select_n3A_1380 : vector<16xi1>, vector<16xi32>
        %eq3A_1385 = arith.constant 4 : i32
        %eq3A_1386 = vector.broadcast %eq3A_1385 : i32 to vector<16xi32>
        %eq3A_1387 = arith.cmpi eq, %and3A_1372, %eq3A_1386 : vector<16xi32>
        %select_n3A_1388 = arith.select %eq3A_1387, %get3A_391, %select_n3A_1384 : vector<16xi1>, vector<16xi32>
        %eq3A_1389 = arith.constant 5 : i32
        %eq3A_1390 = vector.broadcast %eq3A_1389 : i32 to vector<16xi32>
        %eq3A_1391 = arith.cmpi eq, %and3A_1372, %eq3A_1390 : vector<16xi32>
        %select_n3A_1392 = arith.select %eq3A_1391, %get3A_396, %select_n3A_1388 : vector<16xi1>, vector<16xi32>
        %eq3A_1393 = arith.constant 6 : i32
        %eq3A_1394 = vector.broadcast %eq3A_1393 : i32 to vector<16xi32>
        %eq3A_1395 = arith.cmpi eq, %and3A_1372, %eq3A_1394 : vector<16xi32>
        %select_n3A_1396 = arith.select %eq3A_1395, %get3A_401, %select_n3A_1392 : vector<16xi1>, vector<16xi32>
        %eq3A_1397 = arith.constant 7 : i32
        %eq3A_1398 = vector.broadcast %eq3A_1397 : i32 to vector<16xi32>
        %eq3A_1399 = arith.cmpi eq, %and3A_1372, %eq3A_1398 : vector<16xi32>
        %select_n3A_1400 = arith.select %eq3A_1399, %get3A_406, %select_n3A_1396 : vector<16xi1>, vector<16xi32>
        %eq3A_1401 = arith.constant 8 : i32
        %eq3A_1402 = vector.broadcast %eq3A_1401 : i32 to vector<16xi32>
        %eq3A_1403 = arith.cmpi eq, %and3A_1372, %eq3A_1402 : vector<16xi32>
        %select_n3A_1404 = arith.select %eq3A_1403, %get3A_411, %select_n3A_1400 : vector<16xi1>, vector<16xi32>
        %eq3A_1405 = arith.constant 9 : i32
        %eq3A_1406 = vector.broadcast %eq3A_1405 : i32 to vector<16xi32>
        %eq3A_1407 = arith.cmpi eq, %and3A_1372, %eq3A_1406 : vector<16xi32>
        %select_n3A_1408 = arith.select %eq3A_1407, %get3A_416, %select_n3A_1404 : vector<16xi1>, vector<16xi32>
        %eq3A_1409 = arith.constant 10 : i32
        %eq3A_1410 = vector.broadcast %eq3A_1409 : i32 to vector<16xi32>
        %eq3A_1411 = arith.cmpi eq, %and3A_1372, %eq3A_1410 : vector<16xi32>
        %select_n3A_1412 = arith.select %eq3A_1411, %get3A_421, %select_n3A_1408 : vector<16xi1>, vector<16xi32>
        %eq3A_1413 = arith.constant 11 : i32
        %eq3A_1414 = vector.broadcast %eq3A_1413 : i32 to vector<16xi32>
        %eq3A_1415 = arith.cmpi eq, %and3A_1372, %eq3A_1414 : vector<16xi32>
        %select_n3A_1416 = arith.select %eq3A_1415, %get3A_426, %select_n3A_1412 : vector<16xi1>, vector<16xi32>
        %eq3A_1417 = arith.constant 12 : i32
        %eq3A_1418 = vector.broadcast %eq3A_1417 : i32 to vector<16xi32>
        %eq3A_1419 = arith.cmpi eq, %and3A_1372, %eq3A_1418 : vector<16xi32>
        %select_n3A_1420 = arith.select %eq3A_1419, %get3A_431, %select_n3A_1416 : vector<16xi1>, vector<16xi32>
        %eq3A_1421 = arith.constant 13 : i32
        %eq3A_1422 = vector.broadcast %eq3A_1421 : i32 to vector<16xi32>
        %eq3A_1423 = arith.cmpi eq, %and3A_1372, %eq3A_1422 : vector<16xi32>
        %select_n3A_1424 = arith.select %eq3A_1423, %get3A_436, %select_n3A_1420 : vector<16xi1>, vector<16xi32>
        %eq3A_1425 = arith.constant 14 : i32
        %eq3A_1426 = vector.broadcast %eq3A_1425 : i32 to vector<16xi32>
        %eq3A_1427 = arith.cmpi eq, %and3A_1372, %eq3A_1426 : vector<16xi32>
        %select_n3A_1428 = arith.select %eq3A_1427, %get3A_441, %select_n3A_1424 : vector<16xi1>, vector<16xi32>
        %eq3A_1429 = arith.constant 15 : i32
        %eq3A_1430 = vector.broadcast %eq3A_1429 : i32 to vector<16xi32>
        %eq3A_1431 = arith.cmpi eq, %and3A_1372, %eq3A_1430 : vector<16xi32>
        %select_n3A_1432 = arith.select %eq3A_1431, %get3A_446, %select_n3A_1428 : vector<16xi1>, vector<16xi32>
        %eq3A_1433 = arith.constant 16 : i32
        %eq3A_1434 = vector.broadcast %eq3A_1433 : i32 to vector<16xi32>
        %eq3A_1435 = arith.cmpi eq, %and3A_1372, %eq3A_1434 : vector<16xi32>
        %select_n3A_1436 = arith.select %eq3A_1435, %get3A_451, %select_n3A_1432 : vector<16xi1>, vector<16xi32>
        %eq3A_1437 = arith.constant 17 : i32
        %eq3A_1438 = vector.broadcast %eq3A_1437 : i32 to vector<16xi32>
        %eq3A_1439 = arith.cmpi eq, %and3A_1372, %eq3A_1438 : vector<16xi32>
        %select_n3A_1440 = arith.select %eq3A_1439, %get3A_456, %select_n3A_1436 : vector<16xi1>, vector<16xi32>
        %eq3A_1441 = arith.constant 18 : i32
        %eq3A_1442 = vector.broadcast %eq3A_1441 : i32 to vector<16xi32>
        %eq3A_1443 = arith.cmpi eq, %and3A_1372, %eq3A_1442 : vector<16xi32>
        %select_n3A_1444 = arith.select %eq3A_1443, %get3A_461, %select_n3A_1440 : vector<16xi1>, vector<16xi32>
        %eq3A_1445 = arith.constant 19 : i32
        %eq3A_1446 = vector.broadcast %eq3A_1445 : i32 to vector<16xi32>
        %eq3A_1447 = arith.cmpi eq, %and3A_1372, %eq3A_1446 : vector<16xi32>
        %select_n3A_1448 = arith.select %eq3A_1447, %get3A_466, %select_n3A_1444 : vector<16xi1>, vector<16xi32>
        %eq3A_1449 = arith.constant 20 : i32
        %eq3A_1450 = vector.broadcast %eq3A_1449 : i32 to vector<16xi32>
        %eq3A_1451 = arith.cmpi eq, %and3A_1372, %eq3A_1450 : vector<16xi32>
        %select_n3A_1452 = arith.select %eq3A_1451, %get3A_471, %select_n3A_1448 : vector<16xi1>, vector<16xi32>
        %eq3A_1453 = arith.constant 21 : i32
        %eq3A_1454 = vector.broadcast %eq3A_1453 : i32 to vector<16xi32>
        %eq3A_1455 = arith.cmpi eq, %and3A_1372, %eq3A_1454 : vector<16xi32>
        %select_n3A_1456 = arith.select %eq3A_1455, %get3A_476, %select_n3A_1452 : vector<16xi1>, vector<16xi32>
        %eq3A_1457 = arith.constant 22 : i32
        %eq3A_1458 = vector.broadcast %eq3A_1457 : i32 to vector<16xi32>
        %eq3A_1459 = arith.cmpi eq, %and3A_1372, %eq3A_1458 : vector<16xi32>
        %select_n3A_1460 = arith.select %eq3A_1459, %get3A_481, %select_n3A_1456 : vector<16xi1>, vector<16xi32>
        %eq3A_1461 = arith.constant 23 : i32
        %eq3A_1462 = vector.broadcast %eq3A_1461 : i32 to vector<16xi32>
        %eq3A_1463 = arith.cmpi eq, %and3A_1372, %eq3A_1462 : vector<16xi32>
        %select_n3A_1464 = arith.select %eq3A_1463, %get3A_486, %select_n3A_1460 : vector<16xi1>, vector<16xi32>
        %eq3A_1465 = arith.constant 24 : i32
        %eq3A_1466 = vector.broadcast %eq3A_1465 : i32 to vector<16xi32>
        %eq3A_1467 = arith.cmpi eq, %and3A_1372, %eq3A_1466 : vector<16xi32>
        %select_n3A_1468 = arith.select %eq3A_1467, %get3A_491, %select_n3A_1464 : vector<16xi1>, vector<16xi32>
        %and3A_1469 = arith.constant 31 : i32
        %and3A_1470 = vector.broadcast %and3A_1469 : i32 to vector<16xi32>
        %and3A_1471 = arith.andi %select_n3A_1468, %and3A_1470 : vector<16xi32>
        %and3A_1472 = arith.constant -32 : i32
        %and3A_1473 = vector.broadcast %and3A_1472 : i32 to vector<16xi32>
        %and3A_1474 = arith.andi %min3A_1035, %and3A_1473 : vector<16xi32>
        %bitcast_convert_type3A_1475 = tpu.bitcast %and3A_1474 : vector<16xi32> -> vector<16xf32>
        %gt3A_1476 = arith.constant 1.000000e+00 : f32
        %gt3A_1477 = vector.broadcast %gt3A_1476 : f32 to vector<16xf32>
        %gt3A_1478 = arith.cmpf ogt, %bitcast_convert_type3A_1475, %gt3A_1477 : vector<16xf32>
        %jit3A_1479 = arith.constant 20 : i32
        %broadcast_in_dim3A_1480 = vector.broadcast %jit3A_1479 : i32 to vector<16xi32>
        %select_n3A_1481 = arith.select %gt3A_1478, %broadcast_in_dim3A_1480, %and3A_1471 : vector<16xi1>, vector<16xi32>
        %and3A_1482 = arith.constant 31 : i32
        %and3A_1483 = vector.broadcast %and3A_1482 : i32 to vector<16xi32>
        %and3A_1484 = arith.andi %min3A_1036, %and3A_1483 : vector<16xi32>
        %eq3A_1485 = arith.constant 1 : i32
        %eq3A_1486 = vector.broadcast %eq3A_1485 : i32 to vector<16xi32>
        %eq3A_1487 = arith.cmpi eq, %and3A_1484, %eq3A_1486 : vector<16xi32>
        %select_n3A_1488 = arith.select %eq3A_1487, %get3A_376, %get3A_371 : vector<16xi1>, vector<16xi32>
        %eq3A_1489 = arith.constant 2 : i32
        %eq3A_1490 = vector.broadcast %eq3A_1489 : i32 to vector<16xi32>
        %eq3A_1491 = arith.cmpi eq, %and3A_1484, %eq3A_1490 : vector<16xi32>
        %select_n3A_1492 = arith.select %eq3A_1491, %get3A_381, %select_n3A_1488 : vector<16xi1>, vector<16xi32>
        %eq3A_1493 = arith.constant 3 : i32
        %eq3A_1494 = vector.broadcast %eq3A_1493 : i32 to vector<16xi32>
        %eq3A_1495 = arith.cmpi eq, %and3A_1484, %eq3A_1494 : vector<16xi32>
        %select_n3A_1496 = arith.select %eq3A_1495, %get3A_386, %select_n3A_1492 : vector<16xi1>, vector<16xi32>
        %eq3A_1497 = arith.constant 4 : i32
        %eq3A_1498 = vector.broadcast %eq3A_1497 : i32 to vector<16xi32>
        %eq3A_1499 = arith.cmpi eq, %and3A_1484, %eq3A_1498 : vector<16xi32>
        %select_n3A_1500 = arith.select %eq3A_1499, %get3A_391, %select_n3A_1496 : vector<16xi1>, vector<16xi32>
        %eq3A_1501 = arith.constant 5 : i32
        %eq3A_1502 = vector.broadcast %eq3A_1501 : i32 to vector<16xi32>
        %eq3A_1503 = arith.cmpi eq, %and3A_1484, %eq3A_1502 : vector<16xi32>
        %select_n3A_1504 = arith.select %eq3A_1503, %get3A_396, %select_n3A_1500 : vector<16xi1>, vector<16xi32>
        %eq3A_1505 = arith.constant 6 : i32
        %eq3A_1506 = vector.broadcast %eq3A_1505 : i32 to vector<16xi32>
        %eq3A_1507 = arith.cmpi eq, %and3A_1484, %eq3A_1506 : vector<16xi32>
        %select_n3A_1508 = arith.select %eq3A_1507, %get3A_401, %select_n3A_1504 : vector<16xi1>, vector<16xi32>
        %eq3A_1509 = arith.constant 7 : i32
        %eq3A_1510 = vector.broadcast %eq3A_1509 : i32 to vector<16xi32>
        %eq3A_1511 = arith.cmpi eq, %and3A_1484, %eq3A_1510 : vector<16xi32>
        %select_n3A_1512 = arith.select %eq3A_1511, %get3A_406, %select_n3A_1508 : vector<16xi1>, vector<16xi32>
        %eq3A_1513 = arith.constant 8 : i32
        %eq3A_1514 = vector.broadcast %eq3A_1513 : i32 to vector<16xi32>
        %eq3A_1515 = arith.cmpi eq, %and3A_1484, %eq3A_1514 : vector<16xi32>
        %select_n3A_1516 = arith.select %eq3A_1515, %get3A_411, %select_n3A_1512 : vector<16xi1>, vector<16xi32>
        %eq3A_1517 = arith.constant 9 : i32
        %eq3A_1518 = vector.broadcast %eq3A_1517 : i32 to vector<16xi32>
        %eq3A_1519 = arith.cmpi eq, %and3A_1484, %eq3A_1518 : vector<16xi32>
        %select_n3A_1520 = arith.select %eq3A_1519, %get3A_416, %select_n3A_1516 : vector<16xi1>, vector<16xi32>
        %eq3A_1521 = arith.constant 10 : i32
        %eq3A_1522 = vector.broadcast %eq3A_1521 : i32 to vector<16xi32>
        %eq3A_1523 = arith.cmpi eq, %and3A_1484, %eq3A_1522 : vector<16xi32>
        %select_n3A_1524 = arith.select %eq3A_1523, %get3A_421, %select_n3A_1520 : vector<16xi1>, vector<16xi32>
        %eq3A_1525 = arith.constant 11 : i32
        %eq3A_1526 = vector.broadcast %eq3A_1525 : i32 to vector<16xi32>
        %eq3A_1527 = arith.cmpi eq, %and3A_1484, %eq3A_1526 : vector<16xi32>
        %select_n3A_1528 = arith.select %eq3A_1527, %get3A_426, %select_n3A_1524 : vector<16xi1>, vector<16xi32>
        %eq3A_1529 = arith.constant 12 : i32
        %eq3A_1530 = vector.broadcast %eq3A_1529 : i32 to vector<16xi32>
        %eq3A_1531 = arith.cmpi eq, %and3A_1484, %eq3A_1530 : vector<16xi32>
        %select_n3A_1532 = arith.select %eq3A_1531, %get3A_431, %select_n3A_1528 : vector<16xi1>, vector<16xi32>
        %eq3A_1533 = arith.constant 13 : i32
        %eq3A_1534 = vector.broadcast %eq3A_1533 : i32 to vector<16xi32>
        %eq3A_1535 = arith.cmpi eq, %and3A_1484, %eq3A_1534 : vector<16xi32>
        %select_n3A_1536 = arith.select %eq3A_1535, %get3A_436, %select_n3A_1532 : vector<16xi1>, vector<16xi32>
        %eq3A_1537 = arith.constant 14 : i32
        %eq3A_1538 = vector.broadcast %eq3A_1537 : i32 to vector<16xi32>
        %eq3A_1539 = arith.cmpi eq, %and3A_1484, %eq3A_1538 : vector<16xi32>
        %select_n3A_1540 = arith.select %eq3A_1539, %get3A_441, %select_n3A_1536 : vector<16xi1>, vector<16xi32>
        %eq3A_1541 = arith.constant 15 : i32
        %eq3A_1542 = vector.broadcast %eq3A_1541 : i32 to vector<16xi32>
        %eq3A_1543 = arith.cmpi eq, %and3A_1484, %eq3A_1542 : vector<16xi32>
        %select_n3A_1544 = arith.select %eq3A_1543, %get3A_446, %select_n3A_1540 : vector<16xi1>, vector<16xi32>
        %eq3A_1545 = arith.constant 16 : i32
        %eq3A_1546 = vector.broadcast %eq3A_1545 : i32 to vector<16xi32>
        %eq3A_1547 = arith.cmpi eq, %and3A_1484, %eq3A_1546 : vector<16xi32>
        %select_n3A_1548 = arith.select %eq3A_1547, %get3A_451, %select_n3A_1544 : vector<16xi1>, vector<16xi32>
        %eq3A_1549 = arith.constant 17 : i32
        %eq3A_1550 = vector.broadcast %eq3A_1549 : i32 to vector<16xi32>
        %eq3A_1551 = arith.cmpi eq, %and3A_1484, %eq3A_1550 : vector<16xi32>
        %select_n3A_1552 = arith.select %eq3A_1551, %get3A_456, %select_n3A_1548 : vector<16xi1>, vector<16xi32>
        %eq3A_1553 = arith.constant 18 : i32
        %eq3A_1554 = vector.broadcast %eq3A_1553 : i32 to vector<16xi32>
        %eq3A_1555 = arith.cmpi eq, %and3A_1484, %eq3A_1554 : vector<16xi32>
        %select_n3A_1556 = arith.select %eq3A_1555, %get3A_461, %select_n3A_1552 : vector<16xi1>, vector<16xi32>
        %eq3A_1557 = arith.constant 19 : i32
        %eq3A_1558 = vector.broadcast %eq3A_1557 : i32 to vector<16xi32>
        %eq3A_1559 = arith.cmpi eq, %and3A_1484, %eq3A_1558 : vector<16xi32>
        %select_n3A_1560 = arith.select %eq3A_1559, %get3A_466, %select_n3A_1556 : vector<16xi1>, vector<16xi32>
        %eq3A_1561 = arith.constant 20 : i32
        %eq3A_1562 = vector.broadcast %eq3A_1561 : i32 to vector<16xi32>
        %eq3A_1563 = arith.cmpi eq, %and3A_1484, %eq3A_1562 : vector<16xi32>
        %select_n3A_1564 = arith.select %eq3A_1563, %get3A_471, %select_n3A_1560 : vector<16xi1>, vector<16xi32>
        %eq3A_1565 = arith.constant 21 : i32
        %eq3A_1566 = vector.broadcast %eq3A_1565 : i32 to vector<16xi32>
        %eq3A_1567 = arith.cmpi eq, %and3A_1484, %eq3A_1566 : vector<16xi32>
        %select_n3A_1568 = arith.select %eq3A_1567, %get3A_476, %select_n3A_1564 : vector<16xi1>, vector<16xi32>
        %eq3A_1569 = arith.constant 22 : i32
        %eq3A_1570 = vector.broadcast %eq3A_1569 : i32 to vector<16xi32>
        %eq3A_1571 = arith.cmpi eq, %and3A_1484, %eq3A_1570 : vector<16xi32>
        %select_n3A_1572 = arith.select %eq3A_1571, %get3A_481, %select_n3A_1568 : vector<16xi1>, vector<16xi32>
        %eq3A_1573 = arith.constant 23 : i32
        %eq3A_1574 = vector.broadcast %eq3A_1573 : i32 to vector<16xi32>
        %eq3A_1575 = arith.cmpi eq, %and3A_1484, %eq3A_1574 : vector<16xi32>
        %select_n3A_1576 = arith.select %eq3A_1575, %get3A_486, %select_n3A_1572 : vector<16xi1>, vector<16xi32>
        %eq3A_1577 = arith.constant 24 : i32
        %eq3A_1578 = vector.broadcast %eq3A_1577 : i32 to vector<16xi32>
        %eq3A_1579 = arith.cmpi eq, %and3A_1484, %eq3A_1578 : vector<16xi32>
        %select_n3A_1580 = arith.select %eq3A_1579, %get3A_491, %select_n3A_1576 : vector<16xi1>, vector<16xi32>
        %and3A_1581 = arith.constant 31 : i32
        %and3A_1582 = vector.broadcast %and3A_1581 : i32 to vector<16xi32>
        %and3A_1583 = arith.andi %select_n3A_1580, %and3A_1582 : vector<16xi32>
        %and3A_1584 = arith.constant -32 : i32
        %and3A_1585 = vector.broadcast %and3A_1584 : i32 to vector<16xi32>
        %and3A_1586 = arith.andi %min3A_1036, %and3A_1585 : vector<16xi32>
        %bitcast_convert_type3A_1587 = tpu.bitcast %and3A_1586 : vector<16xi32> -> vector<16xf32>
        %gt3A_1588 = arith.constant 1.000000e+00 : f32
        %gt3A_1589 = vector.broadcast %gt3A_1588 : f32 to vector<16xf32>
        %gt3A_1590 = arith.cmpf ogt, %bitcast_convert_type3A_1587, %gt3A_1589 : vector<16xf32>
        %jit3A_1591 = arith.constant 20 : i32
        %broadcast_in_dim3A_1592 = vector.broadcast %jit3A_1591 : i32 to vector<16xi32>
        %select_n3A_1593 = arith.select %gt3A_1590, %broadcast_in_dim3A_1592, %and3A_1583 : vector<16xi1>, vector<16xi32>
        %broadcast_in_dim3A_1594 = arith.constant 0 : i32
        %broadcast_in_dim3A_1595 = vector.broadcast %broadcast_in_dim3A_1594 : i32 to vector<16xi32>
        %eq3A_1596 = arith.cmpi eq, %select_n3A_1145, %select_n3A_1145 : vector<16xi32>
        %jit3A_1597 = arith.constant 1 : i32
        %jit3A_1598 = arith.constant 0 : i32
        %broadcast_in_dim3A_1599 = vector.broadcast %jit3A_1597 : i32 to vector<16xi32>
        %broadcast_in_dim3A_1600 = vector.broadcast %jit3A_1598 : i32 to vector<16xi32>
        %select_n3A_1601 = arith.select %eq3A_1596, %broadcast_in_dim3A_1599, %broadcast_in_dim3A_1600 : vector<16xi1>, vector<16xi32>
        %add3A_1602 = arith.addi %broadcast_in_dim3A_1595, %select_n3A_1601 : vector<16xi32>
        %eq3A_1603 = arith.cmpi eq, %select_n3A_1145, %select_n3A_1257 : vector<16xi32>
        %jit3A_1604 = arith.constant 1 : i32
        %jit3A_1605 = arith.constant 0 : i32
        %broadcast_in_dim3A_1606 = vector.broadcast %jit3A_1604 : i32 to vector<16xi32>
        %broadcast_in_dim3A_1607 = vector.broadcast %jit3A_1605 : i32 to vector<16xi32>
        %select_n3A_1608 = arith.select %eq3A_1603, %broadcast_in_dim3A_1606, %broadcast_in_dim3A_1607 : vector<16xi1>, vector<16xi32>
        %add3A_1609 = arith.addi %add3A_1602, %select_n3A_1608 : vector<16xi32>
        %eq3A_1610 = arith.cmpi eq, %select_n3A_1145, %select_n3A_1369 : vector<16xi32>
        %jit3A_1611 = arith.constant 1 : i32
        %jit3A_1612 = arith.constant 0 : i32
        %broadcast_in_dim3A_1613 = vector.broadcast %jit3A_1611 : i32 to vector<16xi32>
        %broadcast_in_dim3A_1614 = vector.broadcast %jit3A_1612 : i32 to vector<16xi32>
        %select_n3A_1615 = arith.select %eq3A_1610, %broadcast_in_dim3A_1613, %broadcast_in_dim3A_1614 : vector<16xi1>, vector<16xi32>
        %add3A_1616 = arith.addi %add3A_1609, %select_n3A_1615 : vector<16xi32>
        %eq3A_1617 = arith.cmpi eq, %select_n3A_1145, %select_n3A_1481 : vector<16xi32>
        %jit3A_1618 = arith.constant 1 : i32
        %jit3A_1619 = arith.constant 0 : i32
        %broadcast_in_dim3A_1620 = vector.broadcast %jit3A_1618 : i32 to vector<16xi32>
        %broadcast_in_dim3A_1621 = vector.broadcast %jit3A_1619 : i32 to vector<16xi32>
        %select_n3A_1622 = arith.select %eq3A_1617, %broadcast_in_dim3A_1620, %broadcast_in_dim3A_1621 : vector<16xi1>, vector<16xi32>
        %add3A_1623 = arith.addi %add3A_1616, %select_n3A_1622 : vector<16xi32>
        %eq3A_1624 = arith.cmpi eq, %select_n3A_1145, %select_n3A_1593 : vector<16xi32>
        %jit3A_1625 = arith.constant 1 : i32
        %jit3A_1626 = arith.constant 0 : i32
        %broadcast_in_dim3A_1627 = vector.broadcast %jit3A_1625 : i32 to vector<16xi32>
        %broadcast_in_dim3A_1628 = vector.broadcast %jit3A_1626 : i32 to vector<16xi32>
        %select_n3A_1629 = arith.select %eq3A_1624, %broadcast_in_dim3A_1627, %broadcast_in_dim3A_1628 : vector<16xi1>, vector<16xi32>
        %add3A_1630 = arith.addi %add3A_1623, %select_n3A_1629 : vector<16xi32>
        %eq3A_1631 = arith.constant 0 : i32
        %eq3A_1632 = vector.broadcast %eq3A_1631 : i32 to vector<16xi32>
        %eq3A_1633 = arith.cmpi eq, %select_n3A_1145, %eq3A_1632 : vector<16xi32>
        %eq3A_1634 = arith.constant 20 : i32
        %eq3A_1635 = vector.broadcast %eq3A_1634 : i32 to vector<16xi32>
        %eq3A_1636 = arith.cmpi eq, %select_n3A_1145, %eq3A_1635 : vector<16xi32>
        %or3A_1637 = arith.ori %eq3A_1633, %eq3A_1636 : vector<16xi1>
        %mul3A_1638 = arith.constant 32 : i32
        %mul3A_1639 = vector.broadcast %mul3A_1638 : i32 to vector<16xi32>
        %mul3A_1640 = arith.muli %add3A_1630, %mul3A_1639 : vector<16xi32>
        %sub3A_1641 = arith.constant 31 : i32
        %sub3A_1642 = vector.broadcast %sub3A_1641 : i32 to vector<16xi32>
        %sub3A_1643 = arith.subi %sub3A_1642, %select_n3A_1145 : vector<16xi32>
        %add3A_1644 = arith.addi %mul3A_1640, %sub3A_1643 : vector<16xi32>
        %jit3A_1645 = arith.constant 30 : i32
        %broadcast_in_dim3A_1646 = vector.broadcast %jit3A_1645 : i32 to vector<16xi32>
        %select_n3A_1647 = arith.select %or3A_1637, %broadcast_in_dim3A_1646, %add3A_1644 : vector<16xi1>, vector<16xi32>
        %broadcast_in_dim3A_1648 = arith.constant 0 : i32
        %broadcast_in_dim3A_1649 = vector.broadcast %broadcast_in_dim3A_1648 : i32 to vector<16xi32>
        %eq3A_1650 = arith.cmpi eq, %select_n3A_1257, %select_n3A_1145 : vector<16xi32>
        %jit3A_1651 = arith.constant 1 : i32
        %jit3A_1652 = arith.constant 0 : i32
        %broadcast_in_dim3A_1653 = vector.broadcast %jit3A_1651 : i32 to vector<16xi32>
        %broadcast_in_dim3A_1654 = vector.broadcast %jit3A_1652 : i32 to vector<16xi32>
        %select_n3A_1655 = arith.select %eq3A_1650, %broadcast_in_dim3A_1653, %broadcast_in_dim3A_1654 : vector<16xi1>, vector<16xi32>
        %add3A_1656 = arith.addi %broadcast_in_dim3A_1649, %select_n3A_1655 : vector<16xi32>
        %eq3A_1657 = arith.cmpi eq, %select_n3A_1257, %select_n3A_1257 : vector<16xi32>
        %jit3A_1658 = arith.constant 1 : i32
        %jit3A_1659 = arith.constant 0 : i32
        %broadcast_in_dim3A_1660 = vector.broadcast %jit3A_1658 : i32 to vector<16xi32>
        %broadcast_in_dim3A_1661 = vector.broadcast %jit3A_1659 : i32 to vector<16xi32>
        %select_n3A_1662 = arith.select %eq3A_1657, %broadcast_in_dim3A_1660, %broadcast_in_dim3A_1661 : vector<16xi1>, vector<16xi32>
        %add3A_1663 = arith.addi %add3A_1656, %select_n3A_1662 : vector<16xi32>
        %eq3A_1664 = arith.cmpi eq, %select_n3A_1257, %select_n3A_1369 : vector<16xi32>
        %jit3A_1665 = arith.constant 1 : i32
        %jit3A_1666 = arith.constant 0 : i32
        %broadcast_in_dim3A_1667 = vector.broadcast %jit3A_1665 : i32 to vector<16xi32>
        %broadcast_in_dim3A_1668 = vector.broadcast %jit3A_1666 : i32 to vector<16xi32>
        %select_n3A_1669 = arith.select %eq3A_1664, %broadcast_in_dim3A_1667, %broadcast_in_dim3A_1668 : vector<16xi1>, vector<16xi32>
        %add3A_1670 = arith.addi %add3A_1663, %select_n3A_1669 : vector<16xi32>
        %eq3A_1671 = arith.cmpi eq, %select_n3A_1257, %select_n3A_1481 : vector<16xi32>
        %jit3A_1672 = arith.constant 1 : i32
        %jit3A_1673 = arith.constant 0 : i32
        %broadcast_in_dim3A_1674 = vector.broadcast %jit3A_1672 : i32 to vector<16xi32>
        %broadcast_in_dim3A_1675 = vector.broadcast %jit3A_1673 : i32 to vector<16xi32>
        %select_n3A_1676 = arith.select %eq3A_1671, %broadcast_in_dim3A_1674, %broadcast_in_dim3A_1675 : vector<16xi1>, vector<16xi32>
        %add3A_1677 = arith.addi %add3A_1670, %select_n3A_1676 : vector<16xi32>
        %eq3A_1678 = arith.cmpi eq, %select_n3A_1257, %select_n3A_1593 : vector<16xi32>
        %jit3A_1679 = arith.constant 1 : i32
        %jit3A_1680 = arith.constant 0 : i32
        %broadcast_in_dim3A_1681 = vector.broadcast %jit3A_1679 : i32 to vector<16xi32>
        %broadcast_in_dim3A_1682 = vector.broadcast %jit3A_1680 : i32 to vector<16xi32>
        %select_n3A_1683 = arith.select %eq3A_1678, %broadcast_in_dim3A_1681, %broadcast_in_dim3A_1682 : vector<16xi1>, vector<16xi32>
        %add3A_1684 = arith.addi %add3A_1677, %select_n3A_1683 : vector<16xi32>
        %eq3A_1685 = arith.constant 0 : i32
        %eq3A_1686 = vector.broadcast %eq3A_1685 : i32 to vector<16xi32>
        %eq3A_1687 = arith.cmpi eq, %select_n3A_1257, %eq3A_1686 : vector<16xi32>
        %eq3A_1688 = arith.constant 20 : i32
        %eq3A_1689 = vector.broadcast %eq3A_1688 : i32 to vector<16xi32>
        %eq3A_1690 = arith.cmpi eq, %select_n3A_1257, %eq3A_1689 : vector<16xi32>
        %or3A_1691 = arith.ori %eq3A_1687, %eq3A_1690 : vector<16xi1>
        %mul3A_1692 = arith.constant 32 : i32
        %mul3A_1693 = vector.broadcast %mul3A_1692 : i32 to vector<16xi32>
        %mul3A_1694 = arith.muli %add3A_1684, %mul3A_1693 : vector<16xi32>
        %sub3A_1695 = arith.constant 31 : i32
        %sub3A_1696 = vector.broadcast %sub3A_1695 : i32 to vector<16xi32>
        %sub3A_1697 = arith.subi %sub3A_1696, %select_n3A_1257 : vector<16xi32>
        %add3A_1698 = arith.addi %mul3A_1694, %sub3A_1697 : vector<16xi32>
        %jit3A_1699 = arith.constant 30 : i32
        %broadcast_in_dim3A_1700 = vector.broadcast %jit3A_1699 : i32 to vector<16xi32>
        %select_n3A_1701 = arith.select %or3A_1691, %broadcast_in_dim3A_1700, %add3A_1698 : vector<16xi1>, vector<16xi32>
        %broadcast_in_dim3A_1702 = arith.constant 0 : i32
        %broadcast_in_dim3A_1703 = vector.broadcast %broadcast_in_dim3A_1702 : i32 to vector<16xi32>
        %eq3A_1704 = arith.cmpi eq, %select_n3A_1369, %select_n3A_1145 : vector<16xi32>
        %jit3A_1705 = arith.constant 1 : i32
        %jit3A_1706 = arith.constant 0 : i32
        %broadcast_in_dim3A_1707 = vector.broadcast %jit3A_1705 : i32 to vector<16xi32>
        %broadcast_in_dim3A_1708 = vector.broadcast %jit3A_1706 : i32 to vector<16xi32>
        %select_n3A_1709 = arith.select %eq3A_1704, %broadcast_in_dim3A_1707, %broadcast_in_dim3A_1708 : vector<16xi1>, vector<16xi32>
        %add3A_1710 = arith.addi %broadcast_in_dim3A_1703, %select_n3A_1709 : vector<16xi32>
        %eq3A_1711 = arith.cmpi eq, %select_n3A_1369, %select_n3A_1257 : vector<16xi32>
        %jit3A_1712 = arith.constant 1 : i32
        %jit3A_1713 = arith.constant 0 : i32
        %broadcast_in_dim3A_1714 = vector.broadcast %jit3A_1712 : i32 to vector<16xi32>
        %broadcast_in_dim3A_1715 = vector.broadcast %jit3A_1713 : i32 to vector<16xi32>
        %select_n3A_1716 = arith.select %eq3A_1711, %broadcast_in_dim3A_1714, %broadcast_in_dim3A_1715 : vector<16xi1>, vector<16xi32>
        %add3A_1717 = arith.addi %add3A_1710, %select_n3A_1716 : vector<16xi32>
        %eq3A_1718 = arith.cmpi eq, %select_n3A_1369, %select_n3A_1369 : vector<16xi32>
        %jit3A_1719 = arith.constant 1 : i32
        %jit3A_1720 = arith.constant 0 : i32
        %broadcast_in_dim3A_1721 = vector.broadcast %jit3A_1719 : i32 to vector<16xi32>
        %broadcast_in_dim3A_1722 = vector.broadcast %jit3A_1720 : i32 to vector<16xi32>
        %select_n3A_1723 = arith.select %eq3A_1718, %broadcast_in_dim3A_1721, %broadcast_in_dim3A_1722 : vector<16xi1>, vector<16xi32>
        %add3A_1724 = arith.addi %add3A_1717, %select_n3A_1723 : vector<16xi32>
        %eq3A_1725 = arith.cmpi eq, %select_n3A_1369, %select_n3A_1481 : vector<16xi32>
        %jit3A_1726 = arith.constant 1 : i32
        %jit3A_1727 = arith.constant 0 : i32
        %broadcast_in_dim3A_1728 = vector.broadcast %jit3A_1726 : i32 to vector<16xi32>
        %broadcast_in_dim3A_1729 = vector.broadcast %jit3A_1727 : i32 to vector<16xi32>
        %select_n3A_1730 = arith.select %eq3A_1725, %broadcast_in_dim3A_1728, %broadcast_in_dim3A_1729 : vector<16xi1>, vector<16xi32>
        %add3A_1731 = arith.addi %add3A_1724, %select_n3A_1730 : vector<16xi32>
        %eq3A_1732 = arith.cmpi eq, %select_n3A_1369, %select_n3A_1593 : vector<16xi32>
        %jit3A_1733 = arith.constant 1 : i32
        %jit3A_1734 = arith.constant 0 : i32
        %broadcast_in_dim3A_1735 = vector.broadcast %jit3A_1733 : i32 to vector<16xi32>
        %broadcast_in_dim3A_1736 = vector.broadcast %jit3A_1734 : i32 to vector<16xi32>
        %select_n3A_1737 = arith.select %eq3A_1732, %broadcast_in_dim3A_1735, %broadcast_in_dim3A_1736 : vector<16xi1>, vector<16xi32>
        %add3A_1738 = arith.addi %add3A_1731, %select_n3A_1737 : vector<16xi32>
        %eq3A_1739 = arith.constant 0 : i32
        %eq3A_1740 = vector.broadcast %eq3A_1739 : i32 to vector<16xi32>
        %eq3A_1741 = arith.cmpi eq, %select_n3A_1369, %eq3A_1740 : vector<16xi32>
        %eq3A_1742 = arith.constant 20 : i32
        %eq3A_1743 = vector.broadcast %eq3A_1742 : i32 to vector<16xi32>
        %eq3A_1744 = arith.cmpi eq, %select_n3A_1369, %eq3A_1743 : vector<16xi32>
        %or3A_1745 = arith.ori %eq3A_1741, %eq3A_1744 : vector<16xi1>
        %mul3A_1746 = arith.constant 32 : i32
        %mul3A_1747 = vector.broadcast %mul3A_1746 : i32 to vector<16xi32>
        %mul3A_1748 = arith.muli %add3A_1738, %mul3A_1747 : vector<16xi32>
        %sub3A_1749 = arith.constant 31 : i32
        %sub3A_1750 = vector.broadcast %sub3A_1749 : i32 to vector<16xi32>
        %sub3A_1751 = arith.subi %sub3A_1750, %select_n3A_1369 : vector<16xi32>
        %add3A_1752 = arith.addi %mul3A_1748, %sub3A_1751 : vector<16xi32>
        %jit3A_1753 = arith.constant 30 : i32
        %broadcast_in_dim3A_1754 = vector.broadcast %jit3A_1753 : i32 to vector<16xi32>
        %select_n3A_1755 = arith.select %or3A_1745, %broadcast_in_dim3A_1754, %add3A_1752 : vector<16xi1>, vector<16xi32>
        %broadcast_in_dim3A_1756 = arith.constant 0 : i32
        %broadcast_in_dim3A_1757 = vector.broadcast %broadcast_in_dim3A_1756 : i32 to vector<16xi32>
        %eq3A_1758 = arith.cmpi eq, %select_n3A_1481, %select_n3A_1145 : vector<16xi32>
        %jit3A_1759 = arith.constant 1 : i32
        %jit3A_1760 = arith.constant 0 : i32
        %broadcast_in_dim3A_1761 = vector.broadcast %jit3A_1759 : i32 to vector<16xi32>
        %broadcast_in_dim3A_1762 = vector.broadcast %jit3A_1760 : i32 to vector<16xi32>
        %select_n3A_1763 = arith.select %eq3A_1758, %broadcast_in_dim3A_1761, %broadcast_in_dim3A_1762 : vector<16xi1>, vector<16xi32>
        %add3A_1764 = arith.addi %broadcast_in_dim3A_1757, %select_n3A_1763 : vector<16xi32>
        %eq3A_1765 = arith.cmpi eq, %select_n3A_1481, %select_n3A_1257 : vector<16xi32>
        %jit3A_1766 = arith.constant 1 : i32
        %jit3A_1767 = arith.constant 0 : i32
        %broadcast_in_dim3A_1768 = vector.broadcast %jit3A_1766 : i32 to vector<16xi32>
        %broadcast_in_dim3A_1769 = vector.broadcast %jit3A_1767 : i32 to vector<16xi32>
        %select_n3A_1770 = arith.select %eq3A_1765, %broadcast_in_dim3A_1768, %broadcast_in_dim3A_1769 : vector<16xi1>, vector<16xi32>
        %add3A_1771 = arith.addi %add3A_1764, %select_n3A_1770 : vector<16xi32>
        %eq3A_1772 = arith.cmpi eq, %select_n3A_1481, %select_n3A_1369 : vector<16xi32>
        %jit3A_1773 = arith.constant 1 : i32
        %jit3A_1774 = arith.constant 0 : i32
        %broadcast_in_dim3A_1775 = vector.broadcast %jit3A_1773 : i32 to vector<16xi32>
        %broadcast_in_dim3A_1776 = vector.broadcast %jit3A_1774 : i32 to vector<16xi32>
        %select_n3A_1777 = arith.select %eq3A_1772, %broadcast_in_dim3A_1775, %broadcast_in_dim3A_1776 : vector<16xi1>, vector<16xi32>
        %add3A_1778 = arith.addi %add3A_1771, %select_n3A_1777 : vector<16xi32>
        %eq3A_1779 = arith.cmpi eq, %select_n3A_1481, %select_n3A_1481 : vector<16xi32>
        %jit3A_1780 = arith.constant 1 : i32
        %jit3A_1781 = arith.constant 0 : i32
        %broadcast_in_dim3A_1782 = vector.broadcast %jit3A_1780 : i32 to vector<16xi32>
        %broadcast_in_dim3A_1783 = vector.broadcast %jit3A_1781 : i32 to vector<16xi32>
        %select_n3A_1784 = arith.select %eq3A_1779, %broadcast_in_dim3A_1782, %broadcast_in_dim3A_1783 : vector<16xi1>, vector<16xi32>
        %add3A_1785 = arith.addi %add3A_1778, %select_n3A_1784 : vector<16xi32>
        %eq3A_1786 = arith.cmpi eq, %select_n3A_1481, %select_n3A_1593 : vector<16xi32>
        %jit3A_1787 = arith.constant 1 : i32
        %jit3A_1788 = arith.constant 0 : i32
        %broadcast_in_dim3A_1789 = vector.broadcast %jit3A_1787 : i32 to vector<16xi32>
        %broadcast_in_dim3A_1790 = vector.broadcast %jit3A_1788 : i32 to vector<16xi32>
        %select_n3A_1791 = arith.select %eq3A_1786, %broadcast_in_dim3A_1789, %broadcast_in_dim3A_1790 : vector<16xi1>, vector<16xi32>
        %add3A_1792 = arith.addi %add3A_1785, %select_n3A_1791 : vector<16xi32>
        %eq3A_1793 = arith.constant 0 : i32
        %eq3A_1794 = vector.broadcast %eq3A_1793 : i32 to vector<16xi32>
        %eq3A_1795 = arith.cmpi eq, %select_n3A_1481, %eq3A_1794 : vector<16xi32>
        %eq3A_1796 = arith.constant 20 : i32
        %eq3A_1797 = vector.broadcast %eq3A_1796 : i32 to vector<16xi32>
        %eq3A_1798 = arith.cmpi eq, %select_n3A_1481, %eq3A_1797 : vector<16xi32>
        %or3A_1799 = arith.ori %eq3A_1795, %eq3A_1798 : vector<16xi1>
        %mul3A_1800 = arith.constant 32 : i32
        %mul3A_1801 = vector.broadcast %mul3A_1800 : i32 to vector<16xi32>
        %mul3A_1802 = arith.muli %add3A_1792, %mul3A_1801 : vector<16xi32>
        %sub3A_1803 = arith.constant 31 : i32
        %sub3A_1804 = vector.broadcast %sub3A_1803 : i32 to vector<16xi32>
        %sub3A_1805 = arith.subi %sub3A_1804, %select_n3A_1481 : vector<16xi32>
        %add3A_1806 = arith.addi %mul3A_1802, %sub3A_1805 : vector<16xi32>
        %jit3A_1807 = arith.constant 30 : i32
        %broadcast_in_dim3A_1808 = vector.broadcast %jit3A_1807 : i32 to vector<16xi32>
        %select_n3A_1809 = arith.select %or3A_1799, %broadcast_in_dim3A_1808, %add3A_1806 : vector<16xi1>, vector<16xi32>
        %broadcast_in_dim3A_1810 = arith.constant 0 : i32
        %broadcast_in_dim3A_1811 = vector.broadcast %broadcast_in_dim3A_1810 : i32 to vector<16xi32>
        %eq3A_1812 = arith.cmpi eq, %select_n3A_1593, %select_n3A_1145 : vector<16xi32>
        %jit3A_1813 = arith.constant 1 : i32
        %jit3A_1814 = arith.constant 0 : i32
        %broadcast_in_dim3A_1815 = vector.broadcast %jit3A_1813 : i32 to vector<16xi32>
        %broadcast_in_dim3A_1816 = vector.broadcast %jit3A_1814 : i32 to vector<16xi32>
        %select_n3A_1817 = arith.select %eq3A_1812, %broadcast_in_dim3A_1815, %broadcast_in_dim3A_1816 : vector<16xi1>, vector<16xi32>
        %add3A_1818 = arith.addi %broadcast_in_dim3A_1811, %select_n3A_1817 : vector<16xi32>
        %eq3A_1819 = arith.cmpi eq, %select_n3A_1593, %select_n3A_1257 : vector<16xi32>
        %jit3A_1820 = arith.constant 1 : i32
        %jit3A_1821 = arith.constant 0 : i32
        %broadcast_in_dim3A_1822 = vector.broadcast %jit3A_1820 : i32 to vector<16xi32>
        %broadcast_in_dim3A_1823 = vector.broadcast %jit3A_1821 : i32 to vector<16xi32>
        %select_n3A_1824 = arith.select %eq3A_1819, %broadcast_in_dim3A_1822, %broadcast_in_dim3A_1823 : vector<16xi1>, vector<16xi32>
        %add3A_1825 = arith.addi %add3A_1818, %select_n3A_1824 : vector<16xi32>
        %eq3A_1826 = arith.cmpi eq, %select_n3A_1593, %select_n3A_1369 : vector<16xi32>
        %jit3A_1827 = arith.constant 1 : i32
        %jit3A_1828 = arith.constant 0 : i32
        %broadcast_in_dim3A_1829 = vector.broadcast %jit3A_1827 : i32 to vector<16xi32>
        %broadcast_in_dim3A_1830 = vector.broadcast %jit3A_1828 : i32 to vector<16xi32>
        %select_n3A_1831 = arith.select %eq3A_1826, %broadcast_in_dim3A_1829, %broadcast_in_dim3A_1830 : vector<16xi1>, vector<16xi32>
        %add3A_1832 = arith.addi %add3A_1825, %select_n3A_1831 : vector<16xi32>
        %eq3A_1833 = arith.cmpi eq, %select_n3A_1593, %select_n3A_1481 : vector<16xi32>
        %jit3A_1834 = arith.constant 1 : i32
        %jit3A_1835 = arith.constant 0 : i32
        %broadcast_in_dim3A_1836 = vector.broadcast %jit3A_1834 : i32 to vector<16xi32>
        %broadcast_in_dim3A_1837 = vector.broadcast %jit3A_1835 : i32 to vector<16xi32>
        %select_n3A_1838 = arith.select %eq3A_1833, %broadcast_in_dim3A_1836, %broadcast_in_dim3A_1837 : vector<16xi1>, vector<16xi32>
        %add3A_1839 = arith.addi %add3A_1832, %select_n3A_1838 : vector<16xi32>
        %eq3A_1840 = arith.cmpi eq, %select_n3A_1593, %select_n3A_1593 : vector<16xi32>
        %jit3A_1841 = arith.constant 1 : i32
        %jit3A_1842 = arith.constant 0 : i32
        %broadcast_in_dim3A_1843 = vector.broadcast %jit3A_1841 : i32 to vector<16xi32>
        %broadcast_in_dim3A_1844 = vector.broadcast %jit3A_1842 : i32 to vector<16xi32>
        %select_n3A_1845 = arith.select %eq3A_1840, %broadcast_in_dim3A_1843, %broadcast_in_dim3A_1844 : vector<16xi1>, vector<16xi32>
        %add3A_1846 = arith.addi %add3A_1839, %select_n3A_1845 : vector<16xi32>
        %eq3A_1847 = arith.constant 0 : i32
        %eq3A_1848 = vector.broadcast %eq3A_1847 : i32 to vector<16xi32>
        %eq3A_1849 = arith.cmpi eq, %select_n3A_1593, %eq3A_1848 : vector<16xi32>
        %eq3A_1850 = arith.constant 20 : i32
        %eq3A_1851 = vector.broadcast %eq3A_1850 : i32 to vector<16xi32>
        %eq3A_1852 = arith.cmpi eq, %select_n3A_1593, %eq3A_1851 : vector<16xi32>
        %or3A_1853 = arith.ori %eq3A_1849, %eq3A_1852 : vector<16xi1>
        %mul3A_1854 = arith.constant 32 : i32
        %mul3A_1855 = vector.broadcast %mul3A_1854 : i32 to vector<16xi32>
        %mul3A_1856 = arith.muli %add3A_1846, %mul3A_1855 : vector<16xi32>
        %sub3A_1857 = arith.constant 31 : i32
        %sub3A_1858 = vector.broadcast %sub3A_1857 : i32 to vector<16xi32>
        %sub3A_1859 = arith.subi %sub3A_1858, %select_n3A_1593 : vector<16xi32>
        %add3A_1860 = arith.addi %mul3A_1856, %sub3A_1859 : vector<16xi32>
        %jit3A_1861 = arith.constant 30 : i32
        %broadcast_in_dim3A_1862 = vector.broadcast %jit3A_1861 : i32 to vector<16xi32>
        %select_n3A_1863 = arith.select %or3A_1853, %broadcast_in_dim3A_1862, %add3A_1860 : vector<16xi1>, vector<16xi32>
        %max3A_1864 = arith.maxsi %select_n3A_1647, %select_n3A_1701 : vector<16xi32>
        %max3A_1865 = arith.maxsi %max3A_1864, %select_n3A_1755 : vector<16xi32>
        %max3A_1866 = arith.maxsi %max3A_1865, %select_n3A_1809 : vector<16xi32>
        %max3A_1867 = arith.maxsi %max3A_1866, %select_n3A_1863 : vector<16xi32>
        %and3A_1868 = arith.constant 31 : i32
        %and3A_1869 = vector.broadcast %and3A_1868 : i32 to vector<16xi32>
        %and3A_1870 = arith.andi %max3A_1867, %and3A_1869 : vector<16xi32>
        %sub3A_1871 = arith.constant 31 : i32
        %sub3A_1872 = vector.broadcast %sub3A_1871 : i32 to vector<16xi32>
        %sub3A_1873 = arith.subi %sub3A_1872, %and3A_1870 : vector<16xi32>
        %swap3A = arith.index_cast %mul3A_361 : i32 to index
        %swap3A_1874 = tpu.vector_load %arg17[%swap3A] {strides = array<i32>} : memref<1024xi32, #tpu.memory_space<vmem>>, vector<16xi32>,
        %swap3A_1875 = vector.shape_cast %swap3A_1874 : vector<16xi32> to vector<16xi32>
        %swap3A_1876 = vector.shape_cast %sub3A_1873 : vector<16xi32> to vector<16xi32>
        tpu.vector_store %arg17[%swap3A], %swap3A_1876 {strides = array<i32>} : memref<1024xi32, #tpu.memory_space<vmem>>, vector<16xi32>,
      }
      %scan3A_339 = arith.constant 64 : i32
      "tpu.region"() ({
        %run_scoped3A = tpu.sem_alloc : memref<!tpu.dma_semaphore, #tpu.memory_space<semaphore_mem>>
        %dma_start3A_359 = tpu.memref_slice %arg6[%add3A_333] : memref<131072xi32, #tpu.memory_space<hbm>> -> memref<1024xi32, #tpu.memory_space<hbm>>
        %dma_start3A_360 = tpu.memref_slice %arg6[%add3A_333] : memref<131072xi32, #tpu.memory_space<hbm>> -> memref<1024xi32, #tpu.memory_space<hbm>>
        tpu.enqueue_dma source(%arg17 : memref<1024xi32, #tpu.memory_space<vmem>>) target(%dma_start3A_360 : memref<1024xi32, #tpu.memory_space<hbm>>) target_semaphore(%run_scoped3A : memref<!tpu.dma_semaphore, #tpu.memory_space<semaphore_mem>>)
        %dma_wait3A_361 = tpu.memref_slice %arg6[%add3A_333] : memref<131072xi32, #tpu.memory_space<hbm>> -> memref<1024xi32, #tpu.memory_space<hbm>>
        %dma_wait3A_362 = tpu.memref_slice %arg6[%add3A_333] : memref<131072xi32, #tpu.memory_space<hbm>> -> memref<1024xi32, #tpu.memory_space<hbm>>
        tpu.wait_dma2 semaphore(%run_scoped3A : memref<!tpu.dma_semaphore, #tpu.memory_space<semaphore_mem>>) src(%arg17 : memref<1024xi32, #tpu.memory_space<vmem>>) dst(%dma_wait3A_362 : memref<1024xi32, #tpu.memory_space<hbm>>)
        tpu.yield
      }) : () -> ()
      %lt3A = arith.constant 1 : i32
      %lt3A_340 = arith.cmpi slt, %scan3A_165, %lt3A : i32
      %convert_element_type3A_341 = arith.extui %lt3A_340 : i1 to i32
      %cond3A_342 = arith.constant 0 : i32
      %cond3A_343 = arith.cmpi ne, %convert_element_type3A_341, %cond3A_342 : i32
      scf.if %cond3A_343 {
        %add3A_359 = arith.constant 2 : i32
        %add3A_360 = arith.addi %mul3A_167, %add3A_359 : i32
        %mul3A_361 = arith.constant 1024 : i32
        %mul3A_362 = arith.muli %add3A_360, %mul3A_361 : i32
        %scan3A_363 = arith.constant 0 : i32
        %scan3A_364 = arith.constant 0 : i32
        %scan3A_365 = arith.constant 64 : i32
        %scan3A_366 = arith.addi %scan3A_364, %scan3A_365 : i32
        %scan3A_367 = arith.constant 1 : i32
        scf.for %scan3A_519 = %scan3A_364 to %scan3A_366 step %scan3A_367  : i32 {
          %mul3A_520 = arith.constant 16 : i32
          %mul3A_521 = arith.muli %scan3A_519, %mul3A_520 : i32
          %add3A_522 = arith.addi %mul3A_362, %mul3A_521 : i32
          %get3A = arith.index_cast %add3A_522 : i32 to index
          %get3A_523 = tpu.vector_load %arg8[%get3A] {strides = array<i32>} : memref<4096xi32, #tpu.memory_space<vmem>>, vector<16xi32>,
          %get3A_524 = vector.shape_cast %get3A_523 : vector<16xi32> to vector<16xi32>
          %mul3A_525 = arith.constant 16 : i32
          %mul3A_526 = arith.muli %scan3A_519, %mul3A_525 : i32
          %add3A_527 = arith.addi %mul3A_362, %mul3A_526 : i32
          %get3A_528 = arith.index_cast %add3A_527 : i32 to index
          %get3A_529 = tpu.vector_load %arg9[%get3A_528] {strides = array<i32>} : memref<4096xi32, #tpu.memory_space<vmem>>, vector<16xi32>,
          %get3A_530 = vector.shape_cast %get3A_529 : vector<16xi32> to vector<16xi32>
          %mul3A_531 = arith.constant 2052 : i32
          %mul3A_532 = vector.broadcast %mul3A_531 : i32 to vector<16xi32>
          %mul3A_533 = arith.muli %get3A_530, %mul3A_532 : vector<16xi32>
          %add3A_534 = arith.addi %mul3A_533, %get3A_524 : vector<16xi32>
          %add3A_535 = arith.constant 0 : i32
          %add3A_536 = vector.broadcast %add3A_535 : i32 to vector<16xi32>
          %add3A_537 = arith.addi %add3A_534, %add3A_536 : vector<16xi32>
          %mul3A_538 = arith.constant 16 : i32
          %mul3A_539 = arith.muli %scan3A_519, %mul3A_538 : i32
          %add3A_540 = arith.constant 0 : i32
          %add3A_541 = arith.addi %add3A_540, %mul3A_539 : i32
          %swap3A = arith.index_cast %add3A_541 : i32 to index
          %swap3A_542 = tpu.vector_load %arg11[%swap3A] {strides = array<i32>} : memref<25600xi32, #tpu.memory_space<vmem>>, vector<16xi32>,
          %swap3A_543 = vector.shape_cast %swap3A_542 : vector<16xi32> to vector<16xi32>
          %swap3A_544 = vector.shape_cast %add3A_537 : vector<16xi32> to vector<16xi32>
          tpu.vector_store %arg11[%swap3A], %swap3A_544 {strides = array<i32>} : memref<25600xi32, #tpu.memory_space<vmem>>, vector<16xi32>,
          %add3A_545 = arith.constant 1 : i32
          %add3A_546 = vector.broadcast %add3A_545 : i32 to vector<16xi32>
          %add3A_547 = arith.addi %add3A_534, %add3A_546 : vector<16xi32>
          %mul3A_548 = arith.constant 16 : i32
          %mul3A_549 = arith.muli %scan3A_519, %mul3A_548 : i32
          %add3A_550 = arith.constant 1024 : i32
          %add3A_551 = arith.addi %add3A_550, %mul3A_549 : i32
          %swap3A_552 = arith.index_cast %add3A_551 : i32 to index
          %swap3A_553 = tpu.vector_load %arg11[%swap3A_552] {strides = array<i32>} : memref<25600xi32, #tpu.memory_space<vmem>>, vector<16xi32>,
          %swap3A_554 = vector.shape_cast %swap3A_553 : vector<16xi32> to vector<16xi32>
          %swap3A_555 = vector.shape_cast %add3A_547 : vector<16xi32> to vector<16xi32>
          tpu.vector_store %arg11[%swap3A_552], %swap3A_555 {strides = array<i32>} : memref<25600xi32, #tpu.memory_space<vmem>>, vector<16xi32>,
          %add3A_556 = arith.constant 2 : i32
          %add3A_557 = vector.broadcast %add3A_556 : i32 to vector<16xi32>
          %add3A_558 = arith.addi %add3A_534, %add3A_557 : vector<16xi32>
          %mul3A_559 = arith.constant 16 : i32
          %mul3A_560 = arith.muli %scan3A_519, %mul3A_559 : i32
          %add3A_561 = arith.constant 2048 : i32
          %add3A_562 = arith.addi %add3A_561, %mul3A_560 : i32
          %swap3A_563 = arith.index_cast %add3A_562 : i32 to index
          %swap3A_564 = tpu.vector_load %arg11[%swap3A_563] {strides = array<i32>} : memref<25600xi32, #tpu.memory_space<vmem>>, vector<16xi32>,
          %swap3A_565 = vector.shape_cast %swap3A_564 : vector<16xi32> to vector<16xi32>
          %swap3A_566 = vector.shape_cast %add3A_558 : vector<16xi32> to vector<16xi32>
          tpu.vector_store %arg11[%swap3A_563], %swap3A_566 {strides = array<i32>} : memref<25600xi32, #tpu.memory_space<vmem>>, vector<16xi32>,
          %add3A_567 = arith.constant 3 : i32
          %add3A_568 = vector.broadcast %add3A_567 : i32 to vector<16xi32>
          %add3A_569 = arith.addi %add3A_534, %add3A_568 : vector<16xi32>
          %mul3A_570 = arith.constant 16 : i32
          %mul3A_571 = arith.muli %scan3A_519, %mul3A_570 : i32
          %add3A_572 = arith.constant 3072 : i32
          %add3A_573 = arith.addi %add3A_572, %mul3A_571 : i32
          %swap3A_574 = arith.index_cast %add3A_573 : i32 to index
          %swap3A_575 = tpu.vector_load %arg11[%swap3A_574] {strides = array<i32>} : memref<25600xi32, #tpu.memory_space<vmem>>, vector<16xi32>,
          %swap3A_576 = vector.shape_cast %swap3A_575 : vector<16xi32> to vector<16xi32>
          %swap3A_577 = vector.shape_cast %add3A_569 : vector<16xi32> to vector<16xi32>
          tpu.vector_store %arg11[%swap3A_574], %swap3A_577 {strides = array<i32>} : memref<25600xi32, #tpu.memory_space<vmem>>, vector<16xi32>,
          %add3A_578 = arith.constant 4 : i32
          %add3A_579 = vector.broadcast %add3A_578 : i32 to vector<16xi32>
          %add3A_580 = arith.addi %add3A_534, %add3A_579 : vector<16xi32>
          %mul3A_581 = arith.constant 16 : i32
          %mul3A_582 = arith.muli %scan3A_519, %mul3A_581 : i32
          %add3A_583 = arith.constant 4096 : i32
          %add3A_584 = arith.addi %add3A_583, %mul3A_582 : i32
          %swap3A_585 = arith.index_cast %add3A_584 : i32 to index
          %swap3A_586 = tpu.vector_load %arg11[%swap3A_585] {strides = array<i32>} : memref<25600xi32, #tpu.memory_space<vmem>>, vector<16xi32>,
          %swap3A_587 = vector.shape_cast %swap3A_586 : vector<16xi32> to vector<16xi32>
          %swap3A_588 = vector.shape_cast %add3A_580 : vector<16xi32> to vector<16xi32>
          tpu.vector_store %arg11[%swap3A_585], %swap3A_588 {strides = array<i32>} : memref<25600xi32, #tpu.memory_space<vmem>>, vector<16xi32>,
          %add3A_589 = arith.constant 2052 : i32
          %add3A_590 = vector.broadcast %add3A_589 : i32 to vector<16xi32>
          %add3A_591 = arith.addi %add3A_534, %add3A_590 : vector<16xi32>
          %mul3A_592 = arith.constant 16 : i32
          %mul3A_593 = arith.muli %scan3A_519, %mul3A_592 : i32
          %add3A_594 = arith.constant 5120 : i32
          %add3A_595 = arith.addi %add3A_594, %mul3A_593 : i32
          %swap3A_596 = arith.index_cast %add3A_595 : i32 to index
          %swap3A_597 = tpu.vector_load %arg11[%swap3A_596] {strides = array<i32>} : memref<25600xi32, #tpu.memory_space<vmem>>, vector<16xi32>,
          %swap3A_598 = vector.shape_cast %swap3A_597 : vector<16xi32> to vector<16xi32>
          %swap3A_599 = vector.shape_cast %add3A_591 : vector<16xi32> to vector<16xi32>
          tpu.vector_store %arg11[%swap3A_596], %swap3A_599 {strides = array<i32>} : memref<25600xi32, #tpu.memory_space<vmem>>, vector<16xi32>,
          %add3A_600 = arith.constant 2053 : i32
          %add3A_601 = vector.broadcast %add3A_600 : i32 to vector<16xi32>
          %add3A_602 = arith.addi %add3A_534, %add3A_601 : vector<16xi32>
          %mul3A_603 = arith.constant 16 : i32
          %mul3A_604 = arith.muli %scan3A_519, %mul3A_603 : i32
          %add3A_605 = arith.constant 6144 : i32
          %add3A_606 = arith.addi %add3A_605, %mul3A_604 : i32
          %swap3A_607 = arith.index_cast %add3A_606 : i32 to index
          %swap3A_608 = tpu.vector_load %arg11[%swap3A_607] {strides = array<i32>} : memref<25600xi32, #tpu.memory_space<vmem>>, vector<16xi32>,
          %swap3A_609 = vector.shape_cast %swap3A_608 : vector<16xi32> to vector<16xi32>
          %swap3A_610 = vector.shape_cast %add3A_602 : vector<16xi32> to vector<16xi32>
          tpu.vector_store %arg11[%swap3A_607], %swap3A_610 {strides = array<i32>} : memref<25600xi32, #tpu.memory_space<vmem>>, vector<16xi32>,
          %add3A_611 = arith.constant 2054 : i32
          %add3A_612 = vector.broadcast %add3A_611 : i32 to vector<16xi32>
          %add3A_613 = arith.addi %add3A_534, %add3A_612 : vector<16xi32>
          %mul3A_614 = arith.constant 16 : i32
          %mul3A_615 = arith.muli %scan3A_519, %mul3A_614 : i32
          %add3A_616 = arith.constant 7168 : i32
          %add3A_617 = arith.addi %add3A_616, %mul3A_615 : i32
          %swap3A_618 = arith.index_cast %add3A_617 : i32 to index
          %swap3A_619 = tpu.vector_load %arg11[%swap3A_618] {strides = array<i32>} : memref<25600xi32, #tpu.memory_space<vmem>>, vector<16xi32>,
          %swap3A_620 = vector.shape_cast %swap3A_619 : vector<16xi32> to vector<16xi32>
          %swap3A_621 = vector.shape_cast %add3A_613 : vector<16xi32> to vector<16xi32>
          tpu.vector_store %arg11[%swap3A_618], %swap3A_621 {strides = array<i32>} : memref<25600xi32, #tpu.memory_space<vmem>>, vector<16xi32>,
          %add3A_622 = arith.constant 2055 : i32
          %add3A_623 = vector.broadcast %add3A_622 : i32 to vector<16xi32>
          %add3A_624 = arith.addi %add3A_534, %add3A_623 : vector<16xi32>
          %mul3A_625 = arith.constant 16 : i32
          %mul3A_626 = arith.muli %scan3A_519, %mul3A_625 : i32
          %add3A_627 = arith.constant 8192 : i32
          %add3A_628 = arith.addi %add3A_627, %mul3A_626 : i32
          %swap3A_629 = arith.index_cast %add3A_628 : i32 to index
          %swap3A_630 = tpu.vector_load %arg11[%swap3A_629] {strides = array<i32>} : memref<25600xi32, #tpu.memory_space<vmem>>, vector<16xi32>,
          %swap3A_631 = vector.shape_cast %swap3A_630 : vector<16xi32> to vector<16xi32>
          %swap3A_632 = vector.shape_cast %add3A_624 : vector<16xi32> to vector<16xi32>
          tpu.vector_store %arg11[%swap3A_629], %swap3A_632 {strides = array<i32>} : memref<25600xi32, #tpu.memory_space<vmem>>, vector<16xi32>,
          %add3A_633 = arith.constant 2056 : i32
          %add3A_634 = vector.broadcast %add3A_633 : i32 to vector<16xi32>
          %add3A_635 = arith.addi %add3A_534, %add3A_634 : vector<16xi32>
          %mul3A_636 = arith.constant 16 : i32
          %mul3A_637 = arith.muli %scan3A_519, %mul3A_636 : i32
          %add3A_638 = arith.constant 9216 : i32
          %add3A_639 = arith.addi %add3A_638, %mul3A_637 : i32
          %swap3A_640 = arith.index_cast %add3A_639 : i32 to index
          %swap3A_641 = tpu.vector_load %arg11[%swap3A_640] {strides = array<i32>} : memref<25600xi32, #tpu.memory_space<vmem>>, vector<16xi32>,
          %swap3A_642 = vector.shape_cast %swap3A_641 : vector<16xi32> to vector<16xi32>
          %swap3A_643 = vector.shape_cast %add3A_635 : vector<16xi32> to vector<16xi32>
          tpu.vector_store %arg11[%swap3A_640], %swap3A_643 {strides = array<i32>} : memref<25600xi32, #tpu.memory_space<vmem>>, vector<16xi32>,
          %add3A_644 = arith.constant 4104 : i32
          %add3A_645 = vector.broadcast %add3A_644 : i32 to vector<16xi32>
          %add3A_646 = arith.addi %add3A_534, %add3A_645 : vector<16xi32>
          %mul3A_647 = arith.constant 16 : i32
          %mul3A_648 = arith.muli %scan3A_519, %mul3A_647 : i32
          %add3A_649 = arith.constant 10240 : i32
          %add3A_650 = arith.addi %add3A_649, %mul3A_648 : i32
          %swap3A_651 = arith.index_cast %add3A_650 : i32 to index
          %swap3A_652 = tpu.vector_load %arg11[%swap3A_651] {strides = array<i32>} : memref<25600xi32, #tpu.memory_space<vmem>>, vector<16xi32>,
          %swap3A_653 = vector.shape_cast %swap3A_652 : vector<16xi32> to vector<16xi32>
          %swap3A_654 = vector.shape_cast %add3A_646 : vector<16xi32> to vector<16xi32>
          tpu.vector_store %arg11[%swap3A_651], %swap3A_654 {strides = array<i32>} : memref<25600xi32, #tpu.memory_space<vmem>>, vector<16xi32>,
          %add3A_655 = arith.constant 4105 : i32
          %add3A_656 = vector.broadcast %add3A_655 : i32 to vector<16xi32>
          %add3A_657 = arith.addi %add3A_534, %add3A_656 : vector<16xi32>
          %mul3A_658 = arith.constant 16 : i32
          %mul3A_659 = arith.muli %scan3A_519, %mul3A_658 : i32
          %add3A_660 = arith.constant 11264 : i32
          %add3A_661 = arith.addi %add3A_660, %mul3A_659 : i32
          %swap3A_662 = arith.index_cast %add3A_661 : i32 to index
          %swap3A_663 = tpu.vector_load %arg11[%swap3A_662] {strides = array<i32>} : memref<25600xi32, #tpu.memory_space<vmem>>, vector<16xi32>,
          %swap3A_664 = vector.shape_cast %swap3A_663 : vector<16xi32> to vector<16xi32>
          %swap3A_665 = vector.shape_cast %add3A_657 : vector<16xi32> to vector<16xi32>
          tpu.vector_store %arg11[%swap3A_662], %swap3A_665 {strides = array<i32>} : memref<25600xi32, #tpu.memory_space<vmem>>, vector<16xi32>,
          %add3A_666 = arith.constant 4106 : i32
          %add3A_667 = vector.broadcast %add3A_666 : i32 to vector<16xi32>
          %add3A_668 = arith.addi %add3A_534, %add3A_667 : vector<16xi32>
          %mul3A_669 = arith.constant 16 : i32
          %mul3A_670 = arith.muli %scan3A_519, %mul3A_669 : i32
          %add3A_671 = arith.constant 12288 : i32
          %add3A_672 = arith.addi %add3A_671, %mul3A_670 : i32
          %swap3A_673 = arith.index_cast %add3A_672 : i32 to index
          %swap3A_674 = tpu.vector_load %arg11[%swap3A_673] {strides = array<i32>} : memref<25600xi32, #tpu.memory_space<vmem>>, vector<16xi32>,
          %swap3A_675 = vector.shape_cast %swap3A_674 : vector<16xi32> to vector<16xi32>
          %swap3A_676 = vector.shape_cast %add3A_668 : vector<16xi32> to vector<16xi32>
          tpu.vector_store %arg11[%swap3A_673], %swap3A_676 {strides = array<i32>} : memref<25600xi32, #tpu.memory_space<vmem>>, vector<16xi32>,
          %add3A_677 = arith.constant 4107 : i32
          %add3A_678 = vector.broadcast %add3A_677 : i32 to vector<16xi32>
          %add3A_679 = arith.addi %add3A_534, %add3A_678 : vector<16xi32>
          %mul3A_680 = arith.constant 16 : i32
          %mul3A_681 = arith.muli %scan3A_519, %mul3A_680 : i32
          %add3A_682 = arith.constant 13312 : i32
          %add3A_683 = arith.addi %add3A_682, %mul3A_681 : i32
          %swap3A_684 = arith.index_cast %add3A_683 : i32 to index
          %swap3A_685 = tpu.vector_load %arg11[%swap3A_684] {strides = array<i32>} : memref<25600xi32, #tpu.memory_space<vmem>>, vector<16xi32>,
          %swap3A_686 = vector.shape_cast %swap3A_685 : vector<16xi32> to vector<16xi32>
          %swap3A_687 = vector.shape_cast %add3A_679 : vector<16xi32> to vector<16xi32>
          tpu.vector_store %arg11[%swap3A_684], %swap3A_687 {strides = array<i32>} : memref<25600xi32, #tpu.memory_space<vmem>>, vector<16xi32>,
          %add3A_688 = arith.constant 4108 : i32
          %add3A_689 = vector.broadcast %add3A_688 : i32 to vector<16xi32>
          %add3A_690 = arith.addi %add3A_534, %add3A_689 : vector<16xi32>
          %mul3A_691 = arith.constant 16 : i32
          %mul3A_692 = arith.muli %scan3A_519, %mul3A_691 : i32
          %add3A_693 = arith.constant 14336 : i32
          %add3A_694 = arith.addi %add3A_693, %mul3A_692 : i32
          %swap3A_695 = arith.index_cast %add3A_694 : i32 to index
          %swap3A_696 = tpu.vector_load %arg11[%swap3A_695] {strides = array<i32>} : memref<25600xi32, #tpu.memory_space<vmem>>, vector<16xi32>,
          %swap3A_697 = vector.shape_cast %swap3A_696 : vector<16xi32> to vector<16xi32>
          %swap3A_698 = vector.shape_cast %add3A_690 : vector<16xi32> to vector<16xi32>
          tpu.vector_store %arg11[%swap3A_695], %swap3A_698 {strides = array<i32>} : memref<25600xi32, #tpu.memory_space<vmem>>, vector<16xi32>,
          %add3A_699 = arith.constant 6156 : i32
          %add3A_700 = vector.broadcast %add3A_699 : i32 to vector<16xi32>
          %add3A_701 = arith.addi %add3A_534, %add3A_700 : vector<16xi32>
          %mul3A_702 = arith.constant 16 : i32
          %mul3A_703 = arith.muli %scan3A_519, %mul3A_702 : i32
          %add3A_704 = arith.constant 15360 : i32
          %add3A_705 = arith.addi %add3A_704, %mul3A_703 : i32
          %swap3A_706 = arith.index_cast %add3A_705 : i32 to index
          %swap3A_707 = tpu.vector_load %arg11[%swap3A_706] {strides = array<i32>} : memref<25600xi32, #tpu.memory_space<vmem>>, vector<16xi32>,
          %swap3A_708 = vector.shape_cast %swap3A_707 : vector<16xi32> to vector<16xi32>
          %swap3A_709 = vector.shape_cast %add3A_701 : vector<16xi32> to vector<16xi32>
          tpu.vector_store %arg11[%swap3A_706], %swap3A_709 {strides = array<i32>} : memref<25600xi32, #tpu.memory_space<vmem>>, vector<16xi32>,
          %add3A_710 = arith.constant 6157 : i32
          %add3A_711 = vector.broadcast %add3A_710 : i32 to vector<16xi32>
          %add3A_712 = arith.addi %add3A_534, %add3A_711 : vector<16xi32>
          %mul3A_713 = arith.constant 16 : i32
          %mul3A_714 = arith.muli %scan3A_519, %mul3A_713 : i32
          %add3A_715 = arith.constant 16384 : i32
          %add3A_716 = arith.addi %add3A_715, %mul3A_714 : i32
          %swap3A_717 = arith.index_cast %add3A_716 : i32 to index
          %swap3A_718 = tpu.vector_load %arg11[%swap3A_717] {strides = array<i32>} : memref<25600xi32, #tpu.memory_space<vmem>>, vector<16xi32>,
          %swap3A_719 = vector.shape_cast %swap3A_718 : vector<16xi32> to vector<16xi32>
          %swap3A_720 = vector.shape_cast %add3A_712 : vector<16xi32> to vector<16xi32>
          tpu.vector_store %arg11[%swap3A_717], %swap3A_720 {strides = array<i32>} : memref<25600xi32, #tpu.memory_space<vmem>>, vector<16xi32>,
          %add3A_721 = arith.constant 6158 : i32
          %add3A_722 = vector.broadcast %add3A_721 : i32 to vector<16xi32>
          %add3A_723 = arith.addi %add3A_534, %add3A_722 : vector<16xi32>
          %mul3A_724 = arith.constant 16 : i32
          %mul3A_725 = arith.muli %scan3A_519, %mul3A_724 : i32
          %add3A_726 = arith.constant 17408 : i32
          %add3A_727 = arith.addi %add3A_726, %mul3A_725 : i32
          %swap3A_728 = arith.index_cast %add3A_727 : i32 to index
          %swap3A_729 = tpu.vector_load %arg11[%swap3A_728] {strides = array<i32>} : memref<25600xi32, #tpu.memory_space<vmem>>, vector<16xi32>,
          %swap3A_730 = vector.shape_cast %swap3A_729 : vector<16xi32> to vector<16xi32>
          %swap3A_731 = vector.shape_cast %add3A_723 : vector<16xi32> to vector<16xi32>
          tpu.vector_store %arg11[%swap3A_728], %swap3A_731 {strides = array<i32>} : memref<25600xi32, #tpu.memory_space<vmem>>, vector<16xi32>,
          %add3A_732 = arith.constant 6159 : i32
          %add3A_733 = vector.broadcast %add3A_732 : i32 to vector<16xi32>
          %add3A_734 = arith.addi %add3A_534, %add3A_733 : vector<16xi32>
          %mul3A_735 = arith.constant 16 : i32
          %mul3A_736 = arith.muli %scan3A_519, %mul3A_735 : i32
          %add3A_737 = arith.constant 18432 : i32
          %add3A_738 = arith.addi %add3A_737, %mul3A_736 : i32
          %swap3A_739 = arith.index_cast %add3A_738 : i32 to index
          %swap3A_740 = tpu.vector_load %arg11[%swap3A_739] {strides = array<i32>} : memref<25600xi32, #tpu.memory_space<vmem>>, vector<16xi32>,
          %swap3A_741 = vector.shape_cast %swap3A_740 : vector<16xi32> to vector<16xi32>
          %swap3A_742 = vector.shape_cast %add3A_734 : vector<16xi32> to vector<16xi32>
          tpu.vector_store %arg11[%swap3A_739], %swap3A_742 {strides = array<i32>} : memref<25600xi32, #tpu.memory_space<vmem>>, vector<16xi32>,
          %add3A_743 = arith.constant 6160 : i32
          %add3A_744 = vector.broadcast %add3A_743 : i32 to vector<16xi32>
          %add3A_745 = arith.addi %add3A_534, %add3A_744 : vector<16xi32>
          %mul3A_746 = arith.constant 16 : i32
          %mul3A_747 = arith.muli %scan3A_519, %mul3A_746 : i32
          %add3A_748 = arith.constant 19456 : i32
          %add3A_749 = arith.addi %add3A_748, %mul3A_747 : i32
          %swap3A_750 = arith.index_cast %add3A_749 : i32 to index
          %swap3A_751 = tpu.vector_load %arg11[%swap3A_750] {strides = array<i32>} : memref<25600xi32, #tpu.memory_space<vmem>>, vector<16xi32>,
          %swap3A_752 = vector.shape_cast %swap3A_751 : vector<16xi32> to vector<16xi32>
          %swap3A_753 = vector.shape_cast %add3A_745 : vector<16xi32> to vector<16xi32>
          tpu.vector_store %arg11[%swap3A_750], %swap3A_753 {strides = array<i32>} : memref<25600xi32, #tpu.memory_space<vmem>>, vector<16xi32>,
          %add3A_754 = arith.constant 8208 : i32
          %add3A_755 = vector.broadcast %add3A_754 : i32 to vector<16xi32>
          %add3A_756 = arith.addi %add3A_534, %add3A_755 : vector<16xi32>
          %mul3A_757 = arith.constant 16 : i32
          %mul3A_758 = arith.muli %scan3A_519, %mul3A_757 : i32
          %add3A_759 = arith.constant 20480 : i32
          %add3A_760 = arith.addi %add3A_759, %mul3A_758 : i32
          %swap3A_761 = arith.index_cast %add3A_760 : i32 to index
          %swap3A_762 = tpu.vector_load %arg11[%swap3A_761] {strides = array<i32>} : memref<25600xi32, #tpu.memory_space<vmem>>, vector<16xi32>,
          %swap3A_763 = vector.shape_cast %swap3A_762 : vector<16xi32> to vector<16xi32>
          %swap3A_764 = vector.shape_cast %add3A_756 : vector<16xi32> to vector<16xi32>
          tpu.vector_store %arg11[%swap3A_761], %swap3A_764 {strides = array<i32>} : memref<25600xi32, #tpu.memory_space<vmem>>, vector<16xi32>,
          %add3A_765 = arith.constant 8209 : i32
          %add3A_766 = vector.broadcast %add3A_765 : i32 to vector<16xi32>
          %add3A_767 = arith.addi %add3A_534, %add3A_766 : vector<16xi32>
          %mul3A_768 = arith.constant 16 : i32
          %mul3A_769 = arith.muli %scan3A_519, %mul3A_768 : i32
          %add3A_770 = arith.constant 21504 : i32
          %add3A_771 = arith.addi %add3A_770, %mul3A_769 : i32
          %swap3A_772 = arith.index_cast %add3A_771 : i32 to index
          %swap3A_773 = tpu.vector_load %arg11[%swap3A_772] {strides = array<i32>} : memref<25600xi32, #tpu.memory_space<vmem>>, vector<16xi32>,
          %swap3A_774 = vector.shape_cast %swap3A_773 : vector<16xi32> to vector<16xi32>
          %swap3A_775 = vector.shape_cast %add3A_767 : vector<16xi32> to vector<16xi32>
          tpu.vector_store %arg11[%swap3A_772], %swap3A_775 {strides = array<i32>} : memref<25600xi32, #tpu.memory_space<vmem>>, vector<16xi32>,
          %add3A_776 = arith.constant 8210 : i32
          %add3A_777 = vector.broadcast %add3A_776 : i32 to vector<16xi32>
          %add3A_778 = arith.addi %add3A_534, %add3A_777 : vector<16xi32>
          %mul3A_779 = arith.constant 16 : i32
          %mul3A_780 = arith.muli %scan3A_519, %mul3A_779 : i32
          %add3A_781 = arith.constant 22528 : i32
          %add3A_782 = arith.addi %add3A_781, %mul3A_780 : i32
          %swap3A_783 = arith.index_cast %add3A_782 : i32 to index
          %swap3A_784 = tpu.vector_load %arg11[%swap3A_783] {strides = array<i32>} : memref<25600xi32, #tpu.memory_space<vmem>>, vector<16xi32>,
          %swap3A_785 = vector.shape_cast %swap3A_784 : vector<16xi32> to vector<16xi32>
          %swap3A_786 = vector.shape_cast %add3A_778 : vector<16xi32> to vector<16xi32>
          tpu.vector_store %arg11[%swap3A_783], %swap3A_786 {strides = array<i32>} : memref<25600xi32, #tpu.memory_space<vmem>>, vector<16xi32>,
          %add3A_787 = arith.constant 8211 : i32
          %add3A_788 = vector.broadcast %add3A_787 : i32 to vector<16xi32>
          %add3A_789 = arith.addi %add3A_534, %add3A_788 : vector<16xi32>
          %mul3A_790 = arith.constant 16 : i32
          %mul3A_791 = arith.muli %scan3A_519, %mul3A_790 : i32
          %add3A_792 = arith.constant 23552 : i32
          %add3A_793 = arith.addi %add3A_792, %mul3A_791 : i32
          %swap3A_794 = arith.index_cast %add3A_793 : i32 to index
          %swap3A_795 = tpu.vector_load %arg11[%swap3A_794] {strides = array<i32>} : memref<25600xi32, #tpu.memory_space<vmem>>, vector<16xi32>,
          %swap3A_796 = vector.shape_cast %swap3A_795 : vector<16xi32> to vector<16xi32>
          %swap3A_797 = vector.shape_cast %add3A_789 : vector<16xi32> to vector<16xi32>
          tpu.vector_store %arg11[%swap3A_794], %swap3A_797 {strides = array<i32>} : memref<25600xi32, #tpu.memory_space<vmem>>, vector<16xi32>,
          %add3A_798 = arith.constant 8212 : i32
          %add3A_799 = vector.broadcast %add3A_798 : i32 to vector<16xi32>
          %add3A_800 = arith.addi %add3A_534, %add3A_799 : vector<16xi32>
          %mul3A_801 = arith.constant 16 : i32
          %mul3A_802 = arith.muli %scan3A_519, %mul3A_801 : i32
          %add3A_803 = arith.constant 24576 : i32
          %add3A_804 = arith.addi %add3A_803, %mul3A_802 : i32
          %swap3A_805 = arith.index_cast %add3A_804 : i32 to index
          %swap3A_806 = tpu.vector_load %arg11[%swap3A_805] {strides = array<i32>} : memref<25600xi32, #tpu.memory_space<vmem>>, vector<16xi32>,
          %swap3A_807 = vector.shape_cast %swap3A_806 : vector<16xi32> to vector<16xi32>
          %swap3A_808 = vector.shape_cast %add3A_800 : vector<16xi32> to vector<16xi32>
          tpu.vector_store %arg11[%swap3A_805], %swap3A_808 {strides = array<i32>} : memref<25600xi32, #tpu.memory_space<vmem>>, vector<16xi32>,
        }
        %scan3A_368 = arith.constant 64 : i32
        %dma_start3A_369 = arith.constant 0 : i32
        %dma_start3A_370 = tpu.memref_slice %arg12[%dma_start3A_369] : memref<25600xi32, #tpu.memory_space<vmem>> -> memref<1024xi32, #tpu.memory_space<vmem>>
        %dma_start3A_371 = arith.constant 0 : i32
        %dma_start3A_372 = tpu.memref_slice %arg11[%dma_start3A_371] : memref<25600xi32, #tpu.memory_space<vmem>> -> memref<1024xi32, #tpu.memory_space<vmem>>
        %dma_start3A_373 = arith.constant 0 : i32
        %dma_start3A_374 = tpu.memref_slice %arg7[%dma_start3A_373] : memref<139536xi32, #tpu.memory_space<vmem_shared>> -> memref<139536xi32, #tpu.memory_space<vmem_shared>>
        tpu.enqueue_indirect_dma source(%dma_start3A_374 : memref<139536xi32, #tpu.memory_space<vmem_shared>>) target(%dma_start3A_370 : memref<1024xi32, #tpu.memory_space<vmem>>) offsets(%dma_start3A_372 : memref<1024xi32, #tpu.memory_space<vmem>>) semaphore(%arg13 : memref<!tpu.dma_semaphore, #tpu.memory_space<semaphore_mem>>)
        %dma_start3A_375 = arith.constant 1024 : i32
        %dma_start3A_376 = tpu.memref_slice %arg12[%dma_start3A_375] : memref<25600xi32, #tpu.memory_space<vmem>> -> memref<1024xi32, #tpu.memory_space<vmem>>
        %dma_start3A_377 = arith.constant 1024 : i32
        %dma_start3A_378 = tpu.memref_slice %arg11[%dma_start3A_377] : memref<25600xi32, #tpu.memory_space<vmem>> -> memref<1024xi32, #tpu.memory_space<vmem>>
        %dma_start3A_379 = arith.constant 0 : i32
        %dma_start3A_380 = tpu.memref_slice %arg7[%dma_start3A_379] : memref<139536xi32, #tpu.memory_space<vmem_shared>> -> memref<139536xi32, #tpu.memory_space<vmem_shared>>
        tpu.enqueue_indirect_dma source(%dma_start3A_380 : memref<139536xi32, #tpu.memory_space<vmem_shared>>) target(%dma_start3A_376 : memref<1024xi32, #tpu.memory_space<vmem>>) offsets(%dma_start3A_378 : memref<1024xi32, #tpu.memory_space<vmem>>) semaphore(%arg13 : memref<!tpu.dma_semaphore, #tpu.memory_space<semaphore_mem>>)
        %dma_start3A_381 = arith.constant 2048 : i32
        %dma_start3A_382 = tpu.memref_slice %arg12[%dma_start3A_381] : memref<25600xi32, #tpu.memory_space<vmem>> -> memref<1024xi32, #tpu.memory_space<vmem>>
        %dma_start3A_383 = arith.constant 2048 : i32
        %dma_start3A_384 = tpu.memref_slice %arg11[%dma_start3A_383] : memref<25600xi32, #tpu.memory_space<vmem>> -> memref<1024xi32, #tpu.memory_space<vmem>>
        %dma_start3A_385 = arith.constant 0 : i32
        %dma_start3A_386 = tpu.memref_slice %arg7[%dma_start3A_385] : memref<139536xi32, #tpu.memory_space<vmem_shared>> -> memref<139536xi32, #tpu.memory_space<vmem_shared>>
        tpu.enqueue_indirect_dma source(%dma_start3A_386 : memref<139536xi32, #tpu.memory_space<vmem_shared>>) target(%dma_start3A_382 : memref<1024xi32, #tpu.memory_space<vmem>>) offsets(%dma_start3A_384 : memref<1024xi32, #tpu.memory_space<vmem>>) semaphore(%arg13 : memref<!tpu.dma_semaphore, #tpu.memory_space<semaphore_mem>>)
        %dma_start3A_387 = arith.constant 3072 : i32
        %dma_start3A_388 = tpu.memref_slice %arg12[%dma_start3A_387] : memref<25600xi32, #tpu.memory_space<vmem>> -> memref<1024xi32, #tpu.memory_space<vmem>>
        %dma_start3A_389 = arith.constant 3072 : i32
        %dma_start3A_390 = tpu.memref_slice %arg11[%dma_start3A_389] : memref<25600xi32, #tpu.memory_space<vmem>> -> memref<1024xi32, #tpu.memory_space<vmem>>
        %dma_start3A_391 = arith.constant 0 : i32
        %dma_start3A_392 = tpu.memref_slice %arg7[%dma_start3A_391] : memref<139536xi32, #tpu.memory_space<vmem_shared>> -> memref<139536xi32, #tpu.memory_space<vmem_shared>>
        tpu.enqueue_indirect_dma source(%dma_start3A_392 : memref<139536xi32, #tpu.memory_space<vmem_shared>>) target(%dma_start3A_388 : memref<1024xi32, #tpu.memory_space<vmem>>) offsets(%dma_start3A_390 : memref<1024xi32, #tpu.memory_space<vmem>>) semaphore(%arg13 : memref<!tpu.dma_semaphore, #tpu.memory_space<semaphore_mem>>)
        %dma_start3A_393 = arith.constant 4096 : i32
        %dma_start3A_394 = tpu.memref_slice %arg12[%dma_start3A_393] : memref<25600xi32, #tpu.memory_space<vmem>> -> memref<1024xi32, #tpu.memory_space<vmem>>
        %dma_start3A_395 = arith.constant 4096 : i32
        %dma_start3A_396 = tpu.memref_slice %arg11[%dma_start3A_395] : memref<25600xi32, #tpu.memory_space<vmem>> -> memref<1024xi32, #tpu.memory_space<vmem>>
        %dma_start3A_397 = arith.constant 0 : i32
        %dma_start3A_398 = tpu.memref_slice %arg7[%dma_start3A_397] : memref<139536xi32, #tpu.memory_space<vmem_shared>> -> memref<139536xi32, #tpu.memory_space<vmem_shared>>
        tpu.enqueue_indirect_dma source(%dma_start3A_398 : memref<139536xi32, #tpu.memory_space<vmem_shared>>) target(%dma_start3A_394 : memref<1024xi32, #tpu.memory_space<vmem>>) offsets(%dma_start3A_396 : memref<1024xi32, #tpu.memory_space<vmem>>) semaphore(%arg13 : memref<!tpu.dma_semaphore, #tpu.memory_space<semaphore_mem>>)
        %dma_start3A_399 = arith.constant 5120 : i32
        %dma_start3A_400 = tpu.memref_slice %arg12[%dma_start3A_399] : memref<25600xi32, #tpu.memory_space<vmem>> -> memref<1024xi32, #tpu.memory_space<vmem>>
        %dma_start3A_401 = arith.constant 5120 : i32
        %dma_start3A_402 = tpu.memref_slice %arg11[%dma_start3A_401] : memref<25600xi32, #tpu.memory_space<vmem>> -> memref<1024xi32, #tpu.memory_space<vmem>>
        %dma_start3A_403 = arith.constant 0 : i32
        %dma_start3A_404 = tpu.memref_slice %arg7[%dma_start3A_403] : memref<139536xi32, #tpu.memory_space<vmem_shared>> -> memref<139536xi32, #tpu.memory_space<vmem_shared>>
        tpu.enqueue_indirect_dma source(%dma_start3A_404 : memref<139536xi32, #tpu.memory_space<vmem_shared>>) target(%dma_start3A_400 : memref<1024xi32, #tpu.memory_space<vmem>>) offsets(%dma_start3A_402 : memref<1024xi32, #tpu.memory_space<vmem>>) semaphore(%arg13 : memref<!tpu.dma_semaphore, #tpu.memory_space<semaphore_mem>>)
        %dma_start3A_405 = arith.constant 6144 : i32
        %dma_start3A_406 = tpu.memref_slice %arg12[%dma_start3A_405] : memref<25600xi32, #tpu.memory_space<vmem>> -> memref<1024xi32, #tpu.memory_space<vmem>>
        %dma_start3A_407 = arith.constant 6144 : i32
        %dma_start3A_408 = tpu.memref_slice %arg11[%dma_start3A_407] : memref<25600xi32, #tpu.memory_space<vmem>> -> memref<1024xi32, #tpu.memory_space<vmem>>
        %dma_start3A_409 = arith.constant 0 : i32
        %dma_start3A_410 = tpu.memref_slice %arg7[%dma_start3A_409] : memref<139536xi32, #tpu.memory_space<vmem_shared>> -> memref<139536xi32, #tpu.memory_space<vmem_shared>>
        tpu.enqueue_indirect_dma source(%dma_start3A_410 : memref<139536xi32, #tpu.memory_space<vmem_shared>>) target(%dma_start3A_406 : memref<1024xi32, #tpu.memory_space<vmem>>) offsets(%dma_start3A_408 : memref<1024xi32, #tpu.memory_space<vmem>>) semaphore(%arg13 : memref<!tpu.dma_semaphore, #tpu.memory_space<semaphore_mem>>)
        %dma_start3A_411 = arith.constant 7168 : i32
        %dma_start3A_412 = tpu.memref_slice %arg12[%dma_start3A_411] : memref<25600xi32, #tpu.memory_space<vmem>> -> memref<1024xi32, #tpu.memory_space<vmem>>
        %dma_start3A_413 = arith.constant 7168 : i32
        %dma_start3A_414 = tpu.memref_slice %arg11[%dma_start3A_413] : memref<25600xi32, #tpu.memory_space<vmem>> -> memref<1024xi32, #tpu.memory_space<vmem>>
        %dma_start3A_415 = arith.constant 0 : i32
        %dma_start3A_416 = tpu.memref_slice %arg7[%dma_start3A_415] : memref<139536xi32, #tpu.memory_space<vmem_shared>> -> memref<139536xi32, #tpu.memory_space<vmem_shared>>
        tpu.enqueue_indirect_dma source(%dma_start3A_416 : memref<139536xi32, #tpu.memory_space<vmem_shared>>) target(%dma_start3A_412 : memref<1024xi32, #tpu.memory_space<vmem>>) offsets(%dma_start3A_414 : memref<1024xi32, #tpu.memory_space<vmem>>) semaphore(%arg13 : memref<!tpu.dma_semaphore, #tpu.memory_space<semaphore_mem>>)
        %dma_start3A_417 = arith.constant 8192 : i32
        %dma_start3A_418 = tpu.memref_slice %arg12[%dma_start3A_417] : memref<25600xi32, #tpu.memory_space<vmem>> -> memref<1024xi32, #tpu.memory_space<vmem>>
        %dma_start3A_419 = arith.constant 8192 : i32
        %dma_start3A_420 = tpu.memref_slice %arg11[%dma_start3A_419] : memref<25600xi32, #tpu.memory_space<vmem>> -> memref<1024xi32, #tpu.memory_space<vmem>>
        %dma_start3A_421 = arith.constant 0 : i32
        %dma_start3A_422 = tpu.memref_slice %arg7[%dma_start3A_421] : memref<139536xi32, #tpu.memory_space<vmem_shared>> -> memref<139536xi32, #tpu.memory_space<vmem_shared>>
        tpu.enqueue_indirect_dma source(%dma_start3A_422 : memref<139536xi32, #tpu.memory_space<vmem_shared>>) target(%dma_start3A_418 : memref<1024xi32, #tpu.memory_space<vmem>>) offsets(%dma_start3A_420 : memref<1024xi32, #tpu.memory_space<vmem>>) semaphore(%arg13 : memref<!tpu.dma_semaphore, #tpu.memory_space<semaphore_mem>>)
        %dma_start3A_423 = arith.constant 9216 : i32
        %dma_start3A_424 = tpu.memref_slice %arg12[%dma_start3A_423] : memref<25600xi32, #tpu.memory_space<vmem>> -> memref<1024xi32, #tpu.memory_space<vmem>>
        %dma_start3A_425 = arith.constant 9216 : i32
        %dma_start3A_426 = tpu.memref_slice %arg11[%dma_start3A_425] : memref<25600xi32, #tpu.memory_space<vmem>> -> memref<1024xi32, #tpu.memory_space<vmem>>
        %dma_start3A_427 = arith.constant 0 : i32
        %dma_start3A_428 = tpu.memref_slice %arg7[%dma_start3A_427] : memref<139536xi32, #tpu.memory_space<vmem_shared>> -> memref<139536xi32, #tpu.memory_space<vmem_shared>>
        tpu.enqueue_indirect_dma source(%dma_start3A_428 : memref<139536xi32, #tpu.memory_space<vmem_shared>>) target(%dma_start3A_424 : memref<1024xi32, #tpu.memory_space<vmem>>) offsets(%dma_start3A_426 : memref<1024xi32, #tpu.memory_space<vmem>>) semaphore(%arg13 : memref<!tpu.dma_semaphore, #tpu.memory_space<semaphore_mem>>)
        %dma_start3A_429 = arith.constant 10240 : i32
        %dma_start3A_430 = tpu.memref_slice %arg12[%dma_start3A_429] : memref<25600xi32, #tpu.memory_space<vmem>> -> memref<1024xi32, #tpu.memory_space<vmem>>
        %dma_start3A_431 = arith.constant 10240 : i32
        %dma_start3A_432 = tpu.memref_slice %arg11[%dma_start3A_431] : memref<25600xi32, #tpu.memory_space<vmem>> -> memref<1024xi32, #tpu.memory_space<vmem>>
        %dma_start3A_433 = arith.constant 0 : i32
        %dma_start3A_434 = tpu.memref_slice %arg7[%dma_start3A_433] : memref<139536xi32, #tpu.memory_space<vmem_shared>> -> memref<139536xi32, #tpu.memory_space<vmem_shared>>
        tpu.enqueue_indirect_dma source(%dma_start3A_434 : memref<139536xi32, #tpu.memory_space<vmem_shared>>) target(%dma_start3A_430 : memref<1024xi32, #tpu.memory_space<vmem>>) offsets(%dma_start3A_432 : memref<1024xi32, #tpu.memory_space<vmem>>) semaphore(%arg13 : memref<!tpu.dma_semaphore, #tpu.memory_space<semaphore_mem>>)
        %dma_start3A_435 = arith.constant 11264 : i32
        %dma_start3A_436 = tpu.memref_slice %arg12[%dma_start3A_435] : memref<25600xi32, #tpu.memory_space<vmem>> -> memref<1024xi32, #tpu.memory_space<vmem>>
        %dma_start3A_437 = arith.constant 11264 : i32
        %dma_start3A_438 = tpu.memref_slice %arg11[%dma_start3A_437] : memref<25600xi32, #tpu.memory_space<vmem>> -> memref<1024xi32, #tpu.memory_space<vmem>>
        %dma_start3A_439 = arith.constant 0 : i32
        %dma_start3A_440 = tpu.memref_slice %arg7[%dma_start3A_439] : memref<139536xi32, #tpu.memory_space<vmem_shared>> -> memref<139536xi32, #tpu.memory_space<vmem_shared>>
        tpu.enqueue_indirect_dma source(%dma_start3A_440 : memref<139536xi32, #tpu.memory_space<vmem_shared>>) target(%dma_start3A_436 : memref<1024xi32, #tpu.memory_space<vmem>>) offsets(%dma_start3A_438 : memref<1024xi32, #tpu.memory_space<vmem>>) semaphore(%arg13 : memref<!tpu.dma_semaphore, #tpu.memory_space<semaphore_mem>>)
        %dma_start3A_441 = arith.constant 12288 : i32
        %dma_start3A_442 = tpu.memref_slice %arg12[%dma_start3A_441] : memref<25600xi32, #tpu.memory_space<vmem>> -> memref<1024xi32, #tpu.memory_space<vmem>>
        %dma_start3A_443 = arith.constant 12288 : i32
        %dma_start3A_444 = tpu.memref_slice %arg11[%dma_start3A_443] : memref<25600xi32, #tpu.memory_space<vmem>> -> memref<1024xi32, #tpu.memory_space<vmem>>
        %dma_start3A_445 = arith.constant 0 : i32
        %dma_start3A_446 = tpu.memref_slice %arg7[%dma_start3A_445] : memref<139536xi32, #tpu.memory_space<vmem_shared>> -> memref<139536xi32, #tpu.memory_space<vmem_shared>>
        tpu.enqueue_indirect_dma source(%dma_start3A_446 : memref<139536xi32, #tpu.memory_space<vmem_shared>>) target(%dma_start3A_442 : memref<1024xi32, #tpu.memory_space<vmem>>) offsets(%dma_start3A_444 : memref<1024xi32, #tpu.memory_space<vmem>>) semaphore(%arg13 : memref<!tpu.dma_semaphore, #tpu.memory_space<semaphore_mem>>)
        %dma_start3A_447 = arith.constant 13312 : i32
        %dma_start3A_448 = tpu.memref_slice %arg12[%dma_start3A_447] : memref<25600xi32, #tpu.memory_space<vmem>> -> memref<1024xi32, #tpu.memory_space<vmem>>
        %dma_start3A_449 = arith.constant 13312 : i32
        %dma_start3A_450 = tpu.memref_slice %arg11[%dma_start3A_449] : memref<25600xi32, #tpu.memory_space<vmem>> -> memref<1024xi32, #tpu.memory_space<vmem>>
        %dma_start3A_451 = arith.constant 0 : i32
        %dma_start3A_452 = tpu.memref_slice %arg7[%dma_start3A_451] : memref<139536xi32, #tpu.memory_space<vmem_shared>> -> memref<139536xi32, #tpu.memory_space<vmem_shared>>
        tpu.enqueue_indirect_dma source(%dma_start3A_452 : memref<139536xi32, #tpu.memory_space<vmem_shared>>) target(%dma_start3A_448 : memref<1024xi32, #tpu.memory_space<vmem>>) offsets(%dma_start3A_450 : memref<1024xi32, #tpu.memory_space<vmem>>) semaphore(%arg13 : memref<!tpu.dma_semaphore, #tpu.memory_space<semaphore_mem>>)
        %dma_start3A_453 = arith.constant 14336 : i32
        %dma_start3A_454 = tpu.memref_slice %arg12[%dma_start3A_453] : memref<25600xi32, #tpu.memory_space<vmem>> -> memref<1024xi32, #tpu.memory_space<vmem>>
        %dma_start3A_455 = arith.constant 14336 : i32
        %dma_start3A_456 = tpu.memref_slice %arg11[%dma_start3A_455] : memref<25600xi32, #tpu.memory_space<vmem>> -> memref<1024xi32, #tpu.memory_space<vmem>>
        %dma_start3A_457 = arith.constant 0 : i32
        %dma_start3A_458 = tpu.memref_slice %arg7[%dma_start3A_457] : memref<139536xi32, #tpu.memory_space<vmem_shared>> -> memref<139536xi32, #tpu.memory_space<vmem_shared>>
        tpu.enqueue_indirect_dma source(%dma_start3A_458 : memref<139536xi32, #tpu.memory_space<vmem_shared>>) target(%dma_start3A_454 : memref<1024xi32, #tpu.memory_space<vmem>>) offsets(%dma_start3A_456 : memref<1024xi32, #tpu.memory_space<vmem>>) semaphore(%arg13 : memref<!tpu.dma_semaphore, #tpu.memory_space<semaphore_mem>>)
        %dma_start3A_459 = arith.constant 15360 : i32
        %dma_start3A_460 = tpu.memref_slice %arg12[%dma_start3A_459] : memref<25600xi32, #tpu.memory_space<vmem>> -> memref<1024xi32, #tpu.memory_space<vmem>>
        %dma_start3A_461 = arith.constant 15360 : i32
        %dma_start3A_462 = tpu.memref_slice %arg11[%dma_start3A_461] : memref<25600xi32, #tpu.memory_space<vmem>> -> memref<1024xi32, #tpu.memory_space<vmem>>
        %dma_start3A_463 = arith.constant 0 : i32
        %dma_start3A_464 = tpu.memref_slice %arg7[%dma_start3A_463] : memref<139536xi32, #tpu.memory_space<vmem_shared>> -> memref<139536xi32, #tpu.memory_space<vmem_shared>>
        tpu.enqueue_indirect_dma source(%dma_start3A_464 : memref<139536xi32, #tpu.memory_space<vmem_shared>>) target(%dma_start3A_460 : memref<1024xi32, #tpu.memory_space<vmem>>) offsets(%dma_start3A_462 : memref<1024xi32, #tpu.memory_space<vmem>>) semaphore(%arg13 : memref<!tpu.dma_semaphore, #tpu.memory_space<semaphore_mem>>)
        %dma_start3A_465 = arith.constant 16384 : i32
        %dma_start3A_466 = tpu.memref_slice %arg12[%dma_start3A_465] : memref<25600xi32, #tpu.memory_space<vmem>> -> memref<1024xi32, #tpu.memory_space<vmem>>
        %dma_start3A_467 = arith.constant 16384 : i32
        %dma_start3A_468 = tpu.memref_slice %arg11[%dma_start3A_467] : memref<25600xi32, #tpu.memory_space<vmem>> -> memref<1024xi32, #tpu.memory_space<vmem>>
        %dma_start3A_469 = arith.constant 0 : i32
        %dma_start3A_470 = tpu.memref_slice %arg7[%dma_start3A_469] : memref<139536xi32, #tpu.memory_space<vmem_shared>> -> memref<139536xi32, #tpu.memory_space<vmem_shared>>
        tpu.enqueue_indirect_dma source(%dma_start3A_470 : memref<139536xi32, #tpu.memory_space<vmem_shared>>) target(%dma_start3A_466 : memref<1024xi32, #tpu.memory_space<vmem>>) offsets(%dma_start3A_468 : memref<1024xi32, #tpu.memory_space<vmem>>) semaphore(%arg13 : memref<!tpu.dma_semaphore, #tpu.memory_space<semaphore_mem>>)
        %dma_start3A_471 = arith.constant 17408 : i32
        %dma_start3A_472 = tpu.memref_slice %arg12[%dma_start3A_471] : memref<25600xi32, #tpu.memory_space<vmem>> -> memref<1024xi32, #tpu.memory_space<vmem>>
        %dma_start3A_473 = arith.constant 17408 : i32
        %dma_start3A_474 = tpu.memref_slice %arg11[%dma_start3A_473] : memref<25600xi32, #tpu.memory_space<vmem>> -> memref<1024xi32, #tpu.memory_space<vmem>>
        %dma_start3A_475 = arith.constant 0 : i32
        %dma_start3A_476 = tpu.memref_slice %arg7[%dma_start3A_475] : memref<139536xi32, #tpu.memory_space<vmem_shared>> -> memref<139536xi32, #tpu.memory_space<vmem_shared>>
        tpu.enqueue_indirect_dma source(%dma_start3A_476 : memref<139536xi32, #tpu.memory_space<vmem_shared>>) target(%dma_start3A_472 : memref<1024xi32, #tpu.memory_space<vmem>>) offsets(%dma_start3A_474 : memref<1024xi32, #tpu.memory_space<vmem>>) semaphore(%arg13 : memref<!tpu.dma_semaphore, #tpu.memory_space<semaphore_mem>>)
        %dma_start3A_477 = arith.constant 18432 : i32
        %dma_start3A_478 = tpu.memref_slice %arg12[%dma_start3A_477] : memref<25600xi32, #tpu.memory_space<vmem>> -> memref<1024xi32, #tpu.memory_space<vmem>>
        %dma_start3A_479 = arith.constant 18432 : i32
        %dma_start3A_480 = tpu.memref_slice %arg11[%dma_start3A_479] : memref<25600xi32, #tpu.memory_space<vmem>> -> memref<1024xi32, #tpu.memory_space<vmem>>
        %dma_start3A_481 = arith.constant 0 : i32
        %dma_start3A_482 = tpu.memref_slice %arg7[%dma_start3A_481] : memref<139536xi32, #tpu.memory_space<vmem_shared>> -> memref<139536xi32, #tpu.memory_space<vmem_shared>>
        tpu.enqueue_indirect_dma source(%dma_start3A_482 : memref<139536xi32, #tpu.memory_space<vmem_shared>>) target(%dma_start3A_478 : memref<1024xi32, #tpu.memory_space<vmem>>) offsets(%dma_start3A_480 : memref<1024xi32, #tpu.memory_space<vmem>>) semaphore(%arg13 : memref<!tpu.dma_semaphore, #tpu.memory_space<semaphore_mem>>)
        %dma_start3A_483 = arith.constant 19456 : i32
        %dma_start3A_484 = tpu.memref_slice %arg12[%dma_start3A_483] : memref<25600xi32, #tpu.memory_space<vmem>> -> memref<1024xi32, #tpu.memory_space<vmem>>
        %dma_start3A_485 = arith.constant 19456 : i32
        %dma_start3A_486 = tpu.memref_slice %arg11[%dma_start3A_485] : memref<25600xi32, #tpu.memory_space<vmem>> -> memref<1024xi32, #tpu.memory_space<vmem>>
        %dma_start3A_487 = arith.constant 0 : i32
        %dma_start3A_488 = tpu.memref_slice %arg7[%dma_start3A_487] : memref<139536xi32, #tpu.memory_space<vmem_shared>> -> memref<139536xi32, #tpu.memory_space<vmem_shared>>
        tpu.enqueue_indirect_dma source(%dma_start3A_488 : memref<139536xi32, #tpu.memory_space<vmem_shared>>) target(%dma_start3A_484 : memref<1024xi32, #tpu.memory_space<vmem>>) offsets(%dma_start3A_486 : memref<1024xi32, #tpu.memory_space<vmem>>) semaphore(%arg13 : memref<!tpu.dma_semaphore, #tpu.memory_space<semaphore_mem>>)
        %dma_start3A_489 = arith.constant 20480 : i32
        %dma_start3A_490 = tpu.memref_slice %arg12[%dma_start3A_489] : memref<25600xi32, #tpu.memory_space<vmem>> -> memref<1024xi32, #tpu.memory_space<vmem>>
        %dma_start3A_491 = arith.constant 20480 : i32
        %dma_start3A_492 = tpu.memref_slice %arg11[%dma_start3A_491] : memref<25600xi32, #tpu.memory_space<vmem>> -> memref<1024xi32, #tpu.memory_space<vmem>>
        %dma_start3A_493 = arith.constant 0 : i32
        %dma_start3A_494 = tpu.memref_slice %arg7[%dma_start3A_493] : memref<139536xi32, #tpu.memory_space<vmem_shared>> -> memref<139536xi32, #tpu.memory_space<vmem_shared>>
        tpu.enqueue_indirect_dma source(%dma_start3A_494 : memref<139536xi32, #tpu.memory_space<vmem_shared>>) target(%dma_start3A_490 : memref<1024xi32, #tpu.memory_space<vmem>>) offsets(%dma_start3A_492 : memref<1024xi32, #tpu.memory_space<vmem>>) semaphore(%arg13 : memref<!tpu.dma_semaphore, #tpu.memory_space<semaphore_mem>>)
        %dma_start3A_495 = arith.constant 21504 : i32
        %dma_start3A_496 = tpu.memref_slice %arg12[%dma_start3A_495] : memref<25600xi32, #tpu.memory_space<vmem>> -> memref<1024xi32, #tpu.memory_space<vmem>>
        %dma_start3A_497 = arith.constant 21504 : i32
        %dma_start3A_498 = tpu.memref_slice %arg11[%dma_start3A_497] : memref<25600xi32, #tpu.memory_space<vmem>> -> memref<1024xi32, #tpu.memory_space<vmem>>
        %dma_start3A_499 = arith.constant 0 : i32
        %dma_start3A_500 = tpu.memref_slice %arg7[%dma_start3A_499] : memref<139536xi32, #tpu.memory_space<vmem_shared>> -> memref<139536xi32, #tpu.memory_space<vmem_shared>>
        tpu.enqueue_indirect_dma source(%dma_start3A_500 : memref<139536xi32, #tpu.memory_space<vmem_shared>>) target(%dma_start3A_496 : memref<1024xi32, #tpu.memory_space<vmem>>) offsets(%dma_start3A_498 : memref<1024xi32, #tpu.memory_space<vmem>>) semaphore(%arg13 : memref<!tpu.dma_semaphore, #tpu.memory_space<semaphore_mem>>)
        %dma_start3A_501 = arith.constant 22528 : i32
        %dma_start3A_502 = tpu.memref_slice %arg12[%dma_start3A_501] : memref<25600xi32, #tpu.memory_space<vmem>> -> memref<1024xi32, #tpu.memory_space<vmem>>
        %dma_start3A_503 = arith.constant 22528 : i32
        %dma_start3A_504 = tpu.memref_slice %arg11[%dma_start3A_503] : memref<25600xi32, #tpu.memory_space<vmem>> -> memref<1024xi32, #tpu.memory_space<vmem>>
        %dma_start3A_505 = arith.constant 0 : i32
        %dma_start3A_506 = tpu.memref_slice %arg7[%dma_start3A_505] : memref<139536xi32, #tpu.memory_space<vmem_shared>> -> memref<139536xi32, #tpu.memory_space<vmem_shared>>
        tpu.enqueue_indirect_dma source(%dma_start3A_506 : memref<139536xi32, #tpu.memory_space<vmem_shared>>) target(%dma_start3A_502 : memref<1024xi32, #tpu.memory_space<vmem>>) offsets(%dma_start3A_504 : memref<1024xi32, #tpu.memory_space<vmem>>) semaphore(%arg13 : memref<!tpu.dma_semaphore, #tpu.memory_space<semaphore_mem>>)
        %dma_start3A_507 = arith.constant 23552 : i32
        %dma_start3A_508 = tpu.memref_slice %arg12[%dma_start3A_507] : memref<25600xi32, #tpu.memory_space<vmem>> -> memref<1024xi32, #tpu.memory_space<vmem>>
        %dma_start3A_509 = arith.constant 23552 : i32
        %dma_start3A_510 = tpu.memref_slice %arg11[%dma_start3A_509] : memref<25600xi32, #tpu.memory_space<vmem>> -> memref<1024xi32, #tpu.memory_space<vmem>>
        %dma_start3A_511 = arith.constant 0 : i32
        %dma_start3A_512 = tpu.memref_slice %arg7[%dma_start3A_511] : memref<139536xi32, #tpu.memory_space<vmem_shared>> -> memref<139536xi32, #tpu.memory_space<vmem_shared>>
        tpu.enqueue_indirect_dma source(%dma_start3A_512 : memref<139536xi32, #tpu.memory_space<vmem_shared>>) target(%dma_start3A_508 : memref<1024xi32, #tpu.memory_space<vmem>>) offsets(%dma_start3A_510 : memref<1024xi32, #tpu.memory_space<vmem>>) semaphore(%arg13 : memref<!tpu.dma_semaphore, #tpu.memory_space<semaphore_mem>>)
        %dma_start3A_513 = arith.constant 24576 : i32
        %dma_start3A_514 = tpu.memref_slice %arg12[%dma_start3A_513] : memref<25600xi32, #tpu.memory_space<vmem>> -> memref<1024xi32, #tpu.memory_space<vmem>>
        %dma_start3A_515 = arith.constant 24576 : i32
        %dma_start3A_516 = tpu.memref_slice %arg11[%dma_start3A_515] : memref<25600xi32, #tpu.memory_space<vmem>> -> memref<1024xi32, #tpu.memory_space<vmem>>
        %dma_start3A_517 = arith.constant 0 : i32
        %dma_start3A_518 = tpu.memref_slice %arg7[%dma_start3A_517] : memref<139536xi32, #tpu.memory_space<vmem_shared>> -> memref<139536xi32, #tpu.memory_space<vmem_shared>>
        tpu.enqueue_indirect_dma source(%dma_start3A_518 : memref<139536xi32, #tpu.memory_space<vmem_shared>>) target(%dma_start3A_514 : memref<1024xi32, #tpu.memory_space<vmem>>) offsets(%dma_start3A_516 : memref<1024xi32, #tpu.memory_space<vmem>>) semaphore(%arg13 : memref<!tpu.dma_semaphore, #tpu.memory_space<semaphore_mem>>)
      } else {
      }
      %dma_wait3A_344 = arith.constant 0 : i32
      %dma_wait3A_345 = tpu.memref_slice %arg2[%dma_wait3A_344] : memref<139536xi32, #tpu.memory_space<hbm>> -> memref<25600xi32, #tpu.memory_space<hbm>>
      %dma_wait3A_346 = arith.constant 0 : i32
      %dma_wait3A_347 = tpu.memref_slice %arg2[%dma_wait3A_346] : memref<139536xi32, #tpu.memory_space<hbm>> -> memref<25600xi32, #tpu.memory_space<hbm>>
      tpu.wait_dma2 semaphore(%arg16 : memref<!tpu.dma_semaphore, #tpu.memory_space<semaphore_mem>>) src(%dma_wait3A_347 : memref<25600xi32, #tpu.memory_space<hbm>>) dst(%arg15 : memref<25600xi32, #tpu.memory_space<vmem>>)
      %add3A_348 = arith.constant 1 : i32
      %add3A_349 = arith.addi %mul3A_167, %add3A_348 : i32
      %mul3A_350 = arith.constant 1024 : i32
      %mul3A_351 = arith.muli %add3A_349, %mul3A_350 : i32
      %add3A_352 = arith.addi %mul3A_2, %mul3A_351 : i32
      %scan3A_353 = arith.constant 0 : i32
      %scan3A_354 = arith.constant 0 : i32
      %scan3A_355 = arith.constant 64 : i32
      %scan3A_356 = arith.addi %scan3A_354, %scan3A_355 : i32
      %scan3A_357 = arith.constant 1 : i32
      scf.for %scan3A_359 = %scan3A_354 to %scan3A_356 step %scan3A_357  : i32 {
        %mul3A_360 = arith.constant 16 : i32
        %mul3A_361 = arith.muli %scan3A_359, %mul3A_360 : i32
        %mul3A_362 = arith.constant 1024 : i32
        %mul3A_363 = arith.muli %add3A_349, %mul3A_362 : i32
        %add3A_364 = arith.addi %mul3A_363, %mul3A_361 : i32
        %get3A = arith.index_cast %add3A_364 : i32 to index
        %get3A_365 = tpu.vector_load %arg10[%get3A] {strides = array<i32>} : memref<4096xf32, #tpu.memory_space<vmem>>, vector<16xf32>,
        %get3A_366 = vector.shape_cast %get3A_365 : vector<16xf32> to vector<16xf32>
        %add3A_367 = arith.constant 0 : i32
        %add3A_368 = arith.addi %add3A_367, %mul3A_361 : i32
        %get3A_369 = arith.index_cast %add3A_368 : i32 to index
        %get3A_370 = tpu.vector_load %arg15[%get3A_369] {strides = array<i32>} : memref<25600xi32, #tpu.memory_space<vmem>>, vector<16xi32>,
        %get3A_371 = vector.shape_cast %get3A_370 : vector<16xi32> to vector<16xi32>
        %add3A_372 = arith.constant 1024 : i32
        %add3A_373 = arith.addi %add3A_372, %mul3A_361 : i32
        %get3A_374 = arith.index_cast %add3A_373 : i32 to index
        %get3A_375 = tpu.vector_load %arg15[%get3A_374] {strides = array<i32>} : memref<25600xi32, #tpu.memory_space<vmem>>, vector<16xi32>,
        %get3A_376 = vector.shape_cast %get3A_375 : vector<16xi32> to vector<16xi32>
        %add3A_377 = arith.constant 2048 : i32
        %add3A_378 = arith.addi %add3A_377, %mul3A_361 : i32
        %get3A_379 = arith.index_cast %add3A_378 : i32 to index
        %get3A_380 = tpu.vector_load %arg15[%get3A_379] {strides = array<i32>} : memref<25600xi32, #tpu.memory_space<vmem>>, vector<16xi32>,
        %get3A_381 = vector.shape_cast %get3A_380 : vector<16xi32> to vector<16xi32>
        %add3A_382 = arith.constant 3072 : i32
        %add3A_383 = arith.addi %add3A_382, %mul3A_361 : i32
        %get3A_384 = arith.index_cast %add3A_383 : i32 to index
        %get3A_385 = tpu.vector_load %arg15[%get3A_384] {strides = array<i32>} : memref<25600xi32, #tpu.memory_space<vmem>>, vector<16xi32>,
        %get3A_386 = vector.shape_cast %get3A_385 : vector<16xi32> to vector<16xi32>
        %add3A_387 = arith.constant 4096 : i32
        %add3A_388 = arith.addi %add3A_387, %mul3A_361 : i32
        %get3A_389 = arith.index_cast %add3A_388 : i32 to index
        %get3A_390 = tpu.vector_load %arg15[%get3A_389] {strides = array<i32>} : memref<25600xi32, #tpu.memory_space<vmem>>, vector<16xi32>,
        %get3A_391 = vector.shape_cast %get3A_390 : vector<16xi32> to vector<16xi32>
        %add3A_392 = arith.constant 5120 : i32
        %add3A_393 = arith.addi %add3A_392, %mul3A_361 : i32
        %get3A_394 = arith.index_cast %add3A_393 : i32 to index
        %get3A_395 = tpu.vector_load %arg15[%get3A_394] {strides = array<i32>} : memref<25600xi32, #tpu.memory_space<vmem>>, vector<16xi32>,
        %get3A_396 = vector.shape_cast %get3A_395 : vector<16xi32> to vector<16xi32>
        %add3A_397 = arith.constant 6144 : i32
        %add3A_398 = arith.addi %add3A_397, %mul3A_361 : i32
        %get3A_399 = arith.index_cast %add3A_398 : i32 to index
        %get3A_400 = tpu.vector_load %arg15[%get3A_399] {strides = array<i32>} : memref<25600xi32, #tpu.memory_space<vmem>>, vector<16xi32>,
        %get3A_401 = vector.shape_cast %get3A_400 : vector<16xi32> to vector<16xi32>
        %add3A_402 = arith.constant 7168 : i32
        %add3A_403 = arith.addi %add3A_402, %mul3A_361 : i32
        %get3A_404 = arith.index_cast %add3A_403 : i32 to index
        %get3A_405 = tpu.vector_load %arg15[%get3A_404] {strides = array<i32>} : memref<25600xi32, #tpu.memory_space<vmem>>, vector<16xi32>,
        %get3A_406 = vector.shape_cast %get3A_405 : vector<16xi32> to vector<16xi32>
        %add3A_407 = arith.constant 8192 : i32
        %add3A_408 = arith.addi %add3A_407, %mul3A_361 : i32
        %get3A_409 = arith.index_cast %add3A_408 : i32 to index
        %get3A_410 = tpu.vector_load %arg15[%get3A_409] {strides = array<i32>} : memref<25600xi32, #tpu.memory_space<vmem>>, vector<16xi32>,
        %get3A_411 = vector.shape_cast %get3A_410 : vector<16xi32> to vector<16xi32>
        %add3A_412 = arith.constant 9216 : i32
        %add3A_413 = arith.addi %add3A_412, %mul3A_361 : i32
        %get3A_414 = arith.index_cast %add3A_413 : i32 to index
        %get3A_415 = tpu.vector_load %arg15[%get3A_414] {strides = array<i32>} : memref<25600xi32, #tpu.memory_space<vmem>>, vector<16xi32>,
        %get3A_416 = vector.shape_cast %get3A_415 : vector<16xi32> to vector<16xi32>
        %add3A_417 = arith.constant 10240 : i32
        %add3A_418 = arith.addi %add3A_417, %mul3A_361 : i32
        %get3A_419 = arith.index_cast %add3A_418 : i32 to index
        %get3A_420 = tpu.vector_load %arg15[%get3A_419] {strides = array<i32>} : memref<25600xi32, #tpu.memory_space<vmem>>, vector<16xi32>,
        %get3A_421 = vector.shape_cast %get3A_420 : vector<16xi32> to vector<16xi32>
        %add3A_422 = arith.constant 11264 : i32
        %add3A_423 = arith.addi %add3A_422, %mul3A_361 : i32
        %get3A_424 = arith.index_cast %add3A_423 : i32 to index
        %get3A_425 = tpu.vector_load %arg15[%get3A_424] {strides = array<i32>} : memref<25600xi32, #tpu.memory_space<vmem>>, vector<16xi32>,
        %get3A_426 = vector.shape_cast %get3A_425 : vector<16xi32> to vector<16xi32>
        %add3A_427 = arith.constant 12288 : i32
        %add3A_428 = arith.addi %add3A_427, %mul3A_361 : i32
        %get3A_429 = arith.index_cast %add3A_428 : i32 to index
        %get3A_430 = tpu.vector_load %arg15[%get3A_429] {strides = array<i32>} : memref<25600xi32, #tpu.memory_space<vmem>>, vector<16xi32>,
        %get3A_431 = vector.shape_cast %get3A_430 : vector<16xi32> to vector<16xi32>
        %add3A_432 = arith.constant 13312 : i32
        %add3A_433 = arith.addi %add3A_432, %mul3A_361 : i32
        %get3A_434 = arith.index_cast %add3A_433 : i32 to index
        %get3A_435 = tpu.vector_load %arg15[%get3A_434] {strides = array<i32>} : memref<25600xi32, #tpu.memory_space<vmem>>, vector<16xi32>,
        %get3A_436 = vector.shape_cast %get3A_435 : vector<16xi32> to vector<16xi32>
        %add3A_437 = arith.constant 14336 : i32
        %add3A_438 = arith.addi %add3A_437, %mul3A_361 : i32
        %get3A_439 = arith.index_cast %add3A_438 : i32 to index
        %get3A_440 = tpu.vector_load %arg15[%get3A_439] {strides = array<i32>} : memref<25600xi32, #tpu.memory_space<vmem>>, vector<16xi32>,
        %get3A_441 = vector.shape_cast %get3A_440 : vector<16xi32> to vector<16xi32>
        %add3A_442 = arith.constant 15360 : i32
        %add3A_443 = arith.addi %add3A_442, %mul3A_361 : i32
        %get3A_444 = arith.index_cast %add3A_443 : i32 to index
        %get3A_445 = tpu.vector_load %arg15[%get3A_444] {strides = array<i32>} : memref<25600xi32, #tpu.memory_space<vmem>>, vector<16xi32>,
        %get3A_446 = vector.shape_cast %get3A_445 : vector<16xi32> to vector<16xi32>
        %add3A_447 = arith.constant 16384 : i32
        %add3A_448 = arith.addi %add3A_447, %mul3A_361 : i32
        %get3A_449 = arith.index_cast %add3A_448 : i32 to index
        %get3A_450 = tpu.vector_load %arg15[%get3A_449] {strides = array<i32>} : memref<25600xi32, #tpu.memory_space<vmem>>, vector<16xi32>,
        %get3A_451 = vector.shape_cast %get3A_450 : vector<16xi32> to vector<16xi32>
        %add3A_452 = arith.constant 17408 : i32
        %add3A_453 = arith.addi %add3A_452, %mul3A_361 : i32
        %get3A_454 = arith.index_cast %add3A_453 : i32 to index
        %get3A_455 = tpu.vector_load %arg15[%get3A_454] {strides = array<i32>} : memref<25600xi32, #tpu.memory_space<vmem>>, vector<16xi32>,
        %get3A_456 = vector.shape_cast %get3A_455 : vector<16xi32> to vector<16xi32>
        %add3A_457 = arith.constant 18432 : i32
        %add3A_458 = arith.addi %add3A_457, %mul3A_361 : i32
        %get3A_459 = arith.index_cast %add3A_458 : i32 to index
        %get3A_460 = tpu.vector_load %arg15[%get3A_459] {strides = array<i32>} : memref<25600xi32, #tpu.memory_space<vmem>>, vector<16xi32>,
        %get3A_461 = vector.shape_cast %get3A_460 : vector<16xi32> to vector<16xi32>
        %add3A_462 = arith.constant 19456 : i32
        %add3A_463 = arith.addi %add3A_462, %mul3A_361 : i32
        %get3A_464 = arith.index_cast %add3A_463 : i32 to index
        %get3A_465 = tpu.vector_load %arg15[%get3A_464] {strides = array<i32>} : memref<25600xi32, #tpu.memory_space<vmem>>, vector<16xi32>,
        %get3A_466 = vector.shape_cast %get3A_465 : vector<16xi32> to vector<16xi32>
        %add3A_467 = arith.constant 20480 : i32
        %add3A_468 = arith.addi %add3A_467, %mul3A_361 : i32
        %get3A_469 = arith.index_cast %add3A_468 : i32 to index
        %get3A_470 = tpu.vector_load %arg15[%get3A_469] {strides = array<i32>} : memref<25600xi32, #tpu.memory_space<vmem>>, vector<16xi32>,
        %get3A_471 = vector.shape_cast %get3A_470 : vector<16xi32> to vector<16xi32>
        %add3A_472 = arith.constant 21504 : i32
        %add3A_473 = arith.addi %add3A_472, %mul3A_361 : i32
        %get3A_474 = arith.index_cast %add3A_473 : i32 to index
        %get3A_475 = tpu.vector_load %arg15[%get3A_474] {strides = array<i32>} : memref<25600xi32, #tpu.memory_space<vmem>>, vector<16xi32>,
        %get3A_476 = vector.shape_cast %get3A_475 : vector<16xi32> to vector<16xi32>
        %add3A_477 = arith.constant 22528 : i32
        %add3A_478 = arith.addi %add3A_477, %mul3A_361 : i32
        %get3A_479 = arith.index_cast %add3A_478 : i32 to index
        %get3A_480 = tpu.vector_load %arg15[%get3A_479] {strides = array<i32>} : memref<25600xi32, #tpu.memory_space<vmem>>, vector<16xi32>,
        %get3A_481 = vector.shape_cast %get3A_480 : vector<16xi32> to vector<16xi32>
        %add3A_482 = arith.constant 23552 : i32
        %add3A_483 = arith.addi %add3A_482, %mul3A_361 : i32
        %get3A_484 = arith.index_cast %add3A_483 : i32 to index
        %get3A_485 = tpu.vector_load %arg15[%get3A_484] {strides = array<i32>} : memref<25600xi32, #tpu.memory_space<vmem>>, vector<16xi32>,
        %get3A_486 = vector.shape_cast %get3A_485 : vector<16xi32> to vector<16xi32>
        %add3A_487 = arith.constant 24576 : i32
        %add3A_488 = arith.addi %add3A_487, %mul3A_361 : i32
        %get3A_489 = arith.index_cast %add3A_488 : i32 to index
        %get3A_490 = tpu.vector_load %arg15[%get3A_489] {strides = array<i32>} : memref<25600xi32, #tpu.memory_space<vmem>>, vector<16xi32>,
        %get3A_491 = vector.shape_cast %get3A_490 : vector<16xi32> to vector<16xi32>
        %and3A = arith.constant -32 : i32
        %and3A_492 = vector.broadcast %and3A : i32 to vector<16xi32>
        %and3A_493 = arith.andi %get3A_371, %and3A_492 : vector<16xi32>
        %bitcast_convert_type3A = tpu.bitcast %and3A_493 : vector<16xi32> -> vector<16xf32>
        %sub3A = arith.subf %bitcast_convert_type3A, %get3A_366 : vector<16xf32>
        %abs3A = math.absf %sub3A : vector<16xf32>
        %mul3A_494 = arith.constant 0.997030973 : f32
        %mul3A_495 = vector.broadcast %mul3A_494 : f32 to vector<16xf32>
        %mul3A_496 = arith.mulf %abs3A, %mul3A_495 : vector<16xf32>
        %bitcast_convert_type3A_497 = tpu.bitcast %mul3A_496 : vector<16xf32> -> vector<16xi32>
        %and3A_498 = arith.constant -32 : i32
        %and3A_499 = vector.broadcast %and3A_498 : i32 to vector<16xi32>
        %and3A_500 = arith.andi %bitcast_convert_type3A_497, %and3A_499 : vector<16xi32>
        %or3A = arith.constant 0 : i32
        %or3A_501 = vector.broadcast %or3A : i32 to vector<16xi32>
        %or3A_502 = arith.ori %and3A_500, %or3A_501 : vector<16xi32>
        %and3A_503 = arith.constant -32 : i32
        %and3A_504 = vector.broadcast %and3A_503 : i32 to vector<16xi32>
        %and3A_505 = arith.andi %get3A_376, %and3A_504 : vector<16xi32>
        %bitcast_convert_type3A_506 = tpu.bitcast %and3A_505 : vector<16xi32> -> vector<16xf32>
        %sub3A_507 = arith.subf %bitcast_convert_type3A_506, %get3A_366 : vector<16xf32>
        %abs3A_508 = math.absf %sub3A_507 : vector<16xf32>
        %mul3A_509 = arith.constant 0.986693799 : f32
        %mul3A_510 = vector.broadcast %mul3A_509 : f32 to vector<16xf32>
        %mul3A_511 = arith.mulf %abs3A_508, %mul3A_510 : vector<16xf32>
        %bitcast_convert_type3A_512 = tpu.bitcast %mul3A_511 : vector<16xf32> -> vector<16xi32>
        %and3A_513 = arith.constant -32 : i32
        %and3A_514 = vector.broadcast %and3A_513 : i32 to vector<16xi32>
        %and3A_515 = arith.andi %bitcast_convert_type3A_512, %and3A_514 : vector<16xi32>
        %or3A_516 = arith.constant 1 : i32
        %or3A_517 = vector.broadcast %or3A_516 : i32 to vector<16xi32>
        %or3A_518 = arith.ori %and3A_515, %or3A_517 : vector<16xi32>
        %and3A_519 = arith.constant -32 : i32
        %and3A_520 = vector.broadcast %and3A_519 : i32 to vector<16xi32>
        %and3A_521 = arith.andi %get3A_381, %and3A_520 : vector<16xi32>
        %bitcast_convert_type3A_522 = tpu.bitcast %and3A_521 : vector<16xi32> -> vector<16xf32>
        %sub3A_523 = arith.subf %bitcast_convert_type3A_522, %get3A_366 : vector<16xf32>
        %abs3A_524 = math.absf %sub3A_523 : vector<16xf32>
        %mul3A_525 = arith.constant 0.978061795 : f32
        %mul3A_526 = vector.broadcast %mul3A_525 : f32 to vector<16xf32>
        %mul3A_527 = arith.mulf %abs3A_524, %mul3A_526 : vector<16xf32>
        %bitcast_convert_type3A_528 = tpu.bitcast %mul3A_527 : vector<16xf32> -> vector<16xi32>
        %and3A_529 = arith.constant -32 : i32
        %and3A_530 = vector.broadcast %and3A_529 : i32 to vector<16xi32>
        %and3A_531 = arith.andi %bitcast_convert_type3A_528, %and3A_530 : vector<16xi32>
        %or3A_532 = arith.constant 2 : i32
        %or3A_533 = vector.broadcast %or3A_532 : i32 to vector<16xi32>
        %or3A_534 = arith.ori %and3A_531, %or3A_533 : vector<16xi32>
        %and3A_535 = arith.constant -32 : i32
        %and3A_536 = vector.broadcast %and3A_535 : i32 to vector<16xi32>
        %and3A_537 = arith.andi %get3A_386, %and3A_536 : vector<16xi32>
        %bitcast_convert_type3A_538 = tpu.bitcast %and3A_537 : vector<16xi32> -> vector<16xf32>
        %sub3A_539 = arith.subf %bitcast_convert_type3A_538, %get3A_366 : vector<16xf32>
        %abs3A_540 = math.absf %sub3A_539 : vector<16xf32>
        %mul3A_541 = arith.constant 0.986693799 : f32
        %mul3A_542 = vector.broadcast %mul3A_541 : f32 to vector<16xf32>
        %mul3A_543 = arith.mulf %abs3A_540, %mul3A_542 : vector<16xf32>
        %bitcast_convert_type3A_544 = tpu.bitcast %mul3A_543 : vector<16xf32> -> vector<16xi32>
        %and3A_545 = arith.constant -32 : i32
        %and3A_546 = vector.broadcast %and3A_545 : i32 to vector<16xi32>
        %and3A_547 = arith.andi %bitcast_convert_type3A_544, %and3A_546 : vector<16xi32>
        %or3A_548 = arith.constant 3 : i32
        %or3A_549 = vector.broadcast %or3A_548 : i32 to vector<16xi32>
        %or3A_550 = arith.ori %and3A_547, %or3A_549 : vector<16xi32>
        %and3A_551 = arith.constant -32 : i32
        %and3A_552 = vector.broadcast %and3A_551 : i32 to vector<16xi32>
        %and3A_553 = arith.andi %get3A_391, %and3A_552 : vector<16xi32>
        %bitcast_convert_type3A_554 = tpu.bitcast %and3A_553 : vector<16xi32> -> vector<16xf32>
        %sub3A_555 = arith.subf %bitcast_convert_type3A_554, %get3A_366 : vector<16xf32>
        %abs3A_556 = math.absf %sub3A_555 : vector<16xf32>
        %mul3A_557 = arith.constant 0.997030973 : f32
        %mul3A_558 = vector.broadcast %mul3A_557 : f32 to vector<16xf32>
        %mul3A_559 = arith.mulf %abs3A_556, %mul3A_558 : vector<16xf32>
        %bitcast_convert_type3A_560 = tpu.bitcast %mul3A_559 : vector<16xf32> -> vector<16xi32>
        %and3A_561 = arith.constant -32 : i32
        %and3A_562 = vector.broadcast %and3A_561 : i32 to vector<16xi32>
        %and3A_563 = arith.andi %bitcast_convert_type3A_560, %and3A_562 : vector<16xi32>
        %or3A_564 = arith.constant 4 : i32
        %or3A_565 = vector.broadcast %or3A_564 : i32 to vector<16xi32>
        %or3A_566 = arith.ori %and3A_563, %or3A_565 : vector<16xi32>
        %and3A_567 = arith.constant -32 : i32
        %and3A_568 = vector.broadcast %and3A_567 : i32 to vector<16xi32>
        %and3A_569 = arith.andi %get3A_396, %and3A_568 : vector<16xi32>
        %bitcast_convert_type3A_570 = tpu.bitcast %and3A_569 : vector<16xi32> -> vector<16xf32>
        %sub3A_571 = arith.subf %bitcast_convert_type3A_570, %get3A_366 : vector<16xf32>
        %abs3A_572 = math.absf %sub3A_571 : vector<16xf32>
        %mul3A_573 = arith.constant 0.986693799 : f32
        %mul3A_574 = vector.broadcast %mul3A_573 : f32 to vector<16xf32>
        %mul3A_575 = arith.mulf %abs3A_572, %mul3A_574 : vector<16xf32>
        %bitcast_convert_type3A_576 = tpu.bitcast %mul3A_575 : vector<16xf32> -> vector<16xi32>
        %and3A_577 = arith.constant -32 : i32
        %and3A_578 = vector.broadcast %and3A_577 : i32 to vector<16xi32>
        %and3A_579 = arith.andi %bitcast_convert_type3A_576, %and3A_578 : vector<16xi32>
        %or3A_580 = arith.constant 5 : i32
        %or3A_581 = vector.broadcast %or3A_580 : i32 to vector<16xi32>
        %or3A_582 = arith.ori %and3A_579, %or3A_581 : vector<16xi32>
        %and3A_583 = arith.constant -32 : i32
        %and3A_584 = vector.broadcast %and3A_583 : i32 to vector<16xi32>
        %and3A_585 = arith.andi %get3A_401, %and3A_584 : vector<16xi32>
        %bitcast_convert_type3A_586 = tpu.bitcast %and3A_585 : vector<16xi32> -> vector<16xf32>
        %sub3A_587 = arith.subf %bitcast_convert_type3A_586, %get3A_366 : vector<16xf32>
        %abs3A_588 = math.absf %sub3A_587 : vector<16xf32>
        %mul3A_589 = arith.constant 0.940365731 : f32
        %mul3A_590 = vector.broadcast %mul3A_589 : f32 to vector<16xf32>
        %mul3A_591 = arith.mulf %abs3A_588, %mul3A_590 : vector<16xf32>
        %bitcast_convert_type3A_592 = tpu.bitcast %mul3A_591 : vector<16xf32> -> vector<16xi32>
        %and3A_593 = arith.constant -32 : i32
        %and3A_594 = vector.broadcast %and3A_593 : i32 to vector<16xi32>
        %and3A_595 = arith.andi %bitcast_convert_type3A_592, %and3A_594 : vector<16xi32>
        %or3A_596 = arith.constant 6 : i32
        %or3A_597 = vector.broadcast %or3A_596 : i32 to vector<16xi32>
        %or3A_598 = arith.ori %and3A_595, %or3A_597 : vector<16xi32>
        %and3A_599 = arith.constant -32 : i32
        %and3A_600 = vector.broadcast %and3A_599 : i32 to vector<16xi32>
        %and3A_601 = arith.andi %get3A_406, %and3A_600 : vector<16xi32>
        %bitcast_convert_type3A_602 = tpu.bitcast %and3A_601 : vector<16xi32> -> vector<16xf32>
        %sub3A_603 = arith.subf %bitcast_convert_type3A_602, %get3A_366 : vector<16xf32>
        %abs3A_604 = math.absf %sub3A_603 : vector<16xf32>
        %mul3A_605 = arith.constant 0.901679694 : f32
        %mul3A_606 = vector.broadcast %mul3A_605 : f32 to vector<16xf32>
        %mul3A_607 = arith.mulf %abs3A_604, %mul3A_606 : vector<16xf32>
        %bitcast_convert_type3A_608 = tpu.bitcast %mul3A_607 : vector<16xf32> -> vector<16xi32>
        %and3A_609 = arith.constant -32 : i32
        %and3A_610 = vector.broadcast %and3A_609 : i32 to vector<16xi32>
        %and3A_611 = arith.andi %bitcast_convert_type3A_608, %and3A_610 : vector<16xi32>
        %or3A_612 = arith.constant 7 : i32
        %or3A_613 = vector.broadcast %or3A_612 : i32 to vector<16xi32>
        %or3A_614 = arith.ori %and3A_611, %or3A_613 : vector<16xi32>
        %and3A_615 = arith.constant -32 : i32
        %and3A_616 = vector.broadcast %and3A_615 : i32 to vector<16xi32>
        %and3A_617 = arith.andi %get3A_411, %and3A_616 : vector<16xi32>
        %bitcast_convert_type3A_618 = tpu.bitcast %and3A_617 : vector<16xi32> -> vector<16xf32>
        %sub3A_619 = arith.subf %bitcast_convert_type3A_618, %get3A_366 : vector<16xf32>
        %abs3A_620 = math.absf %sub3A_619 : vector<16xf32>
        %mul3A_621 = arith.constant 0.940365731 : f32
        %mul3A_622 = vector.broadcast %mul3A_621 : f32 to vector<16xf32>
        %mul3A_623 = arith.mulf %abs3A_620, %mul3A_622 : vector<16xf32>
        %bitcast_convert_type3A_624 = tpu.bitcast %mul3A_623 : vector<16xf32> -> vector<16xi32>
        %and3A_625 = arith.constant -32 : i32
        %and3A_626 = vector.broadcast %and3A_625 : i32 to vector<16xi32>
        %and3A_627 = arith.andi %bitcast_convert_type3A_624, %and3A_626 : vector<16xi32>
        %or3A_628 = arith.constant 8 : i32
        %or3A_629 = vector.broadcast %or3A_628 : i32 to vector<16xi32>
        %or3A_630 = arith.ori %and3A_627, %or3A_629 : vector<16xi32>
        %and3A_631 = arith.constant -32 : i32
        %and3A_632 = vector.broadcast %and3A_631 : i32 to vector<16xi32>
        %and3A_633 = arith.andi %get3A_416, %and3A_632 : vector<16xi32>
        %bitcast_convert_type3A_634 = tpu.bitcast %and3A_633 : vector<16xi32> -> vector<16xf32>
        %sub3A_635 = arith.subf %bitcast_convert_type3A_634, %get3A_366 : vector<16xf32>
        %abs3A_636 = math.absf %sub3A_635 : vector<16xf32>
        %mul3A_637 = arith.constant 0.986693799 : f32
        %mul3A_638 = vector.broadcast %mul3A_637 : f32 to vector<16xf32>
        %mul3A_639 = arith.mulf %abs3A_636, %mul3A_638 : vector<16xf32>
        %bitcast_convert_type3A_640 = tpu.bitcast %mul3A_639 : vector<16xf32> -> vector<16xi32>
        %and3A_641 = arith.constant -32 : i32
        %and3A_642 = vector.broadcast %and3A_641 : i32 to vector<16xi32>
        %and3A_643 = arith.andi %bitcast_convert_type3A_640, %and3A_642 : vector<16xi32>
        %or3A_644 = arith.constant 9 : i32
        %or3A_645 = vector.broadcast %or3A_644 : i32 to vector<16xi32>
        %or3A_646 = arith.ori %and3A_643, %or3A_645 : vector<16xi32>
        %and3A_647 = arith.constant -32 : i32
        %and3A_648 = vector.broadcast %and3A_647 : i32 to vector<16xi32>
        %and3A_649 = arith.andi %get3A_421, %and3A_648 : vector<16xi32>
        %bitcast_convert_type3A_650 = tpu.bitcast %and3A_649 : vector<16xi32> -> vector<16xf32>
        %sub3A_651 = arith.subf %bitcast_convert_type3A_650, %get3A_366 : vector<16xf32>
        %abs3A_652 = math.absf %sub3A_651 : vector<16xf32>
        %mul3A_653 = arith.constant 0.978061795 : f32
        %mul3A_654 = vector.broadcast %mul3A_653 : f32 to vector<16xf32>
        %mul3A_655 = arith.mulf %abs3A_652, %mul3A_654 : vector<16xf32>
        %bitcast_convert_type3A_656 = tpu.bitcast %mul3A_655 : vector<16xf32> -> vector<16xi32>
        %and3A_657 = arith.constant -32 : i32
        %and3A_658 = vector.broadcast %and3A_657 : i32 to vector<16xi32>
        %and3A_659 = arith.andi %bitcast_convert_type3A_656, %and3A_658 : vector<16xi32>
        %or3A_660 = arith.constant 10 : i32
        %or3A_661 = vector.broadcast %or3A_660 : i32 to vector<16xi32>
        %or3A_662 = arith.ori %and3A_659, %or3A_661 : vector<16xi32>
        %and3A_663 = arith.constant -32 : i32
        %and3A_664 = vector.broadcast %and3A_663 : i32 to vector<16xi32>
        %and3A_665 = arith.andi %get3A_426, %and3A_664 : vector<16xi32>
        %bitcast_convert_type3A_666 = tpu.bitcast %and3A_665 : vector<16xi32> -> vector<16xf32>
        %sub3A_667 = arith.subf %bitcast_convert_type3A_666, %get3A_366 : vector<16xf32>
        %abs3A_668 = math.absf %sub3A_667 : vector<16xf32>
        %mul3A_669 = arith.constant 0.901679694 : f32
        %mul3A_670 = vector.broadcast %mul3A_669 : f32 to vector<16xf32>
        %mul3A_671 = arith.mulf %abs3A_668, %mul3A_670 : vector<16xf32>
        %bitcast_convert_type3A_672 = tpu.bitcast %mul3A_671 : vector<16xf32> -> vector<16xi32>
        %and3A_673 = arith.constant -32 : i32
        %and3A_674 = vector.broadcast %and3A_673 : i32 to vector<16xi32>
        %and3A_675 = arith.andi %bitcast_convert_type3A_672, %and3A_674 : vector<16xi32>
        %or3A_676 = arith.constant 11 : i32
        %or3A_677 = vector.broadcast %or3A_676 : i32 to vector<16xi32>
        %or3A_678 = arith.ori %and3A_675, %or3A_677 : vector<16xi32>
        %broadcast_in_dim3A = arith.constant 0 : i32
        %broadcast_in_dim3A_679 = vector.broadcast %broadcast_in_dim3A : i32 to vector<16xi32>
        %or3A_680 = arith.constant 12 : i32
        %or3A_681 = vector.broadcast %or3A_680 : i32 to vector<16xi32>
        %or3A_682 = arith.ori %broadcast_in_dim3A_679, %or3A_681 : vector<16xi32>
        %and3A_683 = arith.constant -32 : i32
        %and3A_684 = vector.broadcast %and3A_683 : i32 to vector<16xi32>
        %and3A_685 = arith.andi %get3A_436, %and3A_684 : vector<16xi32>
        %bitcast_convert_type3A_686 = tpu.bitcast %and3A_685 : vector<16xi32> -> vector<16xf32>
        %sub3A_687 = arith.subf %bitcast_convert_type3A_686, %get3A_366 : vector<16xf32>
        %abs3A_688 = math.absf %sub3A_687 : vector<16xf32>
        %mul3A_689 = arith.constant 0.901679694 : f32
        %mul3A_690 = vector.broadcast %mul3A_689 : f32 to vector<16xf32>
        %mul3A_691 = arith.mulf %abs3A_688, %mul3A_690 : vector<16xf32>
        %bitcast_convert_type3A_692 = tpu.bitcast %mul3A_691 : vector<16xf32> -> vector<16xi32>
        %and3A_693 = arith.constant -32 : i32
        %and3A_694 = vector.broadcast %and3A_693 : i32 to vector<16xi32>
        %and3A_695 = arith.andi %bitcast_convert_type3A_692, %and3A_694 : vector<16xi32>
        %or3A_696 = arith.constant 13 : i32
        %or3A_697 = vector.broadcast %or3A_696 : i32 to vector<16xi32>
        %or3A_698 = arith.ori %and3A_695, %or3A_697 : vector<16xi32>
        %and3A_699 = arith.constant -32 : i32
        %and3A_700 = vector.broadcast %and3A_699 : i32 to vector<16xi32>
        %and3A_701 = arith.andi %get3A_441, %and3A_700 : vector<16xi32>
        %bitcast_convert_type3A_702 = tpu.bitcast %and3A_701 : vector<16xi32> -> vector<16xf32>
        %sub3A_703 = arith.subf %bitcast_convert_type3A_702, %get3A_366 : vector<16xf32>
        %abs3A_704 = math.absf %sub3A_703 : vector<16xf32>
        %mul3A_705 = arith.constant 0.978061795 : f32
        %mul3A_706 = vector.broadcast %mul3A_705 : f32 to vector<16xf32>
        %mul3A_707 = arith.mulf %abs3A_704, %mul3A_706 : vector<16xf32>
        %bitcast_convert_type3A_708 = tpu.bitcast %mul3A_707 : vector<16xf32> -> vector<16xi32>
        %and3A_709 = arith.constant -32 : i32
        %and3A_710 = vector.broadcast %and3A_709 : i32 to vector<16xi32>
        %and3A_711 = arith.andi %bitcast_convert_type3A_708, %and3A_710 : vector<16xi32>
        %or3A_712 = arith.constant 14 : i32
        %or3A_713 = vector.broadcast %or3A_712 : i32 to vector<16xi32>
        %or3A_714 = arith.ori %and3A_711, %or3A_713 : vector<16xi32>
        %and3A_715 = arith.constant -32 : i32
        %and3A_716 = vector.broadcast %and3A_715 : i32 to vector<16xi32>
        %and3A_717 = arith.andi %get3A_446, %and3A_716 : vector<16xi32>
        %bitcast_convert_type3A_718 = tpu.bitcast %and3A_717 : vector<16xi32> -> vector<16xf32>
        %sub3A_719 = arith.subf %bitcast_convert_type3A_718, %get3A_366 : vector<16xf32>
        %abs3A_720 = math.absf %sub3A_719 : vector<16xf32>
        %mul3A_721 = arith.constant 0.986693799 : f32
        %mul3A_722 = vector.broadcast %mul3A_721 : f32 to vector<16xf32>
        %mul3A_723 = arith.mulf %abs3A_720, %mul3A_722 : vector<16xf32>
        %bitcast_convert_type3A_724 = tpu.bitcast %mul3A_723 : vector<16xf32> -> vector<16xi32>
        %and3A_725 = arith.constant -32 : i32
        %and3A_726 = vector.broadcast %and3A_725 : i32 to vector<16xi32>
        %and3A_727 = arith.andi %bitcast_convert_type3A_724, %and3A_726 : vector<16xi32>
        %or3A_728 = arith.constant 15 : i32
        %or3A_729 = vector.broadcast %or3A_728 : i32 to vector<16xi32>
        %or3A_730 = arith.ori %and3A_727, %or3A_729 : vector<16xi32>
        %and3A_731 = arith.constant -32 : i32
        %and3A_732 = vector.broadcast %and3A_731 : i32 to vector<16xi32>
        %and3A_733 = arith.andi %get3A_451, %and3A_732 : vector<16xi32>
        %bitcast_convert_type3A_734 = tpu.bitcast %and3A_733 : vector<16xi32> -> vector<16xf32>
        %sub3A_735 = arith.subf %bitcast_convert_type3A_734, %get3A_366 : vector<16xf32>
        %abs3A_736 = math.absf %sub3A_735 : vector<16xf32>
        %mul3A_737 = arith.constant 0.940365731 : f32
        %mul3A_738 = vector.broadcast %mul3A_737 : f32 to vector<16xf32>
        %mul3A_739 = arith.mulf %abs3A_736, %mul3A_738 : vector<16xf32>
        %bitcast_convert_type3A_740 = tpu.bitcast %mul3A_739 : vector<16xf32> -> vector<16xi32>
        %and3A_741 = arith.constant -32 : i32
        %and3A_742 = vector.broadcast %and3A_741 : i32 to vector<16xi32>
        %and3A_743 = arith.andi %bitcast_convert_type3A_740, %and3A_742 : vector<16xi32>
        %or3A_744 = arith.constant 16 : i32
        %or3A_745 = vector.broadcast %or3A_744 : i32 to vector<16xi32>
        %or3A_746 = arith.ori %and3A_743, %or3A_745 : vector<16xi32>
        %and3A_747 = arith.constant -32 : i32
        %and3A_748 = vector.broadcast %and3A_747 : i32 to vector<16xi32>
        %and3A_749 = arith.andi %get3A_456, %and3A_748 : vector<16xi32>
        %bitcast_convert_type3A_750 = tpu.bitcast %and3A_749 : vector<16xi32> -> vector<16xf32>
        %sub3A_751 = arith.subf %bitcast_convert_type3A_750, %get3A_366 : vector<16xf32>
        %abs3A_752 = math.absf %sub3A_751 : vector<16xf32>
        %mul3A_753 = arith.constant 0.901679694 : f32
        %mul3A_754 = vector.broadcast %mul3A_753 : f32 to vector<16xf32>
        %mul3A_755 = arith.mulf %abs3A_752, %mul3A_754 : vector<16xf32>
        %bitcast_convert_type3A_756 = tpu.bitcast %mul3A_755 : vector<16xf32> -> vector<16xi32>
        %and3A_757 = arith.constant -32 : i32
        %and3A_758 = vector.broadcast %and3A_757 : i32 to vector<16xi32>
        %and3A_759 = arith.andi %bitcast_convert_type3A_756, %and3A_758 : vector<16xi32>
        %or3A_760 = arith.constant 17 : i32
        %or3A_761 = vector.broadcast %or3A_760 : i32 to vector<16xi32>
        %or3A_762 = arith.ori %and3A_759, %or3A_761 : vector<16xi32>
        %and3A_763 = arith.constant -32 : i32
        %and3A_764 = vector.broadcast %and3A_763 : i32 to vector<16xi32>
        %and3A_765 = arith.andi %get3A_461, %and3A_764 : vector<16xi32>
        %bitcast_convert_type3A_766 = tpu.bitcast %and3A_765 : vector<16xi32> -> vector<16xf32>
        %sub3A_767 = arith.subf %bitcast_convert_type3A_766, %get3A_366 : vector<16xf32>
        %abs3A_768 = math.absf %sub3A_767 : vector<16xf32>
        %mul3A_769 = arith.constant 0.940365731 : f32
        %mul3A_770 = vector.broadcast %mul3A_769 : f32 to vector<16xf32>
        %mul3A_771 = arith.mulf %abs3A_768, %mul3A_770 : vector<16xf32>
        %bitcast_convert_type3A_772 = tpu.bitcast %mul3A_771 : vector<16xf32> -> vector<16xi32>
        %and3A_773 = arith.constant -32 : i32
        %and3A_774 = vector.broadcast %and3A_773 : i32 to vector<16xi32>
        %and3A_775 = arith.andi %bitcast_convert_type3A_772, %and3A_774 : vector<16xi32>
        %or3A_776 = arith.constant 18 : i32
        %or3A_777 = vector.broadcast %or3A_776 : i32 to vector<16xi32>
        %or3A_778 = arith.ori %and3A_775, %or3A_777 : vector<16xi32>
        %and3A_779 = arith.constant -32 : i32
        %and3A_780 = vector.broadcast %and3A_779 : i32 to vector<16xi32>
        %and3A_781 = arith.andi %get3A_466, %and3A_780 : vector<16xi32>
        %bitcast_convert_type3A_782 = tpu.bitcast %and3A_781 : vector<16xi32> -> vector<16xf32>
        %sub3A_783 = arith.subf %bitcast_convert_type3A_782, %get3A_366 : vector<16xf32>
        %abs3A_784 = math.absf %sub3A_783 : vector<16xf32>
        %mul3A_785 = arith.constant 0.986693799 : f32
        %mul3A_786 = vector.broadcast %mul3A_785 : f32 to vector<16xf32>
        %mul3A_787 = arith.mulf %abs3A_784, %mul3A_786 : vector<16xf32>
        %bitcast_convert_type3A_788 = tpu.bitcast %mul3A_787 : vector<16xf32> -> vector<16xi32>
        %and3A_789 = arith.constant -32 : i32
        %and3A_790 = vector.broadcast %and3A_789 : i32 to vector<16xi32>
        %and3A_791 = arith.andi %bitcast_convert_type3A_788, %and3A_790 : vector<16xi32>
        %or3A_792 = arith.constant 19 : i32
        %or3A_793 = vector.broadcast %or3A_792 : i32 to vector<16xi32>
        %or3A_794 = arith.ori %and3A_791, %or3A_793 : vector<16xi32>
        %and3A_795 = arith.constant -32 : i32
        %and3A_796 = vector.broadcast %and3A_795 : i32 to vector<16xi32>
        %and3A_797 = arith.andi %get3A_471, %and3A_796 : vector<16xi32>
        %bitcast_convert_type3A_798 = tpu.bitcast %and3A_797 : vector<16xi32> -> vector<16xf32>
        %sub3A_799 = arith.subf %bitcast_convert_type3A_798, %get3A_366 : vector<16xf32>
        %abs3A_800 = math.absf %sub3A_799 : vector<16xf32>
        %mul3A_801 = arith.constant 0.997030973 : f32
        %mul3A_802 = vector.broadcast %mul3A_801 : f32 to vector<16xf32>
        %mul3A_803 = arith.mulf %abs3A_800, %mul3A_802 : vector<16xf32>
        %bitcast_convert_type3A_804 = tpu.bitcast %mul3A_803 : vector<16xf32> -> vector<16xi32>
        %and3A_805 = arith.constant -32 : i32
        %and3A_806 = vector.broadcast %and3A_805 : i32 to vector<16xi32>
        %and3A_807 = arith.andi %bitcast_convert_type3A_804, %and3A_806 : vector<16xi32>
        %or3A_808 = arith.constant 20 : i32
        %or3A_809 = vector.broadcast %or3A_808 : i32 to vector<16xi32>
        %or3A_810 = arith.ori %and3A_807, %or3A_809 : vector<16xi32>
        %and3A_811 = arith.constant -32 : i32
        %and3A_812 = vector.broadcast %and3A_811 : i32 to vector<16xi32>
        %and3A_813 = arith.andi %get3A_476, %and3A_812 : vector<16xi32>
        %bitcast_convert_type3A_814 = tpu.bitcast %and3A_813 : vector<16xi32> -> vector<16xf32>
        %sub3A_815 = arith.subf %bitcast_convert_type3A_814, %get3A_366 : vector<16xf32>
        %abs3A_816 = math.absf %sub3A_815 : vector<16xf32>
        %mul3A_817 = arith.constant 0.986693799 : f32
        %mul3A_818 = vector.broadcast %mul3A_817 : f32 to vector<16xf32>
        %mul3A_819 = arith.mulf %abs3A_816, %mul3A_818 : vector<16xf32>
        %bitcast_convert_type3A_820 = tpu.bitcast %mul3A_819 : vector<16xf32> -> vector<16xi32>
        %and3A_821 = arith.constant -32 : i32
        %and3A_822 = vector.broadcast %and3A_821 : i32 to vector<16xi32>
        %and3A_823 = arith.andi %bitcast_convert_type3A_820, %and3A_822 : vector<16xi32>
        %or3A_824 = arith.constant 21 : i32
        %or3A_825 = vector.broadcast %or3A_824 : i32 to vector<16xi32>
        %or3A_826 = arith.ori %and3A_823, %or3A_825 : vector<16xi32>
        %and3A_827 = arith.constant -32 : i32
        %and3A_828 = vector.broadcast %and3A_827 : i32 to vector<16xi32>
        %and3A_829 = arith.andi %get3A_481, %and3A_828 : vector<16xi32>
        %bitcast_convert_type3A_830 = tpu.bitcast %and3A_829 : vector<16xi32> -> vector<16xf32>
        %sub3A_831 = arith.subf %bitcast_convert_type3A_830, %get3A_366 : vector<16xf32>
        %abs3A_832 = math.absf %sub3A_831 : vector<16xf32>
        %mul3A_833 = arith.constant 0.978061795 : f32
        %mul3A_834 = vector.broadcast %mul3A_833 : f32 to vector<16xf32>
        %mul3A_835 = arith.mulf %abs3A_832, %mul3A_834 : vector<16xf32>
        %bitcast_convert_type3A_836 = tpu.bitcast %mul3A_835 : vector<16xf32> -> vector<16xi32>
        %and3A_837 = arith.constant -32 : i32
        %and3A_838 = vector.broadcast %and3A_837 : i32 to vector<16xi32>
        %and3A_839 = arith.andi %bitcast_convert_type3A_836, %and3A_838 : vector<16xi32>
        %or3A_840 = arith.constant 22 : i32
        %or3A_841 = vector.broadcast %or3A_840 : i32 to vector<16xi32>
        %or3A_842 = arith.ori %and3A_839, %or3A_841 : vector<16xi32>
        %and3A_843 = arith.constant -32 : i32
        %and3A_844 = vector.broadcast %and3A_843 : i32 to vector<16xi32>
        %and3A_845 = arith.andi %get3A_486, %and3A_844 : vector<16xi32>
        %bitcast_convert_type3A_846 = tpu.bitcast %and3A_845 : vector<16xi32> -> vector<16xf32>
        %sub3A_847 = arith.subf %bitcast_convert_type3A_846, %get3A_366 : vector<16xf32>
        %abs3A_848 = math.absf %sub3A_847 : vector<16xf32>
        %mul3A_849 = arith.constant 0.986693799 : f32
        %mul3A_850 = vector.broadcast %mul3A_849 : f32 to vector<16xf32>
        %mul3A_851 = arith.mulf %abs3A_848, %mul3A_850 : vector<16xf32>
        %bitcast_convert_type3A_852 = tpu.bitcast %mul3A_851 : vector<16xf32> -> vector<16xi32>
        %and3A_853 = arith.constant -32 : i32
        %and3A_854 = vector.broadcast %and3A_853 : i32 to vector<16xi32>
        %and3A_855 = arith.andi %bitcast_convert_type3A_852, %and3A_854 : vector<16xi32>
        %or3A_856 = arith.constant 23 : i32
        %or3A_857 = vector.broadcast %or3A_856 : i32 to vector<16xi32>
        %or3A_858 = arith.ori %and3A_855, %or3A_857 : vector<16xi32>
        %and3A_859 = arith.constant -32 : i32
        %and3A_860 = vector.broadcast %and3A_859 : i32 to vector<16xi32>
        %and3A_861 = arith.andi %get3A_491, %and3A_860 : vector<16xi32>
        %bitcast_convert_type3A_862 = tpu.bitcast %and3A_861 : vector<16xi32> -> vector<16xf32>
        %sub3A_863 = arith.subf %bitcast_convert_type3A_862, %get3A_366 : vector<16xf32>
        %abs3A_864 = math.absf %sub3A_863 : vector<16xf32>
        %mul3A_865 = arith.constant 0.997030973 : f32
        %mul3A_866 = vector.broadcast %mul3A_865 : f32 to vector<16xf32>
        %mul3A_867 = arith.mulf %abs3A_864, %mul3A_866 : vector<16xf32>
        %bitcast_convert_type3A_868 = tpu.bitcast %mul3A_867 : vector<16xf32> -> vector<16xi32>
        %and3A_869 = arith.constant -32 : i32
        %and3A_870 = vector.broadcast %and3A_869 : i32 to vector<16xi32>
        %and3A_871 = arith.andi %bitcast_convert_type3A_868, %and3A_870 : vector<16xi32>
        %or3A_872 = arith.constant 24 : i32
        %or3A_873 = vector.broadcast %or3A_872 : i32 to vector<16xi32>
        %or3A_874 = arith.ori %and3A_871, %or3A_873 : vector<16xi32>
        %min3A = arith.minsi %or3A_502, %or3A_550 : vector<16xi32>
        %max3A = arith.maxsi %or3A_502, %or3A_550 : vector<16xi32>
        %min3A_875 = arith.minsi %or3A_518, %or3A_566 : vector<16xi32>
        %max3A_876 = arith.maxsi %or3A_518, %or3A_566 : vector<16xi32>
        %min3A_877 = arith.minsi %min3A, %or3A_534 : vector<16xi32>
        %max3A_878 = arith.maxsi %min3A, %or3A_534 : vector<16xi32>
        %min3A_879 = arith.minsi %min3A_875, %max3A : vector<16xi32>
        %max3A_880 = arith.maxsi %min3A_875, %max3A : vector<16xi32>
        %min3A_881 = arith.minsi %min3A_877, %min3A_879 : vector<16xi32>
        %max3A_882 = arith.maxsi %min3A_877, %min3A_879 : vector<16xi32>
        %min3A_883 = arith.minsi %max3A_878, %max3A_876 : vector<16xi32>
        %max3A_884 = arith.maxsi %max3A_878, %max3A_876 : vector<16xi32>
        %min3A_885 = arith.minsi %max3A_882, %min3A_883 : vector<16xi32>
        %max3A_886 = arith.maxsi %max3A_882, %min3A_883 : vector<16xi32>
        %min3A_887 = arith.minsi %max3A_880, %max3A_884 : vector<16xi32>
        %max3A_888 = arith.maxsi %max3A_880, %max3A_884 : vector<16xi32>
        %min3A_889 = arith.minsi %max3A_886, %min3A_887 : vector<16xi32>
        %max3A_890 = arith.maxsi %max3A_886, %min3A_887 : vector<16xi32>
        %min3A_891 = arith.minsi %or3A_582, %or3A_630 : vector<16xi32>
        %max3A_892 = arith.maxsi %or3A_582, %or3A_630 : vector<16xi32>
        %min3A_893 = arith.minsi %or3A_598, %or3A_646 : vector<16xi32>
        %max3A_894 = arith.maxsi %or3A_598, %or3A_646 : vector<16xi32>
        %min3A_895 = arith.minsi %min3A_891, %or3A_614 : vector<16xi32>
        %max3A_896 = arith.maxsi %min3A_891, %or3A_614 : vector<16xi32>
        %min3A_897 = arith.minsi %min3A_893, %max3A_892 : vector<16xi32>
        %max3A_898 = arith.maxsi %min3A_893, %max3A_892 : vector<16xi32>
        %min3A_899 = arith.minsi %min3A_895, %min3A_897 : vector<16xi32>
        %max3A_900 = arith.maxsi %min3A_895, %min3A_897 : vector<16xi32>
        %min3A_901 = arith.minsi %max3A_896, %max3A_894 : vector<16xi32>
        %max3A_902 = arith.maxsi %max3A_896, %max3A_894 : vector<16xi32>
        %min3A_903 = arith.minsi %max3A_900, %min3A_901 : vector<16xi32>
        %max3A_904 = arith.maxsi %max3A_900, %min3A_901 : vector<16xi32>
        %min3A_905 = arith.minsi %max3A_898, %max3A_902 : vector<16xi32>
        %max3A_906 = arith.maxsi %max3A_898, %max3A_902 : vector<16xi32>
        %min3A_907 = arith.minsi %max3A_904, %min3A_905 : vector<16xi32>
        %max3A_908 = arith.maxsi %max3A_904, %min3A_905 : vector<16xi32>
        %min3A_909 = arith.minsi %or3A_662, %or3A_698 : vector<16xi32>
        %max3A_910 = arith.maxsi %or3A_662, %or3A_698 : vector<16xi32>
        %min3A_911 = arith.minsi %or3A_678, %or3A_714 : vector<16xi32>
        %max3A_912 = arith.maxsi %or3A_678, %or3A_714 : vector<16xi32>
        %min3A_913 = arith.minsi %min3A_909, %or3A_682 : vector<16xi32>
        %max3A_914 = arith.maxsi %min3A_909, %or3A_682 : vector<16xi32>
        %min3A_915 = arith.minsi %min3A_911, %max3A_910 : vector<16xi32>
        %max3A_916 = arith.maxsi %min3A_911, %max3A_910 : vector<16xi32>
        %min3A_917 = arith.minsi %min3A_913, %min3A_915 : vector<16xi32>
        %max3A_918 = arith.maxsi %min3A_913, %min3A_915 : vector<16xi32>
        %min3A_919 = arith.minsi %max3A_914, %max3A_912 : vector<16xi32>
        %max3A_920 = arith.maxsi %max3A_914, %max3A_912 : vector<16xi32>
        %min3A_921 = arith.minsi %max3A_918, %min3A_919 : vector<16xi32>
        %max3A_922 = arith.maxsi %max3A_918, %min3A_919 : vector<16xi32>
        %min3A_923 = arith.minsi %max3A_916, %max3A_920 : vector<16xi32>
        %max3A_924 = arith.maxsi %max3A_916, %max3A_920 : vector<16xi32>
        %min3A_925 = arith.minsi %max3A_922, %min3A_923 : vector<16xi32>
        %max3A_926 = arith.maxsi %max3A_922, %min3A_923 : vector<16xi32>
        %min3A_927 = arith.minsi %or3A_730, %or3A_778 : vector<16xi32>
        %max3A_928 = arith.maxsi %or3A_730, %or3A_778 : vector<16xi32>
        %min3A_929 = arith.minsi %or3A_746, %or3A_794 : vector<16xi32>
        %max3A_930 = arith.maxsi %or3A_746, %or3A_794 : vector<16xi32>
        %min3A_931 = arith.minsi %min3A_927, %or3A_762 : vector<16xi32>
        %max3A_932 = arith.maxsi %min3A_927, %or3A_762 : vector<16xi32>
        %min3A_933 = arith.minsi %min3A_929, %max3A_928 : vector<16xi32>
        %max3A_934 = arith.maxsi %min3A_929, %max3A_928 : vector<16xi32>
        %min3A_935 = arith.minsi %min3A_931, %min3A_933 : vector<16xi32>
        %max3A_936 = arith.maxsi %min3A_931, %min3A_933 : vector<16xi32>
        %min3A_937 = arith.minsi %max3A_932, %max3A_930 : vector<16xi32>
        %max3A_938 = arith.maxsi %max3A_932, %max3A_930 : vector<16xi32>
        %min3A_939 = arith.minsi %max3A_936, %min3A_937 : vector<16xi32>
        %max3A_940 = arith.maxsi %max3A_936, %min3A_937 : vector<16xi32>
        %min3A_941 = arith.minsi %max3A_934, %max3A_938 : vector<16xi32>
        %max3A_942 = arith.maxsi %max3A_934, %max3A_938 : vector<16xi32>
        %min3A_943 = arith.minsi %max3A_940, %min3A_941 : vector<16xi32>
        %max3A_944 = arith.maxsi %max3A_940, %min3A_941 : vector<16xi32>
        %min3A_945 = arith.minsi %or3A_810, %or3A_858 : vector<16xi32>
        %max3A_946 = arith.maxsi %or3A_810, %or3A_858 : vector<16xi32>
        %min3A_947 = arith.minsi %or3A_826, %or3A_874 : vector<16xi32>
        %max3A_948 = arith.maxsi %or3A_826, %or3A_874 : vector<16xi32>
        %min3A_949 = arith.minsi %min3A_945, %or3A_842 : vector<16xi32>
        %max3A_950 = arith.maxsi %min3A_945, %or3A_842 : vector<16xi32>
        %min3A_951 = arith.minsi %min3A_947, %max3A_946 : vector<16xi32>
        %max3A_952 = arith.maxsi %min3A_947, %max3A_946 : vector<16xi32>
        %min3A_953 = arith.minsi %min3A_949, %min3A_951 : vector<16xi32>
        %max3A_954 = arith.maxsi %min3A_949, %min3A_951 : vector<16xi32>
        %min3A_955 = arith.minsi %max3A_950, %max3A_948 : vector<16xi32>
        %max3A_956 = arith.maxsi %max3A_950, %max3A_948 : vector<16xi32>
        %min3A_957 = arith.minsi %max3A_954, %min3A_955 : vector<16xi32>
        %max3A_958 = arith.maxsi %max3A_954, %min3A_955 : vector<16xi32>
        %min3A_959 = arith.minsi %max3A_952, %max3A_956 : vector<16xi32>
        %max3A_960 = arith.maxsi %max3A_952, %max3A_956 : vector<16xi32>
        %min3A_961 = arith.minsi %max3A_958, %min3A_959 : vector<16xi32>
        %max3A_962 = arith.maxsi %max3A_958, %min3A_959 : vector<16xi32>
        %min3A_963 = arith.minsi %min3A_881, %max3A_906 : vector<16xi32>
        %min3A_964 = arith.minsi %min3A_885, %max3A_908 : vector<16xi32>
        %min3A_965 = arith.minsi %min3A_889, %min3A_907 : vector<16xi32>
        %min3A_966 = arith.minsi %max3A_890, %min3A_903 : vector<16xi32>
        %min3A_967 = arith.minsi %max3A_888, %min3A_899 : vector<16xi32>
        %min3A_968 = arith.minsi %min3A_963, %min3A_966 : vector<16xi32>
        %max3A_969 = arith.maxsi %min3A_963, %min3A_966 : vector<16xi32>
        %min3A_970 = arith.minsi %min3A_964, %min3A_967 : vector<16xi32>
        %max3A_971 = arith.maxsi %min3A_964, %min3A_967 : vector<16xi32>
        %min3A_972 = arith.minsi %min3A_968, %min3A_965 : vector<16xi32>
        %max3A_973 = arith.maxsi %min3A_968, %min3A_965 : vector<16xi32>
        %min3A_974 = arith.minsi %min3A_970, %max3A_969 : vector<16xi32>
        %max3A_975 = arith.maxsi %min3A_970, %max3A_969 : vector<16xi32>
        %min3A_976 = arith.minsi %min3A_972, %min3A_974 : vector<16xi32>
        %max3A_977 = arith.maxsi %min3A_972, %min3A_974 : vector<16xi32>
        %min3A_978 = arith.minsi %max3A_973, %max3A_971 : vector<16xi32>
        %max3A_979 = arith.maxsi %max3A_973, %max3A_971 : vector<16xi32>
        %min3A_980 = arith.minsi %max3A_977, %min3A_978 : vector<16xi32>
        %max3A_981 = arith.maxsi %max3A_977, %min3A_978 : vector<16xi32>
        %min3A_982 = arith.minsi %max3A_975, %max3A_979 : vector<16xi32>
        %max3A_983 = arith.maxsi %max3A_975, %max3A_979 : vector<16xi32>
        %min3A_984 = arith.minsi %max3A_981, %min3A_982 : vector<16xi32>
        %max3A_985 = arith.maxsi %max3A_981, %min3A_982 : vector<16xi32>
        %min3A_986 = arith.minsi %min3A_976, %max3A_924 : vector<16xi32>
        %min3A_987 = arith.minsi %min3A_980, %max3A_926 : vector<16xi32>
        %min3A_988 = arith.minsi %min3A_984, %min3A_925 : vector<16xi32>
        %min3A_989 = arith.minsi %max3A_985, %min3A_921 : vector<16xi32>
        %min3A_990 = arith.minsi %max3A_983, %min3A_917 : vector<16xi32>
        %min3A_991 = arith.minsi %min3A_986, %min3A_989 : vector<16xi32>
        %max3A_992 = arith.maxsi %min3A_986, %min3A_989 : vector<16xi32>
        %min3A_993 = arith.minsi %min3A_987, %min3A_990 : vector<16xi32>
        %max3A_994 = arith.maxsi %min3A_987, %min3A_990 : vector<16xi32>
        %min3A_995 = arith.minsi %min3A_991, %min3A_988 : vector<16xi32>
        %max3A_996 = arith.maxsi %min3A_991, %min3A_988 : vector<16xi32>
        %min3A_997 = arith.minsi %min3A_993, %max3A_992 : vector<16xi32>
        %max3A_998 = arith.maxsi %min3A_993, %max3A_992 : vector<16xi32>
        %min3A_999 = arith.minsi %min3A_995, %min3A_997 : vector<16xi32>
        %max3A_1000 = arith.maxsi %min3A_995, %min3A_997 : vector<16xi32>
        %min3A_1001 = arith.minsi %max3A_996, %max3A_994 : vector<16xi32>
        %max3A_1002 = arith.maxsi %max3A_996, %max3A_994 : vector<16xi32>
        %min3A_1003 = arith.minsi %max3A_1000, %min3A_1001 : vector<16xi32>
        %max3A_1004 = arith.maxsi %max3A_1000, %min3A_1001 : vector<16xi32>
        %min3A_1005 = arith.minsi %max3A_998, %max3A_1002 : vector<16xi32>
        %max3A_1006 = arith.maxsi %max3A_998, %max3A_1002 : vector<16xi32>
        %min3A_1007 = arith.minsi %max3A_1004, %min3A_1005 : vector<16xi32>
        %max3A_1008 = arith.maxsi %max3A_1004, %min3A_1005 : vector<16xi32>
        %min3A_1009 = arith.minsi %min3A_999, %max3A_942 : vector<16xi32>
        %min3A_1010 = arith.minsi %min3A_1003, %max3A_944 : vector<16xi32>
        %min3A_1011 = arith.minsi %min3A_1007, %min3A_943 : vector<16xi32>
        %min3A_1012 = arith.minsi %max3A_1008, %min3A_939 : vector<16xi32>
        %min3A_1013 = arith.minsi %max3A_1006, %min3A_935 : vector<16xi32>
        %min3A_1014 = arith.minsi %min3A_1009, %min3A_1012 : vector<16xi32>
        %max3A_1015 = arith.maxsi %min3A_1009, %min3A_1012 : vector<16xi32>
        %min3A_1016 = arith.minsi %min3A_1010, %min3A_1013 : vector<16xi32>
        %max3A_1017 = arith.maxsi %min3A_1010, %min3A_1013 : vector<16xi32>
        %min3A_1018 = arith.minsi %min3A_1014, %min3A_1011 : vector<16xi32>
        %max3A_1019 = arith.maxsi %min3A_1014, %min3A_1011 : vector<16xi32>
        %min3A_1020 = arith.minsi %min3A_1016, %max3A_1015 : vector<16xi32>
        %max3A_1021 = arith.maxsi %min3A_1016, %max3A_1015 : vector<16xi32>
        %min3A_1022 = arith.minsi %min3A_1018, %min3A_1020 : vector<16xi32>
        %max3A_1023 = arith.maxsi %min3A_1018, %min3A_1020 : vector<16xi32>
        %min3A_1024 = arith.minsi %max3A_1019, %max3A_1017 : vector<16xi32>
        %max3A_1025 = arith.maxsi %max3A_1019, %max3A_1017 : vector<16xi32>
        %min3A_1026 = arith.minsi %max3A_1023, %min3A_1024 : vector<16xi32>
        %max3A_1027 = arith.maxsi %max3A_1023, %min3A_1024 : vector<16xi32>
        %min3A_1028 = arith.minsi %max3A_1021, %max3A_1025 : vector<16xi32>
        %max3A_1029 = arith.maxsi %max3A_1021, %max3A_1025 : vector<16xi32>
        %min3A_1030 = arith.minsi %max3A_1027, %min3A_1028 : vector<16xi32>
        %max3A_1031 = arith.maxsi %max3A_1027, %min3A_1028 : vector<16xi32>
        %min3A_1032 = arith.minsi %min3A_1022, %max3A_960 : vector<16xi32>
        %min3A_1033 = arith.minsi %min3A_1026, %max3A_962 : vector<16xi32>
        %min3A_1034 = arith.minsi %min3A_1030, %min3A_961 : vector<16xi32>
        %min3A_1035 = arith.minsi %max3A_1031, %min3A_957 : vector<16xi32>
        %min3A_1036 = arith.minsi %max3A_1029, %min3A_953 : vector<16xi32>
        %and3A_1037 = arith.constant 31 : i32
        %and3A_1038 = vector.broadcast %and3A_1037 : i32 to vector<16xi32>
        %and3A_1039 = arith.andi %min3A_1032, %and3A_1038 : vector<16xi32>
        %eq3A_1040 = arith.constant 1 : i32
        %eq3A_1041 = vector.broadcast %eq3A_1040 : i32 to vector<16xi32>
        %eq3A_1042 = arith.cmpi eq, %and3A_1039, %eq3A_1041 : vector<16xi32>
        %select_n3A = arith.select %eq3A_1042, %get3A_376, %get3A_371 : vector<16xi1>, vector<16xi32>
        %eq3A_1043 = arith.constant 2 : i32
        %eq3A_1044 = vector.broadcast %eq3A_1043 : i32 to vector<16xi32>
        %eq3A_1045 = arith.cmpi eq, %and3A_1039, %eq3A_1044 : vector<16xi32>
        %select_n3A_1046 = arith.select %eq3A_1045, %get3A_381, %select_n3A : vector<16xi1>, vector<16xi32>
        %eq3A_1047 = arith.constant 3 : i32
        %eq3A_1048 = vector.broadcast %eq3A_1047 : i32 to vector<16xi32>
        %eq3A_1049 = arith.cmpi eq, %and3A_1039, %eq3A_1048 : vector<16xi32>
        %select_n3A_1050 = arith.select %eq3A_1049, %get3A_386, %select_n3A_1046 : vector<16xi1>, vector<16xi32>
        %eq3A_1051 = arith.constant 4 : i32
        %eq3A_1052 = vector.broadcast %eq3A_1051 : i32 to vector<16xi32>
        %eq3A_1053 = arith.cmpi eq, %and3A_1039, %eq3A_1052 : vector<16xi32>
        %select_n3A_1054 = arith.select %eq3A_1053, %get3A_391, %select_n3A_1050 : vector<16xi1>, vector<16xi32>
        %eq3A_1055 = arith.constant 5 : i32
        %eq3A_1056 = vector.broadcast %eq3A_1055 : i32 to vector<16xi32>
        %eq3A_1057 = arith.cmpi eq, %and3A_1039, %eq3A_1056 : vector<16xi32>
        %select_n3A_1058 = arith.select %eq3A_1057, %get3A_396, %select_n3A_1054 : vector<16xi1>, vector<16xi32>
        %eq3A_1059 = arith.constant 6 : i32
        %eq3A_1060 = vector.broadcast %eq3A_1059 : i32 to vector<16xi32>
        %eq3A_1061 = arith.cmpi eq, %and3A_1039, %eq3A_1060 : vector<16xi32>
        %select_n3A_1062 = arith.select %eq3A_1061, %get3A_401, %select_n3A_1058 : vector<16xi1>, vector<16xi32>
        %eq3A_1063 = arith.constant 7 : i32
        %eq3A_1064 = vector.broadcast %eq3A_1063 : i32 to vector<16xi32>
        %eq3A_1065 = arith.cmpi eq, %and3A_1039, %eq3A_1064 : vector<16xi32>
        %select_n3A_1066 = arith.select %eq3A_1065, %get3A_406, %select_n3A_1062 : vector<16xi1>, vector<16xi32>
        %eq3A_1067 = arith.constant 8 : i32
        %eq3A_1068 = vector.broadcast %eq3A_1067 : i32 to vector<16xi32>
        %eq3A_1069 = arith.cmpi eq, %and3A_1039, %eq3A_1068 : vector<16xi32>
        %select_n3A_1070 = arith.select %eq3A_1069, %get3A_411, %select_n3A_1066 : vector<16xi1>, vector<16xi32>
        %eq3A_1071 = arith.constant 9 : i32
        %eq3A_1072 = vector.broadcast %eq3A_1071 : i32 to vector<16xi32>
        %eq3A_1073 = arith.cmpi eq, %and3A_1039, %eq3A_1072 : vector<16xi32>
        %select_n3A_1074 = arith.select %eq3A_1073, %get3A_416, %select_n3A_1070 : vector<16xi1>, vector<16xi32>
        %eq3A_1075 = arith.constant 10 : i32
        %eq3A_1076 = vector.broadcast %eq3A_1075 : i32 to vector<16xi32>
        %eq3A_1077 = arith.cmpi eq, %and3A_1039, %eq3A_1076 : vector<16xi32>
        %select_n3A_1078 = arith.select %eq3A_1077, %get3A_421, %select_n3A_1074 : vector<16xi1>, vector<16xi32>
        %eq3A_1079 = arith.constant 11 : i32
        %eq3A_1080 = vector.broadcast %eq3A_1079 : i32 to vector<16xi32>
        %eq3A_1081 = arith.cmpi eq, %and3A_1039, %eq3A_1080 : vector<16xi32>
        %select_n3A_1082 = arith.select %eq3A_1081, %get3A_426, %select_n3A_1078 : vector<16xi1>, vector<16xi32>
        %eq3A_1083 = arith.constant 12 : i32
        %eq3A_1084 = vector.broadcast %eq3A_1083 : i32 to vector<16xi32>
        %eq3A_1085 = arith.cmpi eq, %and3A_1039, %eq3A_1084 : vector<16xi32>
        %select_n3A_1086 = arith.select %eq3A_1085, %get3A_431, %select_n3A_1082 : vector<16xi1>, vector<16xi32>
        %eq3A_1087 = arith.constant 13 : i32
        %eq3A_1088 = vector.broadcast %eq3A_1087 : i32 to vector<16xi32>
        %eq3A_1089 = arith.cmpi eq, %and3A_1039, %eq3A_1088 : vector<16xi32>
        %select_n3A_1090 = arith.select %eq3A_1089, %get3A_436, %select_n3A_1086 : vector<16xi1>, vector<16xi32>
        %eq3A_1091 = arith.constant 14 : i32
        %eq3A_1092 = vector.broadcast %eq3A_1091 : i32 to vector<16xi32>
        %eq3A_1093 = arith.cmpi eq, %and3A_1039, %eq3A_1092 : vector<16xi32>
        %select_n3A_1094 = arith.select %eq3A_1093, %get3A_441, %select_n3A_1090 : vector<16xi1>, vector<16xi32>
        %eq3A_1095 = arith.constant 15 : i32
        %eq3A_1096 = vector.broadcast %eq3A_1095 : i32 to vector<16xi32>
        %eq3A_1097 = arith.cmpi eq, %and3A_1039, %eq3A_1096 : vector<16xi32>
        %select_n3A_1098 = arith.select %eq3A_1097, %get3A_446, %select_n3A_1094 : vector<16xi1>, vector<16xi32>
        %eq3A_1099 = arith.constant 16 : i32
        %eq3A_1100 = vector.broadcast %eq3A_1099 : i32 to vector<16xi32>
        %eq3A_1101 = arith.cmpi eq, %and3A_1039, %eq3A_1100 : vector<16xi32>
        %select_n3A_1102 = arith.select %eq3A_1101, %get3A_451, %select_n3A_1098 : vector<16xi1>, vector<16xi32>
        %eq3A_1103 = arith.constant 17 : i32
        %eq3A_1104 = vector.broadcast %eq3A_1103 : i32 to vector<16xi32>
        %eq3A_1105 = arith.cmpi eq, %and3A_1039, %eq3A_1104 : vector<16xi32>
        %select_n3A_1106 = arith.select %eq3A_1105, %get3A_456, %select_n3A_1102 : vector<16xi1>, vector<16xi32>
        %eq3A_1107 = arith.constant 18 : i32
        %eq3A_1108 = vector.broadcast %eq3A_1107 : i32 to vector<16xi32>
        %eq3A_1109 = arith.cmpi eq, %and3A_1039, %eq3A_1108 : vector<16xi32>
        %select_n3A_1110 = arith.select %eq3A_1109, %get3A_461, %select_n3A_1106 : vector<16xi1>, vector<16xi32>
        %eq3A_1111 = arith.constant 19 : i32
        %eq3A_1112 = vector.broadcast %eq3A_1111 : i32 to vector<16xi32>
        %eq3A_1113 = arith.cmpi eq, %and3A_1039, %eq3A_1112 : vector<16xi32>
        %select_n3A_1114 = arith.select %eq3A_1113, %get3A_466, %select_n3A_1110 : vector<16xi1>, vector<16xi32>
        %eq3A_1115 = arith.constant 20 : i32
        %eq3A_1116 = vector.broadcast %eq3A_1115 : i32 to vector<16xi32>
        %eq3A_1117 = arith.cmpi eq, %and3A_1039, %eq3A_1116 : vector<16xi32>
        %select_n3A_1118 = arith.select %eq3A_1117, %get3A_471, %select_n3A_1114 : vector<16xi1>, vector<16xi32>
        %eq3A_1119 = arith.constant 21 : i32
        %eq3A_1120 = vector.broadcast %eq3A_1119 : i32 to vector<16xi32>
        %eq3A_1121 = arith.cmpi eq, %and3A_1039, %eq3A_1120 : vector<16xi32>
        %select_n3A_1122 = arith.select %eq3A_1121, %get3A_476, %select_n3A_1118 : vector<16xi1>, vector<16xi32>
        %eq3A_1123 = arith.constant 22 : i32
        %eq3A_1124 = vector.broadcast %eq3A_1123 : i32 to vector<16xi32>
        %eq3A_1125 = arith.cmpi eq, %and3A_1039, %eq3A_1124 : vector<16xi32>
        %select_n3A_1126 = arith.select %eq3A_1125, %get3A_481, %select_n3A_1122 : vector<16xi1>, vector<16xi32>
        %eq3A_1127 = arith.constant 23 : i32
        %eq3A_1128 = vector.broadcast %eq3A_1127 : i32 to vector<16xi32>
        %eq3A_1129 = arith.cmpi eq, %and3A_1039, %eq3A_1128 : vector<16xi32>
        %select_n3A_1130 = arith.select %eq3A_1129, %get3A_486, %select_n3A_1126 : vector<16xi1>, vector<16xi32>
        %eq3A_1131 = arith.constant 24 : i32
        %eq3A_1132 = vector.broadcast %eq3A_1131 : i32 to vector<16xi32>
        %eq3A_1133 = arith.cmpi eq, %and3A_1039, %eq3A_1132 : vector<16xi32>
        %select_n3A_1134 = arith.select %eq3A_1133, %get3A_491, %select_n3A_1130 : vector<16xi1>, vector<16xi32>
        %and3A_1135 = arith.constant 31 : i32
        %and3A_1136 = vector.broadcast %and3A_1135 : i32 to vector<16xi32>
        %and3A_1137 = arith.andi %select_n3A_1134, %and3A_1136 : vector<16xi32>
        %and3A_1138 = arith.constant -32 : i32
        %and3A_1139 = vector.broadcast %and3A_1138 : i32 to vector<16xi32>
        %and3A_1140 = arith.andi %min3A_1032, %and3A_1139 : vector<16xi32>
        %bitcast_convert_type3A_1141 = tpu.bitcast %and3A_1140 : vector<16xi32> -> vector<16xf32>
        %gt3A = arith.constant 1.000000e+00 : f32
        %gt3A_1142 = vector.broadcast %gt3A : f32 to vector<16xf32>
        %gt3A_1143 = arith.cmpf ogt, %bitcast_convert_type3A_1141, %gt3A_1142 : vector<16xf32>
        %jit3A = arith.constant 20 : i32
        %broadcast_in_dim3A_1144 = vector.broadcast %jit3A : i32 to vector<16xi32>
        %select_n3A_1145 = arith.select %gt3A_1143, %broadcast_in_dim3A_1144, %and3A_1137 : vector<16xi1>, vector<16xi32>
        %and3A_1146 = arith.constant 31 : i32
        %and3A_1147 = vector.broadcast %and3A_1146 : i32 to vector<16xi32>
        %and3A_1148 = arith.andi %min3A_1033, %and3A_1147 : vector<16xi32>
        %eq3A_1149 = arith.constant 1 : i32
        %eq3A_1150 = vector.broadcast %eq3A_1149 : i32 to vector<16xi32>
        %eq3A_1151 = arith.cmpi eq, %and3A_1148, %eq3A_1150 : vector<16xi32>
        %select_n3A_1152 = arith.select %eq3A_1151, %get3A_376, %get3A_371 : vector<16xi1>, vector<16xi32>
        %eq3A_1153 = arith.constant 2 : i32
        %eq3A_1154 = vector.broadcast %eq3A_1153 : i32 to vector<16xi32>
        %eq3A_1155 = arith.cmpi eq, %and3A_1148, %eq3A_1154 : vector<16xi32>
        %select_n3A_1156 = arith.select %eq3A_1155, %get3A_381, %select_n3A_1152 : vector<16xi1>, vector<16xi32>
        %eq3A_1157 = arith.constant 3 : i32
        %eq3A_1158 = vector.broadcast %eq3A_1157 : i32 to vector<16xi32>
        %eq3A_1159 = arith.cmpi eq, %and3A_1148, %eq3A_1158 : vector<16xi32>
        %select_n3A_1160 = arith.select %eq3A_1159, %get3A_386, %select_n3A_1156 : vector<16xi1>, vector<16xi32>
        %eq3A_1161 = arith.constant 4 : i32
        %eq3A_1162 = vector.broadcast %eq3A_1161 : i32 to vector<16xi32>
        %eq3A_1163 = arith.cmpi eq, %and3A_1148, %eq3A_1162 : vector<16xi32>
        %select_n3A_1164 = arith.select %eq3A_1163, %get3A_391, %select_n3A_1160 : vector<16xi1>, vector<16xi32>
        %eq3A_1165 = arith.constant 5 : i32
        %eq3A_1166 = vector.broadcast %eq3A_1165 : i32 to vector<16xi32>
        %eq3A_1167 = arith.cmpi eq, %and3A_1148, %eq3A_1166 : vector<16xi32>
        %select_n3A_1168 = arith.select %eq3A_1167, %get3A_396, %select_n3A_1164 : vector<16xi1>, vector<16xi32>
        %eq3A_1169 = arith.constant 6 : i32
        %eq3A_1170 = vector.broadcast %eq3A_1169 : i32 to vector<16xi32>
        %eq3A_1171 = arith.cmpi eq, %and3A_1148, %eq3A_1170 : vector<16xi32>
        %select_n3A_1172 = arith.select %eq3A_1171, %get3A_401, %select_n3A_1168 : vector<16xi1>, vector<16xi32>
        %eq3A_1173 = arith.constant 7 : i32
        %eq3A_1174 = vector.broadcast %eq3A_1173 : i32 to vector<16xi32>
        %eq3A_1175 = arith.cmpi eq, %and3A_1148, %eq3A_1174 : vector<16xi32>
        %select_n3A_1176 = arith.select %eq3A_1175, %get3A_406, %select_n3A_1172 : vector<16xi1>, vector<16xi32>
        %eq3A_1177 = arith.constant 8 : i32
        %eq3A_1178 = vector.broadcast %eq3A_1177 : i32 to vector<16xi32>
        %eq3A_1179 = arith.cmpi eq, %and3A_1148, %eq3A_1178 : vector<16xi32>
        %select_n3A_1180 = arith.select %eq3A_1179, %get3A_411, %select_n3A_1176 : vector<16xi1>, vector<16xi32>
        %eq3A_1181 = arith.constant 9 : i32
        %eq3A_1182 = vector.broadcast %eq3A_1181 : i32 to vector<16xi32>
        %eq3A_1183 = arith.cmpi eq, %and3A_1148, %eq3A_1182 : vector<16xi32>
        %select_n3A_1184 = arith.select %eq3A_1183, %get3A_416, %select_n3A_1180 : vector<16xi1>, vector<16xi32>
        %eq3A_1185 = arith.constant 10 : i32
        %eq3A_1186 = vector.broadcast %eq3A_1185 : i32 to vector<16xi32>
        %eq3A_1187 = arith.cmpi eq, %and3A_1148, %eq3A_1186 : vector<16xi32>
        %select_n3A_1188 = arith.select %eq3A_1187, %get3A_421, %select_n3A_1184 : vector<16xi1>, vector<16xi32>
        %eq3A_1189 = arith.constant 11 : i32
        %eq3A_1190 = vector.broadcast %eq3A_1189 : i32 to vector<16xi32>
        %eq3A_1191 = arith.cmpi eq, %and3A_1148, %eq3A_1190 : vector<16xi32>
        %select_n3A_1192 = arith.select %eq3A_1191, %get3A_426, %select_n3A_1188 : vector<16xi1>, vector<16xi32>
        %eq3A_1193 = arith.constant 12 : i32
        %eq3A_1194 = vector.broadcast %eq3A_1193 : i32 to vector<16xi32>
        %eq3A_1195 = arith.cmpi eq, %and3A_1148, %eq3A_1194 : vector<16xi32>
        %select_n3A_1196 = arith.select %eq3A_1195, %get3A_431, %select_n3A_1192 : vector<16xi1>, vector<16xi32>
        %eq3A_1197 = arith.constant 13 : i32
        %eq3A_1198 = vector.broadcast %eq3A_1197 : i32 to vector<16xi32>
        %eq3A_1199 = arith.cmpi eq, %and3A_1148, %eq3A_1198 : vector<16xi32>
        %select_n3A_1200 = arith.select %eq3A_1199, %get3A_436, %select_n3A_1196 : vector<16xi1>, vector<16xi32>
        %eq3A_1201 = arith.constant 14 : i32
        %eq3A_1202 = vector.broadcast %eq3A_1201 : i32 to vector<16xi32>
        %eq3A_1203 = arith.cmpi eq, %and3A_1148, %eq3A_1202 : vector<16xi32>
        %select_n3A_1204 = arith.select %eq3A_1203, %get3A_441, %select_n3A_1200 : vector<16xi1>, vector<16xi32>
        %eq3A_1205 = arith.constant 15 : i32
        %eq3A_1206 = vector.broadcast %eq3A_1205 : i32 to vector<16xi32>
        %eq3A_1207 = arith.cmpi eq, %and3A_1148, %eq3A_1206 : vector<16xi32>
        %select_n3A_1208 = arith.select %eq3A_1207, %get3A_446, %select_n3A_1204 : vector<16xi1>, vector<16xi32>
        %eq3A_1209 = arith.constant 16 : i32
        %eq3A_1210 = vector.broadcast %eq3A_1209 : i32 to vector<16xi32>
        %eq3A_1211 = arith.cmpi eq, %and3A_1148, %eq3A_1210 : vector<16xi32>
        %select_n3A_1212 = arith.select %eq3A_1211, %get3A_451, %select_n3A_1208 : vector<16xi1>, vector<16xi32>
        %eq3A_1213 = arith.constant 17 : i32
        %eq3A_1214 = vector.broadcast %eq3A_1213 : i32 to vector<16xi32>
        %eq3A_1215 = arith.cmpi eq, %and3A_1148, %eq3A_1214 : vector<16xi32>
        %select_n3A_1216 = arith.select %eq3A_1215, %get3A_456, %select_n3A_1212 : vector<16xi1>, vector<16xi32>
        %eq3A_1217 = arith.constant 18 : i32
        %eq3A_1218 = vector.broadcast %eq3A_1217 : i32 to vector<16xi32>
        %eq3A_1219 = arith.cmpi eq, %and3A_1148, %eq3A_1218 : vector<16xi32>
        %select_n3A_1220 = arith.select %eq3A_1219, %get3A_461, %select_n3A_1216 : vector<16xi1>, vector<16xi32>
        %eq3A_1221 = arith.constant 19 : i32
        %eq3A_1222 = vector.broadcast %eq3A_1221 : i32 to vector<16xi32>
        %eq3A_1223 = arith.cmpi eq, %and3A_1148, %eq3A_1222 : vector<16xi32>
        %select_n3A_1224 = arith.select %eq3A_1223, %get3A_466, %select_n3A_1220 : vector<16xi1>, vector<16xi32>
        %eq3A_1225 = arith.constant 20 : i32
        %eq3A_1226 = vector.broadcast %eq3A_1225 : i32 to vector<16xi32>
        %eq3A_1227 = arith.cmpi eq, %and3A_1148, %eq3A_1226 : vector<16xi32>
        %select_n3A_1228 = arith.select %eq3A_1227, %get3A_471, %select_n3A_1224 : vector<16xi1>, vector<16xi32>
        %eq3A_1229 = arith.constant 21 : i32
        %eq3A_1230 = vector.broadcast %eq3A_1229 : i32 to vector<16xi32>
        %eq3A_1231 = arith.cmpi eq, %and3A_1148, %eq3A_1230 : vector<16xi32>
        %select_n3A_1232 = arith.select %eq3A_1231, %get3A_476, %select_n3A_1228 : vector<16xi1>, vector<16xi32>
        %eq3A_1233 = arith.constant 22 : i32
        %eq3A_1234 = vector.broadcast %eq3A_1233 : i32 to vector<16xi32>
        %eq3A_1235 = arith.cmpi eq, %and3A_1148, %eq3A_1234 : vector<16xi32>
        %select_n3A_1236 = arith.select %eq3A_1235, %get3A_481, %select_n3A_1232 : vector<16xi1>, vector<16xi32>
        %eq3A_1237 = arith.constant 23 : i32
        %eq3A_1238 = vector.broadcast %eq3A_1237 : i32 to vector<16xi32>
        %eq3A_1239 = arith.cmpi eq, %and3A_1148, %eq3A_1238 : vector<16xi32>
        %select_n3A_1240 = arith.select %eq3A_1239, %get3A_486, %select_n3A_1236 : vector<16xi1>, vector<16xi32>
        %eq3A_1241 = arith.constant 24 : i32
        %eq3A_1242 = vector.broadcast %eq3A_1241 : i32 to vector<16xi32>
        %eq3A_1243 = arith.cmpi eq, %and3A_1148, %eq3A_1242 : vector<16xi32>
        %select_n3A_1244 = arith.select %eq3A_1243, %get3A_491, %select_n3A_1240 : vector<16xi1>, vector<16xi32>
        %and3A_1245 = arith.constant 31 : i32
        %and3A_1246 = vector.broadcast %and3A_1245 : i32 to vector<16xi32>
        %and3A_1247 = arith.andi %select_n3A_1244, %and3A_1246 : vector<16xi32>
        %and3A_1248 = arith.constant -32 : i32
        %and3A_1249 = vector.broadcast %and3A_1248 : i32 to vector<16xi32>
        %and3A_1250 = arith.andi %min3A_1033, %and3A_1249 : vector<16xi32>
        %bitcast_convert_type3A_1251 = tpu.bitcast %and3A_1250 : vector<16xi32> -> vector<16xf32>
        %gt3A_1252 = arith.constant 1.000000e+00 : f32
        %gt3A_1253 = vector.broadcast %gt3A_1252 : f32 to vector<16xf32>
        %gt3A_1254 = arith.cmpf ogt, %bitcast_convert_type3A_1251, %gt3A_1253 : vector<16xf32>
        %jit3A_1255 = arith.constant 20 : i32
        %broadcast_in_dim3A_1256 = vector.broadcast %jit3A_1255 : i32 to vector<16xi32>
        %select_n3A_1257 = arith.select %gt3A_1254, %broadcast_in_dim3A_1256, %and3A_1247 : vector<16xi1>, vector<16xi32>
        %and3A_1258 = arith.constant 31 : i32
        %and3A_1259 = vector.broadcast %and3A_1258 : i32 to vector<16xi32>
        %and3A_1260 = arith.andi %min3A_1034, %and3A_1259 : vector<16xi32>
        %eq3A_1261 = arith.constant 1 : i32
        %eq3A_1262 = vector.broadcast %eq3A_1261 : i32 to vector<16xi32>
        %eq3A_1263 = arith.cmpi eq, %and3A_1260, %eq3A_1262 : vector<16xi32>
        %select_n3A_1264 = arith.select %eq3A_1263, %get3A_376, %get3A_371 : vector<16xi1>, vector<16xi32>
        %eq3A_1265 = arith.constant 2 : i32
        %eq3A_1266 = vector.broadcast %eq3A_1265 : i32 to vector<16xi32>
        %eq3A_1267 = arith.cmpi eq, %and3A_1260, %eq3A_1266 : vector<16xi32>
        %select_n3A_1268 = arith.select %eq3A_1267, %get3A_381, %select_n3A_1264 : vector<16xi1>, vector<16xi32>
        %eq3A_1269 = arith.constant 3 : i32
        %eq3A_1270 = vector.broadcast %eq3A_1269 : i32 to vector<16xi32>
        %eq3A_1271 = arith.cmpi eq, %and3A_1260, %eq3A_1270 : vector<16xi32>
        %select_n3A_1272 = arith.select %eq3A_1271, %get3A_386, %select_n3A_1268 : vector<16xi1>, vector<16xi32>
        %eq3A_1273 = arith.constant 4 : i32
        %eq3A_1274 = vector.broadcast %eq3A_1273 : i32 to vector<16xi32>
        %eq3A_1275 = arith.cmpi eq, %and3A_1260, %eq3A_1274 : vector<16xi32>
        %select_n3A_1276 = arith.select %eq3A_1275, %get3A_391, %select_n3A_1272 : vector<16xi1>, vector<16xi32>
        %eq3A_1277 = arith.constant 5 : i32
        %eq3A_1278 = vector.broadcast %eq3A_1277 : i32 to vector<16xi32>
        %eq3A_1279 = arith.cmpi eq, %and3A_1260, %eq3A_1278 : vector<16xi32>
        %select_n3A_1280 = arith.select %eq3A_1279, %get3A_396, %select_n3A_1276 : vector<16xi1>, vector<16xi32>
        %eq3A_1281 = arith.constant 6 : i32
        %eq3A_1282 = vector.broadcast %eq3A_1281 : i32 to vector<16xi32>
        %eq3A_1283 = arith.cmpi eq, %and3A_1260, %eq3A_1282 : vector<16xi32>
        %select_n3A_1284 = arith.select %eq3A_1283, %get3A_401, %select_n3A_1280 : vector<16xi1>, vector<16xi32>
        %eq3A_1285 = arith.constant 7 : i32
        %eq3A_1286 = vector.broadcast %eq3A_1285 : i32 to vector<16xi32>
        %eq3A_1287 = arith.cmpi eq, %and3A_1260, %eq3A_1286 : vector<16xi32>
        %select_n3A_1288 = arith.select %eq3A_1287, %get3A_406, %select_n3A_1284 : vector<16xi1>, vector<16xi32>
        %eq3A_1289 = arith.constant 8 : i32
        %eq3A_1290 = vector.broadcast %eq3A_1289 : i32 to vector<16xi32>
        %eq3A_1291 = arith.cmpi eq, %and3A_1260, %eq3A_1290 : vector<16xi32>
        %select_n3A_1292 = arith.select %eq3A_1291, %get3A_411, %select_n3A_1288 : vector<16xi1>, vector<16xi32>
        %eq3A_1293 = arith.constant 9 : i32
        %eq3A_1294 = vector.broadcast %eq3A_1293 : i32 to vector<16xi32>
        %eq3A_1295 = arith.cmpi eq, %and3A_1260, %eq3A_1294 : vector<16xi32>
        %select_n3A_1296 = arith.select %eq3A_1295, %get3A_416, %select_n3A_1292 : vector<16xi1>, vector<16xi32>
        %eq3A_1297 = arith.constant 10 : i32
        %eq3A_1298 = vector.broadcast %eq3A_1297 : i32 to vector<16xi32>
        %eq3A_1299 = arith.cmpi eq, %and3A_1260, %eq3A_1298 : vector<16xi32>
        %select_n3A_1300 = arith.select %eq3A_1299, %get3A_421, %select_n3A_1296 : vector<16xi1>, vector<16xi32>
        %eq3A_1301 = arith.constant 11 : i32
        %eq3A_1302 = vector.broadcast %eq3A_1301 : i32 to vector<16xi32>
        %eq3A_1303 = arith.cmpi eq, %and3A_1260, %eq3A_1302 : vector<16xi32>
        %select_n3A_1304 = arith.select %eq3A_1303, %get3A_426, %select_n3A_1300 : vector<16xi1>, vector<16xi32>
        %eq3A_1305 = arith.constant 12 : i32
        %eq3A_1306 = vector.broadcast %eq3A_1305 : i32 to vector<16xi32>
        %eq3A_1307 = arith.cmpi eq, %and3A_1260, %eq3A_1306 : vector<16xi32>
        %select_n3A_1308 = arith.select %eq3A_1307, %get3A_431, %select_n3A_1304 : vector<16xi1>, vector<16xi32>
        %eq3A_1309 = arith.constant 13 : i32
        %eq3A_1310 = vector.broadcast %eq3A_1309 : i32 to vector<16xi32>
        %eq3A_1311 = arith.cmpi eq, %and3A_1260, %eq3A_1310 : vector<16xi32>
        %select_n3A_1312 = arith.select %eq3A_1311, %get3A_436, %select_n3A_1308 : vector<16xi1>, vector<16xi32>
        %eq3A_1313 = arith.constant 14 : i32
        %eq3A_1314 = vector.broadcast %eq3A_1313 : i32 to vector<16xi32>
        %eq3A_1315 = arith.cmpi eq, %and3A_1260, %eq3A_1314 : vector<16xi32>
        %select_n3A_1316 = arith.select %eq3A_1315, %get3A_441, %select_n3A_1312 : vector<16xi1>, vector<16xi32>
        %eq3A_1317 = arith.constant 15 : i32
        %eq3A_1318 = vector.broadcast %eq3A_1317 : i32 to vector<16xi32>
        %eq3A_1319 = arith.cmpi eq, %and3A_1260, %eq3A_1318 : vector<16xi32>
        %select_n3A_1320 = arith.select %eq3A_1319, %get3A_446, %select_n3A_1316 : vector<16xi1>, vector<16xi32>
        %eq3A_1321 = arith.constant 16 : i32
        %eq3A_1322 = vector.broadcast %eq3A_1321 : i32 to vector<16xi32>
        %eq3A_1323 = arith.cmpi eq, %and3A_1260, %eq3A_1322 : vector<16xi32>
        %select_n3A_1324 = arith.select %eq3A_1323, %get3A_451, %select_n3A_1320 : vector<16xi1>, vector<16xi32>
        %eq3A_1325 = arith.constant 17 : i32
        %eq3A_1326 = vector.broadcast %eq3A_1325 : i32 to vector<16xi32>
        %eq3A_1327 = arith.cmpi eq, %and3A_1260, %eq3A_1326 : vector<16xi32>
        %select_n3A_1328 = arith.select %eq3A_1327, %get3A_456, %select_n3A_1324 : vector<16xi1>, vector<16xi32>
        %eq3A_1329 = arith.constant 18 : i32
        %eq3A_1330 = vector.broadcast %eq3A_1329 : i32 to vector<16xi32>
        %eq3A_1331 = arith.cmpi eq, %and3A_1260, %eq3A_1330 : vector<16xi32>
        %select_n3A_1332 = arith.select %eq3A_1331, %get3A_461, %select_n3A_1328 : vector<16xi1>, vector<16xi32>
        %eq3A_1333 = arith.constant 19 : i32
        %eq3A_1334 = vector.broadcast %eq3A_1333 : i32 to vector<16xi32>
        %eq3A_1335 = arith.cmpi eq, %and3A_1260, %eq3A_1334 : vector<16xi32>
        %select_n3A_1336 = arith.select %eq3A_1335, %get3A_466, %select_n3A_1332 : vector<16xi1>, vector<16xi32>
        %eq3A_1337 = arith.constant 20 : i32
        %eq3A_1338 = vector.broadcast %eq3A_1337 : i32 to vector<16xi32>
        %eq3A_1339 = arith.cmpi eq, %and3A_1260, %eq3A_1338 : vector<16xi32>
        %select_n3A_1340 = arith.select %eq3A_1339, %get3A_471, %select_n3A_1336 : vector<16xi1>, vector<16xi32>
        %eq3A_1341 = arith.constant 21 : i32
        %eq3A_1342 = vector.broadcast %eq3A_1341 : i32 to vector<16xi32>
        %eq3A_1343 = arith.cmpi eq, %and3A_1260, %eq3A_1342 : vector<16xi32>
        %select_n3A_1344 = arith.select %eq3A_1343, %get3A_476, %select_n3A_1340 : vector<16xi1>, vector<16xi32>
        %eq3A_1345 = arith.constant 22 : i32
        %eq3A_1346 = vector.broadcast %eq3A_1345 : i32 to vector<16xi32>
        %eq3A_1347 = arith.cmpi eq, %and3A_1260, %eq3A_1346 : vector<16xi32>
        %select_n3A_1348 = arith.select %eq3A_1347, %get3A_481, %select_n3A_1344 : vector<16xi1>, vector<16xi32>
        %eq3A_1349 = arith.constant 23 : i32
        %eq3A_1350 = vector.broadcast %eq3A_1349 : i32 to vector<16xi32>
        %eq3A_1351 = arith.cmpi eq, %and3A_1260, %eq3A_1350 : vector<16xi32>
        %select_n3A_1352 = arith.select %eq3A_1351, %get3A_486, %select_n3A_1348 : vector<16xi1>, vector<16xi32>
        %eq3A_1353 = arith.constant 24 : i32
        %eq3A_1354 = vector.broadcast %eq3A_1353 : i32 to vector<16xi32>
        %eq3A_1355 = arith.cmpi eq, %and3A_1260, %eq3A_1354 : vector<16xi32>
        %select_n3A_1356 = arith.select %eq3A_1355, %get3A_491, %select_n3A_1352 : vector<16xi1>, vector<16xi32>
        %and3A_1357 = arith.constant 31 : i32
        %and3A_1358 = vector.broadcast %and3A_1357 : i32 to vector<16xi32>
        %and3A_1359 = arith.andi %select_n3A_1356, %and3A_1358 : vector<16xi32>
        %and3A_1360 = arith.constant -32 : i32
        %and3A_1361 = vector.broadcast %and3A_1360 : i32 to vector<16xi32>
        %and3A_1362 = arith.andi %min3A_1034, %and3A_1361 : vector<16xi32>
        %bitcast_convert_type3A_1363 = tpu.bitcast %and3A_1362 : vector<16xi32> -> vector<16xf32>
        %gt3A_1364 = arith.constant 1.000000e+00 : f32
        %gt3A_1365 = vector.broadcast %gt3A_1364 : f32 to vector<16xf32>
        %gt3A_1366 = arith.cmpf ogt, %bitcast_convert_type3A_1363, %gt3A_1365 : vector<16xf32>
        %jit3A_1367 = arith.constant 20 : i32
        %broadcast_in_dim3A_1368 = vector.broadcast %jit3A_1367 : i32 to vector<16xi32>
        %select_n3A_1369 = arith.select %gt3A_1366, %broadcast_in_dim3A_1368, %and3A_1359 : vector<16xi1>, vector<16xi32>
        %and3A_1370 = arith.constant 31 : i32
        %and3A_1371 = vector.broadcast %and3A_1370 : i32 to vector<16xi32>
        %and3A_1372 = arith.andi %min3A_1035, %and3A_1371 : vector<16xi32>
        %eq3A_1373 = arith.constant 1 : i32
        %eq3A_1374 = vector.broadcast %eq3A_1373 : i32 to vector<16xi32>
        %eq3A_1375 = arith.cmpi eq, %and3A_1372, %eq3A_1374 : vector<16xi32>
        %select_n3A_1376 = arith.select %eq3A_1375, %get3A_376, %get3A_371 : vector<16xi1>, vector<16xi32>
        %eq3A_1377 = arith.constant 2 : i32
        %eq3A_1378 = vector.broadcast %eq3A_1377 : i32 to vector<16xi32>
        %eq3A_1379 = arith.cmpi eq, %and3A_1372, %eq3A_1378 : vector<16xi32>
        %select_n3A_1380 = arith.select %eq3A_1379, %get3A_381, %select_n3A_1376 : vector<16xi1>, vector<16xi32>
        %eq3A_1381 = arith.constant 3 : i32
        %eq3A_1382 = vector.broadcast %eq3A_1381 : i32 to vector<16xi32>
        %eq3A_1383 = arith.cmpi eq, %and3A_1372, %eq3A_1382 : vector<16xi32>
        %select_n3A_1384 = arith.select %eq3A_1383, %get3A_386, %select_n3A_1380 : vector<16xi1>, vector<16xi32>
        %eq3A_1385 = arith.constant 4 : i32
        %eq3A_1386 = vector.broadcast %eq3A_1385 : i32 to vector<16xi32>
        %eq3A_1387 = arith.cmpi eq, %and3A_1372, %eq3A_1386 : vector<16xi32>
        %select_n3A_1388 = arith.select %eq3A_1387, %get3A_391, %select_n3A_1384 : vector<16xi1>, vector<16xi32>
        %eq3A_1389 = arith.constant 5 : i32
        %eq3A_1390 = vector.broadcast %eq3A_1389 : i32 to vector<16xi32>
        %eq3A_1391 = arith.cmpi eq, %and3A_1372, %eq3A_1390 : vector<16xi32>
        %select_n3A_1392 = arith.select %eq3A_1391, %get3A_396, %select_n3A_1388 : vector<16xi1>, vector<16xi32>
        %eq3A_1393 = arith.constant 6 : i32
        %eq3A_1394 = vector.broadcast %eq3A_1393 : i32 to vector<16xi32>
        %eq3A_1395 = arith.cmpi eq, %and3A_1372, %eq3A_1394 : vector<16xi32>
        %select_n3A_1396 = arith.select %eq3A_1395, %get3A_401, %select_n3A_1392 : vector<16xi1>, vector<16xi32>
        %eq3A_1397 = arith.constant 7 : i32
        %eq3A_1398 = vector.broadcast %eq3A_1397 : i32 to vector<16xi32>
        %eq3A_1399 = arith.cmpi eq, %and3A_1372, %eq3A_1398 : vector<16xi32>
        %select_n3A_1400 = arith.select %eq3A_1399, %get3A_406, %select_n3A_1396 : vector<16xi1>, vector<16xi32>
        %eq3A_1401 = arith.constant 8 : i32
        %eq3A_1402 = vector.broadcast %eq3A_1401 : i32 to vector<16xi32>
        %eq3A_1403 = arith.cmpi eq, %and3A_1372, %eq3A_1402 : vector<16xi32>
        %select_n3A_1404 = arith.select %eq3A_1403, %get3A_411, %select_n3A_1400 : vector<16xi1>, vector<16xi32>
        %eq3A_1405 = arith.constant 9 : i32
        %eq3A_1406 = vector.broadcast %eq3A_1405 : i32 to vector<16xi32>
        %eq3A_1407 = arith.cmpi eq, %and3A_1372, %eq3A_1406 : vector<16xi32>
        %select_n3A_1408 = arith.select %eq3A_1407, %get3A_416, %select_n3A_1404 : vector<16xi1>, vector<16xi32>
        %eq3A_1409 = arith.constant 10 : i32
        %eq3A_1410 = vector.broadcast %eq3A_1409 : i32 to vector<16xi32>
        %eq3A_1411 = arith.cmpi eq, %and3A_1372, %eq3A_1410 : vector<16xi32>
        %select_n3A_1412 = arith.select %eq3A_1411, %get3A_421, %select_n3A_1408 : vector<16xi1>, vector<16xi32>
        %eq3A_1413 = arith.constant 11 : i32
        %eq3A_1414 = vector.broadcast %eq3A_1413 : i32 to vector<16xi32>
        %eq3A_1415 = arith.cmpi eq, %and3A_1372, %eq3A_1414 : vector<16xi32>
        %select_n3A_1416 = arith.select %eq3A_1415, %get3A_426, %select_n3A_1412 : vector<16xi1>, vector<16xi32>
        %eq3A_1417 = arith.constant 12 : i32
        %eq3A_1418 = vector.broadcast %eq3A_1417 : i32 to vector<16xi32>
        %eq3A_1419 = arith.cmpi eq, %and3A_1372, %eq3A_1418 : vector<16xi32>
        %select_n3A_1420 = arith.select %eq3A_1419, %get3A_431, %select_n3A_1416 : vector<16xi1>, vector<16xi32>
        %eq3A_1421 = arith.constant 13 : i32
        %eq3A_1422 = vector.broadcast %eq3A_1421 : i32 to vector<16xi32>
        %eq3A_1423 = arith.cmpi eq, %and3A_1372, %eq3A_1422 : vector<16xi32>
        %select_n3A_1424 = arith.select %eq3A_1423, %get3A_436, %select_n3A_1420 : vector<16xi1>, vector<16xi32>
        %eq3A_1425 = arith.constant 14 : i32
        %eq3A_1426 = vector.broadcast %eq3A_1425 : i32 to vector<16xi32>
        %eq3A_1427 = arith.cmpi eq, %and3A_1372, %eq3A_1426 : vector<16xi32>
        %select_n3A_1428 = arith.select %eq3A_1427, %get3A_441, %select_n3A_1424 : vector<16xi1>, vector<16xi32>
        %eq3A_1429 = arith.constant 15 : i32
        %eq3A_1430 = vector.broadcast %eq3A_1429 : i32 to vector<16xi32>
        %eq3A_1431 = arith.cmpi eq, %and3A_1372, %eq3A_1430 : vector<16xi32>
        %select_n3A_1432 = arith.select %eq3A_1431, %get3A_446, %select_n3A_1428 : vector<16xi1>, vector<16xi32>
        %eq3A_1433 = arith.constant 16 : i32
        %eq3A_1434 = vector.broadcast %eq3A_1433 : i32 to vector<16xi32>
        %eq3A_1435 = arith.cmpi eq, %and3A_1372, %eq3A_1434 : vector<16xi32>
        %select_n3A_1436 = arith.select %eq3A_1435, %get3A_451, %select_n3A_1432 : vector<16xi1>, vector<16xi32>
        %eq3A_1437 = arith.constant 17 : i32
        %eq3A_1438 = vector.broadcast %eq3A_1437 : i32 to vector<16xi32>
        %eq3A_1439 = arith.cmpi eq, %and3A_1372, %eq3A_1438 : vector<16xi32>
        %select_n3A_1440 = arith.select %eq3A_1439, %get3A_456, %select_n3A_1436 : vector<16xi1>, vector<16xi32>
        %eq3A_1441 = arith.constant 18 : i32
        %eq3A_1442 = vector.broadcast %eq3A_1441 : i32 to vector<16xi32>
        %eq3A_1443 = arith.cmpi eq, %and3A_1372, %eq3A_1442 : vector<16xi32>
        %select_n3A_1444 = arith.select %eq3A_1443, %get3A_461, %select_n3A_1440 : vector<16xi1>, vector<16xi32>
        %eq3A_1445 = arith.constant 19 : i32
        %eq3A_1446 = vector.broadcast %eq3A_1445 : i32 to vector<16xi32>
        %eq3A_1447 = arith.cmpi eq, %and3A_1372, %eq3A_1446 : vector<16xi32>
        %select_n3A_1448 = arith.select %eq3A_1447, %get3A_466, %select_n3A_1444 : vector<16xi1>, vector<16xi32>
        %eq3A_1449 = arith.constant 20 : i32
        %eq3A_1450 = vector.broadcast %eq3A_1449 : i32 to vector<16xi32>
        %eq3A_1451 = arith.cmpi eq, %and3A_1372, %eq3A_1450 : vector<16xi32>
        %select_n3A_1452 = arith.select %eq3A_1451, %get3A_471, %select_n3A_1448 : vector<16xi1>, vector<16xi32>
        %eq3A_1453 = arith.constant 21 : i32
        %eq3A_1454 = vector.broadcast %eq3A_1453 : i32 to vector<16xi32>
        %eq3A_1455 = arith.cmpi eq, %and3A_1372, %eq3A_1454 : vector<16xi32>
        %select_n3A_1456 = arith.select %eq3A_1455, %get3A_476, %select_n3A_1452 : vector<16xi1>, vector<16xi32>
        %eq3A_1457 = arith.constant 22 : i32
        %eq3A_1458 = vector.broadcast %eq3A_1457 : i32 to vector<16xi32>
        %eq3A_1459 = arith.cmpi eq, %and3A_1372, %eq3A_1458 : vector<16xi32>
        %select_n3A_1460 = arith.select %eq3A_1459, %get3A_481, %select_n3A_1456 : vector<16xi1>, vector<16xi32>
        %eq3A_1461 = arith.constant 23 : i32
        %eq3A_1462 = vector.broadcast %eq3A_1461 : i32 to vector<16xi32>
        %eq3A_1463 = arith.cmpi eq, %and3A_1372, %eq3A_1462 : vector<16xi32>
        %select_n3A_1464 = arith.select %eq3A_1463, %get3A_486, %select_n3A_1460 : vector<16xi1>, vector<16xi32>
        %eq3A_1465 = arith.constant 24 : i32
        %eq3A_1466 = vector.broadcast %eq3A_1465 : i32 to vector<16xi32>
        %eq3A_1467 = arith.cmpi eq, %and3A_1372, %eq3A_1466 : vector<16xi32>
        %select_n3A_1468 = arith.select %eq3A_1467, %get3A_491, %select_n3A_1464 : vector<16xi1>, vector<16xi32>
        %and3A_1469 = arith.constant 31 : i32
        %and3A_1470 = vector.broadcast %and3A_1469 : i32 to vector<16xi32>
        %and3A_1471 = arith.andi %select_n3A_1468, %and3A_1470 : vector<16xi32>
        %and3A_1472 = arith.constant -32 : i32
        %and3A_1473 = vector.broadcast %and3A_1472 : i32 to vector<16xi32>
        %and3A_1474 = arith.andi %min3A_1035, %and3A_1473 : vector<16xi32>
        %bitcast_convert_type3A_1475 = tpu.bitcast %and3A_1474 : vector<16xi32> -> vector<16xf32>
        %gt3A_1476 = arith.constant 1.000000e+00 : f32
        %gt3A_1477 = vector.broadcast %gt3A_1476 : f32 to vector<16xf32>
        %gt3A_1478 = arith.cmpf ogt, %bitcast_convert_type3A_1475, %gt3A_1477 : vector<16xf32>
        %jit3A_1479 = arith.constant 20 : i32
        %broadcast_in_dim3A_1480 = vector.broadcast %jit3A_1479 : i32 to vector<16xi32>
        %select_n3A_1481 = arith.select %gt3A_1478, %broadcast_in_dim3A_1480, %and3A_1471 : vector<16xi1>, vector<16xi32>
        %and3A_1482 = arith.constant 31 : i32
        %and3A_1483 = vector.broadcast %and3A_1482 : i32 to vector<16xi32>
        %and3A_1484 = arith.andi %min3A_1036, %and3A_1483 : vector<16xi32>
        %eq3A_1485 = arith.constant 1 : i32
        %eq3A_1486 = vector.broadcast %eq3A_1485 : i32 to vector<16xi32>
        %eq3A_1487 = arith.cmpi eq, %and3A_1484, %eq3A_1486 : vector<16xi32>
        %select_n3A_1488 = arith.select %eq3A_1487, %get3A_376, %get3A_371 : vector<16xi1>, vector<16xi32>
        %eq3A_1489 = arith.constant 2 : i32
        %eq3A_1490 = vector.broadcast %eq3A_1489 : i32 to vector<16xi32>
        %eq3A_1491 = arith.cmpi eq, %and3A_1484, %eq3A_1490 : vector<16xi32>
        %select_n3A_1492 = arith.select %eq3A_1491, %get3A_381, %select_n3A_1488 : vector<16xi1>, vector<16xi32>
        %eq3A_1493 = arith.constant 3 : i32
        %eq3A_1494 = vector.broadcast %eq3A_1493 : i32 to vector<16xi32>
        %eq3A_1495 = arith.cmpi eq, %and3A_1484, %eq3A_1494 : vector<16xi32>
        %select_n3A_1496 = arith.select %eq3A_1495, %get3A_386, %select_n3A_1492 : vector<16xi1>, vector<16xi32>
        %eq3A_1497 = arith.constant 4 : i32
        %eq3A_1498 = vector.broadcast %eq3A_1497 : i32 to vector<16xi32>
        %eq3A_1499 = arith.cmpi eq, %and3A_1484, %eq3A_1498 : vector<16xi32>
        %select_n3A_1500 = arith.select %eq3A_1499, %get3A_391, %select_n3A_1496 : vector<16xi1>, vector<16xi32>
        %eq3A_1501 = arith.constant 5 : i32
        %eq3A_1502 = vector.broadcast %eq3A_1501 : i32 to vector<16xi32>
        %eq3A_1503 = arith.cmpi eq, %and3A_1484, %eq3A_1502 : vector<16xi32>
        %select_n3A_1504 = arith.select %eq3A_1503, %get3A_396, %select_n3A_1500 : vector<16xi1>, vector<16xi32>
        %eq3A_1505 = arith.constant 6 : i32
        %eq3A_1506 = vector.broadcast %eq3A_1505 : i32 to vector<16xi32>
        %eq3A_1507 = arith.cmpi eq, %and3A_1484, %eq3A_1506 : vector<16xi32>
        %select_n3A_1508 = arith.select %eq3A_1507, %get3A_401, %select_n3A_1504 : vector<16xi1>, vector<16xi32>
        %eq3A_1509 = arith.constant 7 : i32
        %eq3A_1510 = vector.broadcast %eq3A_1509 : i32 to vector<16xi32>
        %eq3A_1511 = arith.cmpi eq, %and3A_1484, %eq3A_1510 : vector<16xi32>
        %select_n3A_1512 = arith.select %eq3A_1511, %get3A_406, %select_n3A_1508 : vector<16xi1>, vector<16xi32>
        %eq3A_1513 = arith.constant 8 : i32
        %eq3A_1514 = vector.broadcast %eq3A_1513 : i32 to vector<16xi32>
        %eq3A_1515 = arith.cmpi eq, %and3A_1484, %eq3A_1514 : vector<16xi32>
        %select_n3A_1516 = arith.select %eq3A_1515, %get3A_411, %select_n3A_1512 : vector<16xi1>, vector<16xi32>
        %eq3A_1517 = arith.constant 9 : i32
        %eq3A_1518 = vector.broadcast %eq3A_1517 : i32 to vector<16xi32>
        %eq3A_1519 = arith.cmpi eq, %and3A_1484, %eq3A_1518 : vector<16xi32>
        %select_n3A_1520 = arith.select %eq3A_1519, %get3A_416, %select_n3A_1516 : vector<16xi1>, vector<16xi32>
        %eq3A_1521 = arith.constant 10 : i32
        %eq3A_1522 = vector.broadcast %eq3A_1521 : i32 to vector<16xi32>
        %eq3A_1523 = arith.cmpi eq, %and3A_1484, %eq3A_1522 : vector<16xi32>
        %select_n3A_1524 = arith.select %eq3A_1523, %get3A_421, %select_n3A_1520 : vector<16xi1>, vector<16xi32>
        %eq3A_1525 = arith.constant 11 : i32
        %eq3A_1526 = vector.broadcast %eq3A_1525 : i32 to vector<16xi32>
        %eq3A_1527 = arith.cmpi eq, %and3A_1484, %eq3A_1526 : vector<16xi32>
        %select_n3A_1528 = arith.select %eq3A_1527, %get3A_426, %select_n3A_1524 : vector<16xi1>, vector<16xi32>
        %eq3A_1529 = arith.constant 12 : i32
        %eq3A_1530 = vector.broadcast %eq3A_1529 : i32 to vector<16xi32>
        %eq3A_1531 = arith.cmpi eq, %and3A_1484, %eq3A_1530 : vector<16xi32>
        %select_n3A_1532 = arith.select %eq3A_1531, %get3A_431, %select_n3A_1528 : vector<16xi1>, vector<16xi32>
        %eq3A_1533 = arith.constant 13 : i32
        %eq3A_1534 = vector.broadcast %eq3A_1533 : i32 to vector<16xi32>
        %eq3A_1535 = arith.cmpi eq, %and3A_1484, %eq3A_1534 : vector<16xi32>
        %select_n3A_1536 = arith.select %eq3A_1535, %get3A_436, %select_n3A_1532 : vector<16xi1>, vector<16xi32>
        %eq3A_1537 = arith.constant 14 : i32
        %eq3A_1538 = vector.broadcast %eq3A_1537 : i32 to vector<16xi32>
        %eq3A_1539 = arith.cmpi eq, %and3A_1484, %eq3A_1538 : vector<16xi32>
        %select_n3A_1540 = arith.select %eq3A_1539, %get3A_441, %select_n3A_1536 : vector<16xi1>, vector<16xi32>
        %eq3A_1541 = arith.constant 15 : i32
        %eq3A_1542 = vector.broadcast %eq3A_1541 : i32 to vector<16xi32>
        %eq3A_1543 = arith.cmpi eq, %and3A_1484, %eq3A_1542 : vector<16xi32>
        %select_n3A_1544 = arith.select %eq3A_1543, %get3A_446, %select_n3A_1540 : vector<16xi1>, vector<16xi32>
        %eq3A_1545 = arith.constant 16 : i32
        %eq3A_1546 = vector.broadcast %eq3A_1545 : i32 to vector<16xi32>
        %eq3A_1547 = arith.cmpi eq, %and3A_1484, %eq3A_1546 : vector<16xi32>
        %select_n3A_1548 = arith.select %eq3A_1547, %get3A_451, %select_n3A_1544 : vector<16xi1>, vector<16xi32>
        %eq3A_1549 = arith.constant 17 : i32
        %eq3A_1550 = vector.broadcast %eq3A_1549 : i32 to vector<16xi32>
        %eq3A_1551 = arith.cmpi eq, %and3A_1484, %eq3A_1550 : vector<16xi32>
        %select_n3A_1552 = arith.select %eq3A_1551, %get3A_456, %select_n3A_1548 : vector<16xi1>, vector<16xi32>
        %eq3A_1553 = arith.constant 18 : i32
        %eq3A_1554 = vector.broadcast %eq3A_1553 : i32 to vector<16xi32>
        %eq3A_1555 = arith.cmpi eq, %and3A_1484, %eq3A_1554 : vector<16xi32>
        %select_n3A_1556 = arith.select %eq3A_1555, %get3A_461, %select_n3A_1552 : vector<16xi1>, vector<16xi32>
        %eq3A_1557 = arith.constant 19 : i32
        %eq3A_1558 = vector.broadcast %eq3A_1557 : i32 to vector<16xi32>
        %eq3A_1559 = arith.cmpi eq, %and3A_1484, %eq3A_1558 : vector<16xi32>
        %select_n3A_1560 = arith.select %eq3A_1559, %get3A_466, %select_n3A_1556 : vector<16xi1>, vector<16xi32>
        %eq3A_1561 = arith.constant 20 : i32
        %eq3A_1562 = vector.broadcast %eq3A_1561 : i32 to vector<16xi32>
        %eq3A_1563 = arith.cmpi eq, %and3A_1484, %eq3A_1562 : vector<16xi32>
        %select_n3A_1564 = arith.select %eq3A_1563, %get3A_471, %select_n3A_1560 : vector<16xi1>, vector<16xi32>
        %eq3A_1565 = arith.constant 21 : i32
        %eq3A_1566 = vector.broadcast %eq3A_1565 : i32 to vector<16xi32>
        %eq3A_1567 = arith.cmpi eq, %and3A_1484, %eq3A_1566 : vector<16xi32>
        %select_n3A_1568 = arith.select %eq3A_1567, %get3A_476, %select_n3A_1564 : vector<16xi1>, vector<16xi32>
        %eq3A_1569 = arith.constant 22 : i32
        %eq3A_1570 = vector.broadcast %eq3A_1569 : i32 to vector<16xi32>
        %eq3A_1571 = arith.cmpi eq, %and3A_1484, %eq3A_1570 : vector<16xi32>
        %select_n3A_1572 = arith.select %eq3A_1571, %get3A_481, %select_n3A_1568 : vector<16xi1>, vector<16xi32>
        %eq3A_1573 = arith.constant 23 : i32
        %eq3A_1574 = vector.broadcast %eq3A_1573 : i32 to vector<16xi32>
        %eq3A_1575 = arith.cmpi eq, %and3A_1484, %eq3A_1574 : vector<16xi32>
        %select_n3A_1576 = arith.select %eq3A_1575, %get3A_486, %select_n3A_1572 : vector<16xi1>, vector<16xi32>
        %eq3A_1577 = arith.constant 24 : i32
        %eq3A_1578 = vector.broadcast %eq3A_1577 : i32 to vector<16xi32>
        %eq3A_1579 = arith.cmpi eq, %and3A_1484, %eq3A_1578 : vector<16xi32>
        %select_n3A_1580 = arith.select %eq3A_1579, %get3A_491, %select_n3A_1576 : vector<16xi1>, vector<16xi32>
        %and3A_1581 = arith.constant 31 : i32
        %and3A_1582 = vector.broadcast %and3A_1581 : i32 to vector<16xi32>
        %and3A_1583 = arith.andi %select_n3A_1580, %and3A_1582 : vector<16xi32>
        %and3A_1584 = arith.constant -32 : i32
        %and3A_1585 = vector.broadcast %and3A_1584 : i32 to vector<16xi32>
        %and3A_1586 = arith.andi %min3A_1036, %and3A_1585 : vector<16xi32>
        %bitcast_convert_type3A_1587 = tpu.bitcast %and3A_1586 : vector<16xi32> -> vector<16xf32>
        %gt3A_1588 = arith.constant 1.000000e+00 : f32
        %gt3A_1589 = vector.broadcast %gt3A_1588 : f32 to vector<16xf32>
        %gt3A_1590 = arith.cmpf ogt, %bitcast_convert_type3A_1587, %gt3A_1589 : vector<16xf32>
        %jit3A_1591 = arith.constant 20 : i32
        %broadcast_in_dim3A_1592 = vector.broadcast %jit3A_1591 : i32 to vector<16xi32>
        %select_n3A_1593 = arith.select %gt3A_1590, %broadcast_in_dim3A_1592, %and3A_1583 : vector<16xi1>, vector<16xi32>
        %broadcast_in_dim3A_1594 = arith.constant 0 : i32
        %broadcast_in_dim3A_1595 = vector.broadcast %broadcast_in_dim3A_1594 : i32 to vector<16xi32>
        %eq3A_1596 = arith.cmpi eq, %select_n3A_1145, %select_n3A_1145 : vector<16xi32>
        %jit3A_1597 = arith.constant 1 : i32
        %jit3A_1598 = arith.constant 0 : i32
        %broadcast_in_dim3A_1599 = vector.broadcast %jit3A_1597 : i32 to vector<16xi32>
        %broadcast_in_dim3A_1600 = vector.broadcast %jit3A_1598 : i32 to vector<16xi32>
        %select_n3A_1601 = arith.select %eq3A_1596, %broadcast_in_dim3A_1599, %broadcast_in_dim3A_1600 : vector<16xi1>, vector<16xi32>
        %add3A_1602 = arith.addi %broadcast_in_dim3A_1595, %select_n3A_1601 : vector<16xi32>
        %eq3A_1603 = arith.cmpi eq, %select_n3A_1145, %select_n3A_1257 : vector<16xi32>
        %jit3A_1604 = arith.constant 1 : i32
        %jit3A_1605 = arith.constant 0 : i32
        %broadcast_in_dim3A_1606 = vector.broadcast %jit3A_1604 : i32 to vector<16xi32>
        %broadcast_in_dim3A_1607 = vector.broadcast %jit3A_1605 : i32 to vector<16xi32>
        %select_n3A_1608 = arith.select %eq3A_1603, %broadcast_in_dim3A_1606, %broadcast_in_dim3A_1607 : vector<16xi1>, vector<16xi32>
        %add3A_1609 = arith.addi %add3A_1602, %select_n3A_1608 : vector<16xi32>
        %eq3A_1610 = arith.cmpi eq, %select_n3A_1145, %select_n3A_1369 : vector<16xi32>
        %jit3A_1611 = arith.constant 1 : i32
        %jit3A_1612 = arith.constant 0 : i32
        %broadcast_in_dim3A_1613 = vector.broadcast %jit3A_1611 : i32 to vector<16xi32>
        %broadcast_in_dim3A_1614 = vector.broadcast %jit3A_1612 : i32 to vector<16xi32>
        %select_n3A_1615 = arith.select %eq3A_1610, %broadcast_in_dim3A_1613, %broadcast_in_dim3A_1614 : vector<16xi1>, vector<16xi32>
        %add3A_1616 = arith.addi %add3A_1609, %select_n3A_1615 : vector<16xi32>
        %eq3A_1617 = arith.cmpi eq, %select_n3A_1145, %select_n3A_1481 : vector<16xi32>
        %jit3A_1618 = arith.constant 1 : i32
        %jit3A_1619 = arith.constant 0 : i32
        %broadcast_in_dim3A_1620 = vector.broadcast %jit3A_1618 : i32 to vector<16xi32>
        %broadcast_in_dim3A_1621 = vector.broadcast %jit3A_1619 : i32 to vector<16xi32>
        %select_n3A_1622 = arith.select %eq3A_1617, %broadcast_in_dim3A_1620, %broadcast_in_dim3A_1621 : vector<16xi1>, vector<16xi32>
        %add3A_1623 = arith.addi %add3A_1616, %select_n3A_1622 : vector<16xi32>
        %eq3A_1624 = arith.cmpi eq, %select_n3A_1145, %select_n3A_1593 : vector<16xi32>
        %jit3A_1625 = arith.constant 1 : i32
        %jit3A_1626 = arith.constant 0 : i32
        %broadcast_in_dim3A_1627 = vector.broadcast %jit3A_1625 : i32 to vector<16xi32>
        %broadcast_in_dim3A_1628 = vector.broadcast %jit3A_1626 : i32 to vector<16xi32>
        %select_n3A_1629 = arith.select %eq3A_1624, %broadcast_in_dim3A_1627, %broadcast_in_dim3A_1628 : vector<16xi1>, vector<16xi32>
        %add3A_1630 = arith.addi %add3A_1623, %select_n3A_1629 : vector<16xi32>
        %eq3A_1631 = arith.constant 0 : i32
        %eq3A_1632 = vector.broadcast %eq3A_1631 : i32 to vector<16xi32>
        %eq3A_1633 = arith.cmpi eq, %select_n3A_1145, %eq3A_1632 : vector<16xi32>
        %eq3A_1634 = arith.constant 20 : i32
        %eq3A_1635 = vector.broadcast %eq3A_1634 : i32 to vector<16xi32>
        %eq3A_1636 = arith.cmpi eq, %select_n3A_1145, %eq3A_1635 : vector<16xi32>
        %or3A_1637 = arith.ori %eq3A_1633, %eq3A_1636 : vector<16xi1>
        %mul3A_1638 = arith.constant 32 : i32
        %mul3A_1639 = vector.broadcast %mul3A_1638 : i32 to vector<16xi32>
        %mul3A_1640 = arith.muli %add3A_1630, %mul3A_1639 : vector<16xi32>
        %sub3A_1641 = arith.constant 31 : i32
        %sub3A_1642 = vector.broadcast %sub3A_1641 : i32 to vector<16xi32>
        %sub3A_1643 = arith.subi %sub3A_1642, %select_n3A_1145 : vector<16xi32>
        %add3A_1644 = arith.addi %mul3A_1640, %sub3A_1643 : vector<16xi32>
        %jit3A_1645 = arith.constant 30 : i32
        %broadcast_in_dim3A_1646 = vector.broadcast %jit3A_1645 : i32 to vector<16xi32>
        %select_n3A_1647 = arith.select %or3A_1637, %broadcast_in_dim3A_1646, %add3A_1644 : vector<16xi1>, vector<16xi32>
        %broadcast_in_dim3A_1648 = arith.constant 0 : i32
        %broadcast_in_dim3A_1649 = vector.broadcast %broadcast_in_dim3A_1648 : i32 to vector<16xi32>
        %eq3A_1650 = arith.cmpi eq, %select_n3A_1257, %select_n3A_1145 : vector<16xi32>
        %jit3A_1651 = arith.constant 1 : i32
        %jit3A_1652 = arith.constant 0 : i32
        %broadcast_in_dim3A_1653 = vector.broadcast %jit3A_1651 : i32 to vector<16xi32>
        %broadcast_in_dim3A_1654 = vector.broadcast %jit3A_1652 : i32 to vector<16xi32>
        %select_n3A_1655 = arith.select %eq3A_1650, %broadcast_in_dim3A_1653, %broadcast_in_dim3A_1654 : vector<16xi1>, vector<16xi32>
        %add3A_1656 = arith.addi %broadcast_in_dim3A_1649, %select_n3A_1655 : vector<16xi32>
        %eq3A_1657 = arith.cmpi eq, %select_n3A_1257, %select_n3A_1257 : vector<16xi32>
        %jit3A_1658 = arith.constant 1 : i32
        %jit3A_1659 = arith.constant 0 : i32
        %broadcast_in_dim3A_1660 = vector.broadcast %jit3A_1658 : i32 to vector<16xi32>
        %broadcast_in_dim3A_1661 = vector.broadcast %jit3A_1659 : i32 to vector<16xi32>
        %select_n3A_1662 = arith.select %eq3A_1657, %broadcast_in_dim3A_1660, %broadcast_in_dim3A_1661 : vector<16xi1>, vector<16xi32>
        %add3A_1663 = arith.addi %add3A_1656, %select_n3A_1662 : vector<16xi32>
        %eq3A_1664 = arith.cmpi eq, %select_n3A_1257, %select_n3A_1369 : vector<16xi32>
        %jit3A_1665 = arith.constant 1 : i32
        %jit3A_1666 = arith.constant 0 : i32
        %broadcast_in_dim3A_1667 = vector.broadcast %jit3A_1665 : i32 to vector<16xi32>
        %broadcast_in_dim3A_1668 = vector.broadcast %jit3A_1666 : i32 to vector<16xi32>
        %select_n3A_1669 = arith.select %eq3A_1664, %broadcast_in_dim3A_1667, %broadcast_in_dim3A_1668 : vector<16xi1>, vector<16xi32>
        %add3A_1670 = arith.addi %add3A_1663, %select_n3A_1669 : vector<16xi32>
        %eq3A_1671 = arith.cmpi eq, %select_n3A_1257, %select_n3A_1481 : vector<16xi32>
        %jit3A_1672 = arith.constant 1 : i32
        %jit3A_1673 = arith.constant 0 : i32
        %broadcast_in_dim3A_1674 = vector.broadcast %jit3A_1672 : i32 to vector<16xi32>
        %broadcast_in_dim3A_1675 = vector.broadcast %jit3A_1673 : i32 to vector<16xi32>
        %select_n3A_1676 = arith.select %eq3A_1671, %broadcast_in_dim3A_1674, %broadcast_in_dim3A_1675 : vector<16xi1>, vector<16xi32>
        %add3A_1677 = arith.addi %add3A_1670, %select_n3A_1676 : vector<16xi32>
        %eq3A_1678 = arith.cmpi eq, %select_n3A_1257, %select_n3A_1593 : vector<16xi32>
        %jit3A_1679 = arith.constant 1 : i32
        %jit3A_1680 = arith.constant 0 : i32
        %broadcast_in_dim3A_1681 = vector.broadcast %jit3A_1679 : i32 to vector<16xi32>
        %broadcast_in_dim3A_1682 = vector.broadcast %jit3A_1680 : i32 to vector<16xi32>
        %select_n3A_1683 = arith.select %eq3A_1678, %broadcast_in_dim3A_1681, %broadcast_in_dim3A_1682 : vector<16xi1>, vector<16xi32>
        %add3A_1684 = arith.addi %add3A_1677, %select_n3A_1683 : vector<16xi32>
        %eq3A_1685 = arith.constant 0 : i32
        %eq3A_1686 = vector.broadcast %eq3A_1685 : i32 to vector<16xi32>
        %eq3A_1687 = arith.cmpi eq, %select_n3A_1257, %eq3A_1686 : vector<16xi32>
        %eq3A_1688 = arith.constant 20 : i32
        %eq3A_1689 = vector.broadcast %eq3A_1688 : i32 to vector<16xi32>
        %eq3A_1690 = arith.cmpi eq, %select_n3A_1257, %eq3A_1689 : vector<16xi32>
        %or3A_1691 = arith.ori %eq3A_1687, %eq3A_1690 : vector<16xi1>
        %mul3A_1692 = arith.constant 32 : i32
        %mul3A_1693 = vector.broadcast %mul3A_1692 : i32 to vector<16xi32>
        %mul3A_1694 = arith.muli %add3A_1684, %mul3A_1693 : vector<16xi32>
        %sub3A_1695 = arith.constant 31 : i32
        %sub3A_1696 = vector.broadcast %sub3A_1695 : i32 to vector<16xi32>
        %sub3A_1697 = arith.subi %sub3A_1696, %select_n3A_1257 : vector<16xi32>
        %add3A_1698 = arith.addi %mul3A_1694, %sub3A_1697 : vector<16xi32>
        %jit3A_1699 = arith.constant 30 : i32
        %broadcast_in_dim3A_1700 = vector.broadcast %jit3A_1699 : i32 to vector<16xi32>
        %select_n3A_1701 = arith.select %or3A_1691, %broadcast_in_dim3A_1700, %add3A_1698 : vector<16xi1>, vector<16xi32>
        %broadcast_in_dim3A_1702 = arith.constant 0 : i32
        %broadcast_in_dim3A_1703 = vector.broadcast %broadcast_in_dim3A_1702 : i32 to vector<16xi32>
        %eq3A_1704 = arith.cmpi eq, %select_n3A_1369, %select_n3A_1145 : vector<16xi32>
        %jit3A_1705 = arith.constant 1 : i32
        %jit3A_1706 = arith.constant 0 : i32
        %broadcast_in_dim3A_1707 = vector.broadcast %jit3A_1705 : i32 to vector<16xi32>
        %broadcast_in_dim3A_1708 = vector.broadcast %jit3A_1706 : i32 to vector<16xi32>
        %select_n3A_1709 = arith.select %eq3A_1704, %broadcast_in_dim3A_1707, %broadcast_in_dim3A_1708 : vector<16xi1>, vector<16xi32>
        %add3A_1710 = arith.addi %broadcast_in_dim3A_1703, %select_n3A_1709 : vector<16xi32>
        %eq3A_1711 = arith.cmpi eq, %select_n3A_1369, %select_n3A_1257 : vector<16xi32>
        %jit3A_1712 = arith.constant 1 : i32
        %jit3A_1713 = arith.constant 0 : i32
        %broadcast_in_dim3A_1714 = vector.broadcast %jit3A_1712 : i32 to vector<16xi32>
        %broadcast_in_dim3A_1715 = vector.broadcast %jit3A_1713 : i32 to vector<16xi32>
        %select_n3A_1716 = arith.select %eq3A_1711, %broadcast_in_dim3A_1714, %broadcast_in_dim3A_1715 : vector<16xi1>, vector<16xi32>
        %add3A_1717 = arith.addi %add3A_1710, %select_n3A_1716 : vector<16xi32>
        %eq3A_1718 = arith.cmpi eq, %select_n3A_1369, %select_n3A_1369 : vector<16xi32>
        %jit3A_1719 = arith.constant 1 : i32
        %jit3A_1720 = arith.constant 0 : i32
        %broadcast_in_dim3A_1721 = vector.broadcast %jit3A_1719 : i32 to vector<16xi32>
        %broadcast_in_dim3A_1722 = vector.broadcast %jit3A_1720 : i32 to vector<16xi32>
        %select_n3A_1723 = arith.select %eq3A_1718, %broadcast_in_dim3A_1721, %broadcast_in_dim3A_1722 : vector<16xi1>, vector<16xi32>
        %add3A_1724 = arith.addi %add3A_1717, %select_n3A_1723 : vector<16xi32>
        %eq3A_1725 = arith.cmpi eq, %select_n3A_1369, %select_n3A_1481 : vector<16xi32>
        %jit3A_1726 = arith.constant 1 : i32
        %jit3A_1727 = arith.constant 0 : i32
        %broadcast_in_dim3A_1728 = vector.broadcast %jit3A_1726 : i32 to vector<16xi32>
        %broadcast_in_dim3A_1729 = vector.broadcast %jit3A_1727 : i32 to vector<16xi32>
        %select_n3A_1730 = arith.select %eq3A_1725, %broadcast_in_dim3A_1728, %broadcast_in_dim3A_1729 : vector<16xi1>, vector<16xi32>
        %add3A_1731 = arith.addi %add3A_1724, %select_n3A_1730 : vector<16xi32>
        %eq3A_1732 = arith.cmpi eq, %select_n3A_1369, %select_n3A_1593 : vector<16xi32>
        %jit3A_1733 = arith.constant 1 : i32
        %jit3A_1734 = arith.constant 0 : i32
        %broadcast_in_dim3A_1735 = vector.broadcast %jit3A_1733 : i32 to vector<16xi32>
        %broadcast_in_dim3A_1736 = vector.broadcast %jit3A_1734 : i32 to vector<16xi32>
        %select_n3A_1737 = arith.select %eq3A_1732, %broadcast_in_dim3A_1735, %broadcast_in_dim3A_1736 : vector<16xi1>, vector<16xi32>
        %add3A_1738 = arith.addi %add3A_1731, %select_n3A_1737 : vector<16xi32>
        %eq3A_1739 = arith.constant 0 : i32
        %eq3A_1740 = vector.broadcast %eq3A_1739 : i32 to vector<16xi32>
        %eq3A_1741 = arith.cmpi eq, %select_n3A_1369, %eq3A_1740 : vector<16xi32>
        %eq3A_1742 = arith.constant 20 : i32
        %eq3A_1743 = vector.broadcast %eq3A_1742 : i32 to vector<16xi32>
        %eq3A_1744 = arith.cmpi eq, %select_n3A_1369, %eq3A_1743 : vector<16xi32>
        %or3A_1745 = arith.ori %eq3A_1741, %eq3A_1744 : vector<16xi1>
        %mul3A_1746 = arith.constant 32 : i32
        %mul3A_1747 = vector.broadcast %mul3A_1746 : i32 to vector<16xi32>
        %mul3A_1748 = arith.muli %add3A_1738, %mul3A_1747 : vector<16xi32>
        %sub3A_1749 = arith.constant 31 : i32
        %sub3A_1750 = vector.broadcast %sub3A_1749 : i32 to vector<16xi32>
        %sub3A_1751 = arith.subi %sub3A_1750, %select_n3A_1369 : vector<16xi32>
        %add3A_1752 = arith.addi %mul3A_1748, %sub3A_1751 : vector<16xi32>
        %jit3A_1753 = arith.constant 30 : i32
        %broadcast_in_dim3A_1754 = vector.broadcast %jit3A_1753 : i32 to vector<16xi32>
        %select_n3A_1755 = arith.select %or3A_1745, %broadcast_in_dim3A_1754, %add3A_1752 : vector<16xi1>, vector<16xi32>
        %broadcast_in_dim3A_1756 = arith.constant 0 : i32
        %broadcast_in_dim3A_1757 = vector.broadcast %broadcast_in_dim3A_1756 : i32 to vector<16xi32>
        %eq3A_1758 = arith.cmpi eq, %select_n3A_1481, %select_n3A_1145 : vector<16xi32>
        %jit3A_1759 = arith.constant 1 : i32
        %jit3A_1760 = arith.constant 0 : i32
        %broadcast_in_dim3A_1761 = vector.broadcast %jit3A_1759 : i32 to vector<16xi32>
        %broadcast_in_dim3A_1762 = vector.broadcast %jit3A_1760 : i32 to vector<16xi32>
        %select_n3A_1763 = arith.select %eq3A_1758, %broadcast_in_dim3A_1761, %broadcast_in_dim3A_1762 : vector<16xi1>, vector<16xi32>
        %add3A_1764 = arith.addi %broadcast_in_dim3A_1757, %select_n3A_1763 : vector<16xi32>
        %eq3A_1765 = arith.cmpi eq, %select_n3A_1481, %select_n3A_1257 : vector<16xi32>
        %jit3A_1766 = arith.constant 1 : i32
        %jit3A_1767 = arith.constant 0 : i32
        %broadcast_in_dim3A_1768 = vector.broadcast %jit3A_1766 : i32 to vector<16xi32>
        %broadcast_in_dim3A_1769 = vector.broadcast %jit3A_1767 : i32 to vector<16xi32>
        %select_n3A_1770 = arith.select %eq3A_1765, %broadcast_in_dim3A_1768, %broadcast_in_dim3A_1769 : vector<16xi1>, vector<16xi32>
        %add3A_1771 = arith.addi %add3A_1764, %select_n3A_1770 : vector<16xi32>
        %eq3A_1772 = arith.cmpi eq, %select_n3A_1481, %select_n3A_1369 : vector<16xi32>
        %jit3A_1773 = arith.constant 1 : i32
        %jit3A_1774 = arith.constant 0 : i32
        %broadcast_in_dim3A_1775 = vector.broadcast %jit3A_1773 : i32 to vector<16xi32>
        %broadcast_in_dim3A_1776 = vector.broadcast %jit3A_1774 : i32 to vector<16xi32>
        %select_n3A_1777 = arith.select %eq3A_1772, %broadcast_in_dim3A_1775, %broadcast_in_dim3A_1776 : vector<16xi1>, vector<16xi32>
        %add3A_1778 = arith.addi %add3A_1771, %select_n3A_1777 : vector<16xi32>
        %eq3A_1779 = arith.cmpi eq, %select_n3A_1481, %select_n3A_1481 : vector<16xi32>
        %jit3A_1780 = arith.constant 1 : i32
        %jit3A_1781 = arith.constant 0 : i32
        %broadcast_in_dim3A_1782 = vector.broadcast %jit3A_1780 : i32 to vector<16xi32>
        %broadcast_in_dim3A_1783 = vector.broadcast %jit3A_1781 : i32 to vector<16xi32>
        %select_n3A_1784 = arith.select %eq3A_1779, %broadcast_in_dim3A_1782, %broadcast_in_dim3A_1783 : vector<16xi1>, vector<16xi32>
        %add3A_1785 = arith.addi %add3A_1778, %select_n3A_1784 : vector<16xi32>
        %eq3A_1786 = arith.cmpi eq, %select_n3A_1481, %select_n3A_1593 : vector<16xi32>
        %jit3A_1787 = arith.constant 1 : i32
        %jit3A_1788 = arith.constant 0 : i32
        %broadcast_in_dim3A_1789 = vector.broadcast %jit3A_1787 : i32 to vector<16xi32>
        %broadcast_in_dim3A_1790 = vector.broadcast %jit3A_1788 : i32 to vector<16xi32>
        %select_n3A_1791 = arith.select %eq3A_1786, %broadcast_in_dim3A_1789, %broadcast_in_dim3A_1790 : vector<16xi1>, vector<16xi32>
        %add3A_1792 = arith.addi %add3A_1785, %select_n3A_1791 : vector<16xi32>
        %eq3A_1793 = arith.constant 0 : i32
        %eq3A_1794 = vector.broadcast %eq3A_1793 : i32 to vector<16xi32>
        %eq3A_1795 = arith.cmpi eq, %select_n3A_1481, %eq3A_1794 : vector<16xi32>
        %eq3A_1796 = arith.constant 20 : i32
        %eq3A_1797 = vector.broadcast %eq3A_1796 : i32 to vector<16xi32>
        %eq3A_1798 = arith.cmpi eq, %select_n3A_1481, %eq3A_1797 : vector<16xi32>
        %or3A_1799 = arith.ori %eq3A_1795, %eq3A_1798 : vector<16xi1>
        %mul3A_1800 = arith.constant 32 : i32
        %mul3A_1801 = vector.broadcast %mul3A_1800 : i32 to vector<16xi32>
        %mul3A_1802 = arith.muli %add3A_1792, %mul3A_1801 : vector<16xi32>
        %sub3A_1803 = arith.constant 31 : i32
        %sub3A_1804 = vector.broadcast %sub3A_1803 : i32 to vector<16xi32>
        %sub3A_1805 = arith.subi %sub3A_1804, %select_n3A_1481 : vector<16xi32>
        %add3A_1806 = arith.addi %mul3A_1802, %sub3A_1805 : vector<16xi32>
        %jit3A_1807 = arith.constant 30 : i32
        %broadcast_in_dim3A_1808 = vector.broadcast %jit3A_1807 : i32 to vector<16xi32>
        %select_n3A_1809 = arith.select %or3A_1799, %broadcast_in_dim3A_1808, %add3A_1806 : vector<16xi1>, vector<16xi32>
        %broadcast_in_dim3A_1810 = arith.constant 0 : i32
        %broadcast_in_dim3A_1811 = vector.broadcast %broadcast_in_dim3A_1810 : i32 to vector<16xi32>
        %eq3A_1812 = arith.cmpi eq, %select_n3A_1593, %select_n3A_1145 : vector<16xi32>
        %jit3A_1813 = arith.constant 1 : i32
        %jit3A_1814 = arith.constant 0 : i32
        %broadcast_in_dim3A_1815 = vector.broadcast %jit3A_1813 : i32 to vector<16xi32>
        %broadcast_in_dim3A_1816 = vector.broadcast %jit3A_1814 : i32 to vector<16xi32>
        %select_n3A_1817 = arith.select %eq3A_1812, %broadcast_in_dim3A_1815, %broadcast_in_dim3A_1816 : vector<16xi1>, vector<16xi32>
        %add3A_1818 = arith.addi %broadcast_in_dim3A_1811, %select_n3A_1817 : vector<16xi32>
        %eq3A_1819 = arith.cmpi eq, %select_n3A_1593, %select_n3A_1257 : vector<16xi32>
        %jit3A_1820 = arith.constant 1 : i32
        %jit3A_1821 = arith.constant 0 : i32
        %broadcast_in_dim3A_1822 = vector.broadcast %jit3A_1820 : i32 to vector<16xi32>
        %broadcast_in_dim3A_1823 = vector.broadcast %jit3A_1821 : i32 to vector<16xi32>
        %select_n3A_1824 = arith.select %eq3A_1819, %broadcast_in_dim3A_1822, %broadcast_in_dim3A_1823 : vector<16xi1>, vector<16xi32>
        %add3A_1825 = arith.addi %add3A_1818, %select_n3A_1824 : vector<16xi32>
        %eq3A_1826 = arith.cmpi eq, %select_n3A_1593, %select_n3A_1369 : vector<16xi32>
        %jit3A_1827 = arith.constant 1 : i32
        %jit3A_1828 = arith.constant 0 : i32
        %broadcast_in_dim3A_1829 = vector.broadcast %jit3A_1827 : i32 to vector<16xi32>
        %broadcast_in_dim3A_1830 = vector.broadcast %jit3A_1828 : i32 to vector<16xi32>
        %select_n3A_1831 = arith.select %eq3A_1826, %broadcast_in_dim3A_1829, %broadcast_in_dim3A_1830 : vector<16xi1>, vector<16xi32>
        %add3A_1832 = arith.addi %add3A_1825, %select_n3A_1831 : vector<16xi32>
        %eq3A_1833 = arith.cmpi eq, %select_n3A_1593, %select_n3A_1481 : vector<16xi32>
        %jit3A_1834 = arith.constant 1 : i32
        %jit3A_1835 = arith.constant 0 : i32
        %broadcast_in_dim3A_1836 = vector.broadcast %jit3A_1834 : i32 to vector<16xi32>
        %broadcast_in_dim3A_1837 = vector.broadcast %jit3A_1835 : i32 to vector<16xi32>
        %select_n3A_1838 = arith.select %eq3A_1833, %broadcast_in_dim3A_1836, %broadcast_in_dim3A_1837 : vector<16xi1>, vector<16xi32>
        %add3A_1839 = arith.addi %add3A_1832, %select_n3A_1838 : vector<16xi32>
        %eq3A_1840 = arith.cmpi eq, %select_n3A_1593, %select_n3A_1593 : vector<16xi32>
        %jit3A_1841 = arith.constant 1 : i32
        %jit3A_1842 = arith.constant 0 : i32
        %broadcast_in_dim3A_1843 = vector.broadcast %jit3A_1841 : i32 to vector<16xi32>
        %broadcast_in_dim3A_1844 = vector.broadcast %jit3A_1842 : i32 to vector<16xi32>
        %select_n3A_1845 = arith.select %eq3A_1840, %broadcast_in_dim3A_1843, %broadcast_in_dim3A_1844 : vector<16xi1>, vector<16xi32>
        %add3A_1846 = arith.addi %add3A_1839, %select_n3A_1845 : vector<16xi32>
        %eq3A_1847 = arith.constant 0 : i32
        %eq3A_1848 = vector.broadcast %eq3A_1847 : i32 to vector<16xi32>
        %eq3A_1849 = arith.cmpi eq, %select_n3A_1593, %eq3A_1848 : vector<16xi32>
        %eq3A_1850 = arith.constant 20 : i32
        %eq3A_1851 = vector.broadcast %eq3A_1850 : i32 to vector<16xi32>
        %eq3A_1852 = arith.cmpi eq, %select_n3A_1593, %eq3A_1851 : vector<16xi32>
        %or3A_1853 = arith.ori %eq3A_1849, %eq3A_1852 : vector<16xi1>
        %mul3A_1854 = arith.constant 32 : i32
        %mul3A_1855 = vector.broadcast %mul3A_1854 : i32 to vector<16xi32>
        %mul3A_1856 = arith.muli %add3A_1846, %mul3A_1855 : vector<16xi32>
        %sub3A_1857 = arith.constant 31 : i32
        %sub3A_1858 = vector.broadcast %sub3A_1857 : i32 to vector<16xi32>
        %sub3A_1859 = arith.subi %sub3A_1858, %select_n3A_1593 : vector<16xi32>
        %add3A_1860 = arith.addi %mul3A_1856, %sub3A_1859 : vector<16xi32>
        %jit3A_1861 = arith.constant 30 : i32
        %broadcast_in_dim3A_1862 = vector.broadcast %jit3A_1861 : i32 to vector<16xi32>
        %select_n3A_1863 = arith.select %or3A_1853, %broadcast_in_dim3A_1862, %add3A_1860 : vector<16xi1>, vector<16xi32>
        %max3A_1864 = arith.maxsi %select_n3A_1647, %select_n3A_1701 : vector<16xi32>
        %max3A_1865 = arith.maxsi %max3A_1864, %select_n3A_1755 : vector<16xi32>
        %max3A_1866 = arith.maxsi %max3A_1865, %select_n3A_1809 : vector<16xi32>
        %max3A_1867 = arith.maxsi %max3A_1866, %select_n3A_1863 : vector<16xi32>
        %and3A_1868 = arith.constant 31 : i32
        %and3A_1869 = vector.broadcast %and3A_1868 : i32 to vector<16xi32>
        %and3A_1870 = arith.andi %max3A_1867, %and3A_1869 : vector<16xi32>
        %sub3A_1871 = arith.constant 31 : i32
        %sub3A_1872 = vector.broadcast %sub3A_1871 : i32 to vector<16xi32>
        %sub3A_1873 = arith.subi %sub3A_1872, %and3A_1870 : vector<16xi32>
        %swap3A = arith.index_cast %mul3A_361 : i32 to index
        %swap3A_1874 = tpu.vector_load %arg17[%swap3A] {strides = array<i32>} : memref<1024xi32, #tpu.memory_space<vmem>>, vector<16xi32>,
        %swap3A_1875 = vector.shape_cast %swap3A_1874 : vector<16xi32> to vector<16xi32>
        %swap3A_1876 = vector.shape_cast %sub3A_1873 : vector<16xi32> to vector<16xi32>
        tpu.vector_store %arg17[%swap3A], %swap3A_1876 {strides = array<i32>} : memref<1024xi32, #tpu.memory_space<vmem>>, vector<16xi32>,
      }
      %scan3A_358 = arith.constant 64 : i32
      "tpu.region"() ({
        %run_scoped3A = tpu.sem_alloc : memref<!tpu.dma_semaphore, #tpu.memory_space<semaphore_mem>>
        %dma_start3A_359 = tpu.memref_slice %arg6[%add3A_352] : memref<131072xi32, #tpu.memory_space<hbm>> -> memref<1024xi32, #tpu.memory_space<hbm>>
        %dma_start3A_360 = tpu.memref_slice %arg6[%add3A_352] : memref<131072xi32, #tpu.memory_space<hbm>> -> memref<1024xi32, #tpu.memory_space<hbm>>
        tpu.enqueue_dma source(%arg17 : memref<1024xi32, #tpu.memory_space<vmem>>) target(%dma_start3A_360 : memref<1024xi32, #tpu.memory_space<hbm>>) target_semaphore(%run_scoped3A : memref<!tpu.dma_semaphore, #tpu.memory_space<semaphore_mem>>)
        %dma_wait3A_361 = tpu.memref_slice %arg6[%add3A_352] : memref<131072xi32, #tpu.memory_space<hbm>> -> memref<1024xi32, #tpu.memory_space<hbm>>
        %dma_wait3A_362 = tpu.memref_slice %arg6[%add3A_352] : memref<131072xi32, #tpu.memory_space<hbm>> -> memref<1024xi32, #tpu.memory_space<hbm>>
        tpu.wait_dma2 semaphore(%run_scoped3A : memref<!tpu.dma_semaphore, #tpu.memory_space<semaphore_mem>>) src(%arg17 : memref<1024xi32, #tpu.memory_space<vmem>>) dst(%dma_wait3A_362 : memref<1024xi32, #tpu.memory_space<hbm>>)
        tpu.yield
      }) : () -> ()
    }
    %scan3A_164 = arith.constant 2 : i32
    return
  }
}

</mosaic_0001>

<sc_bundles>
// kernel: kernel.3.cloned.1.call-start
scs
__scs_entry_jumppad:
0x0: {  	(pc) =	sbr.rel $0x88, $3  }
0x1: {  	(tag) =	ssettag $0x0;
	lr =	simm.s32 $0x1  }
0x2: {  	[smem:$0x3F9C] =	sst lr;
	_ =	strace $0xD0000000  }
0x3: {  	_ = 	snop  }
0x4: {  	_ = 	snop  }
0x5: {  	_ = 	snop  }
0x6: {  	_ = 	snop  }
0x7: {  	_ = 	snop  }
__scs_overlays_trampoline_lowered:
0x8: {  	[smem:$0x3FAB] =	sst s0  }
0x9: {  	[smem:$0x3FAC] =	sst s1  }
0xa: {  	[smem:$0x3FAD] =	sst s2  }
0xb: {  	[smem:$0x3FAE] =	sst s3  }
0xc: {  	[smem:$0x3FAF] =	sst s4  }
0xd: {  	[smem:$0x3FB0] =	sst s5  }
0xe: {  	[smem:$0x3FB1] =	sst s6  }
0xf: {  	[smem:$0x3FB2] =	sst s7  }
0x10: {  	[smem:$0x3FB3] =	sst s8  }
0x11: {  	[smem:$0x3FB4] =	sst s9;
	s0 =	simm.s32 @!p0 $0x0  }
0x12: {  	s1 =	sld [smem:$0x3F9A];
	s0 =	simm.s32 @p0 $0x1  }
0x13: {  	[smem:$0x3FB5] =	sst s0;
	s0 =	simm.s32 @!p1 $0x0  }
0x14: {  	s2 =	sld [smem:$0x3F99];
	s0 =	simm.s32 @p1 $0x1  }
0x15: {  	[smem:$0x3FB6] =	sst s0;
	s0 =	simm.s32 @!p2 $0x0  }
0x16: {  	s3 =	sld [smem:$0x3FDB];
	s0 =	simm.s32 @p2 $0x1  }
0x17: {  	s4 =	simm.s32 $0x1BF5;
	[smem:$0x3FB8] =	sst s0  }
0x18: {  	s0 =	sld [smem:$0x3F9B];
	_ =	swait.ge [sflag:s4], $0x0  }
0x19: {  	s7 =	sld [smem:$0x3F9C]  }
0x1a: {  	s8 =	sadd.s32 $0xFFFFE003, lr  }
0x1b: {  	s9 =	sadd.s32 $0xFFFFFEF7, lr;
	s5 =	simm.s32 $0xFFFFFFFF;
	p2 =	slt.u32 s8, $0xFFFFF086  }
0x1c: {  	p1 =	slt.u32 s9, $0xF7A;
	s5 =	simm.s32 @!p2 $0x0  }
0x1d: {  	s5 =	simm.s32 @p1 $0x1;
	p0 =	seq.s32 s7, s2  }
0x1e: {  	s7 =	smul.u32 @!p0 $0xF7A, s2;
	p2 =	seq.s32 @!p0 s5, $0x0  }
0x1f: {  	s9 =	smul.u32 $0xF7A, s1;
	s8 =	simm.s32 @!p0 $0x1BF5;
	p2 =	por !p2, p0  }
0x20: {  	[sflag:s8] =	ssyncset.s32 @!p0 $0xFFFFF086;
	s6 =	sadd.s32 @!p0 s3, s7;
	s7 =	simm.s32 @!p0 $0x108  }
0x21: {  	s3 =	sadd.s32 s3, s9;
	s6 =	sadd.s32 @!p0 $0x88, s6;
	s7 =	simm.s32 @p2 $0x1082  }
0x22: {  	[simem:s7], [sflag:s8] =	dma.local @!p0 [hbm:s6], $0xF7A  }
0x23: {  	s9 =	sor.u32 $0xD0000000, s2;
	s6 =	simm.s32 $0x108;
	_ =	swait.ge @!p0 [sflag:s8], $0x0  }
0x24: {  	s3 =	sadd.s32 $0x88, s3;
	s6 =	simm.s32 @!p1 $0x1082;
	[sflag:s4] =	ssyncset.s32 $0xFFFFF086  }
0x25: {  	[simem:s6], [sflag:s4] =	dma.local [hbm:s3], $0xF7A  }
0x26: {  	[smem:$0x3F9C] =	sst s1;
	(tag) =	ssettag s2;
	_ =	strace s9  }
0x27: {  	s1 =	sld [smem:$0x3FAC]  }
0x28: {  	s2 =	sld [smem:$0x3FAD]  }
0x29: {  	s4 =	sld [smem:$0x3FAF]  }
0x2a: {  	p0 =	seq.s32 s5, $0x0;
	s5 =	sld [smem:$0x3FB0]  }
0x2b: {  	s6 =	sld [smem:$0x3FB1]  }
0x2c: {  	s7 =	sld [smem:$0x3FB2]  }
0x2d: {  	s3 =	simm.s32 $0x108;
	s8 =	sld [smem:$0x3FB3]  }
0x2e: {  	s3 =	simm.s32 @!p0 $0x1082;
	s9 =	sld [smem:$0x3FB4]  }
0x2f: {  	lr =	sadd.s32 s0, s3;
	s0 =	sld [smem:$0x3FAB]  }
0x30: {  	s3 =	sld [smem:$0x3FAE]  }
0x31: {  	[smem:$0x3FB7] =	sst s10  }
0x32: {  	s10 =	sld [smem:$0x3FB5];
	_ =	sdelay $0x3  }
0x33: {  	p0 =	seq.s32 s10, $0x1;
	s10 =	sld [smem:$0x3FB7];
	_ =	sdelay $0x3  }
0x34: {  	[smem:$0x3FB7] =	sst s10  }
0x35: {  	s10 =	sld [smem:$0x3FB6];
	_ =	sdelay $0x3  }
0x36: {  	p1 =	seq.s32 s10, $0x1;
	s10 =	sld [smem:$0x3FB7];
	_ =	sdelay $0x3  }
0x37: {  	[smem:$0x3FB7] =	sst s10  }
0x38: {  	s10 =	sld [smem:$0x3FB8]  }
0x39: {  	_ = 	snop;
	(pc) =	sbr.ind lr, $3  }
0x3a: {  	_ = 	snop  }
0x3b: {  	_ = 	snop  }
0x3c: {  	p2 =	seq.s32 s10, $0x1;
	s10 =	sld [smem:$0x3FB7]  }
0x3d: {  	_ =	shalt  }
0x3e: {  	_ =	shalt  }
0x3f: {  	_ =	shalt  }
0x40: {  	_ =	shalt  }
0x41: {  	_ =	shalt  }
0x42: {  	_ =	shalt  }
0x43: {  	_ =	shalt  }
0x44: {  	_ =	shalt  }
0x45: {  	_ =	shalt  }
0x46: {  	_ =	shalt  }
0x47: {  	_ =	shalt  }
0x48: {  	_ =	shalt  }
0x49: {  	_ =	shalt  }
0x4a: {  	_ =	shalt  }
0x4b: {  	_ =	shalt  }
0x4c: {  	_ =	shalt  }
0x4d: {  	_ =	shalt  }
0x4e: {  	_ =	shalt  }
0x4f: {  	_ =	shalt  }
0x50: {  	_ =	shalt  }
0x51: {  	_ =	shalt  }
0x52: {  	_ =	shalt  }
0x53: {  	_ =	shalt  }
0x54: {  	_ =	shalt  }
0x55: {  	_ =	shalt  }
0x56: {  	_ =	shalt  }
0x57: {  	_ =	shalt  }
0x58: {  	_ =	shalt  }
0x59: {  	_ =	shalt  }
0x5a: {  	_ =	shalt  }
0x5b: {  	_ =	shalt  }
0x5c: {  	_ =	shalt  }
0x5d: {  	_ =	shalt  }
0x5e: {  	_ =	shalt  }
0x5f: {  	_ =	shalt  }
0x60: {  	_ =	shalt  }
0x61: {  	_ =	shalt  }
0x62: {  	_ =	shalt  }
0x63: {  	_ =	shalt  }
0x64: {  	_ =	shalt  }
0x65: {  	_ =	shalt  }
0x66: {  	_ =	shalt  }
0x67: {  	_ =	shalt  }
0x68: {  	_ =	shalt  }
0x69: {  	_ =	shalt  }
0x6a: {  	_ =	shalt  }
0x6b: {  	_ =	shalt  }
0x6c: {  	_ =	shalt  }
0x6d: {  	_ =	shalt  }
0x6e: {  	_ =	shalt  }
0x6f: {  	_ =	shalt  }
0x70: {  	_ =	shalt  }
0x71: {  	_ =	shalt  }
0x72: {  	_ =	shalt  }
0x73: {  	_ =	shalt  }
0x74: {  	_ =	shalt  }
0x75: {  	_ =	shalt  }
0x76: {  	_ =	shalt  }
0x77: {  	_ =	shalt  }
0x78: {  	_ =	shalt  }
0x79: {  	_ =	shalt  }
0x7a: {  	_ =	shalt  }
0x7b: {  	_ =	shalt  }
0x7c: {  	_ =	shalt  }
0x7d: {  	_ =	shalt  }
0x7e: {  	_ =	shalt  }
0x7f: {  	_ =	shalt  }
0x80: {  	_ =	shalt  }
0x81: {  	_ =	shalt  }
0x82: {  	_ =	shalt  }
0x83: {  	_ =	shalt  }
0x84: {  	_ =	shalt  }
0x85: {  	_ =	shalt  }
0x86: {  	_ =	shalt  }
0x87: {  	_ =	shalt  }
.Lfunc_end0:
.L_simem_size_0:
called_computation_lowered:
.L_overlay_start_0:
0x88: {  	s2 =	sld [smem:$0x3FD9]  }
0x89: {  	s3 =	sld [smem:$0x3FFE];
	_ =	sdelay $0x1  }
0x8a: {  	s1 =	srdreg.scid  }
0x8b: {  	s0 =	sand.u32 $0x1, s1  }
0x8c: {  	s16 =	sshll.u32 s0, $0xA;
	s2 =	sadd.s32 s3, s2  }
0x8d: {  	s2 =	sadd.s32 s2, s16  }
0x8e: {  	[smem:$0x3FC3] =	sst s2  }
0x8f: {  	_ = 	snop  }
0x90: {  	(tm) =	ssettm $0x1  }
0x91: {  	s17 =	sld [smem:$0x3FFB];
	_ =	sdelay $0x3  }
0x92: {  	_ =	strace s17  }
0x93: {  	s2 =	sld [smem:$0x3FFC];
	_ =	sdelay $0x3  }
0x94: {  	_ =	strace s2  }
0x95: {  	s2 =	sld [smem:$0x3FFD];
	_ =	sdelay $0x3  }
0x96: {  	_ =	strace s2  }
0x97: {  	_ =	strace $0x8FFFFFFF  }
0x98: {  	s18 =	sld [smem:$0x3FDB];
	_ =	sdelay $0x1  }
0x99: {  	s19 =	simm.s32 $_scs_section_size  }
0x9a: {  	s4 =	simm.s32 $_size__tile_overlayer_lowered;
	s5 =	simm.s32 $_tile_overlayer_lowered  }
0x9b: {  	s22 =	simm.s32 $0x1BFF;
	s21 =	sshll.u32 s5, $0x1;
	s2 =	sadd.s32 s19, s18  }
0x9c: {  	s6 =	simm.s32 $0x0;
	s20 =	sshll.u32 s4, $0x1;
	s4 =	sadd.s32 s21, s2  }
0x9d: {  	[timem:s6], [sflag:s22] =	dma.local [hbm:s4], s20  }
0x9e: {  	_ =	swait.ge [sflag:s22], s20  }
0x9f: {  	s3 =	ssub.s32 $0x0, s20;
	[sflag:s22] =	ssyncset.done $0x0  }
0xa0: {  	[sflag:s22] =	ssyncadd.s32 s3;
	_ =	sdelay $0x1  }
0xa1: {  	s23 =	simm.s32 $0x1B8B  }
0xa2: {  	_ =	swait.ge [sflag:s23], $0x1  }
0xa3: {  	[sflag:s23] =	ssyncset.done $0x0  }
0xa4: {  	s25 =	simm.s32 $0x1B8E;
	s24 =	sld [smem:$0x3FFE];
	[sflag:s23] =	ssyncadd.s32 $0xFFFFFFFF  }
0xa5: {  	s26 =	simm.s32 $execute0_lowered;
	[smem:$0x3FD2] =	sst s25  }
0xa6: {  	s4 =	sshll.u32 s26, $0x1;
	_ =	strace $0x80000046;
	[dreg:$0x1] =	wrdreg $0xFFFFFFFF  }
0xa7: {  	s28 =	simm.s32 $_size_execute0_lowered;
	s2 =	sadd.s32 s2, s4;
	[dreg:$0x0] =	wrdreg $0x0  }
0xa8: {  	s4 =	sshll.u32 s28, $0x1;
	[dreg:$0x2] =	wrdreg s2  }
0xa9: {  	[dreg:$0x3] =	wrdreg s4  }
0xaa: {  	[dreg:$0x4] =	wrdreg $0xC0  }
0xab: {  	_ =	task [dreg:s6], $0x5FFFF  }
0xac: {  	[dreg:$0x1] =	wrdreg $0xFFFFFFFF  }
0xad: {  	[dreg:$0x0] =	wrdreg $0x60  }
0xae: {  	[dreg:$0x2] =	wrdreg s24  }
0xaf: {  	[dreg:$0x3] =	wrdreg $0x0  }
0xb0: {  	[dreg:$0x4] =	wrdreg $0x9  }
0xb1: {  	_ =	task.clear_ibuf [dreg:s6], $0x5FFFF;
	_ =	strace $0x90000046  }
0xb2: {  	s29 =	simm.s32 $0x9;
	_ =	strace $0x80000048  }
0xb3: {  	_ =	swait.ge [sflag:s29], $0x1  }
0xb4: {  	[sflag:s29] =	ssyncadd.s32 $0xFFFFFFFF  }
0xb5: {  	_ =	strace $0x90000048  }
0xb6: {  	_ =	sfence  }
0xb7: {  	s30 =	sld [smem:$0x0];
	_ =	sdelay $0x2  }
0xb8: {  	s31 =	sshll.u32 s1, $0xD;
	s1 =	sshrl.u32 s1, $0x2  }
0xb9: {  	s3 =	sand.u32 $0x4000, s31;
	s1 =	sadd.s32 s1, s30  }
0xba: {  	s0 =	sor.u32 s3, s0;
	s1 =	sshll.u32 s1, $0x11  }
0xbb: {  	s0 =	sor.u32 s1, s0  }
0xbc: {  	s0 =	sadd.s32 $0x8F2B, s0  }
0xbd: {  	[sflag:s0] =	ssyncadd.remote.s32 $0x1  }
0xbe: {  	_ =	sfence.sel $0xFFFF  }
0xbf: {  	[dreg:$0x0] =	wrdreg $0xFFFFFFFF;
	(pc) =	sbr.abs _section_cstart, $3  }
0xc0: {  	[dreg:$0x1] =	wrdreg $0xFFFFFFFF  }
0xc1: {  	_ =	task.clear_ibuf [dreg:s6], $0x2FFFF;
	_ =	strace $0x9FFFFFFF  }
0xc2: {  	(tm) =	ssettm $0x7FFFFFFF  }
0xc3: {  	_ =	shalt  }
tec
execute0_lowered:
.L_overlay_start_1:
0x0: {  	(tag) =	ssettag $0x1  }
0x1: {  	s0 =	rddreg [dreg:$0x0]  }
0x2: {  	s1 =	rddreg [dreg:$0x1]  }
0x3: {  	s2 =	srdreg.scid;
	s4 =	stileid.u32;
	s11 =	simm.s32 $0x3  }
0x4: {  	s15 =	simm.s32 $0x400;
	s13 =	simm.s32 $0x1CA18;
	s10 =	simm.s32 $0x16A18  }
0x5: {  	s12 =	simm.s32 $0x1CE18;
	s9 =	simm.s32 $0x17618;
	s14 =	simm.s32 $0x1DA18  }
0x6: {  	s17 =	simm.s32 $0x17A18;
	s16 =	simm.s32 $0x1DE18;
	s18 =	simm.s32 $0x1  }
0x7: {  	s19 =	simm.s32 $0x1E218;
	s20 =	simm.s32 $0x2;
	s5 =	sand.u32 $0x1, s2  }
0x8: {  	s2 =	simm.s32 $0x0;
	s3 =	sshll.u32 s4, $0xD;
	s28 =	sadd.s32 $0xA00, s0  }
0x9: {  	s6 =	sshll.u32 s5, $0xC;
	[smem:$0x7FF] =	sst s2;
	s7 =	ssub.s32 $0x2, s5  }
0xa: {  	s5 =	sadd.s32 $0x11000, s0;
	s3 =	sor.u32 s6, s3;
	s8 =	sshrl.u32 s7, $0x1  }
0xb: {  	_ =	strace $0x80000047;
	s6 =	sshrl.u32 s3, $0x3;
	s29 =	ssub.s32 s7, s8  }
0xc: {  	[dreg:$0x3] =	wrdreg s28;
	s6 =	sadd.s32 s6, s0;
	s0 =	smax.u32 s29, $0x1  }
0xd: {  	s21 =	simm.s32 $0x0;
	s30 =	sadd.s32 $0x5000, s6;
	[dreg:$0x7] =	wrdreg s0  }
0xe: {  	p0 =	sne.s32 s4, $0x0;
	s31 =	sadd.s32 $0x9000, s6;
	[dreg:$0x4] =	wrdreg s30  }
0xf: {  	s4 =	simm.s32 $0x16E18;
	s6 =	sadd.s32 $0xD000, s6;
	[dreg:$0x5] =	wrdreg s31  }
0x10: {  	s7 =	simm.s32 $0x17218;
	s0 =	sshrl.u32 @!p0 s1, $0x3;
	[dreg:$0x6] =	wrdreg s6  }
0x11: {  	v0 =	vimm.s32 $0x1;
	v1 =	vimm.s32 $0x0;
	s8 =	simm.s32 $0x1D618;
	[dreg:$0x8] =	wrdreg s0;
	s6 =	simm.s32 $0x1D218  }
.LBB2_1:
0x12: {  	[dreg:$0x9] =	wrdreg s21  }
0x13: {  	s0 =	rddreg [dreg:$0x4];
	s22 =	simm.s32 $0x2218  }
0x14: {  	[tilespmem:s22], [sflag:$0x3] =	stream.linear.gather [hbm4b:s0+s2], $0x1000, $0x38;
	[tilespmem:$0x1E618] =	vst v63  }
0x15: {  	_ =	swait.ge [sflag:s11], $0x1000  }
0x16: {  	[sflag:s11] =	ssyncset.done $0x0  }
0x17: {  	s23 =	simm.s32 $0x3218;
	s26 =	rddreg [dreg:$0x5];
	[sflag:s11] =	ssyncadd.s32 $0xFFFFF000  }
0x18: {  	[tilespmem:s23], [sflag:$0x3] =	stream.linear.gather [hbm4b:s26+s2], $0x1000, $0x38;
	[tilespmem:$0x1E618] =	vst v63  }
0x19: {  	_ =	swait.ge [sflag:s11], $0x1000  }
0x1a: {  	[sflag:s11] =	ssyncset.done $0x0  }
0x1b: {  	s29 =	simm.s32 $0x4218;
	s28 =	rddreg [dreg:$0x6];
	[sflag:s11] =	ssyncadd.s32 $0xFFFFF000  }
0x1c: {  	[tilespmem:s29], [sflag:$0x3] =	stream.linear.gather [hbm4b:s28+s2], $0x1000, $0x38;
	[tilespmem:$0x1E618] =	vst v63  }
0x1d: {  	_ =	swait.ge [sflag:s11], $0x1000  }
0x1e: {  	[sflag:s11] =	ssyncset.done $0x0;
	s0 =	rddreg [dreg:$0x3]  }
0x1f: {  	s21 =	simm.s32 @!p0 $0x1C03;
	s24 =	rddreg [dreg:$0x8];
	[sflag:s11] =	ssyncadd.s32 $0xFFFFF000  }
0x20: {  	[spmem:s24], [sflag:s21] =	dma.local @!p0 [hbm:s0], $0x4430  }
0x21: {  	s21 =	simm.s32 @!p0 $0x3  }
0x22: {  	_ =	swait.ge @!p0 [sflag:s21], $0x4430  }
0x23: {  	[sflag:s21] =	ssyncset.done @!p0 $0x0  }
0x24: {  	[sflag:s21] =	ssyncadd.s32 @!p0 $0xFFFFBBD0  }
0x25: {  	[bflag:$0x0] =	sbarrier.arrive $0xFFFF  }
0x26: {  	v2 =	vld [tilespmem:s23+$0x0];
	_ =	sdelay $0x1  }
0x27: {  	v3 =	vld [tilespmem:s22+$0x0];
	_ =	sdelay $0x2  }
0x28: {  	v2 =	vmul.u32 $0x804, v2;
	_ =	sdelay $0x1  }
0x29: {  	s30 =	simm.s32 $0x5218;
	v2 =	vadd.s32 v3, v2  }
0x2a: {  	s31 =	sand.u32 $0x3F0, s2;
	[tilespmem:s30+$0x0] =	vst v2;
	v3 =	vadd.s32 $0x1810, v2  }
0x2b: {  	v4 =	vadd.s32 $0x100C, v2;
	[tilespmem:s31+$0x9E18] =	vst v3  }
0x2c: {  	v54 =	vadd.s32 $0x100A, v2;
	[tilespmem:s31+$0x8A18] =	vst v4  }
0x2d: {  	v55 =	vadd.s32 $0x1008, v2;
	[tilespmem:s31+$0x8218] =	vst v54  }
0x2e: {  	v56 =	vadd.s32 $0x807, v2;
	[tilespmem:s31+$0x7A18] =	vst v55  }
0x2f: {  	v57 =	vadd.s32 $0x805, v2;
	[tilespmem:s31+$0x7218] =	vst v56  }
0x30: {  	v58 =	vadd.s32 $0x4, v2;
	[tilespmem:s31+$0x6A18] =	vst v57  }
0x31: {  	v59 =	vadd.s32 $0x2, v2;
	[tilespmem:s31+$0x6218] =	vst v58  }
0x32: {  	v60 =	vadd.s32 $0x2010, v2;
	[tilespmem:s31+$0x5A18] =	vst v59  }
0x33: {  	v61 =	vadd.s32 $0x180E, v2;
	[tilespmem:s31+$0xA218] =	vst v60  }
0x34: {  	v62 =	vadd.s32 $0x180C, v2;
	[tilespmem:s31+$0x9618] =	vst v61  }
0x35: {  	v63 =	vadd.s32 $0x2012, v2;
	[tilespmem:s31+$0x8E18] =	vst v62  }
0x36: {  	v3 =	vadd.s32 $0x100B, v2;
	[tilespmem:s31+$0xAA18] =	vst v63  }
0x37: {  	[tilespmem:s31+$0x8618] =	vst v3;
	v3 =	vadd.s32 $0x1009, v2  }
0x38: {  	[tilespmem:s31+$0x7E18] =	vst v3;
	v3 =	vadd.s32 $0x808, v2  }
0x39: {  	[tilespmem:s31+$0x7618] =	vst v3;
	v3 =	vadd.s32 $0x806, v2  }
0x3a: {  	[tilespmem:s31+$0x6E18] =	vst v3;
	v3 =	vadd.s32 $0x804, v2  }
0x3b: {  	[tilespmem:s31+$0x6618] =	vst v3;
	v3 =	vadd.s32 $0x3, v2  }
0x3c: {  	[tilespmem:s31+$0x5E18] =	vst v3;
	v3 =	vadd.s32 $0x1, v2  }
0x3d: {  	[tilespmem:s31+$0x5618] =	vst v3;
	v3 =	vadd.s32 $0x180F, v2  }
0x3e: {  	[tilespmem:s31+$0x9A18] =	vst v3;
	v3 =	vadd.s32 $0x180D, v2  }
0x3f: {  	[tilespmem:s31+$0x9218] =	vst v3;
	v3 =	vadd.s32 $0x2011, v2  }
0x40: {  	[tilespmem:s31+$0xA618] =	vst v3;
	v3 =	vadd.s32 $0x2013, v2  }
0x41: {  	v2 =	vadd.s32 $0x2014, v2;
	[tilespmem:s31+$0xAE18] =	vst v3  }
0x42: {  	s25 =	simm.s32 $0x20;
	s23 =	simm.s32 $0x3228;
	[tilespmem:s31+$0xB218] =	vst v2  }
0x43: {  	s24 =	simm.s32 $0x2228;
	s21 =	simm.s32 $0x10;
	s22 =	simm.s32 $0x5218;
	v2 =	vld [tilespmem:s23+$0x0]  }
.LBB2_2:
0x44: {  	p1 =	sne.s32 s25, $0x3F0;
	v3 =	vld [tilespmem:s24+$0x0];
	_ =	sdelay $0x3  }
0x45: {  	v2 =	vmul.u32 $0x804, v2;
	_ =	sdelay $0x1  }
0x46: {  	s22 =	sadd.s32 $0x10, s22;
	v2 =	vadd.s32 v3, v2  }
0x47: {  	s26 =	sand.u32 $0x3F0, s21;
	s21 =	smov.u32 s25;
	[tilespmem:s22+$0x0] =	vst v2;
	v3 =	vadd.s32 $0x100B, v2;
	v4 =	vadd.s32 $0x100C, v2;
	v5 =	vadd.s32 $0x1810, v2  }
0x48: {  	v6 =	vadd.s32 $0x1008, v2;
	v7 =	vadd.s32 $0x1009, v2;
	v8 =	vadd.s32 $0x100A, v2;
	[tilespmem:s26+$0x9E18] =	vst v5  }
0x49: {  	v9 =	vadd.s32 $0x807, v2;
	v10 =	vadd.s32 $0x808, v2;
	v5 =	vadd.s32 $0x806, v2;
	[tilespmem:s26+$0x8A18] =	vst v4  }
0x4a: {  	v11 =	vadd.s32 $0x804, v2;
	v12 =	vadd.s32 $0x805, v2;
	v4 =	vadd.s32 $0x4, v2;
	[tilespmem:s26+$0x8618] =	vst v3  }
0x4b: {  	v13 =	vadd.s32 $0x2, v2;
	v14 =	vadd.s32 $0x3, v2;
	v3 =	vadd.s32 $0x1, v2;
	[tilespmem:s26+$0x8218] =	vst v8  }
0x4c: {  	v15 =	vadd.s32 $0x2010, v2;
	v8 =	vadd.s32 $0x180F, v2;
	[tilespmem:s26+$0x7E18] =	vst v7;
	v7 =	vadd.s32 $0x180E, v2  }
0x4d: {  	v16 =	vadd.s32 $0x180D, v2;
	v17 =	vadd.s32 $0x2011, v2;
	[tilespmem:s26+$0x7A18] =	vst v6;
	v6 =	vadd.s32 $0x180C, v2  }
0x4e: {  	v18 =	vadd.s32 $0x2013, v2;
	[tilespmem:s26+$0x7618] =	vst v10;
	v10 =	vadd.s32 $0x2012, v2;
	v2 =	vadd.s32 $0x2014, v2  }
0x4f: {  	[tilespmem:s26+$0x7218] =	vst v9  }
0x50: {  	[tilespmem:s26+$0x6E18] =	vst v5  }
0x51: {  	[tilespmem:s26+$0x6A18] =	vst v12  }
0x52: {  	[tilespmem:s26+$0x6618] =	vst v11  }
0x53: {  	[tilespmem:s26+$0x6218] =	vst v4  }
0x54: {  	[tilespmem:s26+$0x5E18] =	vst v14  }
0x55: {  	[tilespmem:s26+$0x5A18] =	vst v13  }
0x56: {  	[tilespmem:s26+$0x5618] =	vst v3  }
0x57: {  	[tilespmem:s26+$0xA218] =	vst v15  }
0x58: {  	[tilespmem:s26+$0x9A18] =	vst v8  }
0x59: {  	[tilespmem:s26+$0x9618] =	vst v7  }
0x5a: {  	[tilespmem:s26+$0x9218] =	vst v16  }
0x5b: {  	[tilespmem:s26+$0x8E18] =	vst v6  }
.Ltmp0:
0x5c: {  	[tilespmem:s26+$0xA618] =	vst v17;
	(pc) =	sbr.rel @p1 .LBB2_2-.Ltmp0, $4  }
0x5d: {  	[tilespmem:s26+$0xAA18] =	vst v10  }
0x5e: {  	[tilespmem:s26+$0xAE18] =	vst v18  }
0x5f: {  	s23 =	sadd.s32 $0x10, s23;
	[tilespmem:s26+$0xB218] =	vst v2  }
0x60: {  	s25 =	sadd.s32 $0x10, s25;
	s24 =	sadd.s32 $0x10, s24;
	v2 =	vld [tilespmem:s23+$0x0]  }
0x61: {  	_ = 	snop  }
0x62: {  	v3 =	vld [tilespmem:s24+$0x0];
	_ =	sdelay $0x2  }
0x63: {  	v2 =	vmul.u32 $0x804, v2;
	_ =	sdelay $0x1  }
0x64: {  	s22 =	sadd.s32 $0x10, s22;
	v2 =	vadd.s32 v3, v2  }
0x65: {  	s21 =	sand.u32 $0x3F0, s21;
	[tilespmem:s22+$0x0] =	vst v2;
	v3 =	vadd.s32 $0x1810, v2  }
0x66: {  	v4 =	vadd.s32 $0x100C, v2;
	[tilespmem:s21+$0x9E18] =	vst v3  }
0x67: {  	v54 =	vadd.s32 $0x100A, v2;
	[tilespmem:s21+$0x8A18] =	vst v4  }
0x68: {  	v55 =	vadd.s32 $0x1008, v2;
	[tilespmem:s21+$0x8218] =	vst v54  }
0x69: {  	v56 =	vadd.s32 $0x807, v2;
	[tilespmem:s21+$0x7A18] =	vst v55  }
0x6a: {  	v57 =	vadd.s32 $0x805, v2;
	[tilespmem:s21+$0x7218] =	vst v56  }
0x6b: {  	v58 =	vadd.s32 $0x4, v2;
	[tilespmem:s21+$0x6A18] =	vst v57  }
0x6c: {  	v59 =	vadd.s32 $0x2, v2;
	[tilespmem:s21+$0x6218] =	vst v58  }
0x6d: {  	v60 =	vadd.s32 $0x2010, v2;
	[tilespmem:s21+$0x5A18] =	vst v59  }
0x6e: {  	v61 =	vadd.s32 $0x180E, v2;
	[tilespmem:s21+$0xA218] =	vst v60  }
0x6f: {  	v62 =	vadd.s32 $0x180C, v2;
	[tilespmem:s21+$0x9618] =	vst v61  }
0x70: {  	v63 =	vadd.s32 $0x2012, v2;
	[tilespmem:s21+$0x8E18] =	vst v62  }
0x71: {  	v3 =	vadd.s32 $0x100B, v2;
	[tilespmem:s21+$0xAA18] =	vst v63  }
0x72: {  	[tilespmem:s21+$0x8618] =	vst v3;
	v3 =	vadd.s32 $0x1009, v2  }
0x73: {  	[tilespmem:s21+$0x7E18] =	vst v3;
	v3 =	vadd.s32 $0x808, v2  }
0x74: {  	[tilespmem:s21+$0x7618] =	vst v3;
	v3 =	vadd.s32 $0x806, v2  }
0x75: {  	[tilespmem:s21+$0x6E18] =	vst v3;
	v3 =	vadd.s32 $0x804, v2  }
0x76: {  	[tilespmem:s21+$0x6618] =	vst v3;
	v3 =	vadd.s32 $0x3, v2  }
0x77: {  	[tilespmem:s21+$0x5E18] =	vst v3;
	v3 =	vadd.s32 $0x1, v2  }
0x78: {  	[tilespmem:s21+$0x5618] =	vst v3;
	v3 =	vadd.s32 $0x180F, v2  }
0x79: {  	[tilespmem:s21+$0x9A18] =	vst v3;
	v3 =	vadd.s32 $0x180D, v2  }
0x7a: {  	[tilespmem:s21+$0x9218] =	vst v3;
	v3 =	vadd.s32 $0x2011, v2  }
0x7b: {  	[tilespmem:s21+$0xA618] =	vst v3;
	v3 =	vadd.s32 $0x2013, v2  }
0x7c: {  	v2 =	vadd.s32 $0x2014, v2;
	[tilespmem:s21+$0xAE18] =	vst v3  }
0x7d: {  	s0 =	simm.s32 $0x5218;
	s22 =	simm.s32 $0xB618;
	[tilespmem:s21+$0xB218] =	vst v2  }
0x7e: {  	[tilespmem:s22], [sflag:$0x1] =	stream.indirect.gather [spmem:s1], $0x1, s0, s15, $0xb8;
	[tilespmem:$0x1E618] =	vst v63  }
0x7f: {  	s23 =	simm.s32 $0x5618;
	s24 =	simm.s32 $0xBA18  }
0x80: {  	[tilespmem:s24], [sflag:$0x1] =	stream.indirect.gather [spmem:s1], $0x1, s23, s15, $0xb8;
	[tilespmem:$0x1E618] =	vst v63  }
0x81: {  	s25 =	simm.s32 $0x5A18;
	s26 =	simm.s32 $0xBE18  }
0x82: {  	[tilespmem:s26], [sflag:$0x1] =	stream.indirect.gather [spmem:s1], $0x1, s25, s15, $0xb8;
	[tilespmem:$0x1E618] =	vst v63  }
0x83: {  	s28 =	simm.s32 $0x5E18;
	s29 =	simm.s32 $0xC218  }
0x84: {  	[tilespmem:s29], [sflag:$0x1] =	stream.indirect.gather [spmem:s1], $0x1, s28, s15, $0xb8;
	[tilespmem:$0x1E618] =	vst v63  }
0x85: {  	s30 =	simm.s32 $0x6218;
	s31 =	simm.s32 $0xC618  }
0x86: {  	[tilespmem:s31], [sflag:$0x1] =	stream.indirect.gather [spmem:s1], $0x1, s30, s15, $0xb8;
	[tilespmem:$0x1E618] =	vst v63  }
0x87: {  	s21 =	simm.s32 $0x6618;
	s22 =	simm.s32 $0xCA18  }
0x88: {  	[tilespmem:s22], [sflag:$0x1] =	stream.indirect.gather [spmem:s1], $0x1, s21, s15, $0xb8;
	[tilespmem:$0x1E618] =	vst v63  }
0x89: {  	s23 =	simm.s32 $0x6A18;
	s24 =	simm.s32 $0xCE18  }
0x8a: {  	[tilespmem:s24], [sflag:$0x1] =	stream.indirect.gather [spmem:s1], $0x1, s23, s15, $0xb8;
	[tilespmem:$0x1E618] =	vst v63  }
0x8b: {  	s25 =	simm.s32 $0x6E18;
	s26 =	simm.s32 $0xD218  }
0x8c: {  	[tilespmem:s26], [sflag:$0x1] =	stream.indirect.gather [spmem:s1], $0x1, s25, s15, $0xb8;
	[tilespmem:$0x1E618] =	vst v63  }
0x8d: {  	s28 =	simm.s32 $0x7218;
	s29 =	simm.s32 $0xD618  }
0x8e: {  	[tilespmem:s29], [sflag:$0x1] =	stream.indirect.gather [spmem:s1], $0x1, s28, s15, $0xb8;
	[tilespmem:$0x1E618] =	vst v63  }
0x8f: {  	s30 =	simm.s32 $0x7618;
	s31 =	simm.s32 $0xDA18  }
0x90: {  	[tilespmem:s31], [sflag:$0x1] =	stream.indirect.gather [spmem:s1], $0x1, s30, s15, $0xb8;
	[tilespmem:$0x1E618] =	vst v63  }
0x91: {  	s21 =	simm.s32 $0x7A18;
	s22 =	simm.s32 $0xDE18  }
0x92: {  	[tilespmem:s22], [sflag:$0x1] =	stream.indirect.gather [spmem:s1], $0x1, s21, s15, $0xb8;
	[tilespmem:$0x1E618] =	vst v63  }
0x93: {  	s23 =	simm.s32 $0x7E18;
	s24 =	simm.s32 $0xE218  }
0x94: {  	[tilespmem:s24], [sflag:$0x1] =	stream.indirect.gather [spmem:s1], $0x1, s23, s15, $0xb8;
	[tilespmem:$0x1E618] =	vst v63  }
0x95: {  	s25 =	simm.s32 $0x8218;
	s26 =	simm.s32 $0xE618  }
0x96: {  	[tilespmem:s26], [sflag:$0x1] =	stream.indirect.gather [spmem:s1], $0x1, s25, s15, $0xb8;
	[tilespmem:$0x1E618] =	vst v63  }
0x97: {  	s28 =	simm.s32 $0x8618;
	s29 =	simm.s32 $0xEA18  }
0x98: {  	[tilespmem:s29], [sflag:$0x1] =	stream.indirect.gather [spmem:s1], $0x1, s28, s15, $0xb8;
	[tilespmem:$0x1E618] =	vst v63  }
0x99: {  	s30 =	simm.s32 $0x8A18;
	s31 =	simm.s32 $0xEE18  }
0x9a: {  	[tilespmem:s31], [sflag:$0x1] =	stream.indirect.gather [spmem:s1], $0x1, s30, s15, $0xb8;
	[tilespmem:$0x1E618] =	vst v63  }
0x9b: {  	s21 =	simm.s32 $0x8E18;
	s22 =	simm.s32 $0xF218  }
0x9c: {  	[tilespmem:s22], [sflag:$0x1] =	stream.indirect.gather [spmem:s1], $0x1, s21, s15, $0xb8;
	[tilespmem:$0x1E618] =	vst v63  }
0x9d: {  	s23 =	simm.s32 $0x9218;
	s24 =	simm.s32 $0xF618  }
0x9e: {  	[tilespmem:s24], [sflag:$0x1] =	stream.indirect.gather [spmem:s1], $0x1, s23, s15, $0xb8;
	[tilespmem:$0x1E618] =	vst v63  }
0x9f: {  	s25 =	simm.s32 $0x9618;
	s26 =	simm.s32 $0xFA18  }
0xa0: {  	[tilespmem:s26], [sflag:$0x1] =	stream.indirect.gather [spmem:s1], $0x1, s25, s15, $0xb8;
	[tilespmem:$0x1E618] =	vst v63  }
0xa1: {  	s28 =	simm.s32 $0x9A18;
	s29 =	simm.s32 $0xFE18  }
0xa2: {  	[tilespmem:s29], [sflag:$0x1] =	stream.indirect.gather [spmem:s1], $0x1, s28, s15, $0xb8;
	[tilespmem:$0x1E618] =	vst v63  }
0xa3: {  	s30 =	simm.s32 $0x9E18;
	s31 =	simm.s32 $0x10218  }
0xa4: {  	[tilespmem:s31], [sflag:$0x1] =	stream.indirect.gather [spmem:s1], $0x1, s30, s15, $0xb8;
	[tilespmem:$0x1E618] =	vst v63  }
0xa5: {  	s21 =	simm.s32 $0xA218;
	s22 =	simm.s32 $0x10618  }
0xa6: {  	[tilespmem:s22], [sflag:$0x1] =	stream.indirect.gather [spmem:s1], $0x1, s21, s15, $0xb8;
	[tilespmem:$0x1E618] =	vst v63  }
0xa7: {  	p3 =	por $0x1, $0x1;
	s23 =	simm.s32 $0xA618;
	s24 =	simm.s32 $0x10A18  }
0xa8: {  	[tilespmem:s24], [sflag:$0x1] =	stream.indirect.gather [spmem:s1], $0x1, s23, s15, $0xb8;
	[tilespmem:$0x1E618] =	vst v63  }
0xa9: {  	p2 =	por $0x0, $0x0;
	s25 =	simm.s32 $0xAA18;
	s26 =	simm.s32 $0x10E18  }
0xaa: {  	[tilespmem:s26], [sflag:$0x1] =	stream.indirect.gather [spmem:s1], $0x1, s25, s15, $0xb8;
	[tilespmem:$0x1E618] =	vst v63  }
0xab: {  	s28 =	simm.s32 $0xAE18;
	s29 =	simm.s32 $0x11218;
	s30 =	simm.s32 $0xB218  }
0xac: {  	[tilespmem:s29], [sflag:$0x1] =	stream.indirect.gather [spmem:s1], $0x1, s28, s15, $0xb8;
	[tilespmem:$0x1E618] =	vst v63  }
0xad: {  	s31 =	simm.s32 $0x11618;
	s21 =	simm.s32 $0x0;
	s24 =	simm.s32 $0x0  }
0xae: {  	[tilespmem:s31], [sflag:$0x1] =	stream.indirect.gather [spmem:s1], $0x1, s30, s15, $0xb8;
	[tilespmem:$0x1E618] =	vst v63  }
.LBB2_4:
0xaf: {  	s22 =	sshll.u32 s24, $0x2  }
0xb0: {  	s23 =	sshra.s32 s22, $0x2  }
0xb1: {  	s26 =	sadd.s32 $0x3618, s23  }
0xb2: {  	v2 =	vld [tilespmem:s26+$0x0]  }
0xb3: {  	s29 =	sadd.s32 $0x2618, s23  }
0xb4: {  	v3 =	vld [tilespmem:s29+$0x0];
	_ =	sdelay $0x2  }
0xb5: {  	v2 =	vmul.u32 $0x804, v2;
	_ =	sdelay $0x1  }
0xb6: {  	s25 =	simm.s32 $0x11A18;
	v2 =	vadd.s32 v3, v2  }
0xb7: {  	s28 =	sand.u32 $0x3F0, s21;
	[tilespmem:s25+$0x0] =	vst v2;
	v3 =	vadd.s32 $0x1810, v2  }
0xb8: {  	v4 =	vadd.s32 $0x100C, v2;
	[tilespmem:s28+$0x16618] =	vst v3  }
0xb9: {  	v54 =	vadd.s32 $0x100A, v2;
	[tilespmem:s28+$0x15218] =	vst v4  }
0xba: {  	v55 =	vadd.s32 $0x1008, v2;
	[tilespmem:s28+$0x14A18] =	vst v54  }
0xbb: {  	v56 =	vadd.s32 $0x807, v2;
	[tilespmem:s28+$0x14218] =	vst v55  }
0xbc: {  	v57 =	vadd.s32 $0x805, v2;
	[tilespmem:s28+$0x13A18] =	vst v56  }
0xbd: {  	v58 =	vadd.s32 $0x4, v2;
	[tilespmem:s28+$0x13218] =	vst v57  }
0xbe: {  	v59 =	vadd.s32 $0x2, v2;
	[tilespmem:s28+$0x12A18] =	vst v58  }
0xbf: {  	v60 =	vadd.s32 $0x2010, v2;
	[tilespmem:s28+$0x12218] =	vst v59  }
0xc0: {  	v61 =	vadd.s32 $0x180E, v2;
	[tilespmem:s28+$0x16A18] =	vst v60  }
0xc1: {  	v62 =	vadd.s32 $0x180C, v2;
	[tilespmem:s28+$0x15E18] =	vst v61  }
0xc2: {  	v63 =	vadd.s32 $0x2012, v2;
	[tilespmem:s28+$0x15618] =	vst v62  }
0xc3: {  	v3 =	vadd.s32 $0x100B, v2;
	[tilespmem:s28+$0x17218] =	vst v63  }
0xc4: {  	[tilespmem:s28+$0x14E18] =	vst v3;
	v3 =	vadd.s32 $0x1009, v2  }
0xc5: {  	[tilespmem:s28+$0x14618] =	vst v3;
	v3 =	vadd.s32 $0x808, v2  }
0xc6: {  	[tilespmem:s28+$0x13E18] =	vst v3;
	v3 =	vadd.s32 $0x806, v2  }
0xc7: {  	[tilespmem:s28+$0x13618] =	vst v3;
	v3 =	vadd.s32 $0x804, v2  }
0xc8: {  	[tilespmem:s28+$0x12E18] =	vst v3;
	v3 =	vadd.s32 $0x3, v2  }
0xc9: {  	[tilespmem:s28+$0x12618] =	vst v3;
	v3 =	vadd.s32 $0x1, v2  }
0xca: {  	[tilespmem:s28+$0x11E18] =	vst v3;
	v3 =	vadd.s32 $0x180F, v2  }
0xcb: {  	[tilespmem:s28+$0x16218] =	vst v3;
	v3 =	vadd.s32 $0x180D, v2  }
0xcc: {  	[tilespmem:s28+$0x15A18] =	vst v3;
	v3 =	vadd.s32 $0x2011, v2  }
0xcd: {  	[tilespmem:s28+$0x16E18] =	vst v3;
	v3 =	vadd.s32 $0x2013, v2  }
0xce: {  	v2 =	vadd.s32 $0x2014, v2;
	[tilespmem:s28+$0x17618] =	vst v3  }
0xcf: {  	p1 =	por p3, p3;
	s30 =	simm.s32 $0x20;
	[tilespmem:s28+$0x17A18] =	vst v2;
	s28 =	sadd.s32 $0x10, s26  }
0xd0: {  	s22 =	sor.u32 $0x400, s24;
	s29 =	sadd.s32 $0x10, s29;
	s26 =	simm.s32 $0x10;
	v2 =	vld [tilespmem:s28+$0x0]  }
.LBB2_5:
0xd1: {  	p3 =	sne.s32 s30, $0x3F0;
	v3 =	vld [tilespmem:s29+$0x0];
	_ =	sdelay $0x3  }
0xd2: {  	v2 =	vmul.u32 $0x804, v2;
	_ =	sdelay $0x1  }
0xd3: {  	s25 =	sadd.s32 $0x10, s25;
	v2 =	vadd.s32 v3, v2  }
0xd4: {  	s31 =	sand.u32 $0x3F0, s26;
	s26 =	smov.u32 s30;
	[tilespmem:s25+$0x0] =	vst v2;
	v3 =	vadd.s32 $0x100B, v2;
	v4 =	vadd.s32 $0x100C, v2;
	v5 =	vadd.s32 $0x1810, v2  }
0xd5: {  	v6 =	vadd.s32 $0x1008, v2;
	v7 =	vadd.s32 $0x1009, v2;
	v8 =	vadd.s32 $0x100A, v2;
	[tilespmem:s31+$0x16618] =	vst v5  }
0xd6: {  	v9 =	vadd.s32 $0x807, v2;
	v10 =	vadd.s32 $0x808, v2;
	v5 =	vadd.s32 $0x806, v2;
	[tilespmem:s31+$0x15218] =	vst v4  }
0xd7: {  	v11 =	vadd.s32 $0x804, v2;
	v12 =	vadd.s32 $0x805, v2;
	v4 =	vadd.s32 $0x4, v2;
	[tilespmem:s31+$0x14E18] =	vst v3  }
0xd8: {  	v13 =	vadd.s32 $0x2, v2;
	v14 =	vadd.s32 $0x3, v2;
	v3 =	vadd.s32 $0x1, v2;
	[tilespmem:s31+$0x14A18] =	vst v8  }
0xd9: {  	v15 =	vadd.s32 $0x2010, v2;
	v8 =	vadd.s32 $0x180F, v2;
	[tilespmem:s31+$0x14618] =	vst v7;
	v7 =	vadd.s32 $0x180E, v2  }
0xda: {  	v16 =	vadd.s32 $0x180D, v2;
	v17 =	vadd.s32 $0x2011, v2;
	[tilespmem:s31+$0x14218] =	vst v6;
	v6 =	vadd.s32 $0x180C, v2  }
0xdb: {  	v18 =	vadd.s32 $0x2013, v2;
	[tilespmem:s31+$0x13E18] =	vst v10;
	v10 =	vadd.s32 $0x2012, v2;
	v2 =	vadd.s32 $0x2014, v2  }
0xdc: {  	[tilespmem:s31+$0x13A18] =	vst v9  }
0xdd: {  	[tilespmem:s31+$0x13618] =	vst v5  }
0xde: {  	[tilespmem:s31+$0x13218] =	vst v12  }
0xdf: {  	[tilespmem:s31+$0x12E18] =	vst v11  }
0xe0: {  	[tilespmem:s31+$0x12A18] =	vst v4  }
0xe1: {  	[tilespmem:s31+$0x12618] =	vst v14  }
0xe2: {  	[tilespmem:s31+$0x12218] =	vst v13  }
0xe3: {  	[tilespmem:s31+$0x11E18] =	vst v3  }
0xe4: {  	[tilespmem:s31+$0x16A18] =	vst v15  }
0xe5: {  	[tilespmem:s31+$0x16218] =	vst v8  }
0xe6: {  	[tilespmem:s31+$0x15E18] =	vst v7  }
0xe7: {  	[tilespmem:s31+$0x15A18] =	vst v16  }
0xe8: {  	[tilespmem:s31+$0x15618] =	vst v6  }
.Ltmp1:
0xe9: {  	[tilespmem:s31+$0x16E18] =	vst v17;
	(pc) =	sbr.rel @p3 .LBB2_5-.Ltmp1, $4  }
0xea: {  	[tilespmem:s31+$0x17218] =	vst v10  }
0xeb: {  	[tilespmem:s31+$0x17618] =	vst v18  }
0xec: {  	s28 =	sadd.s32 $0x10, s28;
	[tilespmem:s31+$0x17A18] =	vst v2  }
0xed: {  	s30 =	sadd.s32 $0x10, s30;
	s29 =	sadd.s32 $0x10, s29;
	v2 =	vld [tilespmem:s28+$0x0]  }
0xee: {  	_ = 	snop  }
0xef: {  	v3 =	vld [tilespmem:s29+$0x0];
	_ =	sdelay $0x2  }
0xf0: {  	v2 =	vmul.u32 $0x804, v2;
	_ =	sdelay $0x1  }
0xf1: {  	s25 =	sadd.s32 $0x10, s25;
	v2 =	vadd.s32 v3, v2  }
0xf2: {  	s0 =	sand.u32 $0x3F0, s26;
	[tilespmem:s25+$0x0] =	vst v2;
	v3 =	vadd.s32 $0x1810, v2  }
0xf3: {  	v4 =	vadd.s32 $0x100C, v2;
	[tilespmem:s0+$0x16618] =	vst v3  }
0xf4: {  	v54 =	vadd.s32 $0x100A, v2;
	[tilespmem:s0+$0x15218] =	vst v4  }
0xf5: {  	v55 =	vadd.s32 $0x1008, v2;
	[tilespmem:s0+$0x14A18] =	vst v54  }
0xf6: {  	v56 =	vadd.s32 $0x807, v2;
	[tilespmem:s0+$0x14218] =	vst v55  }
0xf7: {  	v57 =	vadd.s32 $0x805, v2;
	[tilespmem:s0+$0x13A18] =	vst v56  }
0xf8: {  	v58 =	vadd.s32 $0x4, v2;
	[tilespmem:s0+$0x13218] =	vst v57  }
0xf9: {  	v59 =	vadd.s32 $0x2, v2;
	[tilespmem:s0+$0x12A18] =	vst v58  }
0xfa: {  	v60 =	vadd.s32 $0x2010, v2;
	[tilespmem:s0+$0x12218] =	vst v59  }
0xfb: {  	v61 =	vadd.s32 $0x180E, v2;
	[tilespmem:s0+$0x16A18] =	vst v60  }
0xfc: {  	v62 =	vadd.s32 $0x180C, v2;
	[tilespmem:s0+$0x15E18] =	vst v61  }
0xfd: {  	v63 =	vadd.s32 $0x2012, v2;
	[tilespmem:s0+$0x15618] =	vst v62  }
0xfe: {  	v3 =	vadd.s32 $0x100B, v2;
	[tilespmem:s0+$0x17218] =	vst v63  }
0xff: {  	[tilespmem:s0+$0x14E18] =	vst v3;
	v3 =	vadd.s32 $0x1009, v2  }
0x100: {  	[tilespmem:s0+$0x14618] =	vst v3;
	v3 =	vadd.s32 $0x808, v2  }
0x101: {  	[tilespmem:s0+$0x13E18] =	vst v3;
	v3 =	vadd.s32 $0x806, v2  }
0x102: {  	[tilespmem:s0+$0x13618] =	vst v3;
	v3 =	vadd.s32 $0x804, v2  }
0x103: {  	[tilespmem:s0+$0x12E18] =	vst v3;
	v3 =	vadd.s32 $0x3, v2  }
0x104: {  	[tilespmem:s0+$0x12618] =	vst v3;
	v3 =	vadd.s32 $0x1, v2  }
0x105: {  	[tilespmem:s0+$0x11E18] =	vst v3;
	v3 =	vadd.s32 $0x180F, v2  }
0x106: {  	[tilespmem:s0+$0x16218] =	vst v3;
	v3 =	vadd.s32 $0x180D, v2  }
0x107: {  	[tilespmem:s0+$0x15A18] =	vst v3;
	v3 =	vadd.s32 $0x2011, v2  }
0x108: {  	[tilespmem:s0+$0x16E18] =	vst v3;
	v3 =	vadd.s32 $0x2013, v2  }
0x109: {  	v2 =	vadd.s32 $0x2014, v2;
	[tilespmem:s0+$0x17618] =	vst v3  }
0x10a: {  	s26 =	simm.s32 $0x17E18;
	[tilespmem:s0+$0x17A18] =	vst v2;
	s0 =	simm.s32 $0x11A18  }
0x10b: {  	[tilespmem:s26], [sflag:$0x2] =	stream.indirect.gather [spmem:s1], $0x1, s0, s15, $0xb8;
	[tilespmem:$0x1E618] =	vst v63  }
0x10c: {  	s30 =	simm.s32 $0x11E18;
	s31 =	simm.s32 $0x18218  }
0x10d: {  	[tilespmem:s31], [sflag:$0x2] =	stream.indirect.gather [spmem:s1], $0x1, s30, s15, $0xb8;
	[tilespmem:$0x1E618] =	vst v63  }
0x10e: {  	s25 =	simm.s32 $0x12218;
	s26 =	simm.s32 $0x18618  }
0x10f: {  	[tilespmem:s26], [sflag:$0x2] =	stream.indirect.gather [spmem:s1], $0x1, s25, s15, $0xb8;
	[tilespmem:$0x1E618] =	vst v63  }
0x110: {  	s30 =	simm.s32 $0x12618;
	s31 =	simm.s32 $0x18A18  }
0x111: {  	[tilespmem:s31], [sflag:$0x2] =	stream.indirect.gather [spmem:s1], $0x1, s30, s15, $0xb8;
	[tilespmem:$0x1E618] =	vst v63  }
0x112: {  	s25 =	simm.s32 $0x12A18;
	s26 =	simm.s32 $0x18E18  }
0x113: {  	[tilespmem:s26], [sflag:$0x2] =	stream.indirect.gather [spmem:s1], $0x1, s25, s15, $0xb8;
	[tilespmem:$0x1E618] =	vst v63  }
0x114: {  	s30 =	simm.s32 $0x12E18;
	s31 =	simm.s32 $0x19218  }
0x115: {  	[tilespmem:s31], [sflag:$0x2] =	stream.indirect.gather [spmem:s1], $0x1, s30, s15, $0xb8;
	[tilespmem:$0x1E618] =	vst v63  }
0x116: {  	s25 =	simm.s32 $0x13218;
	s26 =	simm.s32 $0x19618  }
0x117: {  	[tilespmem:s26], [sflag:$0x2] =	stream.indirect.gather [spmem:s1], $0x1, s25, s15, $0xb8;
	[tilespmem:$0x1E618] =	vst v63  }
0x118: {  	s30 =	simm.s32 $0x13618;
	s31 =	simm.s32 $0x19A18  }
0x119: {  	[tilespmem:s31], [sflag:$0x2] =	stream.indirect.gather [spmem:s1], $0x1, s30, s15, $0xb8;
	[tilespmem:$0x1E618] =	vst v63  }
0x11a: {  	s25 =	simm.s32 $0x13A18;
	s26 =	simm.s32 $0x19E18  }
0x11b: {  	[tilespmem:s26], [sflag:$0x2] =	stream.indirect.gather [spmem:s1], $0x1, s25, s15, $0xb8;
	[tilespmem:$0x1E618] =	vst v63  }
0x11c: {  	s30 =	simm.s32 $0x13E18;
	s31 =	simm.s32 $0x1A218  }
0x11d: {  	[tilespmem:s31], [sflag:$0x2] =	stream.indirect.gather [spmem:s1], $0x1, s30, s15, $0xb8;
	[tilespmem:$0x1E618] =	vst v63  }
0x11e: {  	s25 =	simm.s32 $0x14218;
	s26 =	simm.s32 $0x1A618  }
0x11f: {  	[tilespmem:s26], [sflag:$0x2] =	stream.indirect.gather [spmem:s1], $0x1, s25, s15, $0xb8;
	[tilespmem:$0x1E618] =	vst v63  }
0x120: {  	s30 =	simm.s32 $0x14618;
	s31 =	simm.s32 $0x1AA18  }
0x121: {  	[tilespmem:s31], [sflag:$0x2] =	stream.indirect.gather [spmem:s1], $0x1, s30, s15, $0xb8;
	[tilespmem:$0x1E618] =	vst v63  }
0x122: {  	s25 =	simm.s32 $0x14A18;
	s26 =	simm.s32 $0x1AE18  }
0x123: {  	[tilespmem:s26], [sflag:$0x2] =	stream.indirect.gather [spmem:s1], $0x1, s25, s15, $0xb8;
	[tilespmem:$0x1E618] =	vst v63  }
0x124: {  	s30 =	simm.s32 $0x14E18;
	s31 =	simm.s32 $0x1B218  }
0x125: {  	[tilespmem:s31], [sflag:$0x2] =	stream.indirect.gather [spmem:s1], $0x1, s30, s15, $0xb8;
	[tilespmem:$0x1E618] =	vst v63  }
0x126: {  	s25 =	simm.s32 $0x15218;
	s26 =	simm.s32 $0x1B618  }
0x127: {  	[tilespmem:s26], [sflag:$0x2] =	stream.indirect.gather [spmem:s1], $0x1, s25, s15, $0xb8;
	[tilespmem:$0x1E618] =	vst v63  }
0x128: {  	s30 =	simm.s32 $0x15618;
	s31 =	simm.s32 $0x1BA18  }
0x129: {  	[tilespmem:s31], [sflag:$0x2] =	stream.indirect.gather [spmem:s1], $0x1, s30, s15, $0xb8;
	[tilespmem:$0x1E618] =	vst v63  }
0x12a: {  	s25 =	simm.s32 $0x15A18;
	s26 =	simm.s32 $0x1BE18  }
0x12b: {  	[tilespmem:s26], [sflag:$0x2] =	stream.indirect.gather [spmem:s1], $0x1, s25, s15, $0xb8;
	[tilespmem:$0x1E618] =	vst v63  }
0x12c: {  	s30 =	simm.s32 $0x15E18;
	s31 =	simm.s32 $0x1C218  }
0x12d: {  	[tilespmem:s31], [sflag:$0x2] =	stream.indirect.gather [spmem:s1], $0x1, s30, s15, $0xb8;
	[tilespmem:$0x1E618] =	vst v63  }
0x12e: {  	s26 =	simm.s32 $0x16218;
	s30 =	simm.s32 $0x1C618  }
0x12f: {  	[tilespmem:s30], [sflag:$0x2] =	stream.indirect.gather [spmem:s1], $0x1, s26, s15, $0xb8;
	[tilespmem:$0x1E618] =	vst v63  }
0x130: {  	s31 =	simm.s32 $0x16618  }
0x131: {  	[tilespmem:s13], [sflag:$0x2] =	stream.indirect.gather [spmem:s1], $0x1, s31, s15, $0xb8;
	[tilespmem:$0x1E618] =	vst v63  }
0x132: {  	_ = 	snop  }
0x133: {  	[tilespmem:s12], [sflag:$0x2] =	stream.indirect.gather [spmem:s1], $0x1, s10, s15, $0xb8;
	[tilespmem:$0x1E618] =	vst v63  }
0x134: {  	_ = 	snop  }
0x135: {  	[tilespmem:s6], [sflag:$0x2] =	stream.indirect.gather [spmem:s1], $0x1, s4, s15, $0xb8;
	[tilespmem:$0x1E618] =	vst v63  }
0x136: {  	_ = 	snop  }
0x137: {  	[tilespmem:s8], [sflag:$0x2] =	stream.indirect.gather [spmem:s1], $0x1, s7, s15, $0xb8;
	[tilespmem:$0x1E618] =	vst v63  }
0x138: {  	_ = 	snop  }
0x139: {  	[tilespmem:s14], [sflag:$0x2] =	stream.indirect.gather [spmem:s1], $0x1, s9, s15, $0xb8;
	[tilespmem:$0x1E618] =	vst v63  }
0x13a: {  	_ = 	snop  }
0x13b: {  	[tilespmem:s16], [sflag:$0x2] =	stream.indirect.gather [spmem:s1], $0x1, s17, s15, $0xb8;
	[tilespmem:$0x1E618] =	vst v63  }
0x13c: {  	_ =	swait.ge [sflag:s18], $0x6400  }
0x13d: {  	s28 =	simm.s32 $0xB618;
	s29 =	simm.s32 $0x1E218;
	[sflag:s18] =	ssyncset.done $0x0  }
0x13e: {  	s25 =	sadd.s32 $0x4218, s24;
	s26 =	simm.s32 $0x0;
	[sflag:s18] =	ssyncadd.s32 $0xFFFF9C00  }
.LBB2_7:
0x13f: {  	s30 =	sand.u32 $0x380, s26;
	s31 =	sand.u32 $0x70, s26  }
0x140: {  	v4 =	vld [tilespmem:s28+$0x0];
	s0 =	sadd.s32 s30, s25;
	s30 =	sor.u32 s31, s30  }
0x141: {  	v8 =	vld [tilespmem:s30+$0xBA18]  }
0x142: {  	v5 =	vld [tilespmem:s30+$0xBE18]  }
0x143: {  	s0 =	sadd.s32 s31, s0;
	v3 =	vld [tilespmem:s30+$0xC218]  }
0x144: {  	v26 =	vld [tilespmem:s0+$0x0]  }
0x145: {  	v2 =	vld [tilespmem:s30+$0xC618];
	_ =	sdelay $0x2  }
0x146: {  	v6 =	vand.u32 $0xFFFFFFE0, v4;
	v7 =	vand.u32 $0xFFFFFFE0, v8  }
0x147: {  	v9 =	vand.u32 $0xFFFFFFE0, v5;
	v12 =	vand.u32 $0xFFFFFFE0, v3;
	v6 =	vsub.f32 v6, v26  }
0x148: {  	v39 =	vand.u32 $0xFFFFFFE0, v2;
	v7 =	vsub.f32 v7, v26;
	v9 =	vsub.f32 v9, v26  }
0x149: {  	v12 =	vsub.f32 v12, v26;
	v41 =	vsub.f32 v39, v26;
	v10 =	vand.u32 $0x7FFFFFFF, v6;
	v6 =	vld [tilespmem:s30+$0xCA18]  }
0x14a: {  	v11 =	vand.u32 $0x7FFFFFFF, v7;
	v7 =	vld [tilespmem:s30+$0xCE18];
	v9 =	vand.u32 $0x7FFFFFFF, v9;
	v10 =	vmul.f32 $9.970309730e-01, v10  }
0x14b: {  	v12 =	vand.u32 $0x7FFFFFFF, v12;
	v11 =	vmul.f32 $9.866937990e-01, v11;
	v13 =	vmul.f32 $9.780617950e-01, v9  }
0x14c: {  	v9 =	vld [tilespmem:s30+$0xD218];
	v12 =	vmul.f32 $9.866937990e-01, v12;
	v27 =	vand.u32 $0xFFFFFFE0, v10  }
0x14d: {  	v40 =	vand.u32 $0xFFFFFFE0, v11;
	v13 =	vand.u32 $0xFFFFFFE0, v13;
	v11 =	vand.u32 $0x7FFFFFFF, v41  }
0x14e: {  	v12 =	vand.u32 $0xFFFFFFE0, v12;
	v28 =	vor.u32 $0x1, v40;
	v15 =	vmul.f32 $9.970309730e-01, v11  }
0x14f: {  	v10 =	vld [tilespmem:s30+$0xD618];
	v30 =	vor.u32 $0x2, v13;
	v34 =	vor.u32 $0x3, v12;
	v14 =	vand.u32 $0xFFFFFFE0, v6  }
0x150: {  	v42 =	vand.u32 $0xFFFFFFE0, v7;
	vm0 =	vgt.s32 v27, v34;
	v14 =	vsub.f32 v14, v26  }
0x151: {  	v11 =	vld [tilespmem:s30+$0xDA18];
	v43 =	vsub.f32 v42, v26;
	v15 =	vand.u32 $0xFFFFFFE0, v15;
	v16 =	vand.u32 $0xFFFFFFE0, v9  }
0x152: {  	v12 =	vld [tilespmem:s30+$0xDE18];
	v59 =	vsel vm0, v34, v27;
	v27 =	vsel vm0, v27, v34;
	v16 =	vsub.f32 v16, v26  }
0x153: {  	v35 =	vor.u32 $0x4, v15;
	vm5 =	vgt.s32 v59, v30;
	v14 =	vand.u32 $0x7FFFFFFF, v14  }
0x154: {  	v13 =	vand.u32 $0x7FFFFFFF, v43;
	v17 =	vand.u32 $0xFFFFFFE0, v10;
	vm1 =	vgt.s32 v28, v35  }
0x155: {  	v61 =	vsel vm5, v30, v59;
	v30 =	vsel vm5, v59, v30;
	v14 =	vmul.f32 $9.866937990e-01, v14  }
0x156: {  	v13 =	vmul.f32 $9.403657310e-01, v13;
	v17 =	vsub.f32 v17, v26;
	v45 =	vand.u32 $0x7FFFFFFF, v16  }
0x157: {  	v47 =	vand.u32 $0xFFFFFFE0, v11;
	v20 =	vand.u32 $0xFFFFFFE0, v12;
	v60 =	vsel vm1, v35, v28  }
0x158: {  	v15 =	vld [tilespmem:s30+$0xEE18];
	v28 =	vsel vm1, v28, v35;
	v16 =	vmul.f32 $9.016796940e-01, v45;
	v48 =	vsub.f32 v20, v26  }
0x159: {  	vm6 =	vgt.s32 v60, v27;
	vm8 =	vgt.s32 v30, v28;
	v44 =	vand.u32 $0xFFFFFFE0, v14  }
0x15a: {  	v18 =	vand.u32 $0xFFFFFFE0, v13;
	v46 =	vand.u32 $0x7FFFFFFF, v17;
	v17 =	vsub.f32 v47, v26  }
0x15b: {  	v62 =	vsel vm6, v27, v60;
	v27 =	vsel vm6, v60, v27;
	v29 =	vor.u32 $0x5, v44  }
0x15c: {  	v19 =	vmul.f32 $9.403657310e-01, v46;
	v32 =	vor.u32 $0x6, v18;
	v16 =	vand.u32 $0xFFFFFFE0, v16  }
0x15d: {  	v14 =	vld [tilespmem:s30+$0xE218];
	v18 =	vand.u32 $0x7FFFFFFF, v48;
	v51 =	vand.u32 $0xFFFFFFE0, v15;
	vm7 =	vgt.s32 v61, v62  }
0x15e: {  	v13 =	vld [tilespmem:s30+$0xEA18];
	v31 =	vor.u32 $0x7, v16;
	v17 =	vand.u32 $0x7FFFFFFF, v17;
	v18 =	vmul.f32 $9.780617950e-01, v18  }
0x15f: {  	v22 =	vsub.f32 v51, v26;
	v63 =	vsel vm7, v61, v62;
	v51 =	vsel vm8, v28, v30  }
0x160: {  	v28 =	vsel vm8, v30, v28;
	v30 =	vsel vm7, v62, v61;
	v19 =	vand.u32 $0xFFFFFFE0, v19  }
0x161: {  	v16 =	vld [tilespmem:s30+$0xF218];
	v17 =	vmul.f32 $9.866937990e-01, v17;
	vm9 =	vgt.s32 v63, v51;
	vm2 =	vgt.s32 v27, v28  }
0x162: {  	v36 =	vor.u32 $0x8, v19;
	v21 =	vand.u32 $0xFFFFFFE0, v18;
	v53 =	vand.u32 $0x7FFFFFFF, v22  }
0x163: {  	v34 =	vsel vm9, v51, v63;
	v49 =	vand.u32 $0xFFFFFFE0, v14;
	v50 =	vand.u32 $0xFFFFFFE0, v13  }
0x164: {  	v18 =	vld [tilespmem:s30+$0xFA18];
	v17 =	vand.u32 $0xFFFFFFE0, v17;
	v33 =	vor.u32 $0xA, v21;
	v21 =	vmul.f32 $9.780617950e-01, v53  }
0x165: {  	vm11 =	vgt.s32 v29, v36;
	v19 =	vsub.f32 v49, v26;
	v20 =	vsub.f32 v50, v26  }
0x166: {  	v37 =	vor.u32 $0x9, v17;
	v52 =	vand.u32 $0xFFFFFFE0, v16;
	v21 =	vand.u32 $0xFFFFFFE0, v21  }
0x167: {  	v17 =	vld [tilespmem:s30+$0xF618];
	vm12 =	vgt.s32 v32, v37;
	v19 =	vand.u32 $0x7FFFFFFF, v19;
	v54 =	vsub.f32 v52, v26  }
0x168: {  	v20 =	vand.u32 $0x7FFFFFFF, v20;
	v40 =	vor.u32 $0xE, v21;
	v23 =	vmul.f32 $9.016796940e-01, v19  }
0x169: {  	v24 =	vmul.f32 $9.016796940e-01, v20;
	v56 =	vand.u32 $0xFFFFFFE0, v18;
	v22 =	vand.u32 $0x7FFFFFFF, v54  }
0x16a: {  	v25 =	vsub.f32 v56, v26;
	v54 =	vsel vm9, v63, v51;
	v56 =	vsel vm11, v36, v29  }
0x16b: {  	v21 =	vld [tilespmem:s30+$0x10618];
	v29 =	vsel vm11, v29, v36;
	v23 =	vand.u32 $0xFFFFFFE0, v23;
	v24 =	vand.u32 $0xFFFFFFE0, v24  }
0x16c: {  	v19 =	vld [tilespmem:s30+$0xFE18];
	v22 =	vmul.f32 $9.866937990e-01, v22;
	v55 =	vand.u32 $0xFFFFFFE0, v17;
	vm13 =	vgt.s32 v56, v31  }
0x16d: {  	v20 =	vld [tilespmem:s30+$0x10218];
	v38 =	vor.u32 $0xB, v23;
	v39 =	vor.u32 $0xD, v24;
	v23 =	vsub.f32 v55, v26  }
0x16e: {  	v25 =	vand.u32 $0x7FFFFFFF, v25;
	v55 =	vsel vm2, v28, v27;
	v28 =	vsel vm2, v27, v28  }
0x16f: {  	v27 =	vsel vm13, v56, v31;
	v57 =	vand.u32 $0xFFFFFFE0, v22;
	v25 =	vmul.f32 $9.016796940e-01, v25  }
0x170: {  	v46 =	vand.u32 $0xFFFFFFE0, v21;
	vm10 =	vgt.s32 v54, v55;
	vm7 =	vgt.s32 v33, v39  }
0x171: {  	vm8 =	vgt.s32 v38, v40;
	v58 =	vand.u32 $0xFFFFFFE0, v19;
	v23 =	vand.u32 $0x7FFFFFFF, v23  }
0x172: {  	v42 =	vand.u32 $0xFFFFFFE0, v20;
	v44 =	vor.u32 $0xF, v57;
	v46 =	vsub.f32 v46, v26  }
0x173: {  	v51 =	vsel vm10, v55, v54;
	v57 =	vsel vm12, v37, v32;
	v32 =	vsel vm12, v32, v37  }
0x174: {  	v35 =	vsel vm10, v54, v55;
	v41 =	vsub.f32 v58, v26;
	v43 =	vmul.f32 $9.403657310e-01, v23  }
0x175: {  	v42 =	vsub.f32 v42, v26;
	v45 =	vand.u32 $0xFFFFFFE0, v25;
	vm14 =	vgt.s32 v57, v29  }
0x176: {  	v24 =	vld [tilespmem:s30+$0x11218];
	v58 =	vsel vm13, v31, v56;
	vm4 =	vgt.s32 v27, v32;
	v56 =	vsel vm7, v39, v33  }
0x177: {  	v33 =	vsel vm7, v33, v39;
	v45 =	vor.u32 $0x11, v45;
	v46 =	vand.u32 $0x7FFFFFFF, v46  }
0x178: {  	v59 =	vsel vm14, v29, v57;
	v29 =	vsel vm14, v57, v29;
	v60 =	vsel vm4, v32, v27  }
0x179: {  	v22 =	vld [tilespmem:s30+$0x10A18];
	v27 =	vsel vm4, v27, v32;
	v57 =	vsel vm8, v40, v38;
	v38 =	vsel vm8, v38, v40  }
0x17a: {  	vm9 =	vgt.s32 v56, $0xC;
	v41 =	vand.u32 $0x7FFFFFFF, v41;
	v43 =	vand.u32 $0xFFFFFFE0, v43  }
0x17b: {  	v42 =	vand.u32 $0x7FFFFFFF, v42;
	v49 =	vand.u32 $0xFFFFFFE0, v24;
	v46 =	vmul.f32 $9.970309730e-01, v46  }
0x17c: {  	vm15 =	vgt.s32 v58, v59;
	vm2 =	vgt.s32 v29, v27;
	vm10 =	vgt.s32 v57, v33  }
0x17d: {  	v41 =	vmul.f32 $9.403657310e-01, v41;
	v43 =	vor.u32 $0x10, v43;
	v42 =	vmul.f32 $9.866937990e-01, v42  }
0x17e: {  	v23 =	vld [tilespmem:s30+$0x10E18];
	v47 =	vand.u32 $0xFFFFFFE0, v22;
	v49 =	vsub.f32 v49, v26;
	v61 =	vsel vm15, v58, v59  }
0x17f: {  	v25 =	vld [tilespmem:s30+$0x11618];
	v31 =	vsel vm15, v59, v58;
	v63 =	vsel vm2, v27, v29;
	v29 =	vsel vm2, v29, v27  }
0x180: {  	v58 =	vsel vm9, $0xC, v56;
	v27 =	vnsel vm9, $0xC, v56;
	v52 =	vsel vm10, v33, v57  }
0x181: {  	v33 =	vsel vm10, v57, v33;
	v47 =	vsub.f32 v47, v26;
	v46 =	vand.u32 $0xFFFFFFE0, v46  }
0x182: {  	vm5 =	vgt.s32 v61, v60;
	vm11 =	vgt.s32 v58, v52;
	vm1 =	vgt.s32 v27, v38  }
0x183: {  	v41 =	vand.u32 $0xFFFFFFE0, v41;
	v42 =	vand.u32 $0xFFFFFFE0, v42;
	v48 =	vand.u32 $0xFFFFFFE0, v23  }
0x184: {  	v50 =	vand.u32 $0xFFFFFFE0, v25;
	v49 =	vand.u32 $0x7FFFFFFF, v49;
	v46 =	vor.u32 $0x14, v46  }
0x185: {  	v62 =	vsel vm5, v61, v60;
	v32 =	vsel vm5, v60, v61;
	v59 =	vsel vm11, v58, v52  }
0x186: {  	v60 =	vsel vm1, v38, v27;
	v40 =	vsel vm11, v52, v58;
	v27 =	vsel vm1, v27, v38  }
0x187: {  	v41 =	vor.u32 $0x12, v41;
	v42 =	vor.u32 $0x13, v42;
	v47 =	vand.u32 $0x7FFFFFFF, v47  }
0x188: {  	v48 =	vsub.f32 v48, v26;
	v26 =	vsub.f32 v50, v26;
	v49 =	vmul.f32 $9.866937990e-01, v49  }
0x189: {  	vm6 =	vgt.s32 v62, v63;
	vm12 =	vgt.s32 v59, v60;
	vm13 =	vgt.s32 v33, v27  }
0x18a: {  	v47 =	vmul.f32 $9.866937990e-01, v47;
	v36 =	vsel vm6, v63, v62;
	v37 =	vsel vm6, v62, v63  }
0x18b: {  	v38 =	vsel vm12, v60, v59;
	v39 =	vsel vm12, v59, v60;
	v61 =	vsel vm13, v27, v33  }
0x18c: {  	v33 =	vsel vm13, v33, v27;
	vm14 =	vgt.s32 v44, v41;
	vm4 =	vgt.s32 v43, v42  }
0x18d: {  	v48 =	vand.u32 $0x7FFFFFFF, v48;
	v26 =	vand.u32 $0x7FFFFFFF, v26;
	v49 =	vand.u32 $0xFFFFFFE0, v49  }
0x18e: {  	vm15 =	vgt.s32 v39, v61;
	v62 =	vsel vm14, v41, v44;
	v41 =	vsel vm14, v44, v41  }
0x18f: {  	v63 =	vsel vm4, v42, v43;
	v42 =	vsel vm4, v43, v42;
	vm3 =	vlt.s32 v51, v36  }
0x190: {  	v48 =	vmul.f32 $9.780617950e-01, v48;
	v47 =	vand.u32 $0xFFFFFFE0, v47;
	v26 =	vmul.f32 $9.970309730e-01, v26  }
0x191: {  	v49 =	vor.u32 $0x17, v49;
	vm5 =	vgt.s32 v62, v45;
	vm6 =	vgt.s32 v63, v41  }
0x192: {  	v55 =	vsel vm3, v51, v36;
	v47 =	vor.u32 $0x15, v47;
	v56 =	vsel vm5, v45, v62  }
0x193: {  	v27 =	vsel vm5, v62, v45;
	v45 =	vsel vm15, v61, v39;
	v57 =	vsel vm6, v41, v63  }
0x194: {  	v39 =	vsel vm15, v39, v61;
	v41 =	vsel vm6, v63, v41;
	vm11 =	vgt.s32 v46, v49  }
0x195: {  	vm5 =	vlt.s32 v30, v29;
	v48 =	vand.u32 $0xFFFFFFE0, v48;
	v26 =	vand.u32 $0xFFFFFFE0, v26  }
0x196: {  	vm7 =	vgt.s32 v56, v57;
	vm8 =	vgt.s32 v27, v42;
	v61 =	vsel vm11, v49, v46  }
0x197: {  	v46 =	vsel vm11, v46, v49;
	v29 =	vsel vm5, v30, v29;
	v48 =	vor.u32 $0x16, v48  }
0x198: {  	v26 =	vor.u32 $0x18, v26;
	v58 =	vsel vm7, v56, v57;
	v59 =	vsel vm8, v42, v27  }
0x199: {  	v43 =	vsel vm7, v57, v56;
	v27 =	vsel vm8, v27, v42;
	vm7 =	vlt.s32 v34, v37  }
0x19a: {  	vm8 =	vlt.s32 v35, v32;
	vm9 =	vgt.s32 v58, v59;
	vm10 =	vgt.s32 v41, v27  }
0x19b: {  	vm13 =	vgt.s32 v47, v26;
	vm14 =	vgt.s32 v61, v48;
	v54 =	vsel vm7, v34, v37  }
0x19c: {  	v32 =	vsel vm8, v35, v32;
	v42 =	vsel vm9, v59, v58;
	v44 =	vsel vm9, v58, v59  }
0x19d: {  	v60 =	vsel vm10, v27, v41;
	v41 =	vsel vm10, v41, v27;
	v62 =	vsel vm13, v26, v47  }
0x19e: {  	v26 =	vsel vm13, v47, v26;
	v63 =	vsel vm14, v48, v61;
	v48 =	vsel vm14, v61, v48  }
0x19f: {  	vm9 =	vlt.s32 v28, v31;
	vm0 =	vgt.s32 v29, v32;
	vm12 =	vgt.s32 v44, v60  }
0x1a0: {  	vm15 =	vgt.s32 v62, v46;
	vm6 =	vgt.s32 v48, v26;
	v28 =	vsel vm9, v28, v31  }
0x1a1: {  	v56 =	vsel vm0, v32, v29;
	v29 =	vsel vm0, v29, v32;
	v49 =	vsel vm12, v60, v44  }
0x1a2: {  	v44 =	vsel vm12, v44, v60;
	v53 =	vsel vm15, v46, v62;
	v46 =	vsel vm15, v62, v46  }
0x1a3: {  	vm2 =	vgt.s32 v54, v28;
	vm10 =	vgt.s32 v56, v55;
	vm4 =	vgt.s32 v63, v53  }
0x1a4: {  	v57 =	vsel vm2, v28, v54;
	v28 =	vsel vm2, v54, v28;
	v58 =	vsel vm10, v55, v56  }
0x1a5: {  	v31 =	vsel vm10, v56, v55;
	v27 =	vsel vm4, v53, v63;
	vm11 =	vgt.s32 v57, v29  }
0x1a6: {  	v47 =	vsel vm4, v63, v53;
	vm13 =	vgt.s32 v31, v28;
	v59 =	vsel vm11, v29, v57  }
0x1a7: {  	v29 =	vsel vm11, v57, v29;
	v61 =	vsel vm13, v28, v31;
	v28 =	vsel vm13, v31, v28  }
0x1a8: {  	v31 =	vsel vm6, v26, v48;
	vm12 =	vgt.s32 v58, v59;
	vm15 =	vgt.s32 v29, v28  }
0x1a9: {  	v26 =	vsel vm6, v48, v26;
	v60 =	vsel vm12, v58, v59;
	v63 =	vsel vm15, v28, v29  }
0x1aa: {  	v30 =	vsel vm12, v59, v58;
	v28 =	vsel vm15, v29, v28;
	vm14 =	vgt.s32 v60, v61  }
0x1ab: {  	vm6 =	vlt.s32 v30, v33;
	vm9 =	vlt.s32 v28, v40;
	v62 =	vsel vm14, v60, v61  }
0x1ac: {  	v32 =	vsel vm14, v61, v60;
	v30 =	vsel vm6, v30, v33;
	vm5 =	vgt.s32 v62, v63  }
0x1ad: {  	v28 =	vsel vm9, v28, v40;
	vm14 =	vgt.s32 v47, v31;
	v50 =	vsel vm5, v62, v63  }
0x1ae: {  	vm7 =	vlt.s32 v32, v39;
	v48 =	vsel vm5, v63, v62;
	vm8 =	vlt.s32 v50, v38  }
0x1af: {  	v32 =	vsel vm7, v32, v39;
	vm10 =	vlt.s32 v48, v45;
	v51 =	vsel vm8, v50, v38  }
0x1b0: {  	vm1 =	vgt.s32 v32, v28;
	v29 =	vsel vm10, v48, v45;
	vm0 =	vgt.s32 v30, v51  }
0x1b1: {  	v52 =	vsel vm1, v28, v32;
	v34 =	vsel vm0, v51, v30;
	v30 =	vsel vm0, v30, v51  }
0x1b2: {  	v28 =	vsel vm1, v32, v28;
	vm11 =	vgt.s32 v34, v29;
	vm12 =	vgt.s32 v52, v30  }
0x1b3: {  	v53 =	vsel vm11, v29, v34;
	v29 =	vsel vm11, v34, v29;
	v54 =	vsel vm12, v30, v52  }
0x1b4: {  	v57 =	vsel vm14, v47, v31;
	vm13 =	vgt.s32 v53, v54;
	vm0 =	vgt.s32 v29, v28  }
0x1b5: {  	v30 =	vsel vm12, v52, v30;
	v55 =	vsel vm13, v53, v54;
	v56 =	vsel vm0, v28, v29  }
0x1b6: {  	v28 =	vsel vm0, v29, v28;
	v32 =	vsel vm13, v54, v53;
	vm13 =	vgt.s32 v46, v26  }
0x1b7: {  	vm15 =	vgt.s32 v55, v56;
	vm6 =	vgt.s32 v30, v28;
	vm8 =	vlt.s32 v32, v41  }
0x1b8: {  	v58 =	vsel vm15, v55, v56;
	v59 =	vsel vm6, v28, v30;
	v33 =	vsel vm15, v56, v55  }
0x1b9: {  	v28 =	vsel vm6, v30, v28;
	v32 =	vsel vm8, v32, v41;
	vm7 =	vgt.s32 v58, v59  }
0x1ba: {  	vm9 =	vlt.s32 v33, v44;
	vm11 =	vlt.s32 v28, v43;
	v60 =	vsel vm7, v59, v58  }
0x1bb: {  	v61 =	vsel vm7, v58, v59;
	v33 =	vsel vm9, v33, v44;
	v28 =	vsel vm11, v28, v43  }
0x1bc: {  	v44 =	vsel vm13, v26, v46;
	v26 =	vsel vm13, v46, v26;
	vm10 =	vlt.s32 v61, v42  }
0x1bd: {  	vm12 =	vlt.s32 v60, v49;
	vm2 =	vgt.s32 v33, v28;
	v34 =	vsel vm10, v61, v42  }
0x1be: {  	v30 =	vsel vm12, v60, v49;
	v63 =	vsel vm2, v28, v33;
	v49 =	vsel vm14, v31, v47  }
0x1bf: {  	vm14 =	vgt.s32 v57, v44;
	v28 =	vsel vm2, v33, v28;
	vm1 =	vgt.s32 v32, v34  }
0x1c0: {  	v50 =	vsel vm14, v44, v57;
	v62 =	vsel vm1, v34, v32;
	v32 =	vsel vm1, v32, v34  }
0x1c1: {  	v29 =	vsel vm14, v57, v44;
	vm3 =	vgt.s32 v62, v30;
	vm4 =	vgt.s32 v63, v32  }
0x1c2: {  	v45 =	vsel vm3, v30, v62;
	v48 =	vsel vm4, v32, v63;
	v30 =	vsel vm3, v62, v30  }
0x1c3: {  	v32 =	vsel vm4, v63, v32;
	vm5 =	vgt.s32 v45, v48;
	vm6 =	vgt.s32 v30, v28  }
0x1c4: {  	v51 =	vsel vm5, v48, v45;
	v53 =	vsel vm5, v45, v48;
	v35 =	vsel vm6, v28, v30  }
0x1c5: {  	v28 =	vsel vm6, v30, v28;
	vm15 =	vlt.s32 v51, v26;
	vm8 =	vgt.s32 v53, v35  }
0x1c6: {  	vm12 =	vgt.s32 v32, v28;
	v52 =	vsel vm15, v51, v26;
	v56 =	vsel vm8, v35, v53  }
0x1c7: {  	v26 =	vsel vm8, v53, v35;
	v57 =	vsel vm12, v28, v32;
	v32 =	vsel vm12, v32, v28  }
0x1c8: {  	v54 =	vand.u32 $0x1F, v52;
	vm4 =	vgt.s32 v26, v57;
	vm8 =	vlt.s32 v56, v29  }
0x1c9: {  	v33 =	vand.u32 $0xFFFFFFE0, v52;
	vm7 =	veq.s32 v54, $0x1;
	vm9 =	veq.s32 v54, $0x2  }
0x1ca: {  	vm10 =	veq.s32 v54, $0x3;
	vm11 =	veq.s32 v54, $0x4;
	vm13 =	veq.s32 v54, $0x5  }
0x1cb: {  	vm14 =	veq.s32 v54, $0x6;
	vm15 =	veq.s32 v54, $0x7;
	vm5 =	veq.s32 v54, $0x8  }
0x1cc: {  	v59 =	vsel vm4, v57, v26;
	vm6 =	veq.s32 v54, $0x9;
	v26 =	vsel vm4, v26, v57  }
0x1cd: {  	v60 =	vsel vm8, v56, v29;
	vm12 =	veq.s32 v54, $0xD;
	vm4 =	veq.s32 v54, $0x10  }
0x1ce: {  	v55 =	vsel vm7, v8, v4;
	vm7 =	veq.s32 v54, $0xA;
	v62 =	vand.u32 $0x1F, v60  }
0x1cf: {  	v39 =	vand.u32 $0xFFFFFFE0, v60;
	v30 =	vsel vm9, v5, v55;
	vm9 =	veq.s32 v54, $0xB  }
0x1d0: {  	vm8 =	veq.s32 v62, $0x1;
	v30 =	vsel vm10, v3, v30;
	vm10 =	veq.s32 v54, $0xC  }
0x1d1: {  	v63 =	vsel vm8, v8, v4;
	v30 =	vsel vm11, v2, v30;
	vm11 =	vlt.s32 v59, v50  }
0x1d2: {  	vm8 =	veq.s32 v62, $0x9;
	v30 =	vsel vm13, v6, v30;
	v31 =	vsel vm11, v59, v50  }
0x1d3: {  	vm13 =	veq.s32 v54, $0xE;
	vm11 =	veq.s32 v62, $0x3;
	v30 =	vsel vm14, v7, v30  }
0x1d4: {  	vm14 =	vlt.s32 v26, v49;
	v36 =	vand.u32 $0x1F, v31;
	v31 =	vand.u32 $0xFFFFFFE0, v31  }
0x1d5: {  	v58 =	vld [tilespmem:s30+$0xE618];
	v30 =	vsel vm15, v9, v30;
	vm15 =	veq.s32 v54, $0xF;
	v26 =	vsel vm14, v26, v49  }
0x1d6: {  	vm14 =	veq.s32 v62, $0x5;
	v30 =	vsel vm5, v10, v30;
	vm5 =	vlt.s32 v32, v27  }
0x1d7: {  	v43 =	vand.u32 $0x1F, v26;
	v51 =	vand.u32 $0xFFFFFFE0, v26;
	v30 =	vsel vm6, v11, v30  }
0x1d8: {  	vm6 =	veq.s32 v54, $0x11;
	v27 =	vsel vm5, v32, v27;
	v30 =	vsel vm7, v12, v30  }
0x1d9: {  	vm5 =	veq.s32 v62, $0x7;
	vm7 =	veq.s32 v54, $0x12;
	v61 =	vsel vm9, v14, v30  }
0x1da: {  	v47 =	vand.u32 $0x1F, v27;
	v50 =	vand.u32 $0xFFFFFFE0, v27;
	v29 =	vsel vm10, v58, v61  }
0x1db: {  	vm9 =	veq.s32 v54, $0x13;
	vm10 =	veq.s32 v62, $0x2;
	v29 =	vsel vm12, v13, v29  }
0x1dc: {  	v32 =	vsel vm10, v5, v63;
	vm12 =	veq.s32 v54, $0x14;
	vm10 =	veq.s32 v62, $0xA  }
0x1dd: {  	v29 =	vsel vm13, v15, v29;
	v32 =	vsel vm11, v3, v32;
	vm13 =	veq.s32 v62, $0x4  }
0x1de: {  	vm11 =	veq.s32 v62, $0xB;
	v29 =	vsel vm15, v16, v29;
	v32 =	vsel vm13, v2, v32  }
0x1df: {  	vm15 =	veq.s32 v54, $0x15;
	vm13 =	veq.s32 v62, $0xC;
	v29 =	vsel vm4, v17, v29  }
0x1e0: {  	v32 =	vsel vm14, v6, v32;
	vm4 =	veq.s32 v62, $0x6;
	vm14 =	veq.s32 v62, $0xD  }
0x1e1: {  	v29 =	vsel vm6, v18, v29;
	v32 =	vsel vm4, v7, v32;
	vm6 =	veq.s32 v54, $0x16  }
0x1e2: {  	vm4 =	veq.s32 v62, $0xF;
	v29 =	vsel vm7, v19, v29;
	v32 =	vsel vm5, v9, v32  }
0x1e3: {  	vm7 =	veq.s32 v62, $0x8;
	vm5 =	vgt.f32 v33, $1.000000000e+00;
	v29 =	vsel vm9, v20, v29  }
0x1e4: {  	v32 =	vsel vm7, v10, v32;
	vm9 =	veq.s32 v54, $0x17;
	vm7 =	veq.s32 v62, $0x11  }
0x1e5: {  	v29 =	vsel vm12, v21, v29;
	v32 =	vsel vm8, v11, v32;
	vm12 =	veq.s32 v54, $0x18  }
0x1e6: {  	vm8 =	veq.s32 v36, $0x1;
	v29 =	vsel vm15, v22, v29;
	v32 =	vsel vm10, v12, v32  }
0x1e7: {  	vm15 =	veq.s32 v62, $0xE;
	v37 =	vsel vm8, v8, v4;
	vm10 =	veq.s32 v36, $0x2  }
0x1e8: {  	vm8 =	veq.s32 v36, $0x9;
	v29 =	vsel vm6, v23, v29;
	v32 =	vsel vm11, v14, v32  }
0x1e9: {  	vm6 =	veq.s32 v62, $0x10;
	v34 =	vsel vm10, v5, v37;
	vm11 =	veq.s32 v36, $0x3  }
0x1ea: {  	vm10 =	veq.s32 v36, $0xA;
	v29 =	vsel vm9, v24, v29;
	v32 =	vsel vm13, v58, v32  }
0x1eb: {  	vm9 =	veq.s32 v62, $0x12;
	v34 =	vsel vm11, v3, v34;
	vm13 =	veq.s32 v36, $0x4  }
0x1ec: {  	vm11 =	veq.s32 v36, $0xB;
	v29 =	vsel vm12, v25, v29;
	v32 =	vsel vm14, v13, v32  }
0x1ed: {  	vm12 =	veq.s32 v62, $0x13;
	v34 =	vsel vm13, v2, v34;
	vm14 =	veq.s32 v36, $0x5  }
0x1ee: {  	vm13 =	veq.s32 v36, $0xC;
	v29 =	vand.u32 $0x1F, v29;
	v32 =	vsel vm15, v15, v32  }
0x1ef: {  	vm15 =	veq.s32 v62, $0x14;
	v34 =	vsel vm14, v6, v34;
	vm14 =	veq.s32 v36, $0xD  }
0x1f0: {  	v32 =	vsel vm4, v16, v32;
	v29 =	vsel vm5, $0x14, v29;
	vm4 =	veq.s32 v36, $0x6  }
0x1f1: {  	vm5 =	veq.s32 v36, $0x7;
	v32 =	vsel vm6, v17, v32;
	v34 =	vsel vm4, v7, v34  }
0x1f2: {  	vm6 =	veq.s32 v62, $0x15;
	vm4 =	veq.s32 v36, $0xE;
	v32 =	vsel vm7, v18, v32  }
0x1f3: {  	v34 =	vsel vm5, v9, v34;
	vm7 =	veq.s32 v36, $0x8;
	vm5 =	veq.s32 v36, $0xF  }
0x1f4: {  	v32 =	vsel vm9, v19, v32;
	v34 =	vsel vm7, v10, v34;
	vm9 =	veq.s32 v62, $0x16  }
0x1f5: {  	vm7 =	veq.s32 v36, $0x11;
	v32 =	vsel vm12, v20, v32;
	v34 =	vsel vm8, v11, v34  }
0x1f6: {  	vm12 =	veq.s32 v62, $0x17;
	vm8 =	vgt.f32 v39, $1.000000000e+00;
	v32 =	vsel vm15, v21, v32  }
0x1f7: {  	v34 =	vsel vm10, v12, v34;
	vm15 =	veq.s32 v62, $0x18;
	vm10 =	veq.s32 v36, $0x13  }
0x1f8: {  	v32 =	vsel vm6, v22, v32;
	v34 =	vsel vm11, v14, v34;
	vm6 =	veq.s32 v36, $0x10  }
0x1f9: {  	vm11 =	veq.s32 v36, $0x14;
	v32 =	vsel vm9, v23, v32;
	v34 =	vsel vm13, v58, v34  }
0x1fa: {  	vm9 =	veq.s32 v36, $0x12;
	vm13 =	veq.s32 v43, $0x1;
	v32 =	vsel vm12, v24, v32  }
0x1fb: {  	v38 =	vsel vm14, v13, v34;
	vm12 =	veq.s32 v36, $0x15;
	v44 =	vsel vm13, v8, v4  }
0x1fc: {  	vm14 =	veq.s32 v43, $0x2;
	vm13 =	veq.s32 v43, $0xA;
	v32 =	vsel vm15, v25, v32  }
0x1fd: {  	v30 =	vsel vm4, v15, v38;
	vm15 =	veq.s32 v36, $0x16;
	v35 =	vsel vm14, v5, v44  }
0x1fe: {  	vm4 =	veq.s32 v43, $0x3;
	vm14 =	vgt.f32 v31, $1.000000000e+00;
	v32 =	vand.u32 $0x1F, v32  }
0x1ff: {  	v30 =	vsel vm5, v16, v30;
	v35 =	vsel vm4, v3, v35;
	vm5 =	veq.s32 v43, $0x4  }
0x200: {  	vm4 =	veq.s32 v43, $0xC;
	v30 =	vsel vm6, v17, v30;
	v41 =	vsel vm8, $0x14, v32  }
0x201: {  	vm6 =	veq.s32 v36, $0x17;
	v35 =	vsel vm5, v2, v35;
	vm8 =	veq.s32 v43, $0x6  }
0x202: {  	vm5 =	veq.s32 v47, $0x1;
	v40 =	vsel vm7, v18, v30;
	vm7 =	veq.s32 v43, $0x5  }
0x203: {  	v4 =	vsel vm5, v8, v4;
	vm5 =	veq.s32 v47, $0x9;
	v42 =	vsel vm9, v19, v40  }
0x204: {  	v35 =	vsel vm7, v6, v35;
	vm9 =	veq.s32 v36, $0x18;
	vm7 =	veq.s32 v47, $0x2  }
0x205: {  	v32 =	vsel vm10, v20, v42;
	v45 =	vsel vm8, v7, v35;
	vm10 =	veq.s32 v43, $0x7  }
0x206: {  	v4 =	vsel vm7, v5, v4;
	vm8 =	veq.s32 v47, $0x3;
	vm7 =	veq.s32 v47, $0xA  }
0x207: {  	v32 =	vsel vm11, v21, v32;
	v33 =	vsel vm10, v9, v45;
	vm11 =	veq.s32 v43, $0x8  }
0x208: {  	v3 =	vsel vm8, v3, v4;
	vm10 =	veq.s32 v47, $0x4;
	vm8 =	veq.s32 v47, $0xB  }
0x209: {  	v32 =	vsel vm12, v22, v32;
	v33 =	vsel vm11, v10, v33;
	vm12 =	veq.s32 v43, $0x9  }
0x20a: {  	v2 =	vsel vm10, v2, v3;
	vm11 =	veq.s32 v47, $0x5;
	vm10 =	veq.s32 v47, $0xC  }
0x20b: {  	v32 =	vsel vm15, v23, v32;
	v33 =	vsel vm12, v11, v33;
	vm15 =	veq.s32 v43, $0xB  }
0x20c: {  	vm12 =	veq.s32 v43, $0xF;
	v2 =	vsel vm11, v6, v2;
	vm11 =	veq.s32 v47, $0xD  }
0x20d: {  	v32 =	vsel vm6, v24, v32;
	v46 =	vsel vm13, v12, v33;
	vm6 =	veq.s32 v43, $0xD  }
0x20e: {  	vm13 =	veq.s32 v47, $0x6;
	v32 =	vsel vm9, v25, v32;
	v31 =	vsel vm15, v14, v46  }
0x20f: {  	vm9 =	veq.s32 v43, $0xE;
	v2 =	vsel vm13, v7, v2;
	vm15 =	veq.s32 v43, $0x10  }
0x210: {  	vm13 =	veq.s32 v47, $0xE;
	v32 =	vand.u32 $0x1F, v32;
	v31 =	vsel vm4, v58, v31  }
0x211: {  	vm4 =	veq.s32 v47, $0x8;
	v32 =	vsel vm14, $0x14, v32;
	v48 =	vsel vm6, v13, v31  }
0x212: {  	vm14 =	veq.s32 v47, $0x7;
	vm6 =	veq.s32 v43, $0x11;
	v49 =	vsel vm9, v15, v48  }
0x213: {  	v2 =	vsel vm14, v9, v2;
	vm9 =	veq.s32 v43, $0x12;
	vm14 =	veq.s32 v47, $0xF  }
0x214: {  	v3 =	vsel vm12, v16, v49;
	v2 =	vsel vm4, v10, v2;
	vm12 =	veq.s32 v43, $0x13  }
0x215: {  	vm4 =	veq.s32 v47, $0x10;
	v3 =	vsel vm15, v17, v3;
	v2 =	vsel vm5, v11, v2  }
0x216: {  	vm15 =	veq.s32 v43, $0x14;
	vm5 =	veq.s32 v47, $0x11;
	v3 =	vsel vm6, v18, v3  }
0x217: {  	v2 =	vsel vm7, v12, v2;
	vm6 =	veq.s32 v43, $0x15;
	vm7 =	veq.s32 v47, $0x12  }
0x218: {  	v2 =	vsel vm8, v14, v2;
	v3 =	vsel vm9, v19, v3;
	vm8 =	veq.s32 v47, $0x13  }
0x219: {  	vm9 =	veq.s32 v43, $0x16;
	v2 =	vsel vm10, v58, v2;
	v3 =	vsel vm12, v20, v3  }
0x21a: {  	vm10 =	veq.s32 v47, $0x14;
	vm12 =	veq.s32 v43, $0x17;
	v2 =	vsel vm11, v13, v2  }
0x21b: {  	v3 =	vsel vm15, v21, v3;
	vm11 =	veq.s32 v47, $0x15;
	vm15 =	veq.s32 v43, $0x18  }
0x21c: {  	v2 =	vsel vm13, v15, v2;
	v3 =	vsel vm6, v22, v3;
	vm13 =	veq.s32 v47, $0x16  }
0x21d: {  	vm6 =	vgt.f32 v51, $1.000000000e+00;
	v2 =	vsel vm14, v16, v2;
	v3 =	vsel vm9, v23, v3  }
0x21e: {  	vm14 =	veq.s32 v47, $0x17;
	vm9 =	veq.s32 v29, v32;
	v2 =	vsel vm4, v17, v2  }
0x21f: {  	v3 =	vsel vm12, v24, v3;
	vm4 =	veq.s32 v47, $0x18;
	v54 =	vsel vm9, $0x1, v1  }
0x220: {  	vm12 =	veq.s32 v29, $0x14;
	vm9 =	veq.s32 v32, $0x14;
	v2 =	vsel vm5, v18, v2  }
0x221: {  	v3 =	vsel vm15, v25, v3;
	vm5 =	vgt.f32 v50, $1.000000000e+00;
	v2 =	vsel vm7, v19, v2  }
0x222: {  	v3 =	vand.u32 $0x1F, v3;
	vm7 =	veq.s32 v29, v41;
	v2 =	vsel vm8, v20, v2  }
0x223: {  	v3 =	vsel vm6, $0x14, v3;
	v52 =	vsel vm7, $0x2, v0;
	v2 =	vsel vm10, v21, v2  }
0x224: {  	vm10 =	veq.s32 v29, v3;
	vm15 =	veq.s32 v41, v3;
	vm6 =	veq.s32 v32, v3  }
0x225: {  	v2 =	vsel vm11, v22, v2;
	v56 =	vsel vm10, $0x1, v1;
	vm11 =	veq.s32 v29, $0x0  }
0x226: {  	v59 =	vsel vm15, $0x1, v1;
	v60 =	vsel vm6, $0x2, v0;
	v2 =	vsel vm13, v23, v2  }
0x227: {  	vm0 =	vmor vm11, vm12;
	v62 =	vadd.s32 v59, v60;
	v2 =	vsel vm14, v24, v2  }
0x228: {  	vm12 =	veq.s32 v3, $0x0;
	vm14 =	veq.s32 v41, v32;
	v2 =	vsel vm4, v25, v2  }
0x229: {  	v8 =	vadd.s32 v56, v62;
	v58 =	vsel vm14, $0x1, v1;
	v2 =	vand.u32 $0x1F, v2  }
0x22a: {  	vm4 =	veq.s32 v41, $0x0;
	v10 =	vadd.s32 v58, v60;
	v2 =	vsel vm5, $0x14, v2  }
0x22b: {  	vm5 =	veq.s32 v41, $0x14;
	v6 =	vadd.s32 v54, v10;
	vm8 =	veq.s32 v29, v2  }
0x22c: {  	vm13 =	veq.s32 v41, v2;
	vm7 =	veq.s32 v32, v2;
	vm11 =	veq.s32 v3, v2  }
0x22d: {  	vm14 =	veq.s32 v2, $0x0;
	vm15 =	veq.s32 v2, $0x14;
	v53 =	vsel vm8, $0x1, v1  }
0x22e: {  	v57 =	vsel vm13, $0x1, v1;
	v61 =	vsel vm7, $0x1, v1;
	vm8 =	veq.s32 v32, $0x0  }
0x22f: {  	v63 =	vsel vm11, $0x1, v1;
	vm13 =	veq.s32 v3, $0x14;
	v55 =	vadd.s32 v53, v52  }
0x230: {  	v4 =	vadd.s32 v57, v52;
	v6 =	vadd.s32 v61, v6;
	vm10 =	vmor vm8, vm9  }
0x231: {  	v8 =	vadd.s32 v63, v8;
	v5 =	vadd.s32 v57, v53;
	v7 =	vadd.s32 v54, v55  }
0x232: {  	v4 =	vadd.s32 v58, v4;
	v6 =	vshll.u32 v6, $0x5;
	v8 =	vshll.u32 v8, $0x5  }
0x233: {  	v5 =	vadd.s32 v61, v5;
	v7 =	vadd.s32 v56, v7;
	v4 =	vadd.s32 v59, v4  }
0x234: {  	v6 =	vor.u32 v32, v6;
	v3 =	vor.u32 v3, v8;
	v5 =	vadd.s32 v63, v5  }
0x235: {  	v7 =	vshll.u32 v7, $0x5;
	v4 =	vshll.u32 v4, $0x5;
	v6 =	vxor.u32 $0x1F, v6  }
0x236: {  	v3 =	vxor.u32 $0x1F, v3;
	v5 =	vshll.u32 v5, $0x5;
	v7 =	vor.u32 v29, v7  }
0x237: {  	v4 =	vor.u32 v41, v4;
	v5 =	vor.u32 v2, v5;
	v7 =	vxor.u32 $0x1F, v7  }
0x238: {  	v4 =	vxor.u32 $0x1F, v4;
	v7 =	vsel vm0, $0x1E, v7;
	vm0 =	vmor vm4, vm5  }
0x239: {  	v6 =	vsel vm10, $0x1E, v6;
	v2 =	vadd.s32 $0x20, v5;
	v4 =	vsel vm0, $0x1E, v4  }
0x23a: {  	p3 =	sne.s32 s26, $0x3F0;
	v2 =	vxor.u32 $0x1F, v2;
	vm0 =	vmor vm12, vm13;
	v4 =	vmax.u32 v7, v4  }
.Ltmp2:
0x23b: {  	v3 =	vsel vm0, $0x1E, v3;
	vm0 =	vmor vm14, vm15;
	v4 =	vmax.u32 v4, v6;
	(pc) =	sbr.rel @p3 .LBB2_7-.Ltmp2, $4  }
0x23c: {  	v2 =	vsel vm0, $0x1E, v2;
	v3 =	vmax.u32 v4, v3  }
0x23d: {  	v2 =	vmax.u32 v3, v2  }
0x23e: {  	v2 =	vandn.u32 $0x1F, v2  }
0x23f: {  	s28 =	sadd.s32 $0x10, s28;
	s26 =	sadd.s32 $0x10, s26;
	[tilespmem:s29+$0x0] =	vst v2;
	s29 =	sadd.s32 $0x10, s29  }
0x240: {  	s0 =	sor.u32 s3, s24  }
0x241: {  	s0 =	sshrl.u32 s0, $0x3  }
.Ltmp3:
0x242: {  	s0 =	sadd.s32 s5, s0;
	(pc) =	sbr.rel @p2 .LBB2_12-.Ltmp3, $4  }
0x243: {  	[hbm4b:s0+s2] =	stream.linear.scatter [tilespmem:s19], [sflag:$0x3], $0x400, $0x38;
	[tilespmem:$0x1E618] =	vst v63  }
0x244: {  	_ =	swait.ge [sflag:s11], $0x400  }
0x245: {  	[sflag:s11] =	ssyncset.done $0x0  }
0x246: {  	[sflag:s11] =	ssyncadd.s32 $0xFFFFFC00  }
0x247: {  	s0 =	sadd.s32 $0x3A18, s23  }
0x248: {  	v2 =	vld [tilespmem:s0+$0x0]  }
0x249: {  	s26 =	sadd.s32 $0x2A18, s23  }
0x24a: {  	v3 =	vld [tilespmem:s26+$0x0];
	_ =	sdelay $0x2  }
0x24b: {  	v2 =	vmul.u32 $0x804, v2;
	_ =	sdelay $0x1  }
0x24c: {  	s24 =	simm.s32 $0x0;
	s23 =	simm.s32 $0x5218;
	v2 =	vadd.s32 v3, v2  }
0x24d: {  	s24 =	sand.u32 $0x3F0, s24;
	[tilespmem:s23+$0x0] =	vst v2;
	v3 =	vadd.s32 $0x1810, v2  }
0x24e: {  	v4 =	vadd.s32 $0x100C, v2;
	[tilespmem:s24+$0x9E18] =	vst v3  }
0x24f: {  	v54 =	vadd.s32 $0x100A, v2;
	[tilespmem:s24+$0x8A18] =	vst v4  }
0x250: {  	v55 =	vadd.s32 $0x1008, v2;
	[tilespmem:s24+$0x8218] =	vst v54  }
0x251: {  	v56 =	vadd.s32 $0x807, v2;
	[tilespmem:s24+$0x7A18] =	vst v55  }
0x252: {  	v57 =	vadd.s32 $0x805, v2;
	[tilespmem:s24+$0x7218] =	vst v56  }
0x253: {  	v58 =	vadd.s32 $0x4, v2;
	[tilespmem:s24+$0x6A18] =	vst v57  }
0x254: {  	v59 =	vadd.s32 $0x2, v2;
	[tilespmem:s24+$0x6218] =	vst v58  }
0x255: {  	v60 =	vadd.s32 $0x2010, v2;
	[tilespmem:s24+$0x5A18] =	vst v59  }
0x256: {  	v61 =	vadd.s32 $0x180E, v2;
	[tilespmem:s24+$0xA218] =	vst v60  }
0x257: {  	v62 =	vadd.s32 $0x180C, v2;
	[tilespmem:s24+$0x9618] =	vst v61  }
0x258: {  	v63 =	vadd.s32 $0x2012, v2;
	[tilespmem:s24+$0x8E18] =	vst v62  }
0x259: {  	v3 =	vadd.s32 $0x100B, v2;
	[tilespmem:s24+$0xAA18] =	vst v63  }
0x25a: {  	[tilespmem:s24+$0x8618] =	vst v3;
	v3 =	vadd.s32 $0x1009, v2  }
0x25b: {  	[tilespmem:s24+$0x7E18] =	vst v3;
	v3 =	vadd.s32 $0x808, v2  }
0x25c: {  	[tilespmem:s24+$0x7618] =	vst v3;
	v3 =	vadd.s32 $0x806, v2  }
0x25d: {  	[tilespmem:s24+$0x6E18] =	vst v3;
	v3 =	vadd.s32 $0x804, v2  }
0x25e: {  	[tilespmem:s24+$0x6618] =	vst v3;
	v3 =	vadd.s32 $0x3, v2  }
0x25f: {  	[tilespmem:s24+$0x5E18] =	vst v3;
	v3 =	vadd.s32 $0x1, v2  }
0x260: {  	[tilespmem:s24+$0x5618] =	vst v3;
	v3 =	vadd.s32 $0x180F, v2  }
0x261: {  	[tilespmem:s24+$0x9A18] =	vst v3;
	v3 =	vadd.s32 $0x180D, v2  }
0x262: {  	[tilespmem:s24+$0x9218] =	vst v3;
	v3 =	vadd.s32 $0x2011, v2  }
0x263: {  	[tilespmem:s24+$0xA618] =	vst v3;
	v3 =	vadd.s32 $0x2013, v2  }
0x264: {  	v2 =	vadd.s32 $0x2014, v2;
	[tilespmem:s24+$0xAE18] =	vst v3  }
0x265: {  	s25 =	sadd.s32 $0x10, s0;
	[tilespmem:s24+$0xB218] =	vst v2  }
0x266: {  	s28 =	simm.s32 $0x20;
	s26 =	sadd.s32 $0x10, s26;
	s24 =	simm.s32 $0x10;
	v2 =	vld [tilespmem:s25+$0x0]  }
.LBB2_10:
0x267: {  	p2 =	sne.s32 s28, $0x3F0;
	v3 =	vld [tilespmem:s26+$0x0];
	_ =	sdelay $0x3  }
0x268: {  	v2 =	vmul.u32 $0x804, v2;
	_ =	sdelay $0x1  }
0x269: {  	s23 =	sadd.s32 $0x10, s23;
	v2 =	vadd.s32 v3, v2  }
0x26a: {  	s29 =	sand.u32 $0x3F0, s24;
	s24 =	smov.u32 s28;
	[tilespmem:s23+$0x0] =	vst v2;
	v3 =	vadd.s32 $0x100B, v2;
	v4 =	vadd.s32 $0x100C, v2;
	v5 =	vadd.s32 $0x1810, v2  }
0x26b: {  	v6 =	vadd.s32 $0x1008, v2;
	v7 =	vadd.s32 $0x1009, v2;
	v8 =	vadd.s32 $0x100A, v2;
	[tilespmem:s29+$0x9E18] =	vst v5  }
0x26c: {  	v9 =	vadd.s32 $0x807, v2;
	v10 =	vadd.s32 $0x808, v2;
	v5 =	vadd.s32 $0x806, v2;
	[tilespmem:s29+$0x8A18] =	vst v4  }
0x26d: {  	v11 =	vadd.s32 $0x804, v2;
	v12 =	vadd.s32 $0x805, v2;
	v4 =	vadd.s32 $0x4, v2;
	[tilespmem:s29+$0x8618] =	vst v3  }
0x26e: {  	v13 =	vadd.s32 $0x2, v2;
	v14 =	vadd.s32 $0x3, v2;
	v3 =	vadd.s32 $0x1, v2;
	[tilespmem:s29+$0x8218] =	vst v8  }
0x26f: {  	v15 =	vadd.s32 $0x2010, v2;
	v8 =	vadd.s32 $0x180F, v2;
	[tilespmem:s29+$0x7E18] =	vst v7;
	v7 =	vadd.s32 $0x180E, v2  }
0x270: {  	v16 =	vadd.s32 $0x180D, v2;
	v17 =	vadd.s32 $0x2011, v2;
	[tilespmem:s29+$0x7A18] =	vst v6;
	v6 =	vadd.s32 $0x180C, v2  }
0x271: {  	v18 =	vadd.s32 $0x2013, v2;
	[tilespmem:s29+$0x7618] =	vst v10;
	v10 =	vadd.s32 $0x2012, v2;
	v2 =	vadd.s32 $0x2014, v2  }
0x272: {  	[tilespmem:s29+$0x7218] =	vst v9  }
0x273: {  	[tilespmem:s29+$0x6E18] =	vst v5  }
0x274: {  	[tilespmem:s29+$0x6A18] =	vst v12  }
0x275: {  	[tilespmem:s29+$0x6618] =	vst v11  }
0x276: {  	[tilespmem:s29+$0x6218] =	vst v4  }
0x277: {  	[tilespmem:s29+$0x5E18] =	vst v14  }
0x278: {  	[tilespmem:s29+$0x5A18] =	vst v13  }
0x279: {  	[tilespmem:s29+$0x5618] =	vst v3  }
0x27a: {  	[tilespmem:s29+$0xA218] =	vst v15  }
0x27b: {  	[tilespmem:s29+$0x9A18] =	vst v8  }
0x27c: {  	[tilespmem:s29+$0x9618] =	vst v7  }
0x27d: {  	[tilespmem:s29+$0x9218] =	vst v16  }
0x27e: {  	[tilespmem:s29+$0x8E18] =	vst v6  }
.Ltmp4:
0x27f: {  	[tilespmem:s29+$0xA618] =	vst v17;
	(pc) =	sbr.rel @p2 .LBB2_10-.Ltmp4, $4  }
0x280: {  	[tilespmem:s29+$0xAA18] =	vst v10  }
0x281: {  	[tilespmem:s29+$0xAE18] =	vst v18  }
0x282: {  	s25 =	sadd.s32 $0x10, s25;
	[tilespmem:s29+$0xB218] =	vst v2  }
0x283: {  	s28 =	sadd.s32 $0x10, s28;
	s26 =	sadd.s32 $0x10, s26;
	v2 =	vld [tilespmem:s25+$0x0]  }
0x284: {  	_ = 	snop  }
0x285: {  	v3 =	vld [tilespmem:s26+$0x0];
	_ =	sdelay $0x2  }
0x286: {  	v2 =	vmul.u32 $0x804, v2;
	_ =	sdelay $0x1  }
0x287: {  	s0 =	sadd.s32 $0x10, s23;
	v2 =	vadd.s32 v3, v2  }
0x288: {  	s29 =	sand.u32 $0x3F0, s24;
	[tilespmem:s0+$0x0] =	vst v2;
	v3 =	vadd.s32 $0x1810, v2  }
0x289: {  	v4 =	vadd.s32 $0x100C, v2;
	[tilespmem:s29+$0x9E18] =	vst v3  }
0x28a: {  	v54 =	vadd.s32 $0x100A, v2;
	[tilespmem:s29+$0x8A18] =	vst v4  }
0x28b: {  	v55 =	vadd.s32 $0x1008, v2;
	[tilespmem:s29+$0x8218] =	vst v54  }
0x28c: {  	v56 =	vadd.s32 $0x807, v2;
	[tilespmem:s29+$0x7A18] =	vst v55  }
0x28d: {  	v57 =	vadd.s32 $0x805, v2;
	[tilespmem:s29+$0x7218] =	vst v56  }
0x28e: {  	v58 =	vadd.s32 $0x4, v2;
	[tilespmem:s29+$0x6A18] =	vst v57  }
0x28f: {  	v59 =	vadd.s32 $0x2, v2;
	[tilespmem:s29+$0x6218] =	vst v58  }
0x290: {  	v60 =	vadd.s32 $0x2010, v2;
	[tilespmem:s29+$0x5A18] =	vst v59  }
0x291: {  	v61 =	vadd.s32 $0x180E, v2;
	[tilespmem:s29+$0xA218] =	vst v60  }
0x292: {  	v62 =	vadd.s32 $0x180C, v2;
	[tilespmem:s29+$0x9618] =	vst v61  }
0x293: {  	v63 =	vadd.s32 $0x2012, v2;
	[tilespmem:s29+$0x8E18] =	vst v62  }
0x294: {  	v3 =	vadd.s32 $0x100B, v2;
	[tilespmem:s29+$0xAA18] =	vst v63  }
0x295: {  	[tilespmem:s29+$0x8618] =	vst v3;
	v3 =	vadd.s32 $0x1009, v2  }
0x296: {  	[tilespmem:s29+$0x7E18] =	vst v3;
	v3 =	vadd.s32 $0x808, v2  }
0x297: {  	[tilespmem:s29+$0x7618] =	vst v3;
	v3 =	vadd.s32 $0x806, v2  }
0x298: {  	[tilespmem:s29+$0x6E18] =	vst v3;
	v3 =	vadd.s32 $0x804, v2  }
0x299: {  	[tilespmem:s29+$0x6618] =	vst v3;
	v3 =	vadd.s32 $0x3, v2  }
0x29a: {  	[tilespmem:s29+$0x5E18] =	vst v3;
	v3 =	vadd.s32 $0x1, v2  }
0x29b: {  	[tilespmem:s29+$0x5618] =	vst v3;
	v3 =	vadd.s32 $0x180F, v2  }
0x29c: {  	[tilespmem:s29+$0x9A18] =	vst v3;
	v3 =	vadd.s32 $0x180D, v2  }
0x29d: {  	[tilespmem:s29+$0x9218] =	vst v3;
	v3 =	vadd.s32 $0x2011, v2  }
0x29e: {  	[tilespmem:s29+$0xA618] =	vst v3;
	v3 =	vadd.s32 $0x2013, v2  }
0x29f: {  	v2 =	vadd.s32 $0x2014, v2;
	[tilespmem:s29+$0xAE18] =	vst v3  }
0x2a0: {  	s30 =	simm.s32 $0x5218;
	s31 =	simm.s32 $0xB618;
	[tilespmem:s29+$0xB218] =	vst v2  }
0x2a1: {  	[tilespmem:s31], [sflag:$0x1] =	stream.indirect.gather [spmem:s1], $0x1, s30, s15, $0xb8;
	[tilespmem:$0x1E618] =	vst v63  }
0x2a2: {  	s23 =	simm.s32 $0x5618;
	s24 =	simm.s32 $0xBA18  }
0x2a3: {  	[tilespmem:s24], [sflag:$0x1] =	stream.indirect.gather [spmem:s1], $0x1, s23, s15, $0xb8;
	[tilespmem:$0x1E618] =	vst v63  }
0x2a4: {  	s25 =	simm.s32 $0x5A18;
	s26 =	simm.s32 $0xBE18  }
0x2a5: {  	[tilespmem:s26], [sflag:$0x1] =	stream.indirect.gather [spmem:s1], $0x1, s25, s15, $0xb8;
	[tilespmem:$0x1E618] =	vst v63  }
0x2a6: {  	s28 =	simm.s32 $0x5E18;
	s29 =	simm.s32 $0xC218  }
0x2a7: {  	[tilespmem:s29], [sflag:$0x1] =	stream.indirect.gather [spmem:s1], $0x1, s28, s15, $0xb8;
	[tilespmem:$0x1E618] =	vst v63  }
0x2a8: {  	s30 =	simm.s32 $0x6218;
	s31 =	simm.s32 $0xC618  }
0x2a9: {  	[tilespmem:s31], [sflag:$0x1] =	stream.indirect.gather [spmem:s1], $0x1, s30, s15, $0xb8;
	[tilespmem:$0x1E618] =	vst v63  }
0x2aa: {  	s23 =	simm.s32 $0x6618;
	s24 =	simm.s32 $0xCA18  }
0x2ab: {  	[tilespmem:s24], [sflag:$0x1] =	stream.indirect.gather [spmem:s1], $0x1, s23, s15, $0xb8;
	[tilespmem:$0x1E618] =	vst v63  }
0x2ac: {  	s25 =	simm.s32 $0x6A18;
	s26 =	simm.s32 $0xCE18  }
0x2ad: {  	[tilespmem:s26], [sflag:$0x1] =	stream.indirect.gather [spmem:s1], $0x1, s25, s15, $0xb8;
	[tilespmem:$0x1E618] =	vst v63  }
0x2ae: {  	s28 =	simm.s32 $0x6E18;
	s29 =	simm.s32 $0xD218  }
0x2af: {  	[tilespmem:s29], [sflag:$0x1] =	stream.indirect.gather [spmem:s1], $0x1, s28, s15, $0xb8;
	[tilespmem:$0x1E618] =	vst v63  }
0x2b0: {  	s30 =	simm.s32 $0x7218;
	s31 =	simm.s32 $0xD618  }
0x2b1: {  	[tilespmem:s31], [sflag:$0x1] =	stream.indirect.gather [spmem:s1], $0x1, s30, s15, $0xb8;
	[tilespmem:$0x1E618] =	vst v63  }
0x2b2: {  	s23 =	simm.s32 $0x7618;
	s24 =	simm.s32 $0xDA18  }
0x2b3: {  	[tilespmem:s24], [sflag:$0x1] =	stream.indirect.gather [spmem:s1], $0x1, s23, s15, $0xb8;
	[tilespmem:$0x1E618] =	vst v63  }
0x2b4: {  	s25 =	simm.s32 $0x7A18;
	s26 =	simm.s32 $0xDE18  }
0x2b5: {  	[tilespmem:s26], [sflag:$0x1] =	stream.indirect.gather [spmem:s1], $0x1, s25, s15, $0xb8;
	[tilespmem:$0x1E618] =	vst v63  }
0x2b6: {  	s28 =	simm.s32 $0x7E18;
	s29 =	simm.s32 $0xE218  }
0x2b7: {  	[tilespmem:s29], [sflag:$0x1] =	stream.indirect.gather [spmem:s1], $0x1, s28, s15, $0xb8;
	[tilespmem:$0x1E618] =	vst v63  }
0x2b8: {  	s30 =	simm.s32 $0x8218;
	s31 =	simm.s32 $0xE618  }
0x2b9: {  	[tilespmem:s31], [sflag:$0x1] =	stream.indirect.gather [spmem:s1], $0x1, s30, s15, $0xb8;
	[tilespmem:$0x1E618] =	vst v63  }
0x2ba: {  	s23 =	simm.s32 $0x8618;
	s24 =	simm.s32 $0xEA18  }
0x2bb: {  	[tilespmem:s24], [sflag:$0x1] =	stream.indirect.gather [spmem:s1], $0x1, s23, s15, $0xb8;
	[tilespmem:$0x1E618] =	vst v63  }
0x2bc: {  	s25 =	simm.s32 $0x8A18;
	s26 =	simm.s32 $0xEE18  }
0x2bd: {  	[tilespmem:s26], [sflag:$0x1] =	stream.indirect.gather [spmem:s1], $0x1, s25, s15, $0xb8;
	[tilespmem:$0x1E618] =	vst v63  }
0x2be: {  	s28 =	simm.s32 $0x8E18;
	s29 =	simm.s32 $0xF218  }
0x2bf: {  	[tilespmem:s29], [sflag:$0x1] =	stream.indirect.gather [spmem:s1], $0x1, s28, s15, $0xb8;
	[tilespmem:$0x1E618] =	vst v63  }
0x2c0: {  	s30 =	simm.s32 $0x9218;
	s31 =	simm.s32 $0xF618  }
0x2c1: {  	[tilespmem:s31], [sflag:$0x1] =	stream.indirect.gather [spmem:s1], $0x1, s30, s15, $0xb8;
	[tilespmem:$0x1E618] =	vst v63  }
0x2c2: {  	s23 =	simm.s32 $0x9618;
	s24 =	simm.s32 $0xFA18  }
0x2c3: {  	[tilespmem:s24], [sflag:$0x1] =	stream.indirect.gather [spmem:s1], $0x1, s23, s15, $0xb8;
	[tilespmem:$0x1E618] =	vst v63  }
0x2c4: {  	s25 =	simm.s32 $0x9A18;
	s26 =	simm.s32 $0xFE18  }
0x2c5: {  	[tilespmem:s26], [sflag:$0x1] =	stream.indirect.gather [spmem:s1], $0x1, s25, s15, $0xb8;
	[tilespmem:$0x1E618] =	vst v63  }
0x2c6: {  	s28 =	simm.s32 $0x9E18;
	s29 =	simm.s32 $0x10218  }
0x2c7: {  	[tilespmem:s29], [sflag:$0x1] =	stream.indirect.gather [spmem:s1], $0x1, s28, s15, $0xb8;
	[tilespmem:$0x1E618] =	vst v63  }
0x2c8: {  	s30 =	simm.s32 $0xA218;
	s31 =	simm.s32 $0x10618  }
0x2c9: {  	[tilespmem:s31], [sflag:$0x1] =	stream.indirect.gather [spmem:s1], $0x1, s30, s15, $0xb8;
	[tilespmem:$0x1E618] =	vst v63  }
0x2ca: {  	s23 =	simm.s32 $0xA618;
	s24 =	simm.s32 $0x10A18  }
0x2cb: {  	[tilespmem:s24], [sflag:$0x1] =	stream.indirect.gather [spmem:s1], $0x1, s23, s15, $0xb8;
	[tilespmem:$0x1E618] =	vst v63  }
0x2cc: {  	s25 =	simm.s32 $0xAA18;
	s26 =	simm.s32 $0x10E18  }
0x2cd: {  	[tilespmem:s26], [sflag:$0x1] =	stream.indirect.gather [spmem:s1], $0x1, s25, s15, $0xb8;
	[tilespmem:$0x1E618] =	vst v63  }
0x2ce: {  	s28 =	simm.s32 $0xAE18;
	s29 =	simm.s32 $0x11218  }
0x2cf: {  	[tilespmem:s29], [sflag:$0x1] =	stream.indirect.gather [spmem:s1], $0x1, s28, s15, $0xb8;
	[tilespmem:$0x1E618] =	vst v63  }
0x2d0: {  	s30 =	simm.s32 $0xB218;
	s31 =	simm.s32 $0x11618  }
0x2d1: {  	[tilespmem:s31], [sflag:$0x1] =	stream.indirect.gather [spmem:s1], $0x1, s30, s15, $0xb8;
	[tilespmem:$0x1E618] =	vst v63  }
.LBB2_12:
0x2d2: {  	_ =	swait.ge [sflag:s20], $0x6400  }
0x2d3: {  	s23 =	sadd.s32 $0x4218, s22;
	s24 =	simm.s32 $0x0;
	[sflag:s20] =	ssyncset.done $0x0  }
0x2d4: {  	s25 =	simm.s32 $0x17E18;
	s26 =	simm.s32 $0x1E218;
	[sflag:s20] =	ssyncadd.s32 $0xFFFF9C00  }
.LBB2_13:
0x2d5: {  	s0 =	sand.u32 $0x380, s24  }
0x2d6: {  	s28 =	sand.u32 $0x70, s24;
	s29 =	sadd.s32 s0, s23  }
0x2d7: {  	v4 =	vld [tilespmem:s25+$0x0];
	s29 =	sadd.s32 s28, s29  }
0x2d8: {  	s28 =	sor.u32 s28, s0;
	v26 =	vld [tilespmem:s29+$0x0]  }
0x2d9: {  	v8 =	vld [tilespmem:s28+$0x18218]  }
0x2da: {  	v5 =	vld [tilespmem:s28+$0x18618]  }
0x2db: {  	v3 =	vld [tilespmem:s28+$0x18A18]  }
0x2dc: {  	v2 =	vld [tilespmem:s28+$0x18E18];
	_ =	sdelay $0x1  }
0x2dd: {  	v6 =	vand.u32 $0xFFFFFFE0, v4  }
0x2de: {  	v6 =	vsub.f32 v6, v26  }
0x2df: {  	v7 =	vand.u32 $0xFFFFFFE0, v8;
	v9 =	vand.u32 $0xFFFFFFE0, v5;
	v12 =	vand.u32 $0xFFFFFFE0, v3  }
0x2e0: {  	v39 =	vand.u32 $0xFFFFFFE0, v2;
	v7 =	vsub.f32 v7, v26;
	v9 =	vsub.f32 v9, v26  }
0x2e1: {  	v12 =	vsub.f32 v12, v26;
	v41 =	vsub.f32 v39, v26;
	v10 =	vand.u32 $0x7FFFFFFF, v6;
	v6 =	vld [tilespmem:s28+$0x19218]  }
0x2e2: {  	v10 =	vmul.f32 $9.970309730e-01, v10;
	v11 =	vand.u32 $0x7FFFFFFF, v7;
	v7 =	vld [tilespmem:s28+$0x19618];
	v9 =	vand.u32 $0x7FFFFFFF, v9  }
0x2e3: {  	v12 =	vand.u32 $0x7FFFFFFF, v12;
	v11 =	vmul.f32 $9.866937990e-01, v11;
	v13 =	vmul.f32 $9.780617950e-01, v9  }
0x2e4: {  	v9 =	vld [tilespmem:s28+$0x19A18];
	v12 =	vmul.f32 $9.866937990e-01, v12;
	v27 =	vand.u32 $0xFFFFFFE0, v10  }
0x2e5: {  	v40 =	vand.u32 $0xFFFFFFE0, v11;
	v13 =	vand.u32 $0xFFFFFFE0, v13;
	v11 =	vand.u32 $0x7FFFFFFF, v41  }
0x2e6: {  	v10 =	vld [tilespmem:s28+$0x19E18];
	v12 =	vand.u32 $0xFFFFFFE0, v12;
	v28 =	vor.u32 $0x1, v40;
	v14 =	vand.u32 $0xFFFFFFE0, v6  }
0x2e7: {  	v15 =	vmul.f32 $9.970309730e-01, v11;
	v30 =	vor.u32 $0x2, v13;
	v34 =	vor.u32 $0x3, v12  }
0x2e8: {  	v14 =	vsub.f32 v14, v26;
	v42 =	vand.u32 $0xFFFFFFE0, v7;
	vm0 =	vgt.s32 v27, v34  }
0x2e9: {  	v11 =	vld [tilespmem:s28+$0x1A218];
	v43 =	vsub.f32 v42, v26;
	v15 =	vand.u32 $0xFFFFFFE0, v15;
	v16 =	vand.u32 $0xFFFFFFE0, v9  }
0x2ea: {  	v12 =	vld [tilespmem:s28+$0x1A618];
	v59 =	vsel vm0, v34, v27;
	v27 =	vsel vm0, v27, v34;
	v14 =	vand.u32 $0x7FFFFFFF, v14  }
0x2eb: {  	v16 =	vsub.f32 v16, v26;
	v17 =	vand.u32 $0xFFFFFFE0, v10;
	v35 =	vor.u32 $0x4, v15  }
0x2ec: {  	vm5 =	vgt.s32 v59, v30;
	v14 =	vmul.f32 $9.866937990e-01, v14;
	v13 =	vand.u32 $0x7FFFFFFF, v43  }
0x2ed: {  	v17 =	vsub.f32 v17, v26;
	vm1 =	vgt.s32 v28, v35;
	v61 =	vsel vm5, v30, v59  }
0x2ee: {  	v30 =	vsel vm5, v59, v30;
	v13 =	vmul.f32 $9.403657310e-01, v13;
	v45 =	vand.u32 $0x7FFFFFFF, v16  }
0x2ef: {  	v47 =	vand.u32 $0xFFFFFFE0, v11;
	v20 =	vand.u32 $0xFFFFFFE0, v12;
	v60 =	vsel vm1, v35, v28  }
0x2f0: {  	v15 =	vld [tilespmem:s28+$0x1B618];
	v28 =	vsel vm1, v28, v35;
	v44 =	vand.u32 $0xFFFFFFE0, v14;
	v16 =	vmul.f32 $9.016796940e-01, v45  }
0x2f1: {  	v46 =	vand.u32 $0x7FFFFFFF, v17;
	v17 =	vsub.f32 v47, v26;
	v48 =	vsub.f32 v20, v26  }
0x2f2: {  	vm6 =	vgt.s32 v60, v27;
	vm8 =	vgt.s32 v30, v28;
	v29 =	vor.u32 $0x5, v44  }
0x2f3: {  	v18 =	vand.u32 $0xFFFFFFE0, v13;
	v19 =	vmul.f32 $9.403657310e-01, v46;
	v62 =	vsel vm6, v27, v60  }
0x2f4: {  	v27 =	vsel vm6, v60, v27;
	v32 =	vor.u32 $0x6, v18;
	v16 =	vand.u32 $0xFFFFFFE0, v16  }
0x2f5: {  	v14 =	vld [tilespmem:s28+$0x1AA18];
	v17 =	vand.u32 $0x7FFFFFFF, v17;
	v18 =	vand.u32 $0x7FFFFFFF, v48;
	v51 =	vand.u32 $0xFFFFFFE0, v15  }
0x2f6: {  	vm7 =	vgt.s32 v61, v62;
	v31 =	vor.u32 $0x7, v16;
	v19 =	vand.u32 $0xFFFFFFE0, v19  }
0x2f7: {  	v13 =	vld [tilespmem:s28+$0x1B218];
	v17 =	vmul.f32 $9.866937990e-01, v17;
	v18 =	vmul.f32 $9.780617950e-01, v18;
	v22 =	vsub.f32 v51, v26  }
0x2f8: {  	v63 =	vsel vm7, v61, v62;
	v51 =	vsel vm8, v28, v30;
	v28 =	vsel vm8, v30, v28  }
0x2f9: {  	v30 =	vsel vm7, v62, v61;
	v36 =	vor.u32 $0x8, v19;
	vm9 =	vgt.s32 v63, v51  }
0x2fa: {  	v16 =	vld [tilespmem:s28+$0x1BA18];
	vm2 =	vgt.s32 v27, v28;
	v49 =	vand.u32 $0xFFFFFFE0, v14;
	v17 =	vand.u32 $0xFFFFFFE0, v17  }
0x2fb: {  	v21 =	vand.u32 $0xFFFFFFE0, v18;
	v53 =	vand.u32 $0x7FFFFFFF, v22;
	v34 =	vsel vm9, v51, v63  }
0x2fc: {  	v18 =	vld [tilespmem:s28+$0x1C218];
	vm11 =	vgt.s32 v29, v36;
	v50 =	vand.u32 $0xFFFFFFE0, v13;
	v19 =	vsub.f32 v49, v26  }
0x2fd: {  	v37 =	vor.u32 $0x9, v17;
	v17 =	vld [tilespmem:s28+$0x1BE18];
	v33 =	vor.u32 $0xA, v21;
	v21 =	vmul.f32 $9.780617950e-01, v53  }
0x2fe: {  	v20 =	vsub.f32 v50, v26;
	vm12 =	vgt.s32 v32, v37;
	v19 =	vand.u32 $0x7FFFFFFF, v19  }
0x2ff: {  	v52 =	vand.u32 $0xFFFFFFE0, v16;
	v21 =	vand.u32 $0xFFFFFFE0, v21;
	v23 =	vmul.f32 $9.016796940e-01, v19  }
0x300: {  	v20 =	vand.u32 $0x7FFFFFFF, v20;
	v54 =	vsub.f32 v52, v26;
	v40 =	vor.u32 $0xE, v21  }
0x301: {  	v24 =	vmul.f32 $9.016796940e-01, v20;
	v56 =	vand.u32 $0xFFFFFFE0, v18;
	v23 =	vand.u32 $0xFFFFFFE0, v23  }
0x302: {  	v22 =	vand.u32 $0x7FFFFFFF, v54;
	v55 =	vand.u32 $0xFFFFFFE0, v17;
	v25 =	vsub.f32 v56, v26  }
0x303: {  	v19 =	vld [tilespmem:s28+$0x1C618];
	v54 =	vsel vm9, v63, v51;
	v56 =	vsel vm11, v36, v29;
	v29 =	vsel vm11, v29, v36  }
0x304: {  	v21 =	vld [tilespmem:s28+$0x1CE18];
	v24 =	vand.u32 $0xFFFFFFE0, v24;
	v38 =	vor.u32 $0xB, v23;
	v22 =	vmul.f32 $9.866937990e-01, v22  }
0x305: {  	v23 =	vsub.f32 v55, v26;
	v55 =	vsel vm2, v28, v27;
	v28 =	vsel vm2, v27, v28  }
0x306: {  	v20 =	vld [tilespmem:s28+$0x1CA18];
	vm13 =	vgt.s32 v56, v31;
	v39 =	vor.u32 $0xD, v24;
	v25 =	vand.u32 $0x7FFFFFFF, v25  }
0x307: {  	vm10 =	vgt.s32 v54, v55;
	v27 =	vsel vm13, v56, v31;
	vm8 =	vgt.s32 v38, v40  }
0x308: {  	v57 =	vand.u32 $0xFFFFFFE0, v22;
	v58 =	vand.u32 $0xFFFFFFE0, v19;
	v23 =	vand.u32 $0x7FFFFFFF, v23  }
0x309: {  	v25 =	vmul.f32 $9.016796940e-01, v25;
	v46 =	vand.u32 $0xFFFFFFE0, v21;
	v51 =	vsel vm10, v55, v54  }
0x30a: {  	v35 =	vsel vm10, v54, v55;
	vm7 =	vgt.s32 v33, v39;
	v41 =	vsub.f32 v58, v26  }
0x30b: {  	v42 =	vand.u32 $0xFFFFFFE0, v20;
	v43 =	vmul.f32 $9.403657310e-01, v23;
	v44 =	vor.u32 $0xF, v57  }
0x30c: {  	v46 =	vsub.f32 v46, v26;
	v57 =	vsel vm12, v37, v32;
	v32 =	vsel vm12, v32, v37  }
0x30d: {  	v58 =	vsel vm13, v31, v56;
	v56 =	vsel vm7, v39, v33;
	v33 =	vsel vm7, v33, v39  }
0x30e: {  	v42 =	vsub.f32 v42, v26;
	v45 =	vand.u32 $0xFFFFFFE0, v25;
	vm14 =	vgt.s32 v57, v29  }
0x30f: {  	v24 =	vld [tilespmem:s28+$0x1DA18];
	vm4 =	vgt.s32 v27, v32;
	vm9 =	vgt.s32 v56, $0xC;
	v41 =	vand.u32 $0x7FFFFFFF, v41  }
0x310: {  	v43 =	vand.u32 $0xFFFFFFE0, v43;
	v45 =	vor.u32 $0x11, v45;
	v46 =	vand.u32 $0x7FFFFFFF, v46  }
0x311: {  	v22 =	vld [tilespmem:s28+$0x1D218];
	v59 =	vsel vm14, v29, v57;
	v29 =	vsel vm14, v57, v29;
	v60 =	vsel vm4, v32, v27  }
0x312: {  	v27 =	vsel vm4, v27, v32;
	v57 =	vsel vm8, v40, v38;
	v38 =	vsel vm8, v38, v40  }
0x313: {  	v41 =	vmul.f32 $9.403657310e-01, v41;
	v42 =	vand.u32 $0x7FFFFFFF, v42;
	v43 =	vor.u32 $0x10, v43  }
0x314: {  	v49 =	vand.u32 $0xFFFFFFE0, v24;
	v46 =	vmul.f32 $9.970309730e-01, v46;
	vm15 =	vgt.s32 v58, v59  }
0x315: {  	v23 =	vld [tilespmem:s28+$0x1D618];
	vm2 =	vgt.s32 v29, v27;
	vm10 =	vgt.s32 v57, v33;
	v42 =	vmul.f32 $9.866937990e-01, v42  }
0x316: {  	v47 =	vand.u32 $0xFFFFFFE0, v22;
	v49 =	vsub.f32 v49, v26;
	v61 =	vsel vm15, v58, v59  }
0x317: {  	v25 =	vld [tilespmem:s28+$0x1DE18];
	v31 =	vsel vm15, v59, v58;
	v63 =	vsel vm2, v27, v29;
	v29 =	vsel vm2, v29, v27  }
0x318: {  	v58 =	vsel vm9, $0xC, v56;
	v27 =	vnsel vm9, $0xC, v56;
	v52 =	vsel vm10, v33, v57  }
0x319: {  	v33 =	vsel vm10, v57, v33;
	v41 =	vand.u32 $0xFFFFFFE0, v41;
	v47 =	vsub.f32 v47, v26  }
0x31a: {  	v48 =	vand.u32 $0xFFFFFFE0, v23;
	v46 =	vand.u32 $0xFFFFFFE0, v46;
	vm5 =	vgt.s32 v61, v60  }
0x31b: {  	vm11 =	vgt.s32 v58, v52;
	vm1 =	vgt.s32 v27, v38;
	v42 =	vand.u32 $0xFFFFFFE0, v42  }
0x31c: {  	v41 =	vor.u32 $0x12, v41;
	v48 =	vsub.f32 v48, v26;
	v50 =	vand.u32 $0xFFFFFFE0, v25  }
0x31d: {  	v49 =	vand.u32 $0x7FFFFFFF, v49;
	v46 =	vor.u32 $0x14, v46;
	v62 =	vsel vm5, v61, v60  }
0x31e: {  	v32 =	vsel vm5, v60, v61;
	v59 =	vsel vm11, v58, v52;
	v60 =	vsel vm1, v38, v27  }
0x31f: {  	v40 =	vsel vm11, v52, v58;
	v27 =	vsel vm1, v27, v38;
	v42 =	vor.u32 $0x13, v42  }
0x320: {  	v47 =	vand.u32 $0x7FFFFFFF, v47;
	v26 =	vsub.f32 v50, v26;
	v49 =	vmul.f32 $9.866937990e-01, v49  }
0x321: {  	vm6 =	vgt.s32 v62, v63;
	vm12 =	vgt.s32 v59, v60;
	vm13 =	vgt.s32 v33, v27  }
0x322: {  	vm14 =	vgt.s32 v44, v41;
	v47 =	vmul.f32 $9.866937990e-01, v47;
	v48 =	vand.u32 $0x7FFFFFFF, v48  }
0x323: {  	v36 =	vsel vm6, v63, v62;
	v37 =	vsel vm6, v62, v63;
	v38 =	vsel vm12, v60, v59  }
0x324: {  	v39 =	vsel vm12, v59, v60;
	v61 =	vsel vm13, v27, v33;
	v33 =	vsel vm13, v33, v27  }
0x325: {  	v62 =	vsel vm14, v41, v44;
	vm4 =	vgt.s32 v43, v42;
	v41 =	vsel vm14, v44, v41  }
0x326: {  	v48 =	vmul.f32 $9.780617950e-01, v48;
	v26 =	vand.u32 $0x7FFFFFFF, v26;
	v49 =	vand.u32 $0xFFFFFFE0, v49  }
0x327: {  	vm15 =	vgt.s32 v39, v61;
	v63 =	vsel vm4, v42, v43;
	vm5 =	vgt.s32 v62, v45  }
0x328: {  	v42 =	vsel vm4, v43, v42;
	vm3 =	vlt.s32 v51, v36;
	v47 =	vand.u32 $0xFFFFFFE0, v47  }
0x329: {  	v26 =	vmul.f32 $9.970309730e-01, v26;
	v49 =	vor.u32 $0x17, v49;
	v56 =	vsel vm5, v45, v62  }
0x32a: {  	vm6 =	vgt.s32 v63, v41;
	v27 =	vsel vm5, v62, v45;
	v45 =	vsel vm15, v61, v39  }
0x32b: {  	v39 =	vsel vm15, v39, v61;
	vm5 =	vlt.s32 v30, v29;
	v55 =	vsel vm3, v51, v36  }
0x32c: {  	v48 =	vand.u32 $0xFFFFFFE0, v48;
	v47 =	vor.u32 $0x15, v47;
	v57 =	vsel vm6, v41, v63  }
0x32d: {  	vm8 =	vgt.s32 v27, v42;
	v41 =	vsel vm6, v63, v41;
	vm11 =	vgt.s32 v46, v49  }
0x32e: {  	v29 =	vsel vm5, v30, v29;
	v48 =	vor.u32 $0x16, v48;
	v26 =	vand.u32 $0xFFFFFFE0, v26  }
0x32f: {  	vm7 =	vgt.s32 v56, v57;
	v59 =	vsel vm8, v42, v27;
	v27 =	vsel vm8, v27, v42  }
0x330: {  	v61 =	vsel vm11, v49, v46;
	v46 =	vsel vm11, v46, v49;
	vm8 =	vlt.s32 v35, v32  }
0x331: {  	v26 =	vor.u32 $0x18, v26;
	v58 =	vsel vm7, v56, v57;
	v43 =	vsel vm7, v57, v56  }
0x332: {  	vm10 =	vgt.s32 v41, v27;
	vm14 =	vgt.s32 v61, v48;
	vm7 =	vlt.s32 v34, v37  }
0x333: {  	v32 =	vsel vm8, v35, v32;
	vm9 =	vgt.s32 v58, v59;
	v60 =	vsel vm10, v27, v41  }
0x334: {  	v41 =	vsel vm10, v41, v27;
	vm13 =	vgt.s32 v47, v26;
	v63 =	vsel vm14, v48, v61  }
0x335: {  	v48 =	vsel vm14, v61, v48;
	v54 =	vsel vm7, v34, v37;
	vm0 =	vgt.s32 v29, v32  }
0x336: {  	v42 =	vsel vm9, v59, v58;
	v44 =	vsel vm9, v58, v59;
	v62 =	vsel vm13, v26, v47  }
0x337: {  	v26 =	vsel vm13, v47, v26;
	vm9 =	vlt.s32 v28, v31;
	v56 =	vsel vm0, v32, v29  }
0x338: {  	v29 =	vsel vm0, v29, v32;
	vm12 =	vgt.s32 v44, v60;
	vm15 =	vgt.s32 v62, v46  }
0x339: {  	vm6 =	vgt.s32 v48, v26;
	v28 =	vsel vm9, v28, v31;
	vm10 =	vgt.s32 v56, v55  }
0x33a: {  	v49 =	vsel vm12, v60, v44;
	v44 =	vsel vm12, v44, v60;
	v53 =	vsel vm15, v46, v62  }
0x33b: {  	v46 =	vsel vm15, v62, v46;
	vm2 =	vgt.s32 v54, v28;
	v58 =	vsel vm10, v55, v56  }
0x33c: {  	v31 =	vsel vm10, v56, v55;
	vm4 =	vgt.s32 v63, v53;
	v57 =	vsel vm2, v28, v54  }
0x33d: {  	v28 =	vsel vm2, v54, v28;
	v27 =	vsel vm4, v53, v63;
	vm11 =	vgt.s32 v57, v29  }
0x33e: {  	v47 =	vsel vm4, v63, v53;
	vm13 =	vgt.s32 v31, v28;
	v59 =	vsel vm11, v29, v57  }
0x33f: {  	v29 =	vsel vm11, v57, v29;
	v61 =	vsel vm13, v28, v31;
	v28 =	vsel vm13, v31, v28  }
0x340: {  	v31 =	vsel vm6, v26, v48;
	vm12 =	vgt.s32 v58, v59;
	vm15 =	vgt.s32 v29, v28  }
0x341: {  	v26 =	vsel vm6, v48, v26;
	v60 =	vsel vm12, v58, v59;
	v63 =	vsel vm15, v28, v29  }
0x342: {  	v30 =	vsel vm12, v59, v58;
	v28 =	vsel vm15, v29, v28;
	vm14 =	vgt.s32 v60, v61  }
0x343: {  	vm6 =	vlt.s32 v30, v33;
	vm9 =	vlt.s32 v28, v40;
	v62 =	vsel vm14, v60, v61  }
0x344: {  	v32 =	vsel vm14, v61, v60;
	v30 =	vsel vm6, v30, v33;
	vm5 =	vgt.s32 v62, v63  }
0x345: {  	v28 =	vsel vm9, v28, v40;
	vm14 =	vgt.s32 v47, v31;
	v50 =	vsel vm5, v62, v63  }
0x346: {  	vm7 =	vlt.s32 v32, v39;
	v48 =	vsel vm5, v63, v62;
	vm8 =	vlt.s32 v50, v38  }
0x347: {  	v32 =	vsel vm7, v32, v39;
	vm10 =	vlt.s32 v48, v45;
	v51 =	vsel vm8, v50, v38  }
0x348: {  	vm1 =	vgt.s32 v32, v28;
	v29 =	vsel vm10, v48, v45;
	vm0 =	vgt.s32 v30, v51  }
0x349: {  	v52 =	vsel vm1, v28, v32;
	v34 =	vsel vm0, v51, v30;
	v30 =	vsel vm0, v30, v51  }
0x34a: {  	v28 =	vsel vm1, v32, v28;
	vm11 =	vgt.s32 v34, v29;
	vm12 =	vgt.s32 v52, v30  }
0x34b: {  	v53 =	vsel vm11, v29, v34;
	v29 =	vsel vm11, v34, v29;
	v54 =	vsel vm12, v30, v52  }
0x34c: {  	v57 =	vsel vm14, v47, v31;
	vm13 =	vgt.s32 v53, v54;
	vm0 =	vgt.s32 v29, v28  }
0x34d: {  	v30 =	vsel vm12, v52, v30;
	v55 =	vsel vm13, v53, v54;
	v56 =	vsel vm0, v28, v29  }
0x34e: {  	v28 =	vsel vm0, v29, v28;
	v32 =	vsel vm13, v54, v53;
	vm13 =	vgt.s32 v46, v26  }
0x34f: {  	vm15 =	vgt.s32 v55, v56;
	vm6 =	vgt.s32 v30, v28;
	vm8 =	vlt.s32 v32, v41  }
0x350: {  	v58 =	vsel vm15, v55, v56;
	v59 =	vsel vm6, v28, v30;
	v33 =	vsel vm15, v56, v55  }
0x351: {  	v28 =	vsel vm6, v30, v28;
	v32 =	vsel vm8, v32, v41;
	vm7 =	vgt.s32 v58, v59  }
0x352: {  	vm9 =	vlt.s32 v33, v44;
	vm11 =	vlt.s32 v28, v43;
	v60 =	vsel vm7, v59, v58  }
0x353: {  	v61 =	vsel vm7, v58, v59;
	v33 =	vsel vm9, v33, v44;
	v28 =	vsel vm11, v28, v43  }
0x354: {  	v44 =	vsel vm13, v26, v46;
	v26 =	vsel vm13, v46, v26;
	vm10 =	vlt.s32 v61, v42  }
0x355: {  	vm12 =	vlt.s32 v60, v49;
	vm2 =	vgt.s32 v33, v28;
	v34 =	vsel vm10, v61, v42  }
0x356: {  	v30 =	vsel vm12, v60, v49;
	v63 =	vsel vm2, v28, v33;
	v49 =	vsel vm14, v31, v47  }
0x357: {  	vm14 =	vgt.s32 v57, v44;
	v28 =	vsel vm2, v33, v28;
	vm1 =	vgt.s32 v32, v34  }
0x358: {  	v50 =	vsel vm14, v44, v57;
	v62 =	vsel vm1, v34, v32;
	v32 =	vsel vm1, v32, v34  }
0x359: {  	v29 =	vsel vm14, v57, v44;
	vm3 =	vgt.s32 v62, v30;
	vm4 =	vgt.s32 v63, v32  }
0x35a: {  	v45 =	vsel vm3, v30, v62;
	v48 =	vsel vm4, v32, v63;
	v30 =	vsel vm3, v62, v30  }
0x35b: {  	v32 =	vsel vm4, v63, v32;
	vm5 =	vgt.s32 v45, v48;
	vm6 =	vgt.s32 v30, v28  }
0x35c: {  	v51 =	vsel vm5, v48, v45;
	v53 =	vsel vm5, v45, v48;
	v35 =	vsel vm6, v28, v30  }
0x35d: {  	v28 =	vsel vm6, v30, v28;
	vm15 =	vlt.s32 v51, v26;
	vm8 =	vgt.s32 v53, v35  }
0x35e: {  	vm12 =	vgt.s32 v32, v28;
	v52 =	vsel vm15, v51, v26;
	v56 =	vsel vm8, v35, v53  }
0x35f: {  	v26 =	vsel vm8, v53, v35;
	v57 =	vsel vm12, v28, v32;
	v32 =	vsel vm12, v32, v28  }
0x360: {  	v54 =	vand.u32 $0x1F, v52;
	vm4 =	vgt.s32 v26, v57;
	vm8 =	vlt.s32 v56, v29  }
0x361: {  	v33 =	vand.u32 $0xFFFFFFE0, v52;
	vm7 =	veq.s32 v54, $0x1;
	vm9 =	veq.s32 v54, $0x2  }
0x362: {  	vm10 =	veq.s32 v54, $0x3;
	vm11 =	veq.s32 v54, $0x4;
	vm13 =	veq.s32 v54, $0x5  }
0x363: {  	vm14 =	veq.s32 v54, $0x6;
	vm15 =	veq.s32 v54, $0x7;
	vm5 =	veq.s32 v54, $0x8  }
0x364: {  	v59 =	vsel vm4, v57, v26;
	vm6 =	veq.s32 v54, $0x9;
	v26 =	vsel vm4, v26, v57  }
0x365: {  	v60 =	vsel vm8, v56, v29;
	vm12 =	veq.s32 v54, $0xD;
	vm4 =	veq.s32 v54, $0x10  }
0x366: {  	v55 =	vsel vm7, v8, v4;
	vm7 =	veq.s32 v54, $0xA;
	v62 =	vand.u32 $0x1F, v60  }
0x367: {  	v39 =	vand.u32 $0xFFFFFFE0, v60;
	v30 =	vsel vm9, v5, v55;
	vm9 =	veq.s32 v54, $0xB  }
0x368: {  	vm8 =	veq.s32 v62, $0x1;
	v30 =	vsel vm10, v3, v30;
	vm10 =	veq.s32 v54, $0xC  }
0x369: {  	v63 =	vsel vm8, v8, v4;
	v30 =	vsel vm11, v2, v30;
	vm11 =	vlt.s32 v59, v50  }
0x36a: {  	vm8 =	veq.s32 v62, $0x9;
	v30 =	vsel vm13, v6, v30;
	v31 =	vsel vm11, v59, v50  }
0x36b: {  	vm13 =	veq.s32 v54, $0xE;
	vm11 =	veq.s32 v62, $0x3;
	v30 =	vsel vm14, v7, v30  }
0x36c: {  	vm14 =	vlt.s32 v26, v49;
	v36 =	vand.u32 $0x1F, v31;
	v31 =	vand.u32 $0xFFFFFFE0, v31  }
0x36d: {  	v58 =	vld [tilespmem:s28+$0x1AE18];
	v30 =	vsel vm15, v9, v30;
	vm15 =	veq.s32 v54, $0xF;
	v26 =	vsel vm14, v26, v49  }
0x36e: {  	vm14 =	veq.s32 v62, $0x5;
	v30 =	vsel vm5, v10, v30;
	vm5 =	vlt.s32 v32, v27  }
0x36f: {  	v43 =	vand.u32 $0x1F, v26;
	v51 =	vand.u32 $0xFFFFFFE0, v26;
	v30 =	vsel vm6, v11, v30  }
0x370: {  	vm6 =	veq.s32 v54, $0x11;
	v27 =	vsel vm5, v32, v27;
	v30 =	vsel vm7, v12, v30  }
0x371: {  	vm5 =	veq.s32 v62, $0x7;
	vm7 =	veq.s32 v54, $0x12;
	v61 =	vsel vm9, v14, v30  }
0x372: {  	v47 =	vand.u32 $0x1F, v27;
	v50 =	vand.u32 $0xFFFFFFE0, v27;
	v29 =	vsel vm10, v58, v61  }
0x373: {  	vm9 =	veq.s32 v54, $0x13;
	vm10 =	veq.s32 v62, $0x2;
	v29 =	vsel vm12, v13, v29  }
0x374: {  	v32 =	vsel vm10, v5, v63;
	vm12 =	veq.s32 v54, $0x14;
	vm10 =	veq.s32 v62, $0xA  }
0x375: {  	v29 =	vsel vm13, v15, v29;
	v32 =	vsel vm11, v3, v32;
	vm13 =	veq.s32 v62, $0x4  }
0x376: {  	vm11 =	veq.s32 v62, $0xB;
	v29 =	vsel vm15, v16, v29;
	v32 =	vsel vm13, v2, v32  }
0x377: {  	vm15 =	veq.s32 v54, $0x15;
	vm13 =	veq.s32 v62, $0xC;
	v29 =	vsel vm4, v17, v29  }
0x378: {  	v32 =	vsel vm14, v6, v32;
	vm4 =	veq.s32 v62, $0x6;
	vm14 =	veq.s32 v62, $0xD  }
0x379: {  	v29 =	vsel vm6, v18, v29;
	v32 =	vsel vm4, v7, v32;
	vm6 =	veq.s32 v54, $0x16  }
0x37a: {  	vm4 =	veq.s32 v62, $0xF;
	v29 =	vsel vm7, v19, v29;
	v32 =	vsel vm5, v9, v32  }
0x37b: {  	vm7 =	veq.s32 v62, $0x8;
	vm5 =	vgt.f32 v33, $1.000000000e+00;
	v29 =	vsel vm9, v20, v29  }
0x37c: {  	v32 =	vsel vm7, v10, v32;
	vm9 =	veq.s32 v54, $0x17;
	vm7 =	veq.s32 v62, $0x11  }
0x37d: {  	v29 =	vsel vm12, v21, v29;
	v32 =	vsel vm8, v11, v32;
	vm12 =	veq.s32 v54, $0x18  }
0x37e: {  	vm8 =	veq.s32 v36, $0x1;
	v29 =	vsel vm15, v22, v29;
	v32 =	vsel vm10, v12, v32  }
0x37f: {  	vm15 =	veq.s32 v62, $0xE;
	v37 =	vsel vm8, v8, v4;
	vm10 =	veq.s32 v36, $0x2  }
0x380: {  	vm8 =	veq.s32 v36, $0x9;
	v29 =	vsel vm6, v23, v29;
	v32 =	vsel vm11, v14, v32  }
0x381: {  	vm6 =	veq.s32 v62, $0x10;
	v34 =	vsel vm10, v5, v37;
	vm11 =	veq.s32 v36, $0x3  }
0x382: {  	vm10 =	veq.s32 v36, $0xA;
	v29 =	vsel vm9, v24, v29;
	v32 =	vsel vm13, v58, v32  }
0x383: {  	vm9 =	veq.s32 v62, $0x12;
	v34 =	vsel vm11, v3, v34;
	vm13 =	veq.s32 v36, $0x4  }
0x384: {  	vm11 =	veq.s32 v36, $0xB;
	v29 =	vsel vm12, v25, v29;
	v32 =	vsel vm14, v13, v32  }
0x385: {  	vm12 =	veq.s32 v62, $0x13;
	v34 =	vsel vm13, v2, v34;
	vm14 =	veq.s32 v36, $0x5  }
0x386: {  	vm13 =	veq.s32 v36, $0xC;
	v29 =	vand.u32 $0x1F, v29;
	v32 =	vsel vm15, v15, v32  }
0x387: {  	vm15 =	veq.s32 v62, $0x14;
	v34 =	vsel vm14, v6, v34;
	vm14 =	veq.s32 v36, $0xD  }
0x388: {  	v32 =	vsel vm4, v16, v32;
	v29 =	vsel vm5, $0x14, v29;
	vm4 =	veq.s32 v36, $0x6  }
0x389: {  	vm5 =	veq.s32 v36, $0x7;
	v32 =	vsel vm6, v17, v32;
	v34 =	vsel vm4, v7, v34  }
0x38a: {  	vm6 =	veq.s32 v62, $0x15;
	vm4 =	veq.s32 v36, $0xE;
	v32 =	vsel vm7, v18, v32  }
0x38b: {  	v34 =	vsel vm5, v9, v34;
	vm7 =	veq.s32 v36, $0x8;
	vm5 =	veq.s32 v36, $0xF  }
0x38c: {  	v32 =	vsel vm9, v19, v32;
	v34 =	vsel vm7, v10, v34;
	vm9 =	veq.s32 v62, $0x16  }
0x38d: {  	vm7 =	veq.s32 v36, $0x11;
	v32 =	vsel vm12, v20, v32;
	v34 =	vsel vm8, v11, v34  }
0x38e: {  	vm12 =	veq.s32 v62, $0x17;
	vm8 =	vgt.f32 v39, $1.000000000e+00;
	v32 =	vsel vm15, v21, v32  }
0x38f: {  	v34 =	vsel vm10, v12, v34;
	vm15 =	veq.s32 v62, $0x18;
	vm10 =	veq.s32 v36, $0x13  }
0x390: {  	v32 =	vsel vm6, v22, v32;
	v34 =	vsel vm11, v14, v34;
	vm6 =	veq.s32 v36, $0x10  }
0x391: {  	vm11 =	veq.s32 v36, $0x14;
	v32 =	vsel vm9, v23, v32;
	v34 =	vsel vm13, v58, v34  }
0x392: {  	vm9 =	veq.s32 v36, $0x12;
	vm13 =	veq.s32 v43, $0x1;
	v32 =	vsel vm12, v24, v32  }
0x393: {  	v38 =	vsel vm14, v13, v34;
	vm12 =	veq.s32 v36, $0x15;
	v44 =	vsel vm13, v8, v4  }
0x394: {  	vm14 =	veq.s32 v43, $0x2;
	vm13 =	veq.s32 v43, $0xA;
	v32 =	vsel vm15, v25, v32  }
0x395: {  	v30 =	vsel vm4, v15, v38;
	vm15 =	veq.s32 v36, $0x16;
	v35 =	vsel vm14, v5, v44  }
0x396: {  	vm4 =	veq.s32 v43, $0x3;
	vm14 =	vgt.f32 v31, $1.000000000e+00;
	v32 =	vand.u32 $0x1F, v32  }
0x397: {  	v30 =	vsel vm5, v16, v30;
	v35 =	vsel vm4, v3, v35;
	vm5 =	veq.s32 v43, $0x4  }
0x398: {  	vm4 =	veq.s32 v43, $0xC;
	v30 =	vsel vm6, v17, v30;
	v41 =	vsel vm8, $0x14, v32  }
0x399: {  	vm6 =	veq.s32 v36, $0x17;
	v35 =	vsel vm5, v2, v35;
	vm8 =	veq.s32 v43, $0x6  }
0x39a: {  	vm5 =	veq.s32 v47, $0x1;
	v40 =	vsel vm7, v18, v30;
	vm7 =	veq.s32 v43, $0x5  }
0x39b: {  	v4 =	vsel vm5, v8, v4;
	vm5 =	veq.s32 v47, $0x9;
	v42 =	vsel vm9, v19, v40  }
0x39c: {  	v35 =	vsel vm7, v6, v35;
	vm9 =	veq.s32 v36, $0x18;
	vm7 =	veq.s32 v47, $0x2  }
0x39d: {  	v32 =	vsel vm10, v20, v42;
	v45 =	vsel vm8, v7, v35;
	vm10 =	veq.s32 v43, $0x7  }
0x39e: {  	v4 =	vsel vm7, v5, v4;
	vm8 =	veq.s32 v47, $0x3;
	vm7 =	veq.s32 v47, $0xA  }
0x39f: {  	v32 =	vsel vm11, v21, v32;
	v33 =	vsel vm10, v9, v45;
	vm11 =	veq.s32 v43, $0x8  }
0x3a0: {  	v3 =	vsel vm8, v3, v4;
	vm10 =	veq.s32 v47, $0x4;
	vm8 =	veq.s32 v47, $0xB  }
0x3a1: {  	v32 =	vsel vm12, v22, v32;
	v33 =	vsel vm11, v10, v33;
	vm12 =	veq.s32 v43, $0x9  }
0x3a2: {  	v2 =	vsel vm10, v2, v3;
	vm11 =	veq.s32 v47, $0x5;
	vm10 =	veq.s32 v47, $0xC  }
0x3a3: {  	v32 =	vsel vm15, v23, v32;
	v33 =	vsel vm12, v11, v33;
	vm15 =	veq.s32 v43, $0xB  }
0x3a4: {  	vm12 =	veq.s32 v43, $0xF;
	v2 =	vsel vm11, v6, v2;
	vm11 =	veq.s32 v47, $0xD  }
0x3a5: {  	v32 =	vsel vm6, v24, v32;
	v46 =	vsel vm13, v12, v33;
	vm6 =	veq.s32 v43, $0xD  }
0x3a6: {  	vm13 =	veq.s32 v47, $0x6;
	v32 =	vsel vm9, v25, v32;
	v31 =	vsel vm15, v14, v46  }
0x3a7: {  	vm9 =	veq.s32 v43, $0xE;
	v2 =	vsel vm13, v7, v2;
	vm15 =	veq.s32 v43, $0x10  }
0x3a8: {  	vm13 =	veq.s32 v47, $0xE;
	v32 =	vand.u32 $0x1F, v32;
	v31 =	vsel vm4, v58, v31  }
0x3a9: {  	vm4 =	veq.s32 v47, $0x8;
	v32 =	vsel vm14, $0x14, v32;
	v48 =	vsel vm6, v13, v31  }
0x3aa: {  	vm14 =	veq.s32 v47, $0x7;
	vm6 =	veq.s32 v43, $0x11;
	v49 =	vsel vm9, v15, v48  }
0x3ab: {  	v2 =	vsel vm14, v9, v2;
	vm9 =	veq.s32 v43, $0x12;
	vm14 =	veq.s32 v47, $0xF  }
0x3ac: {  	v3 =	vsel vm12, v16, v49;
	v2 =	vsel vm4, v10, v2;
	vm12 =	veq.s32 v43, $0x13  }
0x3ad: {  	vm4 =	veq.s32 v47, $0x10;
	v3 =	vsel vm15, v17, v3;
	v2 =	vsel vm5, v11, v2  }
0x3ae: {  	vm15 =	veq.s32 v43, $0x14;
	vm5 =	veq.s32 v47, $0x11;
	v3 =	vsel vm6, v18, v3  }
0x3af: {  	v2 =	vsel vm7, v12, v2;
	vm6 =	veq.s32 v43, $0x15;
	vm7 =	veq.s32 v47, $0x12  }
0x3b0: {  	v2 =	vsel vm8, v14, v2;
	v3 =	vsel vm9, v19, v3;
	vm8 =	veq.s32 v47, $0x13  }
0x3b1: {  	vm9 =	veq.s32 v43, $0x16;
	v2 =	vsel vm10, v58, v2;
	v3 =	vsel vm12, v20, v3  }
0x3b2: {  	vm10 =	veq.s32 v47, $0x14;
	vm12 =	veq.s32 v43, $0x17;
	v2 =	vsel vm11, v13, v2  }
0x3b3: {  	v3 =	vsel vm15, v21, v3;
	vm11 =	veq.s32 v47, $0x15;
	vm15 =	veq.s32 v43, $0x18  }
0x3b4: {  	v2 =	vsel vm13, v15, v2;
	v3 =	vsel vm6, v22, v3;
	vm13 =	veq.s32 v47, $0x16  }
0x3b5: {  	vm6 =	vgt.f32 v51, $1.000000000e+00;
	v2 =	vsel vm14, v16, v2;
	v3 =	vsel vm9, v23, v3  }
0x3b6: {  	vm14 =	veq.s32 v47, $0x17;
	vm9 =	veq.s32 v29, v32;
	v2 =	vsel vm4, v17, v2  }
0x3b7: {  	v3 =	vsel vm12, v24, v3;
	vm4 =	veq.s32 v47, $0x18;
	v54 =	vsel vm9, $0x1, v1  }
0x3b8: {  	vm12 =	veq.s32 v29, $0x14;
	vm9 =	veq.s32 v32, $0x14;
	v2 =	vsel vm5, v18, v2  }
0x3b9: {  	v3 =	vsel vm15, v25, v3;
	vm5 =	vgt.f32 v50, $1.000000000e+00;
	v2 =	vsel vm7, v19, v2  }
0x3ba: {  	v3 =	vand.u32 $0x1F, v3;
	vm7 =	veq.s32 v29, v41;
	v2 =	vsel vm8, v20, v2  }
0x3bb: {  	v3 =	vsel vm6, $0x14, v3;
	v52 =	vsel vm7, $0x2, v0;
	v2 =	vsel vm10, v21, v2  }
0x3bc: {  	vm10 =	veq.s32 v29, v3;
	vm15 =	veq.s32 v41, v3;
	vm6 =	veq.s32 v32, v3  }
0x3bd: {  	v2 =	vsel vm11, v22, v2;
	v56 =	vsel vm10, $0x1, v1;
	vm11 =	veq.s32 v29, $0x0  }
0x3be: {  	v59 =	vsel vm15, $0x1, v1;
	v60 =	vsel vm6, $0x2, v0;
	v2 =	vsel vm13, v23, v2  }
0x3bf: {  	vm0 =	vmor vm11, vm12;
	v62 =	vadd.s32 v59, v60;
	v2 =	vsel vm14, v24, v2  }
0x3c0: {  	vm12 =	veq.s32 v3, $0x0;
	vm14 =	veq.s32 v41, v32;
	v2 =	vsel vm4, v25, v2  }
0x3c1: {  	v8 =	vadd.s32 v56, v62;
	v58 =	vsel vm14, $0x1, v1;
	v2 =	vand.u32 $0x1F, v2  }
0x3c2: {  	vm4 =	veq.s32 v41, $0x0;
	v10 =	vadd.s32 v58, v60;
	v2 =	vsel vm5, $0x14, v2  }
0x3c3: {  	vm5 =	veq.s32 v41, $0x14;
	v6 =	vadd.s32 v54, v10;
	vm8 =	veq.s32 v29, v2  }
0x3c4: {  	vm13 =	veq.s32 v41, v2;
	vm7 =	veq.s32 v32, v2;
	vm11 =	veq.s32 v3, v2  }
0x3c5: {  	vm14 =	veq.s32 v2, $0x0;
	vm15 =	veq.s32 v2, $0x14;
	v53 =	vsel vm8, $0x1, v1  }
0x3c6: {  	v57 =	vsel vm13, $0x1, v1;
	v61 =	vsel vm7, $0x1, v1;
	vm8 =	veq.s32 v32, $0x0  }
0x3c7: {  	v63 =	vsel vm11, $0x1, v1;
	vm13 =	veq.s32 v3, $0x14;
	v55 =	vadd.s32 v53, v52  }
0x3c8: {  	v4 =	vadd.s32 v57, v52;
	v6 =	vadd.s32 v61, v6;
	vm10 =	vmor vm8, vm9  }
0x3c9: {  	v8 =	vadd.s32 v63, v8;
	v5 =	vadd.s32 v57, v53;
	v7 =	vadd.s32 v54, v55  }
0x3ca: {  	v4 =	vadd.s32 v58, v4;
	v6 =	vshll.u32 v6, $0x5;
	v8 =	vshll.u32 v8, $0x5  }
0x3cb: {  	v5 =	vadd.s32 v61, v5;
	v7 =	vadd.s32 v56, v7;
	v4 =	vadd.s32 v59, v4  }
0x3cc: {  	v6 =	vor.u32 v32, v6;
	v3 =	vor.u32 v3, v8;
	v5 =	vadd.s32 v63, v5  }
0x3cd: {  	v7 =	vshll.u32 v7, $0x5;
	v4 =	vshll.u32 v4, $0x5;
	v6 =	vxor.u32 $0x1F, v6  }
0x3ce: {  	v3 =	vxor.u32 $0x1F, v3;
	v5 =	vshll.u32 v5, $0x5;
	v7 =	vor.u32 v29, v7  }
0x3cf: {  	v4 =	vor.u32 v41, v4;
	v5 =	vor.u32 v2, v5;
	v7 =	vxor.u32 $0x1F, v7  }
0x3d0: {  	v4 =	vxor.u32 $0x1F, v4;
	v7 =	vsel vm0, $0x1E, v7;
	vm0 =	vmor vm4, vm5  }
0x3d1: {  	v6 =	vsel vm10, $0x1E, v6;
	v2 =	vadd.s32 $0x20, v5;
	v4 =	vsel vm0, $0x1E, v4  }
0x3d2: {  	p2 =	sne.s32 s24, $0x3F0;
	v2 =	vxor.u32 $0x1F, v2;
	vm0 =	vmor vm12, vm13;
	v4 =	vmax.u32 v7, v4  }
.Ltmp5:
0x3d3: {  	v3 =	vsel vm0, $0x1E, v3;
	vm0 =	vmor vm14, vm15;
	v4 =	vmax.u32 v4, v6;
	(pc) =	sbr.rel @p2 .LBB2_13-.Ltmp5, $4  }
0x3d4: {  	v2 =	vsel vm0, $0x1E, v2;
	v3 =	vmax.u32 v4, v3  }
0x3d5: {  	v2 =	vmax.u32 v3, v2  }
0x3d6: {  	v2 =	vandn.u32 $0x1F, v2  }
0x3d7: {  	s25 =	sadd.s32 $0x10, s25;
	s24 =	sadd.s32 $0x10, s24;
	[tilespmem:s26+$0x0] =	vst v2;
	s26 =	sadd.s32 $0x10, s26  }
0x3d8: {  	s0 =	sor.u32 s3, s22  }
0x3d9: {  	s0 =	sshrl.u32 s0, $0x3  }
.Ltmp6:
0x3da: {  	s0 =	sadd.s32 s5, s0;
	(pc) =	sbr.rel @p1 .LBB2_4-.Ltmp6, $4  }
0x3db: {  	[hbm4b:s0+s2] =	stream.linear.scatter [tilespmem:s19], [sflag:$0x3], $0x400, $0x38;
	[tilespmem:$0x1E618] =	vst v63  }
0x3dc: {  	_ =	swait.ge [sflag:s11], $0x400  }
0x3dd: {  	s24 =	simm.s32 $0x800;
	[sflag:s11] =	ssyncset.done $0x0  }
0x3de: {  	p3 =	por $0x0, $0x0;
	p2 =	por $0x1, $0x1;
	[sflag:s11] =	ssyncadd.s32 $0xFFFFFC00  }
0x3df: {  	s21 =	rddreg [dreg:$0x9]  }
0x3e0: {  	s0 =	rddreg [dreg:$0x7];
	s21 =	sadd.s32 $0x1, s21  }
0x3e1: {  	p1 =	sne.s32 s21, s0  }
.Ltmp7:
0x3e2: {  	_ = 	snop;
	(pc) =	sbr.rel @p1 .LBB2_1-.Ltmp7, $1  }
0x3e3: {  	_ =	sdelay $0x3  }
0x3e4: {  	_ =	sfence.sel $0x180000  }
0x3e5: {  	[bflag:$0x0] =	sbarrier.arrive $0xFFFF  }
0x3e6: {  	_ =	strace $0x90000047  }
0x3e7: {  	[bflag:$0x2] =	sbarrier.arrive $0xFFFF  }
0x3e8: {  	s0 =	rddreg [dreg:$0x2]  }
0x3e9: {  	s0 =	sadd.s32 @!p0 $0x100000, s0  }
0x3ea: {  	[sflag:s0] =	ssyncadd.tile.s32 @!p0 $0x1;
	_ =	shalt  }
.Lfunc_end2:
_tile_overlayer_lowered:
.L_overlay_start_2:
0x3eb: {  	(tag) =	ssettag $0x2  }
0x3ec: {  	s0 =	rddreg [dreg:$0x0];
	s2 =	stileid.u32  }
0x3ed: {  	s1 =	rddreg [dreg:$0x1];
	p0 =	sne.s32 s2, $0x0  }
0x3ee: {  	s3 =	rddreg [dreg:$0x2];
	[bflag:$0x3] =	sbarrier.arrive $0xFFFF;
	s2 =	simm.s32 @!p0 $0x1C03  }
0x3ef: {  	[timem:s3], [sflag:s2] =	dma.local @!p0 [hbm:s0], s1  }
0x3f0: {  	s0 =	simm.s32 @!p0 $0x3  }
0x3f1: {  	_ =	swait.ge @!p0 [sflag:s0], s1  }
0x3f2: {  	s1 =	ssub.s32 @!p0 $0x0, s1;
	[sflag:s0] =	ssyncset.done @!p0 $0x0  }
0x3f3: {  	[sflag:s0] =	ssyncadd.s32 @!p0 s1  }
0x3f4: {  	[bflag:$0x3] =	sbarrier.arrive $0xFFFF  }
0x3f5: {  	_ =	shalt  }

</sc_bundles>
